<compile_context>
chip_gen: v7x
topology: tpu7x:2x2x1
jax: 0.10.2.dev20260603
libtpu: 0.0.44.dev20260713+nightly
codegen_flags: <defaults>
</compile_context>

<pallas_src>
import jax
import jax.numpy as jnp
from jax import lax
from jax.experimental import pallas as pl
from jax.experimental.pallas import tpu as pltpu
from jax.experimental.pallas import tpu_sc as plsc

BATCH = 8192
SHAPE = 512
NUM_BINS = 10
TAIL = 10.0
MIN_W = 1e-3
MIN_H = 1e-3
MIN_D = 1e-3

NC = 2
NS = 16
L = 16
NW = NC * NS
ROWS_W = BATCH // NW
BLK = 16
NBLK = ROWS_W // BLK
NPAIR = NBLK // 2
NG = SHAPE // L

_LN2 = 0.6931471805599453
_SQRT2 = 1.4142135623730951


def _ln(x):
    bits = plsc.bitcast(x, jnp.int32)
    e = (bits >> 23) - 127
    m = plsc.bitcast((bits & 0x007FFFFF) | 0x3F800000, jnp.float32)
    big = m >= _SQRT2
    m = jnp.where(big, m * 0.5, m)
    e = jnp.where(big, e + 1, e)
    t = (m - 1.0) / (m + 1.0)
    u = t * t
    poly = 1.0 + u * (1.0 / 3.0 + u * (1.0 / 5.0 + u * (1.0 / 7.0)))
    return e.astype(jnp.float32) * _LN2 + (2.0 * t) * poly


def _softplus(x):
    return jnp.maximum(x, 0.0) + _ln(1.0 + jnp.exp(-jnp.abs(x)))


def _body(x_hbm, uw_hbm, uh_hbm, ud_hbm, out_hbm, ld_hbm,
          uw_v, uh_v, ud_v, cw_v, rw_v, ch_v, dl_v,
          A_v, B_v, C_v, E_v, F_v, G_v, S_v,
          in0_v, in1_v, out0_v, out1_v, ldp_v, ld_v,
          si0, si1, so0, so1):
    wid = lax.axis_index("s") * NC + lax.axis_index("c")
    base = wid * ROWS_W

    pltpu.sync_copy(uw_hbm, uw_v)
    pltpu.sync_copy(uh_hbm, uh_v)
    pltpu.sync_copy(ud_hbm, ud_v)

    iota = lax.iota(jnp.int32, L)

    def _norm_cum(vals):
        m = vals[0]
        for v in vals[1:]:
            m = jnp.maximum(m, v)
        es = [jnp.exp(v - m) for v in vals]
        s = es[0]
        for v in es[1:]:
            s = s + v
        rs = 1.0 / s
        knots = [jnp.full((L,), -TAIL, jnp.float32)]
        c = jnp.zeros((L,), jnp.float32)
        for k in range(NUM_BINS):
            w = MIN_W + (1.0 - MIN_W * NUM_BINS) * (es[k] * rs)
            c = c + w
            if k == NUM_BINS - 1:
                knots.append(jnp.full((L,), TAIL, jnp.float32))
            else:
                knots.append(2.0 * TAIL * c - TAIL)
        return knots

    big = jnp.full((L,), 3.0e38, jnp.float32)

    def _prep(g, _):
        c0 = g * L
        cols = iota + c0

        def par(ref, k, nb):
            return plsc.load_gather(ref, [cols * nb + k])

        cw = _norm_cum([par(uw_v, k, NUM_BINS) for k in range(NUM_BINS)])
        ch = _norm_cum([par(uh_v, k, NUM_BINS) for k in range(NUM_BINS)])
        for j in range(16):
            S_v[pl.ds(j * SHAPE + c0, L)] = cw[j + 1] if j < NUM_BINS - 1 else big
        one = jnp.full((L,), 1.0, jnp.float32)
        dd = ([one]
              + [MIN_D + _softplus(par(ud_v, k, NUM_BINS - 1))
                 for k in range(NUM_BINS - 1)]
              + [one])
        for k in range(NUM_BINS + 1):
            cw_v[pl.ds(k * SHAPE + c0, L)] = cw[k]
        for k in range(NUM_BINS):
            w = cw[k + 1] - cw[k]
            h = ch[k + 1] - ch[k]
            rw = 1.0 / w
            dl = h * rw
            d, dp = dd[k], dd[k + 1]
            dl2 = dl * dl
            Cc = d + dp - (dl + dl)
            sl = pl.ds(k * SHAPE + c0, L)
            rw_v[sl] = rw
            ch_v[sl] = ch[k]
            dl_v[sl] = dl
            A_v[sl] = h * (dl - d)
            B_v[sl] = h * d
            C_v[sl] = Cc
            E_v[sl] = dl2 * Cc
            F_v[sl] = (dl2 + dl2) * (dl - d)
            G_v[sl] = dl2 * d
        return 0

    lax.fori_loop(0, NG, _prep, 0)

    def _compute(bi, in_v, out_v):
        def _row(r, _):
            @plsc.parallel_loop(0, NG,
                                carry=(jnp.zeros((L,), jnp.int32),
                                       jnp.full((L,), 1.0, jnp.float32)),
                                unroll=2)
            def _group(g, carry):
                acc_e, acc_m = carry
                c0 = g * L
                x = in_v[r, pl.ds(c0, L)]
                xc = jnp.minimum(jnp.maximum(x, -TAIL), TAIL)
                idx = iota + c0
                p8 = S_v[pl.ds(7 * SHAPE + c0, L)]
                idx = idx + jnp.where(xc >= p8, 8 * SHAPE, 0)
                p4 = plsc.load_gather(S_v, [idx + (3 * SHAPE)])
                idx = idx + jnp.where(xc >= p4, 4 * SHAPE, 0)
                p2 = plsc.load_gather(S_v, [idx + SHAPE])
                idx = idx + jnp.where(xc >= p2, 2 * SHAPE, 0)
                p1 = plsc.load_gather(S_v, [idx])
                idx = idx + jnp.where(xc >= p1, SHAPE, 0)
                cwb = plsc.load_gather(cw_v, [idx])
                rwb = plsc.load_gather(rw_v, [idx])
                chb = plsc.load_gather(ch_v, [idx])
                dlb = plsc.load_gather(dl_v, [idx])
                Ab = plsc.load_gather(A_v, [idx])
                Bb = plsc.load_gather(B_v, [idx])
                Cb = plsc.load_gather(C_v, [idx])
                Eb = plsc.load_gather(E_v, [idx])
                Fb = plsc.load_gather(F_v, [idx])
                Gb = plsc.load_gather(G_v, [idx])

                th = (xc - cwb) * rwb
                th2 = th * th
                u = th - th2
                num = (Ab * th + Bb) * th
                den = Cb * u + dlb
                rden = 1.0 / den
                out_s = chb + num * rden
                dnum = (Eb * th + Fb) * th + Gb
                ratio = dnum * rden * rden

                inside = jnp.abs(x) <= TAIL
                out_v[r, pl.ds(c0, L)] = jnp.where(inside, out_s, x)
                bits = plsc.bitcast(ratio, jnp.int32)
                mb = plsc.bitcast((bits & 0x007FFFFF) | 0x3F800000,
                                  jnp.float32)
                acc_e = acc_e + jnp.where(inside, bits >> 23, 127)
                acc_m = acc_m * jnp.where(inside, mb, 1.0)
                return acc_e, acc_m

            acc_e, acc_m = _group
            ldp_v[pl.ds(r * L, L)] = _ln(acc_m) + (
                acc_e.astype(jnp.float32) - 127.0 * NG) * _LN2
            return 0

        lax.fori_loop(0, BLK, _row, 0)

        rows16 = iota << 4
        tot = plsc.load_gather(ldp_v, [rows16])
        for c in range(1, L):
            tot = tot + plsc.load_gather(ldp_v, [rows16 + c])
        ld_v[pl.ds(bi * BLK, L)] = tot

    def _in_slice(b):
        return x_hbm.at[pl.ds(base + b * BLK, BLK), :]

    def _out_slice(b):
        return out_hbm.at[pl.ds(base + b * BLK, BLK), :]

    pltpu.async_copy(_in_slice(0), in0_v, si0)
    pltpu.async_copy(_in_slice(1), in1_v, si1)

    def _pair(t, _):
        bA = t * 2
        bB = bA + 1
        pltpu.make_async_copy(_in_slice(bA), in0_v, si0).wait()

        @pl.when(t > 0)
        def _():
            pltpu.make_async_copy(out0_v, _out_slice(bA), so0).wait()

        _compute(bA, in0_v, out0_v)
        pltpu.async_copy(out0_v, _out_slice(bA), so0)

        @pl.when(t + 1 < NPAIR)
        def _():
            pltpu.async_copy(_in_slice(bA + 2), in0_v, si0)

        pltpu.make_async_copy(_in_slice(bB), in1_v, si1).wait()

        @pl.when(t > 0)
        def _():
            pltpu.make_async_copy(out1_v, _out_slice(bB), so1).wait()

        _compute(bB, in1_v, out1_v)
        pltpu.async_copy(out1_v, _out_slice(bB), so1)

        @pl.when(t + 1 < NPAIR)
        def _():
            pltpu.async_copy(_in_slice(bB + 2), in1_v, si1)

        return 0

    lax.fori_loop(0, NPAIR, _pair, 0)
    pltpu.make_async_copy(out0_v, _out_slice(NBLK - 2), so0).wait()
    pltpu.make_async_copy(out1_v, _out_slice(NBLK - 1), so1).wait()
    pltpu.sync_copy(ld_v, ld_hbm.at[pl.ds(base, ROWS_W)])


@jax.jit
def kernel(inputs, unnormalized_widths, unnormalized_heights,
           unnormalized_derivatives):
    mesh = plsc.VectorSubcoreMesh(core_axis_name="c", subcore_axis_name="s")
    f = pl.kernel(
        _body,
        out_type=(
            jax.ShapeDtypeStruct((BATCH, SHAPE), jnp.float32),
            jax.ShapeDtypeStruct((BATCH,), jnp.float32),
        ),
        mesh=mesh,
        compiler_params=pltpu.CompilerParams(needs_layout_passes=False),
        scratch_types=[
            pltpu.VMEM((SHAPE * NUM_BINS,), jnp.float32),
            pltpu.VMEM((SHAPE * NUM_BINS,), jnp.float32),
            pltpu.VMEM((SHAPE * (NUM_BINS - 1),), jnp.float32),
            pltpu.VMEM(((NUM_BINS + 1) * SHAPE,), jnp.float32),
            pltpu.VMEM((NUM_BINS * SHAPE,), jnp.float32),
            pltpu.VMEM((NUM_BINS * SHAPE,), jnp.float32),
            pltpu.VMEM((NUM_BINS * SHAPE,), jnp.float32),
            pltpu.VMEM((NUM_BINS * SHAPE,), jnp.float32),
            pltpu.VMEM((NUM_BINS * SHAPE,), jnp.float32),
            pltpu.VMEM((NUM_BINS * SHAPE,), jnp.float32),
            pltpu.VMEM((NUM_BINS * SHAPE,), jnp.float32),
            pltpu.VMEM((NUM_BINS * SHAPE,), jnp.float32),
            pltpu.VMEM((NUM_BINS * SHAPE,), jnp.float32),
            pltpu.VMEM((16 * SHAPE,), jnp.float32),
            pltpu.VMEM((BLK, SHAPE), jnp.float32),
            pltpu.VMEM((BLK, SHAPE), jnp.float32),
            pltpu.VMEM((BLK, SHAPE), jnp.float32),
            pltpu.VMEM((BLK, SHAPE), jnp.float32),
            pltpu.VMEM((BLK * L,), jnp.float32),
            pltpu.VMEM((ROWS_W,), jnp.float32),
            pltpu.SemaphoreType.DMA,
            pltpu.SemaphoreType.DMA,
            pltpu.SemaphoreType.DMA,
            pltpu.SemaphoreType.DMA,
        ],
    )
    return f(inputs,
             unnormalized_widths.reshape(-1),
             unnormalized_heights.reshape(-1),
             unnormalized_derivatives.reshape(-1))

# --- scband reference (transcript-rebuilt; emitter-appended) ---
"""Pipeline reference for scband-in-place-transform-28810640621832 (READ-ONLY COPY).

The authoritative reference and input builder live on the scoring server;
editing this copy changes nothing except your own understanding.
"""

import jax, jax.numpy as jnp
import numpy as np

BATCH = 8192
SHAPE = 512
NUM_BINS = 10
TAIL_BOUND = 10.0
MIN_BIN_WIDTH = 1e-3
MIN_BIN_HEIGHT = 1e-3
MIN_DERIVATIVE = 1e-3


def _searchsorted(bin_locations, inputs, eps=1e-6):
    bin_locations = bin_locations.at[..., -1].add(eps)
    return jnp.sum(inputs[..., None] >= bin_locations, axis=-1) - 1


def _rational_quadratic_spline(inputs, unnormalized_widths, unnormalized_heights,
                               unnormalized_derivatives, left, right, bottom, top,
                               min_bin_width, min_bin_height, min_derivative):
    num_bins = unnormalized_widths.shape[-1]

    widths = jax.nn.softmax(unnormalized_widths, axis=-1)
    widths = min_bin_width + (1.0 - min_bin_width * num_bins) * widths
    cumwidths = jnp.cumsum(widths, axis=-1)
    cumwidths = jnp.pad(cumwidths, [(0, 0), (1, 0)])
    cumwidths = (right - left) * cumwidths + left
    cumwidths = cumwidths.at[..., 0].set(left)
    cumwidths = cumwidths.at[..., -1].set(right)
    widths = cumwidths[..., 1:] - cumwidths[..., :-1]

    derivatives = min_derivative + jax.nn.softplus(unnormalized_derivatives)

    heights = jax.nn.softmax(unnormalized_heights, axis=-1)
    heights = min_bin_height + (1.0 - min_bin_height * num_bins) * heights
    cumheights = jnp.cumsum(heights, axis=-1)
    cumheights = jnp.pad(cumheights, [(0, 0), (1, 0)])
    cumheights = (top - bottom) * cumheights + bottom
    cumheights = cumheights.at[..., 0].set(bottom)
    cumheights = cumheights.at[..., -1].set(top)
    heights = cumheights[..., 1:] - cumheights[..., :-1]

    bin_idx = _searchsorted(cumwidths, inputs)
    bin_idx = jnp.clip(bin_idx, 0, num_bins - 1)

    B = inputs.shape[0]

    def gather(t):
        tb = jnp.broadcast_to(t, (B,) + t.shape)
        return jnp.take_along_axis(tb, bin_idx[..., None], axis=-1)[..., 0]

    input_cumwidths = gather(cumwidths)
    input_bin_widths = gather(widths)
    input_cumheights = gather(cumheights)
    delta = heights / widths
    input_delta = gather(delta)
    input_derivatives = gather(derivatives)
    input_derivatives_plus_one = gather(derivatives[..., 1:])
    input_heights = gather(heights)

    theta = (inputs - input_cumwidths) / input_bin_widths
    theta_one_minus_theta = theta * (1.0 - theta)
    numerator = input_heights * (input_delta * theta ** 2
                                 + input_derivatives * theta_one_minus_theta)
    denominator = input_delta + ((input_derivatives + input_derivatives_plus_one
                                  - 2.0 * input_delta) * theta_one_minus_theta)
    outputs = input_cumheights + numerator / denominator

    derivative_numerator = input_delta ** 2 * (
        input_derivatives_plus_one * theta ** 2
        + 2.0 * input_delta * theta_one_minus_theta
        + input_derivatives * (1.0 - theta) ** 2)
    logabsdet = jnp.log(derivative_numerator) - 2.0 * jnp.log(denominator)
    return outputs, logabsdet


def unconstrained_rational_quadratic_spline(inputs, uw, uh, ud, tail_bound,
                                            min_bin_width, min_bin_height, min_derivative):
    inside = (inputs >= -tail_bound) & (inputs <= tail_bound)
    constant = float(np.log(np.exp(1.0 - min_derivative) - 1.0))
    ud_padded = jnp.pad(ud, [(0, 0), (1, 1)], constant_values=constant)
    x = jnp.clip(inputs, -tail_bound, tail_bound)
    out_s, lad_s = _rational_quadratic_spline(
        x, uw, uh, ud_padded, -tail_bound, tail_bound, -tail_bound, tail_bound,
        min_bin_width, min_bin_height, min_derivative)
    outputs = jnp.where(inside, out_s, inputs)
    logabsdet = jnp.where(inside, lad_s, 0.0)
    return outputs, logabsdet


def setup_inputs(seed: int = 0):
    key = jax.random.key(seed)
    k1, k2, k3, k4 = jax.random.split(key, 4)
    inputs = jax.random.normal(k1, (BATCH, SHAPE), dtype=jnp.float32)
    uw = jax.random.uniform(k2, (SHAPE, NUM_BINS), dtype=jnp.float32)
    uh = jax.random.uniform(k3, (SHAPE, NUM_BINS), dtype=jnp.float32)
    ud = jax.random.uniform(k4, (SHAPE, NUM_BINS - 1), dtype=jnp.float32)
    return {"inputs": inputs, "unnormalized_widths": uw,
            "unnormalized_heights": uh, "unnormalized_derivatives": ud}


def reference(inputs, unnormalized_widths, unnormalized_heights, unnormalized_derivatives):
    # _share_across_batch in torch is an expand(); jnp broadcasting is equivalent.
    outputs, logabsdet = unconstrained_rational_quadratic_spline(
        inputs, unnormalized_widths, unnormalized_heights, unnormalized_derivatives,
        TAIL_BOUND, MIN_BIN_WIDTH, MIN_BIN_HEIGHT, MIN_DERIVATIVE)
    logdets = jnp.sum(logabsdet, axis=1)
    return outputs, logdets

if __name__ == "__main__":
    import jax
    _d = setup_inputs()
    print(jax.jit(kernel)(*tuple(_d.values())))

</pallas_src>

<mosaic_0001>
#map = affine_map<(d0, d1) -> (0, 0)>
#map1 = affine_map<(d0, d1) -> (0)>
module attributes {stable_mosaic.version = 14 : i64} {
  func.func @_body(%arg0: i32, %arg1: i32, %arg2: memref<8192x512xf32, #tpu.memory_space<hbm>>, %arg3: memref<5120xf32, #tpu.memory_space<hbm>>, %arg4: memref<5120xf32, #tpu.memory_space<hbm>>, %arg5: memref<4608xf32, #tpu.memory_space<hbm>>, %arg6: memref<8192x512xf32, #tpu.memory_space<hbm>>, %arg7: memref<8192xf32, #tpu.memory_space<hbm>>, %arg8: memref<5120xf32, #tpu.memory_space<vmem>>, %arg9: memref<5120xf32, #tpu.memory_space<vmem>>, %arg10: memref<4608xf32, #tpu.memory_space<vmem>>, %arg11: memref<5632xf32, #tpu.memory_space<vmem>>, %arg12: memref<5120xf32, #tpu.memory_space<vmem>>, %arg13: memref<5120xf32, #tpu.memory_space<vmem>>, %arg14: memref<5120xf32, #tpu.memory_space<vmem>>, %arg15: memref<5120xf32, #tpu.memory_space<vmem>>, %arg16: memref<5120xf32, #tpu.memory_space<vmem>>, %arg17: memref<5120xf32, #tpu.memory_space<vmem>>, %arg18: memref<5120xf32, #tpu.memory_space<vmem>>, %arg19: memref<5120xf32, #tpu.memory_space<vmem>>, %arg20: memref<5120xf32, #tpu.memory_space<vmem>>, %arg21: memref<8192xf32, #tpu.memory_space<vmem>>, %arg22: memref<16x512xf32, #tpu.memory_space<vmem>>, %arg23: memref<16x512xf32, #tpu.memory_space<vmem>>, %arg24: memref<16x512xf32, #tpu.memory_space<vmem>>, %arg25: memref<16x512xf32, #tpu.memory_space<vmem>>, %arg26: memref<256xf32, #tpu.memory_space<vmem>>, %arg27: memref<256xf32, #tpu.memory_space<vmem>>, %arg28: memref<!tpu.dma_semaphore, #tpu.memory_space<semaphore_mem>>, %arg29: memref<!tpu.dma_semaphore, #tpu.memory_space<semaphore_mem>>, %arg30: memref<!tpu.dma_semaphore, #tpu.memory_space<semaphore_mem>>, %arg31: memref<!tpu.dma_semaphore, #tpu.memory_space<semaphore_mem>>) attributes {dimension_semantics = [#tpu.dimension_semantics<core_parallel>, #tpu.dimension_semantics<subcore_parallel>], iteration_bounds = array<i64: 2, 16>, scalar_prefetch = 0 : i64, scratch_operands = 24 : i64, tpu.core_type = #tpu.core_type<sc_vector_subcore>, window_params = [{transform_indices = #map}, {transform_indices = #map1}, {transform_indices = #map1}, {transform_indices = #map1}, {transform_indices = #map}, {transform_indices = #map1}]} {
    %mul3A = arith.constant 2 : i32
    %mul3A_0 = arith.muli %arg1, %mul3A : i32
    %add3A = arith.addi %mul3A_0, %arg0 : i32
    %mul3A_1 = arith.constant 256 : i32
    %mul3A_2 = arith.muli %add3A, %mul3A_1 : i32
    "tpu.region"() ({
      %run_scoped3A = tpu.sem_alloc : memref<!tpu.dma_semaphore, #tpu.memory_space<semaphore_mem>>
      tpu.enqueue_dma source(%arg3 : memref<5120xf32, #tpu.memory_space<hbm>>) target(%arg8 : memref<5120xf32, #tpu.memory_space<vmem>>) target_semaphore(%run_scoped3A : memref<!tpu.dma_semaphore, #tpu.memory_space<semaphore_mem>>)
      tpu.wait_dma2 semaphore(%run_scoped3A : memref<!tpu.dma_semaphore, #tpu.memory_space<semaphore_mem>>) src(%arg3 : memref<5120xf32, #tpu.memory_space<hbm>>) dst(%arg8 : memref<5120xf32, #tpu.memory_space<vmem>>)
      tpu.yield
    }) : () -> ()
    "tpu.region"() ({
      %run_scoped3A = tpu.sem_alloc : memref<!tpu.dma_semaphore, #tpu.memory_space<semaphore_mem>>
      tpu.enqueue_dma source(%arg4 : memref<5120xf32, #tpu.memory_space<hbm>>) target(%arg9 : memref<5120xf32, #tpu.memory_space<vmem>>) target_semaphore(%run_scoped3A : memref<!tpu.dma_semaphore, #tpu.memory_space<semaphore_mem>>)
      tpu.wait_dma2 semaphore(%run_scoped3A : memref<!tpu.dma_semaphore, #tpu.memory_space<semaphore_mem>>) src(%arg4 : memref<5120xf32, #tpu.memory_space<hbm>>) dst(%arg9 : memref<5120xf32, #tpu.memory_space<vmem>>)
      tpu.yield
    }) : () -> ()
    "tpu.region"() ({
      %run_scoped3A = tpu.sem_alloc : memref<!tpu.dma_semaphore, #tpu.memory_space<semaphore_mem>>
      tpu.enqueue_dma source(%arg5 : memref<4608xf32, #tpu.memory_space<hbm>>) target(%arg10 : memref<4608xf32, #tpu.memory_space<vmem>>) target_semaphore(%run_scoped3A : memref<!tpu.dma_semaphore, #tpu.memory_space<semaphore_mem>>)
      tpu.wait_dma2 semaphore(%run_scoped3A : memref<!tpu.dma_semaphore, #tpu.memory_space<semaphore_mem>>) src(%arg5 : memref<4608xf32, #tpu.memory_space<hbm>>) dst(%arg10 : memref<4608xf32, #tpu.memory_space<vmem>>)
      tpu.yield
    }) : () -> ()
    %iota3A = tpu.iota {dimensions = array<i32: 0>} : vector<16xi32>
    %broadcast_in_dim3A = arith.constant 3.000000e+38 : f32
    %broadcast_in_dim3A_3 = vector.broadcast %broadcast_in_dim3A : f32 to vector<16xf32>
    %scan3A = arith.constant 0 : i32
    %scan3A_4 = arith.constant 0 : i32
    %scan3A_5 = arith.constant 32 : i32
    %scan3A_6 = arith.addi %scan3A_4, %scan3A_5 : i32
    %scan3A_7 = arith.constant 1 : i32
    %scan3A_8 = scf.for %scan3A_39 = %scan3A_4 to %scan3A_6 step %scan3A_7 iter_args(%scan3A_40 = %scan3A) -> (i32)  : i32 {
      %mul3A_41 = arith.constant 16 : i32
      %mul3A_42 = arith.muli %scan3A_39, %mul3A_41 : i32
      %add3A_43 = vector.broadcast %mul3A_42 : i32 to vector<16xi32>
      %add3A_44 = arith.addi %iota3A, %add3A_43 : vector<16xi32>
      %mul3A_45 = arith.constant 10 : i32
      %mul3A_46 = vector.broadcast %mul3A_45 : i32 to vector<16xi32>
      %mul3A_47 = arith.muli %add3A_44, %mul3A_46 : vector<16xi32>
      %add3A_48 = arith.constant 0 : i32
      %add3A_49 = vector.broadcast %add3A_48 : i32 to vector<16xi32>
      %add3A_50 = arith.addi %mul3A_47, %add3A_49 : vector<16xi32>
      %gather3A = tpu.vector_load_idx %arg8[%add3A_50] : memref<5120xf32, #tpu.memory_space<vmem>>[vector<16xi32>], vector<16xf32>,
      %mul3A_51 = arith.constant 10 : i32
      %mul3A_52 = vector.broadcast %mul3A_51 : i32 to vector<16xi32>
      %mul3A_53 = arith.muli %add3A_44, %mul3A_52 : vector<16xi32>
      %add3A_54 = arith.constant 1 : i32
      %add3A_55 = vector.broadcast %add3A_54 : i32 to vector<16xi32>
      %add3A_56 = arith.addi %mul3A_53, %add3A_55 : vector<16xi32>
      %gather3A_57 = tpu.vector_load_idx %arg8[%add3A_56] : memref<5120xf32, #tpu.memory_space<vmem>>[vector<16xi32>], vector<16xf32>,
      %mul3A_58 = arith.constant 10 : i32
      %mul3A_59 = vector.broadcast %mul3A_58 : i32 to vector<16xi32>
      %mul3A_60 = arith.muli %add3A_44, %mul3A_59 : vector<16xi32>
      %add3A_61 = arith.constant 2 : i32
      %add3A_62 = vector.broadcast %add3A_61 : i32 to vector<16xi32>
      %add3A_63 = arith.addi %mul3A_60, %add3A_62 : vector<16xi32>
      %gather3A_64 = tpu.vector_load_idx %arg8[%add3A_63] : memref<5120xf32, #tpu.memory_space<vmem>>[vector<16xi32>], vector<16xf32>,
      %mul3A_65 = arith.constant 10 : i32
      %mul3A_66 = vector.broadcast %mul3A_65 : i32 to vector<16xi32>
      %mul3A_67 = arith.muli %add3A_44, %mul3A_66 : vector<16xi32>
      %add3A_68 = arith.constant 3 : i32
      %add3A_69 = vector.broadcast %add3A_68 : i32 to vector<16xi32>
      %add3A_70 = arith.addi %mul3A_67, %add3A_69 : vector<16xi32>
      %gather3A_71 = tpu.vector_load_idx %arg8[%add3A_70] : memref<5120xf32, #tpu.memory_space<vmem>>[vector<16xi32>], vector<16xf32>,
      %mul3A_72 = arith.constant 10 : i32
      %mul3A_73 = vector.broadcast %mul3A_72 : i32 to vector<16xi32>
      %mul3A_74 = arith.muli %add3A_44, %mul3A_73 : vector<16xi32>
      %add3A_75 = arith.constant 4 : i32
      %add3A_76 = vector.broadcast %add3A_75 : i32 to vector<16xi32>
      %add3A_77 = arith.addi %mul3A_74, %add3A_76 : vector<16xi32>
      %gather3A_78 = tpu.vector_load_idx %arg8[%add3A_77] : memref<5120xf32, #tpu.memory_space<vmem>>[vector<16xi32>], vector<16xf32>,
      %mul3A_79 = arith.constant 10 : i32
      %mul3A_80 = vector.broadcast %mul3A_79 : i32 to vector<16xi32>
      %mul3A_81 = arith.muli %add3A_44, %mul3A_80 : vector<16xi32>
      %add3A_82 = arith.constant 5 : i32
      %add3A_83 = vector.broadcast %add3A_82 : i32 to vector<16xi32>
      %add3A_84 = arith.addi %mul3A_81, %add3A_83 : vector<16xi32>
      %gather3A_85 = tpu.vector_load_idx %arg8[%add3A_84] : memref<5120xf32, #tpu.memory_space<vmem>>[vector<16xi32>], vector<16xf32>,
      %mul3A_86 = arith.constant 10 : i32
      %mul3A_87 = vector.broadcast %mul3A_86 : i32 to vector<16xi32>
      %mul3A_88 = arith.muli %add3A_44, %mul3A_87 : vector<16xi32>
      %add3A_89 = arith.constant 6 : i32
      %add3A_90 = vector.broadcast %add3A_89 : i32 to vector<16xi32>
      %add3A_91 = arith.addi %mul3A_88, %add3A_90 : vector<16xi32>
      %gather3A_92 = tpu.vector_load_idx %arg8[%add3A_91] : memref<5120xf32, #tpu.memory_space<vmem>>[vector<16xi32>], vector<16xf32>,
      %mul3A_93 = arith.constant 10 : i32
      %mul3A_94 = vector.broadcast %mul3A_93 : i32 to vector<16xi32>
      %mul3A_95 = arith.muli %add3A_44, %mul3A_94 : vector<16xi32>
      %add3A_96 = arith.constant 7 : i32
      %add3A_97 = vector.broadcast %add3A_96 : i32 to vector<16xi32>
      %add3A_98 = arith.addi %mul3A_95, %add3A_97 : vector<16xi32>
      %gather3A_99 = tpu.vector_load_idx %arg8[%add3A_98] : memref<5120xf32, #tpu.memory_space<vmem>>[vector<16xi32>], vector<16xf32>,
      %mul3A_100 = arith.constant 10 : i32
      %mul3A_101 = vector.broadcast %mul3A_100 : i32 to vector<16xi32>
      %mul3A_102 = arith.muli %add3A_44, %mul3A_101 : vector<16xi32>
      %add3A_103 = arith.constant 8 : i32
      %add3A_104 = vector.broadcast %add3A_103 : i32 to vector<16xi32>
      %add3A_105 = arith.addi %mul3A_102, %add3A_104 : vector<16xi32>
      %gather3A_106 = tpu.vector_load_idx %arg8[%add3A_105] : memref<5120xf32, #tpu.memory_space<vmem>>[vector<16xi32>], vector<16xf32>,
      %mul3A_107 = arith.constant 10 : i32
      %mul3A_108 = vector.broadcast %mul3A_107 : i32 to vector<16xi32>
      %mul3A_109 = arith.muli %add3A_44, %mul3A_108 : vector<16xi32>
      %add3A_110 = arith.constant 9 : i32
      %add3A_111 = vector.broadcast %add3A_110 : i32 to vector<16xi32>
      %add3A_112 = arith.addi %mul3A_109, %add3A_111 : vector<16xi32>
      %gather3A_113 = tpu.vector_load_idx %arg8[%add3A_112] : memref<5120xf32, #tpu.memory_space<vmem>>[vector<16xi32>], vector<16xf32>,
      %max3A = arith.maximumf %gather3A, %gather3A_57 : vector<16xf32>
      %max3A_114 = arith.maximumf %max3A, %gather3A_64 : vector<16xf32>
      %max3A_115 = arith.maximumf %max3A_114, %gather3A_71 : vector<16xf32>
      %max3A_116 = arith.maximumf %max3A_115, %gather3A_78 : vector<16xf32>
      %max3A_117 = arith.maximumf %max3A_116, %gather3A_85 : vector<16xf32>
      %max3A_118 = arith.maximumf %max3A_117, %gather3A_92 : vector<16xf32>
      %max3A_119 = arith.maximumf %max3A_118, %gather3A_99 : vector<16xf32>
      %max3A_120 = arith.maximumf %max3A_119, %gather3A_106 : vector<16xf32>
      %max3A_121 = arith.maximumf %max3A_120, %gather3A_113 : vector<16xf32>
      %sub3A = arith.subf %gather3A, %max3A_121 : vector<16xf32>
      %exp3A = math.exp %sub3A : vector<16xf32>
      %sub3A_122 = arith.subf %gather3A_57, %max3A_121 : vector<16xf32>
      %exp3A_123 = math.exp %sub3A_122 : vector<16xf32>
      %sub3A_124 = arith.subf %gather3A_64, %max3A_121 : vector<16xf32>
      %exp3A_125 = math.exp %sub3A_124 : vector<16xf32>
      %sub3A_126 = arith.subf %gather3A_71, %max3A_121 : vector<16xf32>
      %exp3A_127 = math.exp %sub3A_126 : vector<16xf32>
      %sub3A_128 = arith.subf %gather3A_78, %max3A_121 : vector<16xf32>
      %exp3A_129 = math.exp %sub3A_128 : vector<16xf32>
      %sub3A_130 = arith.subf %gather3A_85, %max3A_121 : vector<16xf32>
      %exp3A_131 = math.exp %sub3A_130 : vector<16xf32>
      %sub3A_132 = arith.subf %gather3A_92, %max3A_121 : vector<16xf32>
      %exp3A_133 = math.exp %sub3A_132 : vector<16xf32>
      %sub3A_134 = arith.subf %gather3A_99, %max3A_121 : vector<16xf32>
      %exp3A_135 = math.exp %sub3A_134 : vector<16xf32>
      %sub3A_136 = arith.subf %gather3A_106, %max3A_121 : vector<16xf32>
      %exp3A_137 = math.exp %sub3A_136 : vector<16xf32>
      %sub3A_138 = arith.subf %gather3A_113, %max3A_121 : vector<16xf32>
      %exp3A_139 = math.exp %sub3A_138 : vector<16xf32>
      %add3A_140 = arith.addf %exp3A, %exp3A_123 : vector<16xf32>
      %add3A_141 = arith.addf %add3A_140, %exp3A_125 : vector<16xf32>
      %add3A_142 = arith.addf %add3A_141, %exp3A_127 : vector<16xf32>
      %add3A_143 = arith.addf %add3A_142, %exp3A_129 : vector<16xf32>
      %add3A_144 = arith.addf %add3A_143, %exp3A_131 : vector<16xf32>
      %add3A_145 = arith.addf %add3A_144, %exp3A_133 : vector<16xf32>
      %add3A_146 = arith.addf %add3A_145, %exp3A_135 : vector<16xf32>
      %add3A_147 = arith.addf %add3A_146, %exp3A_137 : vector<16xf32>
      %add3A_148 = arith.addf %add3A_147, %exp3A_139 : vector<16xf32>
      %div3A = arith.constant 1.000000e+00 : f32
      %div3A_149 = vector.broadcast %div3A : f32 to vector<16xf32>
      %div3A_150 = arith.divf %div3A_149, %add3A_148 : vector<16xf32>
      %broadcast_in_dim3A_151 = arith.constant -1.000000e+01 : f32
      %broadcast_in_dim3A_152 = vector.broadcast %broadcast_in_dim3A_151 : f32 to vector<16xf32>
      %broadcast_in_dim3A_153 = arith.constant 0.000000e+00 : f32
      %broadcast_in_dim3A_154 = vector.broadcast %broadcast_in_dim3A_153 : f32 to vector<16xf32>
      %mul3A_155 = arith.mulf %exp3A, %div3A_150 : vector<16xf32>
      %mul3A_156 = arith.constant 9.900000e-01 : f32
      %mul3A_157 = vector.broadcast %mul3A_156 : f32 to vector<16xf32>
      %mul3A_158 = arith.mulf %mul3A_157, %mul3A_155 : vector<16xf32>
      %add3A_159 = arith.constant 1.000000e-03 : f32
      %add3A_160 = vector.broadcast %add3A_159 : f32 to vector<16xf32>
      %add3A_161 = arith.addf %add3A_160, %mul3A_158 : vector<16xf32>
      %add3A_162 = arith.addf %broadcast_in_dim3A_154, %add3A_161 : vector<16xf32>
      %mul3A_163 = arith.constant 2.000000e+01 : f32
      %mul3A_164 = vector.broadcast %mul3A_163 : f32 to vector<16xf32>
      %mul3A_165 = arith.mulf %mul3A_164, %add3A_162 : vector<16xf32>
      %sub3A_166 = arith.constant 1.000000e+01 : f32
      %sub3A_167 = vector.broadcast %sub3A_166 : f32 to vector<16xf32>
      %sub3A_168 = arith.subf %mul3A_165, %sub3A_167 : vector<16xf32>
      %mul3A_169 = arith.mulf %exp3A_123, %div3A_150 : vector<16xf32>
      %mul3A_170 = arith.constant 9.900000e-01 : f32
      %mul3A_171 = vector.broadcast %mul3A_170 : f32 to vector<16xf32>
      %mul3A_172 = arith.mulf %mul3A_171, %mul3A_169 : vector<16xf32>
      %add3A_173 = arith.constant 1.000000e-03 : f32
      %add3A_174 = vector.broadcast %add3A_173 : f32 to vector<16xf32>
      %add3A_175 = arith.addf %add3A_174, %mul3A_172 : vector<16xf32>
      %add3A_176 = arith.addf %add3A_162, %add3A_175 : vector<16xf32>
      %mul3A_177 = arith.constant 2.000000e+01 : f32
      %mul3A_178 = vector.broadcast %mul3A_177 : f32 to vector<16xf32>
      %mul3A_179 = arith.mulf %mul3A_178, %add3A_176 : vector<16xf32>
      %sub3A_180 = arith.constant 1.000000e+01 : f32
      %sub3A_181 = vector.broadcast %sub3A_180 : f32 to vector<16xf32>
      %sub3A_182 = arith.subf %mul3A_179, %sub3A_181 : vector<16xf32>
      %mul3A_183 = arith.mulf %exp3A_125, %div3A_150 : vector<16xf32>
      %mul3A_184 = arith.constant 9.900000e-01 : f32
      %mul3A_185 = vector.broadcast %mul3A_184 : f32 to vector<16xf32>
      %mul3A_186 = arith.mulf %mul3A_185, %mul3A_183 : vector<16xf32>
      %add3A_187 = arith.constant 1.000000e-03 : f32
      %add3A_188 = vector.broadcast %add3A_187 : f32 to vector<16xf32>
      %add3A_189 = arith.addf %add3A_188, %mul3A_186 : vector<16xf32>
      %add3A_190 = arith.addf %add3A_176, %add3A_189 : vector<16xf32>
      %mul3A_191 = arith.constant 2.000000e+01 : f32
      %mul3A_192 = vector.broadcast %mul3A_191 : f32 to vector<16xf32>
      %mul3A_193 = arith.mulf %mul3A_192, %add3A_190 : vector<16xf32>
      %sub3A_194 = arith.constant 1.000000e+01 : f32
      %sub3A_195 = vector.broadcast %sub3A_194 : f32 to vector<16xf32>
      %sub3A_196 = arith.subf %mul3A_193, %sub3A_195 : vector<16xf32>
      %mul3A_197 = arith.mulf %exp3A_127, %div3A_150 : vector<16xf32>
      %mul3A_198 = arith.constant 9.900000e-01 : f32
      %mul3A_199 = vector.broadcast %mul3A_198 : f32 to vector<16xf32>
      %mul3A_200 = arith.mulf %mul3A_199, %mul3A_197 : vector<16xf32>
      %add3A_201 = arith.constant 1.000000e-03 : f32
      %add3A_202 = vector.broadcast %add3A_201 : f32 to vector<16xf32>
      %add3A_203 = arith.addf %add3A_202, %mul3A_200 : vector<16xf32>
      %add3A_204 = arith.addf %add3A_190, %add3A_203 : vector<16xf32>
      %mul3A_205 = arith.constant 2.000000e+01 : f32
      %mul3A_206 = vector.broadcast %mul3A_205 : f32 to vector<16xf32>
      %mul3A_207 = arith.mulf %mul3A_206, %add3A_204 : vector<16xf32>
      %sub3A_208 = arith.constant 1.000000e+01 : f32
      %sub3A_209 = vector.broadcast %sub3A_208 : f32 to vector<16xf32>
      %sub3A_210 = arith.subf %mul3A_207, %sub3A_209 : vector<16xf32>
      %mul3A_211 = arith.mulf %exp3A_129, %div3A_150 : vector<16xf32>
      %mul3A_212 = arith.constant 9.900000e-01 : f32
      %mul3A_213 = vector.broadcast %mul3A_212 : f32 to vector<16xf32>
      %mul3A_214 = arith.mulf %mul3A_213, %mul3A_211 : vector<16xf32>
      %add3A_215 = arith.constant 1.000000e-03 : f32
      %add3A_216 = vector.broadcast %add3A_215 : f32 to vector<16xf32>
      %add3A_217 = arith.addf %add3A_216, %mul3A_214 : vector<16xf32>
      %add3A_218 = arith.addf %add3A_204, %add3A_217 : vector<16xf32>
      %mul3A_219 = arith.constant 2.000000e+01 : f32
      %mul3A_220 = vector.broadcast %mul3A_219 : f32 to vector<16xf32>
      %mul3A_221 = arith.mulf %mul3A_220, %add3A_218 : vector<16xf32>
      %sub3A_222 = arith.constant 1.000000e+01 : f32
      %sub3A_223 = vector.broadcast %sub3A_222 : f32 to vector<16xf32>
      %sub3A_224 = arith.subf %mul3A_221, %sub3A_223 : vector<16xf32>
      %mul3A_225 = arith.mulf %exp3A_131, %div3A_150 : vector<16xf32>
      %mul3A_226 = arith.constant 9.900000e-01 : f32
      %mul3A_227 = vector.broadcast %mul3A_226 : f32 to vector<16xf32>
      %mul3A_228 = arith.mulf %mul3A_227, %mul3A_225 : vector<16xf32>
      %add3A_229 = arith.constant 1.000000e-03 : f32
      %add3A_230 = vector.broadcast %add3A_229 : f32 to vector<16xf32>
      %add3A_231 = arith.addf %add3A_230, %mul3A_228 : vector<16xf32>
      %add3A_232 = arith.addf %add3A_218, %add3A_231 : vector<16xf32>
      %mul3A_233 = arith.constant 2.000000e+01 : f32
      %mul3A_234 = vector.broadcast %mul3A_233 : f32 to vector<16xf32>
      %mul3A_235 = arith.mulf %mul3A_234, %add3A_232 : vector<16xf32>
      %sub3A_236 = arith.constant 1.000000e+01 : f32
      %sub3A_237 = vector.broadcast %sub3A_236 : f32 to vector<16xf32>
      %sub3A_238 = arith.subf %mul3A_235, %sub3A_237 : vector<16xf32>
      %mul3A_239 = arith.mulf %exp3A_133, %div3A_150 : vector<16xf32>
      %mul3A_240 = arith.constant 9.900000e-01 : f32
      %mul3A_241 = vector.broadcast %mul3A_240 : f32 to vector<16xf32>
      %mul3A_242 = arith.mulf %mul3A_241, %mul3A_239 : vector<16xf32>
      %add3A_243 = arith.constant 1.000000e-03 : f32
      %add3A_244 = vector.broadcast %add3A_243 : f32 to vector<16xf32>
      %add3A_245 = arith.addf %add3A_244, %mul3A_242 : vector<16xf32>
      %add3A_246 = arith.addf %add3A_232, %add3A_245 : vector<16xf32>
      %mul3A_247 = arith.constant 2.000000e+01 : f32
      %mul3A_248 = vector.broadcast %mul3A_247 : f32 to vector<16xf32>
      %mul3A_249 = arith.mulf %mul3A_248, %add3A_246 : vector<16xf32>
      %sub3A_250 = arith.constant 1.000000e+01 : f32
      %sub3A_251 = vector.broadcast %sub3A_250 : f32 to vector<16xf32>
      %sub3A_252 = arith.subf %mul3A_249, %sub3A_251 : vector<16xf32>
      %mul3A_253 = arith.mulf %exp3A_135, %div3A_150 : vector<16xf32>
      %mul3A_254 = arith.constant 9.900000e-01 : f32
      %mul3A_255 = vector.broadcast %mul3A_254 : f32 to vector<16xf32>
      %mul3A_256 = arith.mulf %mul3A_255, %mul3A_253 : vector<16xf32>
      %add3A_257 = arith.constant 1.000000e-03 : f32
      %add3A_258 = vector.broadcast %add3A_257 : f32 to vector<16xf32>
      %add3A_259 = arith.addf %add3A_258, %mul3A_256 : vector<16xf32>
      %add3A_260 = arith.addf %add3A_246, %add3A_259 : vector<16xf32>
      %mul3A_261 = arith.constant 2.000000e+01 : f32
      %mul3A_262 = vector.broadcast %mul3A_261 : f32 to vector<16xf32>
      %mul3A_263 = arith.mulf %mul3A_262, %add3A_260 : vector<16xf32>
      %sub3A_264 = arith.constant 1.000000e+01 : f32
      %sub3A_265 = vector.broadcast %sub3A_264 : f32 to vector<16xf32>
      %sub3A_266 = arith.subf %mul3A_263, %sub3A_265 : vector<16xf32>
      %mul3A_267 = arith.mulf %exp3A_137, %div3A_150 : vector<16xf32>
      %mul3A_268 = arith.constant 9.900000e-01 : f32
      %mul3A_269 = vector.broadcast %mul3A_268 : f32 to vector<16xf32>
      %mul3A_270 = arith.mulf %mul3A_269, %mul3A_267 : vector<16xf32>
      %add3A_271 = arith.constant 1.000000e-03 : f32
      %add3A_272 = vector.broadcast %add3A_271 : f32 to vector<16xf32>
      %add3A_273 = arith.addf %add3A_272, %mul3A_270 : vector<16xf32>
      %add3A_274 = arith.addf %add3A_260, %add3A_273 : vector<16xf32>
      %mul3A_275 = arith.constant 2.000000e+01 : f32
      %mul3A_276 = vector.broadcast %mul3A_275 : f32 to vector<16xf32>
      %mul3A_277 = arith.mulf %mul3A_276, %add3A_274 : vector<16xf32>
      %sub3A_278 = arith.constant 1.000000e+01 : f32
      %sub3A_279 = vector.broadcast %sub3A_278 : f32 to vector<16xf32>
      %sub3A_280 = arith.subf %mul3A_277, %sub3A_279 : vector<16xf32>
      %mul3A_281 = arith.mulf %exp3A_139, %div3A_150 : vector<16xf32>
      %mul3A_282 = arith.constant 9.900000e-01 : f32
      %mul3A_283 = vector.broadcast %mul3A_282 : f32 to vector<16xf32>
      %mul3A_284 = arith.mulf %mul3A_283, %mul3A_281 : vector<16xf32>
      %add3A_285 = arith.constant 1.000000e-03 : f32
      %add3A_286 = vector.broadcast %add3A_285 : f32 to vector<16xf32>
      %add3A_287 = arith.addf %add3A_286, %mul3A_284 : vector<16xf32>
      %add3A_288 = arith.addf %add3A_274, %add3A_287 : vector<16xf32>
      %broadcast_in_dim3A_289 = arith.constant 1.000000e+01 : f32
      %broadcast_in_dim3A_290 = vector.broadcast %broadcast_in_dim3A_289 : f32 to vector<16xf32>
      %mul3A_291 = arith.constant 10 : i32
      %mul3A_292 = vector.broadcast %mul3A_291 : i32 to vector<16xi32>
      %mul3A_293 = arith.muli %add3A_44, %mul3A_292 : vector<16xi32>
      %add3A_294 = arith.constant 0 : i32
      %add3A_295 = vector.broadcast %add3A_294 : i32 to vector<16xi32>
      %add3A_296 = arith.addi %mul3A_293, %add3A_295 : vector<16xi32>
      %gather3A_297 = tpu.vector_load_idx %arg9[%add3A_296] : memref<5120xf32, #tpu.memory_space<vmem>>[vector<16xi32>], vector<16xf32>,
      %mul3A_298 = arith.constant 10 : i32
      %mul3A_299 = vector.broadcast %mul3A_298 : i32 to vector<16xi32>
      %mul3A_300 = arith.muli %add3A_44, %mul3A_299 : vector<16xi32>
      %add3A_301 = arith.constant 1 : i32
      %add3A_302 = vector.broadcast %add3A_301 : i32 to vector<16xi32>
      %add3A_303 = arith.addi %mul3A_300, %add3A_302 : vector<16xi32>
      %gather3A_304 = tpu.vector_load_idx %arg9[%add3A_303] : memref<5120xf32, #tpu.memory_space<vmem>>[vector<16xi32>], vector<16xf32>,
      %mul3A_305 = arith.constant 10 : i32
      %mul3A_306 = vector.broadcast %mul3A_305 : i32 to vector<16xi32>
      %mul3A_307 = arith.muli %add3A_44, %mul3A_306 : vector<16xi32>
      %add3A_308 = arith.constant 2 : i32
      %add3A_309 = vector.broadcast %add3A_308 : i32 to vector<16xi32>
      %add3A_310 = arith.addi %mul3A_307, %add3A_309 : vector<16xi32>
      %gather3A_311 = tpu.vector_load_idx %arg9[%add3A_310] : memref<5120xf32, #tpu.memory_space<vmem>>[vector<16xi32>], vector<16xf32>,
      %mul3A_312 = arith.constant 10 : i32
      %mul3A_313 = vector.broadcast %mul3A_312 : i32 to vector<16xi32>
      %mul3A_314 = arith.muli %add3A_44, %mul3A_313 : vector<16xi32>
      %add3A_315 = arith.constant 3 : i32
      %add3A_316 = vector.broadcast %add3A_315 : i32 to vector<16xi32>
      %add3A_317 = arith.addi %mul3A_314, %add3A_316 : vector<16xi32>
      %gather3A_318 = tpu.vector_load_idx %arg9[%add3A_317] : memref<5120xf32, #tpu.memory_space<vmem>>[vector<16xi32>], vector<16xf32>,
      %mul3A_319 = arith.constant 10 : i32
      %mul3A_320 = vector.broadcast %mul3A_319 : i32 to vector<16xi32>
      %mul3A_321 = arith.muli %add3A_44, %mul3A_320 : vector<16xi32>
      %add3A_322 = arith.constant 4 : i32
      %add3A_323 = vector.broadcast %add3A_322 : i32 to vector<16xi32>
      %add3A_324 = arith.addi %mul3A_321, %add3A_323 : vector<16xi32>
      %gather3A_325 = tpu.vector_load_idx %arg9[%add3A_324] : memref<5120xf32, #tpu.memory_space<vmem>>[vector<16xi32>], vector<16xf32>,
      %mul3A_326 = arith.constant 10 : i32
      %mul3A_327 = vector.broadcast %mul3A_326 : i32 to vector<16xi32>
      %mul3A_328 = arith.muli %add3A_44, %mul3A_327 : vector<16xi32>
      %add3A_329 = arith.constant 5 : i32
      %add3A_330 = vector.broadcast %add3A_329 : i32 to vector<16xi32>
      %add3A_331 = arith.addi %mul3A_328, %add3A_330 : vector<16xi32>
      %gather3A_332 = tpu.vector_load_idx %arg9[%add3A_331] : memref<5120xf32, #tpu.memory_space<vmem>>[vector<16xi32>], vector<16xf32>,
      %mul3A_333 = arith.constant 10 : i32
      %mul3A_334 = vector.broadcast %mul3A_333 : i32 to vector<16xi32>
      %mul3A_335 = arith.muli %add3A_44, %mul3A_334 : vector<16xi32>
      %add3A_336 = arith.constant 6 : i32
      %add3A_337 = vector.broadcast %add3A_336 : i32 to vector<16xi32>
      %add3A_338 = arith.addi %mul3A_335, %add3A_337 : vector<16xi32>
      %gather3A_339 = tpu.vector_load_idx %arg9[%add3A_338] : memref<5120xf32, #tpu.memory_space<vmem>>[vector<16xi32>], vector<16xf32>,
      %mul3A_340 = arith.constant 10 : i32
      %mul3A_341 = vector.broadcast %mul3A_340 : i32 to vector<16xi32>
      %mul3A_342 = arith.muli %add3A_44, %mul3A_341 : vector<16xi32>
      %add3A_343 = arith.constant 7 : i32
      %add3A_344 = vector.broadcast %add3A_343 : i32 to vector<16xi32>
      %add3A_345 = arith.addi %mul3A_342, %add3A_344 : vector<16xi32>
      %gather3A_346 = tpu.vector_load_idx %arg9[%add3A_345] : memref<5120xf32, #tpu.memory_space<vmem>>[vector<16xi32>], vector<16xf32>,
      %mul3A_347 = arith.constant 10 : i32
      %mul3A_348 = vector.broadcast %mul3A_347 : i32 to vector<16xi32>
      %mul3A_349 = arith.muli %add3A_44, %mul3A_348 : vector<16xi32>
      %add3A_350 = arith.constant 8 : i32
      %add3A_351 = vector.broadcast %add3A_350 : i32 to vector<16xi32>
      %add3A_352 = arith.addi %mul3A_349, %add3A_351 : vector<16xi32>
      %gather3A_353 = tpu.vector_load_idx %arg9[%add3A_352] : memref<5120xf32, #tpu.memory_space<vmem>>[vector<16xi32>], vector<16xf32>,
      %mul3A_354 = arith.constant 10 : i32
      %mul3A_355 = vector.broadcast %mul3A_354 : i32 to vector<16xi32>
      %mul3A_356 = arith.muli %add3A_44, %mul3A_355 : vector<16xi32>
      %add3A_357 = arith.constant 9 : i32
      %add3A_358 = vector.broadcast %add3A_357 : i32 to vector<16xi32>
      %add3A_359 = arith.addi %mul3A_356, %add3A_358 : vector<16xi32>
      %gather3A_360 = tpu.vector_load_idx %arg9[%add3A_359] : memref<5120xf32, #tpu.memory_space<vmem>>[vector<16xi32>], vector<16xf32>,
      %max3A_361 = arith.maximumf %gather3A_297, %gather3A_304 : vector<16xf32>
      %max3A_362 = arith.maximumf %max3A_361, %gather3A_311 : vector<16xf32>
      %max3A_363 = arith.maximumf %max3A_362, %gather3A_318 : vector<16xf32>
      %max3A_364 = arith.maximumf %max3A_363, %gather3A_325 : vector<16xf32>
      %max3A_365 = arith.maximumf %max3A_364, %gather3A_332 : vector<16xf32>
      %max3A_366 = arith.maximumf %max3A_365, %gather3A_339 : vector<16xf32>
      %max3A_367 = arith.maximumf %max3A_366, %gather3A_346 : vector<16xf32>
      %max3A_368 = arith.maximumf %max3A_367, %gather3A_353 : vector<16xf32>
      %max3A_369 = arith.maximumf %max3A_368, %gather3A_360 : vector<16xf32>
      %sub3A_370 = arith.subf %gather3A_297, %max3A_369 : vector<16xf32>
      %exp3A_371 = math.exp %sub3A_370 : vector<16xf32>
      %sub3A_372 = arith.subf %gather3A_304, %max3A_369 : vector<16xf32>
      %exp3A_373 = math.exp %sub3A_372 : vector<16xf32>
      %sub3A_374 = arith.subf %gather3A_311, %max3A_369 : vector<16xf32>
      %exp3A_375 = math.exp %sub3A_374 : vector<16xf32>
      %sub3A_376 = arith.subf %gather3A_318, %max3A_369 : vector<16xf32>
      %exp3A_377 = math.exp %sub3A_376 : vector<16xf32>
      %sub3A_378 = arith.subf %gather3A_325, %max3A_369 : vector<16xf32>
      %exp3A_379 = math.exp %sub3A_378 : vector<16xf32>
      %sub3A_380 = arith.subf %gather3A_332, %max3A_369 : vector<16xf32>
      %exp3A_381 = math.exp %sub3A_380 : vector<16xf32>
      %sub3A_382 = arith.subf %gather3A_339, %max3A_369 : vector<16xf32>
      %exp3A_383 = math.exp %sub3A_382 : vector<16xf32>
      %sub3A_384 = arith.subf %gather3A_346, %max3A_369 : vector<16xf32>
      %exp3A_385 = math.exp %sub3A_384 : vector<16xf32>
      %sub3A_386 = arith.subf %gather3A_353, %max3A_369 : vector<16xf32>
      %exp3A_387 = math.exp %sub3A_386 : vector<16xf32>
      %sub3A_388 = arith.subf %gather3A_360, %max3A_369 : vector<16xf32>
      %exp3A_389 = math.exp %sub3A_388 : vector<16xf32>
      %add3A_390 = arith.addf %exp3A_371, %exp3A_373 : vector<16xf32>
      %add3A_391 = arith.addf %add3A_390, %exp3A_375 : vector<16xf32>
      %add3A_392 = arith.addf %add3A_391, %exp3A_377 : vector<16xf32>
      %add3A_393 = arith.addf %add3A_392, %exp3A_379 : vector<16xf32>
      %add3A_394 = arith.addf %add3A_393, %exp3A_381 : vector<16xf32>
      %add3A_395 = arith.addf %add3A_394, %exp3A_383 : vector<16xf32>
      %add3A_396 = arith.addf %add3A_395, %exp3A_385 : vector<16xf32>
      %add3A_397 = arith.addf %add3A_396, %exp3A_387 : vector<16xf32>
      %add3A_398 = arith.addf %add3A_397, %exp3A_389 : vector<16xf32>
      %div3A_399 = arith.constant 1.000000e+00 : f32
      %div3A_400 = vector.broadcast %div3A_399 : f32 to vector<16xf32>
      %div3A_401 = arith.divf %div3A_400, %add3A_398 : vector<16xf32>
      %broadcast_in_dim3A_402 = arith.constant -1.000000e+01 : f32
      %broadcast_in_dim3A_403 = vector.broadcast %broadcast_in_dim3A_402 : f32 to vector<16xf32>
      %broadcast_in_dim3A_404 = arith.constant 0.000000e+00 : f32
      %broadcast_in_dim3A_405 = vector.broadcast %broadcast_in_dim3A_404 : f32 to vector<16xf32>
      %mul3A_406 = arith.mulf %exp3A_371, %div3A_401 : vector<16xf32>
      %mul3A_407 = arith.constant 9.900000e-01 : f32
      %mul3A_408 = vector.broadcast %mul3A_407 : f32 to vector<16xf32>
      %mul3A_409 = arith.mulf %mul3A_408, %mul3A_406 : vector<16xf32>
      %add3A_410 = arith.constant 1.000000e-03 : f32
      %add3A_411 = vector.broadcast %add3A_410 : f32 to vector<16xf32>
      %add3A_412 = arith.addf %add3A_411, %mul3A_409 : vector<16xf32>
      %add3A_413 = arith.addf %broadcast_in_dim3A_405, %add3A_412 : vector<16xf32>
      %mul3A_414 = arith.constant 2.000000e+01 : f32
      %mul3A_415 = vector.broadcast %mul3A_414 : f32 to vector<16xf32>
      %mul3A_416 = arith.mulf %mul3A_415, %add3A_413 : vector<16xf32>
      %sub3A_417 = arith.constant 1.000000e+01 : f32
      %sub3A_418 = vector.broadcast %sub3A_417 : f32 to vector<16xf32>
      %sub3A_419 = arith.subf %mul3A_416, %sub3A_418 : vector<16xf32>
      %mul3A_420 = arith.mulf %exp3A_373, %div3A_401 : vector<16xf32>
      %mul3A_421 = arith.constant 9.900000e-01 : f32
      %mul3A_422 = vector.broadcast %mul3A_421 : f32 to vector<16xf32>
      %mul3A_423 = arith.mulf %mul3A_422, %mul3A_420 : vector<16xf32>
      %add3A_424 = arith.constant 1.000000e-03 : f32
      %add3A_425 = vector.broadcast %add3A_424 : f32 to vector<16xf32>
      %add3A_426 = arith.addf %add3A_425, %mul3A_423 : vector<16xf32>
      %add3A_427 = arith.addf %add3A_413, %add3A_426 : vector<16xf32>
      %mul3A_428 = arith.constant 2.000000e+01 : f32
      %mul3A_429 = vector.broadcast %mul3A_428 : f32 to vector<16xf32>
      %mul3A_430 = arith.mulf %mul3A_429, %add3A_427 : vector<16xf32>
      %sub3A_431 = arith.constant 1.000000e+01 : f32
      %sub3A_432 = vector.broadcast %sub3A_431 : f32 to vector<16xf32>
      %sub3A_433 = arith.subf %mul3A_430, %sub3A_432 : vector<16xf32>
      %mul3A_434 = arith.mulf %exp3A_375, %div3A_401 : vector<16xf32>
      %mul3A_435 = arith.constant 9.900000e-01 : f32
      %mul3A_436 = vector.broadcast %mul3A_435 : f32 to vector<16xf32>
      %mul3A_437 = arith.mulf %mul3A_436, %mul3A_434 : vector<16xf32>
      %add3A_438 = arith.constant 1.000000e-03 : f32
      %add3A_439 = vector.broadcast %add3A_438 : f32 to vector<16xf32>
      %add3A_440 = arith.addf %add3A_439, %mul3A_437 : vector<16xf32>
      %add3A_441 = arith.addf %add3A_427, %add3A_440 : vector<16xf32>
      %mul3A_442 = arith.constant 2.000000e+01 : f32
      %mul3A_443 = vector.broadcast %mul3A_442 : f32 to vector<16xf32>
      %mul3A_444 = arith.mulf %mul3A_443, %add3A_441 : vector<16xf32>
      %sub3A_445 = arith.constant 1.000000e+01 : f32
      %sub3A_446 = vector.broadcast %sub3A_445 : f32 to vector<16xf32>
      %sub3A_447 = arith.subf %mul3A_444, %sub3A_446 : vector<16xf32>
      %mul3A_448 = arith.mulf %exp3A_377, %div3A_401 : vector<16xf32>
      %mul3A_449 = arith.constant 9.900000e-01 : f32
      %mul3A_450 = vector.broadcast %mul3A_449 : f32 to vector<16xf32>
      %mul3A_451 = arith.mulf %mul3A_450, %mul3A_448 : vector<16xf32>
      %add3A_452 = arith.constant 1.000000e-03 : f32
      %add3A_453 = vector.broadcast %add3A_452 : f32 to vector<16xf32>
      %add3A_454 = arith.addf %add3A_453, %mul3A_451 : vector<16xf32>
      %add3A_455 = arith.addf %add3A_441, %add3A_454 : vector<16xf32>
      %mul3A_456 = arith.constant 2.000000e+01 : f32
      %mul3A_457 = vector.broadcast %mul3A_456 : f32 to vector<16xf32>
      %mul3A_458 = arith.mulf %mul3A_457, %add3A_455 : vector<16xf32>
      %sub3A_459 = arith.constant 1.000000e+01 : f32
      %sub3A_460 = vector.broadcast %sub3A_459 : f32 to vector<16xf32>
      %sub3A_461 = arith.subf %mul3A_458, %sub3A_460 : vector<16xf32>
      %mul3A_462 = arith.mulf %exp3A_379, %div3A_401 : vector<16xf32>
      %mul3A_463 = arith.constant 9.900000e-01 : f32
      %mul3A_464 = vector.broadcast %mul3A_463 : f32 to vector<16xf32>
      %mul3A_465 = arith.mulf %mul3A_464, %mul3A_462 : vector<16xf32>
      %add3A_466 = arith.constant 1.000000e-03 : f32
      %add3A_467 = vector.broadcast %add3A_466 : f32 to vector<16xf32>
      %add3A_468 = arith.addf %add3A_467, %mul3A_465 : vector<16xf32>
      %add3A_469 = arith.addf %add3A_455, %add3A_468 : vector<16xf32>
      %mul3A_470 = arith.constant 2.000000e+01 : f32
      %mul3A_471 = vector.broadcast %mul3A_470 : f32 to vector<16xf32>
      %mul3A_472 = arith.mulf %mul3A_471, %add3A_469 : vector<16xf32>
      %sub3A_473 = arith.constant 1.000000e+01 : f32
      %sub3A_474 = vector.broadcast %sub3A_473 : f32 to vector<16xf32>
      %sub3A_475 = arith.subf %mul3A_472, %sub3A_474 : vector<16xf32>
      %mul3A_476 = arith.mulf %exp3A_381, %div3A_401 : vector<16xf32>
      %mul3A_477 = arith.constant 9.900000e-01 : f32
      %mul3A_478 = vector.broadcast %mul3A_477 : f32 to vector<16xf32>
      %mul3A_479 = arith.mulf %mul3A_478, %mul3A_476 : vector<16xf32>
      %add3A_480 = arith.constant 1.000000e-03 : f32
      %add3A_481 = vector.broadcast %add3A_480 : f32 to vector<16xf32>
      %add3A_482 = arith.addf %add3A_481, %mul3A_479 : vector<16xf32>
      %add3A_483 = arith.addf %add3A_469, %add3A_482 : vector<16xf32>
      %mul3A_484 = arith.constant 2.000000e+01 : f32
      %mul3A_485 = vector.broadcast %mul3A_484 : f32 to vector<16xf32>
      %mul3A_486 = arith.mulf %mul3A_485, %add3A_483 : vector<16xf32>
      %sub3A_487 = arith.constant 1.000000e+01 : f32
      %sub3A_488 = vector.broadcast %sub3A_487 : f32 to vector<16xf32>
      %sub3A_489 = arith.subf %mul3A_486, %sub3A_488 : vector<16xf32>
      %mul3A_490 = arith.mulf %exp3A_383, %div3A_401 : vector<16xf32>
      %mul3A_491 = arith.constant 9.900000e-01 : f32
      %mul3A_492 = vector.broadcast %mul3A_491 : f32 to vector<16xf32>
      %mul3A_493 = arith.mulf %mul3A_492, %mul3A_490 : vector<16xf32>
      %add3A_494 = arith.constant 1.000000e-03 : f32
      %add3A_495 = vector.broadcast %add3A_494 : f32 to vector<16xf32>
      %add3A_496 = arith.addf %add3A_495, %mul3A_493 : vector<16xf32>
      %add3A_497 = arith.addf %add3A_483, %add3A_496 : vector<16xf32>
      %mul3A_498 = arith.constant 2.000000e+01 : f32
      %mul3A_499 = vector.broadcast %mul3A_498 : f32 to vector<16xf32>
      %mul3A_500 = arith.mulf %mul3A_499, %add3A_497 : vector<16xf32>
      %sub3A_501 = arith.constant 1.000000e+01 : f32
      %sub3A_502 = vector.broadcast %sub3A_501 : f32 to vector<16xf32>
      %sub3A_503 = arith.subf %mul3A_500, %sub3A_502 : vector<16xf32>
      %mul3A_504 = arith.mulf %exp3A_385, %div3A_401 : vector<16xf32>
      %mul3A_505 = arith.constant 9.900000e-01 : f32
      %mul3A_506 = vector.broadcast %mul3A_505 : f32 to vector<16xf32>
      %mul3A_507 = arith.mulf %mul3A_506, %mul3A_504 : vector<16xf32>
      %add3A_508 = arith.constant 1.000000e-03 : f32
      %add3A_509 = vector.broadcast %add3A_508 : f32 to vector<16xf32>
      %add3A_510 = arith.addf %add3A_509, %mul3A_507 : vector<16xf32>
      %add3A_511 = arith.addf %add3A_497, %add3A_510 : vector<16xf32>
      %mul3A_512 = arith.constant 2.000000e+01 : f32
      %mul3A_513 = vector.broadcast %mul3A_512 : f32 to vector<16xf32>
      %mul3A_514 = arith.mulf %mul3A_513, %add3A_511 : vector<16xf32>
      %sub3A_515 = arith.constant 1.000000e+01 : f32
      %sub3A_516 = vector.broadcast %sub3A_515 : f32 to vector<16xf32>
      %sub3A_517 = arith.subf %mul3A_514, %sub3A_516 : vector<16xf32>
      %mul3A_518 = arith.mulf %exp3A_387, %div3A_401 : vector<16xf32>
      %mul3A_519 = arith.constant 9.900000e-01 : f32
      %mul3A_520 = vector.broadcast %mul3A_519 : f32 to vector<16xf32>
      %mul3A_521 = arith.mulf %mul3A_520, %mul3A_518 : vector<16xf32>
      %add3A_522 = arith.constant 1.000000e-03 : f32
      %add3A_523 = vector.broadcast %add3A_522 : f32 to vector<16xf32>
      %add3A_524 = arith.addf %add3A_523, %mul3A_521 : vector<16xf32>
      %add3A_525 = arith.addf %add3A_511, %add3A_524 : vector<16xf32>
      %mul3A_526 = arith.constant 2.000000e+01 : f32
      %mul3A_527 = vector.broadcast %mul3A_526 : f32 to vector<16xf32>
      %mul3A_528 = arith.mulf %mul3A_527, %add3A_525 : vector<16xf32>
      %sub3A_529 = arith.constant 1.000000e+01 : f32
      %sub3A_530 = vector.broadcast %sub3A_529 : f32 to vector<16xf32>
      %sub3A_531 = arith.subf %mul3A_528, %sub3A_530 : vector<16xf32>
      %mul3A_532 = arith.mulf %exp3A_389, %div3A_401 : vector<16xf32>
      %mul3A_533 = arith.constant 9.900000e-01 : f32
      %mul3A_534 = vector.broadcast %mul3A_533 : f32 to vector<16xf32>
      %mul3A_535 = arith.mulf %mul3A_534, %mul3A_532 : vector<16xf32>
      %add3A_536 = arith.constant 1.000000e-03 : f32
      %add3A_537 = vector.broadcast %add3A_536 : f32 to vector<16xf32>
      %add3A_538 = arith.addf %add3A_537, %mul3A_535 : vector<16xf32>
      %add3A_539 = arith.addf %add3A_525, %add3A_538 : vector<16xf32>
      %broadcast_in_dim3A_540 = arith.constant 1.000000e+01 : f32
      %broadcast_in_dim3A_541 = vector.broadcast %broadcast_in_dim3A_540 : f32 to vector<16xf32>
      %add3A_542 = arith.constant 0 : i32
      %add3A_543 = arith.addi %add3A_542, %mul3A_42 : i32
      %swap3A = arith.index_cast %add3A_543 : i32 to index
      %swap3A_544 = tpu.vector_load %arg21[%swap3A] {strides = array<i32>} : memref<8192xf32, #tpu.memory_space<vmem>>, vector<16xf32>,
      tpu.vector_store %arg21[%swap3A], %sub3A_168 {strides = array<i32>} : memref<8192xf32, #tpu.memory_space<vmem>>, vector<16xf32>,
      %add3A_545 = arith.constant 512 : i32
      %add3A_546 = arith.addi %add3A_545, %mul3A_42 : i32
      %swap3A_547 = arith.index_cast %add3A_546 : i32 to index
      %swap3A_548 = tpu.vector_load %arg21[%swap3A_547] {strides = array<i32>} : memref<8192xf32, #tpu.memory_space<vmem>>, vector<16xf32>,
      tpu.vector_store %arg21[%swap3A_547], %sub3A_182 {strides = array<i32>} : memref<8192xf32, #tpu.memory_space<vmem>>, vector<16xf32>,
      %add3A_549 = arith.constant 1024 : i32
      %add3A_550 = arith.addi %add3A_549, %mul3A_42 : i32
      %swap3A_551 = arith.index_cast %add3A_550 : i32 to index
      %swap3A_552 = tpu.vector_load %arg21[%swap3A_551] {strides = array<i32>} : memref<8192xf32, #tpu.memory_space<vmem>>, vector<16xf32>,
      tpu.vector_store %arg21[%swap3A_551], %sub3A_196 {strides = array<i32>} : memref<8192xf32, #tpu.memory_space<vmem>>, vector<16xf32>,
      %add3A_553 = arith.constant 1536 : i32
      %add3A_554 = arith.addi %add3A_553, %mul3A_42 : i32
      %swap3A_555 = arith.index_cast %add3A_554 : i32 to index
      %swap3A_556 = tpu.vector_load %arg21[%swap3A_555] {strides = array<i32>} : memref<8192xf32, #tpu.memory_space<vmem>>, vector<16xf32>,
      tpu.vector_store %arg21[%swap3A_555], %sub3A_210 {strides = array<i32>} : memref<8192xf32, #tpu.memory_space<vmem>>, vector<16xf32>,
      %add3A_557 = arith.constant 2048 : i32
      %add3A_558 = arith.addi %add3A_557, %mul3A_42 : i32
      %swap3A_559 = arith.index_cast %add3A_558 : i32 to index
      %swap3A_560 = tpu.vector_load %arg21[%swap3A_559] {strides = array<i32>} : memref<8192xf32, #tpu.memory_space<vmem>>, vector<16xf32>,
      tpu.vector_store %arg21[%swap3A_559], %sub3A_224 {strides = array<i32>} : memref<8192xf32, #tpu.memory_space<vmem>>, vector<16xf32>,
      %add3A_561 = arith.constant 2560 : i32
      %add3A_562 = arith.addi %add3A_561, %mul3A_42 : i32
      %swap3A_563 = arith.index_cast %add3A_562 : i32 to index
      %swap3A_564 = tpu.vector_load %arg21[%swap3A_563] {strides = array<i32>} : memref<8192xf32, #tpu.memory_space<vmem>>, vector<16xf32>,
      tpu.vector_store %arg21[%swap3A_563], %sub3A_238 {strides = array<i32>} : memref<8192xf32, #tpu.memory_space<vmem>>, vector<16xf32>,
      %add3A_565 = arith.constant 3072 : i32
      %add3A_566 = arith.addi %add3A_565, %mul3A_42 : i32
      %swap3A_567 = arith.index_cast %add3A_566 : i32 to index
      %swap3A_568 = tpu.vector_load %arg21[%swap3A_567] {strides = array<i32>} : memref<8192xf32, #tpu.memory_space<vmem>>, vector<16xf32>,
      tpu.vector_store %arg21[%swap3A_567], %sub3A_252 {strides = array<i32>} : memref<8192xf32, #tpu.memory_space<vmem>>, vector<16xf32>,
      %add3A_569 = arith.constant 3584 : i32
      %add3A_570 = arith.addi %add3A_569, %mul3A_42 : i32
      %swap3A_571 = arith.index_cast %add3A_570 : i32 to index
      %swap3A_572 = tpu.vector_load %arg21[%swap3A_571] {strides = array<i32>} : memref<8192xf32, #tpu.memory_space<vmem>>, vector<16xf32>,
      tpu.vector_store %arg21[%swap3A_571], %sub3A_266 {strides = array<i32>} : memref<8192xf32, #tpu.memory_space<vmem>>, vector<16xf32>,
      %add3A_573 = arith.constant 4096 : i32
      %add3A_574 = arith.addi %add3A_573, %mul3A_42 : i32
      %swap3A_575 = arith.index_cast %add3A_574 : i32 to index
      %swap3A_576 = tpu.vector_load %arg21[%swap3A_575] {strides = array<i32>} : memref<8192xf32, #tpu.memory_space<vmem>>, vector<16xf32>,
      tpu.vector_store %arg21[%swap3A_575], %sub3A_280 {strides = array<i32>} : memref<8192xf32, #tpu.memory_space<vmem>>, vector<16xf32>,
      %add3A_577 = arith.constant 4608 : i32
      %add3A_578 = arith.addi %add3A_577, %mul3A_42 : i32
      %swap3A_579 = arith.index_cast %add3A_578 : i32 to index
      %swap3A_580 = tpu.vector_load %arg21[%swap3A_579] {strides = array<i32>} : memref<8192xf32, #tpu.memory_space<vmem>>, vector<16xf32>,
      tpu.vector_store %arg21[%swap3A_579], %broadcast_in_dim3A_3 {strides = array<i32>} : memref<8192xf32, #tpu.memory_space<vmem>>, vector<16xf32>,
      %add3A_581 = arith.constant 5120 : i32
      %add3A_582 = arith.addi %add3A_581, %mul3A_42 : i32
      %swap3A_583 = arith.index_cast %add3A_582 : i32 to index
      %swap3A_584 = tpu.vector_load %arg21[%swap3A_583] {strides = array<i32>} : memref<8192xf32, #tpu.memory_space<vmem>>, vector<16xf32>,
      tpu.vector_store %arg21[%swap3A_583], %broadcast_in_dim3A_3 {strides = array<i32>} : memref<8192xf32, #tpu.memory_space<vmem>>, vector<16xf32>,
      %add3A_585 = arith.constant 5632 : i32
      %add3A_586 = arith.addi %add3A_585, %mul3A_42 : i32
      %swap3A_587 = arith.index_cast %add3A_586 : i32 to index
      %swap3A_588 = tpu.vector_load %arg21[%swap3A_587] {strides = array<i32>} : memref<8192xf32, #tpu.memory_space<vmem>>, vector<16xf32>,
      tpu.vector_store %arg21[%swap3A_587], %broadcast_in_dim3A_3 {strides = array<i32>} : memref<8192xf32, #tpu.memory_space<vmem>>, vector<16xf32>,
      %add3A_589 = arith.constant 6144 : i32
      %add3A_590 = arith.addi %add3A_589, %mul3A_42 : i32
      %swap3A_591 = arith.index_cast %add3A_590 : i32 to index
      %swap3A_592 = tpu.vector_load %arg21[%swap3A_591] {strides = array<i32>} : memref<8192xf32, #tpu.memory_space<vmem>>, vector<16xf32>,
      tpu.vector_store %arg21[%swap3A_591], %broadcast_in_dim3A_3 {strides = array<i32>} : memref<8192xf32, #tpu.memory_space<vmem>>, vector<16xf32>,
      %add3A_593 = arith.constant 6656 : i32
      %add3A_594 = arith.addi %add3A_593, %mul3A_42 : i32
      %swap3A_595 = arith.index_cast %add3A_594 : i32 to index
      %swap3A_596 = tpu.vector_load %arg21[%swap3A_595] {strides = array<i32>} : memref<8192xf32, #tpu.memory_space<vmem>>, vector<16xf32>,
      tpu.vector_store %arg21[%swap3A_595], %broadcast_in_dim3A_3 {strides = array<i32>} : memref<8192xf32, #tpu.memory_space<vmem>>, vector<16xf32>,
      %add3A_597 = arith.constant 7168 : i32
      %add3A_598 = arith.addi %add3A_597, %mul3A_42 : i32
      %swap3A_599 = arith.index_cast %add3A_598 : i32 to index
      %swap3A_600 = tpu.vector_load %arg21[%swap3A_599] {strides = array<i32>} : memref<8192xf32, #tpu.memory_space<vmem>>, vector<16xf32>,
      tpu.vector_store %arg21[%swap3A_599], %broadcast_in_dim3A_3 {strides = array<i32>} : memref<8192xf32, #tpu.memory_space<vmem>>, vector<16xf32>,
      %add3A_601 = arith.constant 7680 : i32
      %add3A_602 = arith.addi %add3A_601, %mul3A_42 : i32
      %swap3A_603 = arith.index_cast %add3A_602 : i32 to index
      %swap3A_604 = tpu.vector_load %arg21[%swap3A_603] {strides = array<i32>} : memref<8192xf32, #tpu.memory_space<vmem>>, vector<16xf32>,
      tpu.vector_store %arg21[%swap3A_603], %broadcast_in_dim3A_3 {strides = array<i32>} : memref<8192xf32, #tpu.memory_space<vmem>>, vector<16xf32>,
      %broadcast_in_dim3A_605 = arith.constant 1.000000e+00 : f32
      %broadcast_in_dim3A_606 = vector.broadcast %broadcast_in_dim3A_605 : f32 to vector<16xf32>
      %mul3A_607 = arith.constant 9 : i32
      %mul3A_608 = vector.broadcast %mul3A_607 : i32 to vector<16xi32>
      %mul3A_609 = arith.muli %add3A_44, %mul3A_608 : vector<16xi32>
      %add3A_610 = arith.constant 0 : i32
      %add3A_611 = vector.broadcast %add3A_610 : i32 to vector<16xi32>
      %add3A_612 = arith.addi %mul3A_609, %add3A_611 : vector<16xi32>
      %gather3A_613 = tpu.vector_load_idx %arg10[%add3A_612] : memref<4608xf32, #tpu.memory_space<vmem>>[vector<16xi32>], vector<16xf32>,
      %max3A_614 = arith.constant 0.000000e+00 : f32
      %max3A_615 = vector.broadcast %max3A_614 : f32 to vector<16xf32>
      %max3A_616 = arith.maximumf %gather3A_613, %max3A_615 : vector<16xf32>
      %abs3A = math.absf %gather3A_613 : vector<16xf32>
      %neg3A = arith.constant 0.000000e+00 : f32
      %neg3A_617 = vector.broadcast %neg3A : f32 to vector<16xf32>
      %neg3A_618 = arith.subf %neg3A_617, %abs3A : vector<16xf32>
      %exp3A_619 = math.exp %neg3A_618 : vector<16xf32>
      %add3A_620 = arith.constant 1.000000e+00 : f32
      %add3A_621 = vector.broadcast %add3A_620 : f32 to vector<16xf32>
      %add3A_622 = arith.addf %add3A_621, %exp3A_619 : vector<16xf32>
      %bitcast3A = vector.bitcast %add3A_622 : vector<16xf32> to vector<16xi32>
      %shift_right_arithmetic3A = arith.constant 23 : i32
      %shift_right_arithmetic3A_623 = vector.broadcast %shift_right_arithmetic3A : i32 to vector<16xi32>
      %shift_right_arithmetic3A_624 = arith.shrsi %bitcast3A, %shift_right_arithmetic3A_623 : vector<16xi32>
      %sub3A_625 = arith.constant 127 : i32
      %sub3A_626 = vector.broadcast %sub3A_625 : i32 to vector<16xi32>
      %sub3A_627 = arith.subi %shift_right_arithmetic3A_624, %sub3A_626 : vector<16xi32>
      %and3A = arith.constant 8388607 : i32
      %and3A_628 = vector.broadcast %and3A : i32 to vector<16xi32>
      %and3A_629 = arith.andi %bitcast3A, %and3A_628 : vector<16xi32>
      %or3A = arith.constant 1065353216 : i32
      %or3A_630 = vector.broadcast %or3A : i32 to vector<16xi32>
      %or3A_631 = arith.ori %and3A_629, %or3A_630 : vector<16xi32>
      %bitcast3A_632 = vector.bitcast %or3A_631 : vector<16xi32> to vector<16xf32>
      %ge3A = arith.constant 1.41421354 : f32
      %ge3A_633 = vector.broadcast %ge3A : f32 to vector<16xf32>
      %ge3A_634 = arith.cmpf oge, %bitcast3A_632, %ge3A_633 : vector<16xf32>
      %mul3A_635 = arith.constant 5.000000e-01 : f32
      %mul3A_636 = vector.broadcast %mul3A_635 : f32 to vector<16xf32>
      %mul3A_637 = arith.mulf %bitcast3A_632, %mul3A_636 : vector<16xf32>
      %select_n3A = arith.select %ge3A_634, %mul3A_637, %bitcast3A_632 : vector<16xi1>, vector<16xf32>
      %add3A_638 = arith.constant 1 : i32
      %add3A_639 = vector.broadcast %add3A_638 : i32 to vector<16xi32>
      %add3A_640 = arith.addi %sub3A_627, %add3A_639 : vector<16xi32>
      %select_n3A_641 = arith.select %ge3A_634, %add3A_640, %sub3A_627 : vector<16xi1>, vector<16xi32>
      %sub3A_642 = arith.constant 1.000000e+00 : f32
      %sub3A_643 = vector.broadcast %sub3A_642 : f32 to vector<16xf32>
      %sub3A_644 = arith.subf %select_n3A, %sub3A_643 : vector<16xf32>
      %add3A_645 = arith.constant 1.000000e+00 : f32
      %add3A_646 = vector.broadcast %add3A_645 : f32 to vector<16xf32>
      %add3A_647 = arith.addf %select_n3A, %add3A_646 : vector<16xf32>
      %div3A_648 = arith.divf %sub3A_644, %add3A_647 : vector<16xf32>
      %mul3A_649 = arith.mulf %div3A_648, %div3A_648 : vector<16xf32>
      %mul3A_650 = arith.constant 0.142857149 : f32
      %mul3A_651 = vector.broadcast %mul3A_650 : f32 to vector<16xf32>
      %mul3A_652 = arith.mulf %mul3A_649, %mul3A_651 : vector<16xf32>
      %add3A_653 = arith.constant 2.000000e-01 : f32
      %add3A_654 = vector.broadcast %add3A_653 : f32 to vector<16xf32>
      %add3A_655 = arith.addf %add3A_654, %mul3A_652 : vector<16xf32>
      %mul3A_656 = arith.mulf %mul3A_649, %add3A_655 : vector<16xf32>
      %add3A_657 = arith.constant 0.333333343 : f32
      %add3A_658 = vector.broadcast %add3A_657 : f32 to vector<16xf32>
      %add3A_659 = arith.addf %add3A_658, %mul3A_656 : vector<16xf32>
      %mul3A_660 = arith.mulf %mul3A_649, %add3A_659 : vector<16xf32>
      %add3A_661 = arith.constant 1.000000e+00 : f32
      %add3A_662 = vector.broadcast %add3A_661 : f32 to vector<16xf32>
      %add3A_663 = arith.addf %add3A_662, %mul3A_660 : vector<16xf32>
      %convert_element_type3A = arith.sitofp %select_n3A_641 : vector<16xi32> to vector<16xf32>
      %mul3A_664 = arith.constant 0.693147182 : f32
      %mul3A_665 = vector.broadcast %mul3A_664 : f32 to vector<16xf32>
      %mul3A_666 = arith.mulf %convert_element_type3A, %mul3A_665 : vector<16xf32>
      %mul3A_667 = arith.constant 2.000000e+00 : f32
      %mul3A_668 = vector.broadcast %mul3A_667 : f32 to vector<16xf32>
      %mul3A_669 = arith.mulf %mul3A_668, %div3A_648 : vector<16xf32>
      %mul3A_670 = arith.mulf %mul3A_669, %add3A_663 : vector<16xf32>
      %add3A_671 = arith.addf %mul3A_666, %mul3A_670 : vector<16xf32>
      %add3A_672 = arith.addf %max3A_616, %add3A_671 : vector<16xf32>
      %add3A_673 = arith.constant 1.000000e-03 : f32
      %add3A_674 = vector.broadcast %add3A_673 : f32 to vector<16xf32>
      %add3A_675 = arith.addf %add3A_674, %add3A_672 : vector<16xf32>
      %mul3A_676 = arith.constant 9 : i32
      %mul3A_677 = vector.broadcast %mul3A_676 : i32 to vector<16xi32>
      %mul3A_678 = arith.muli %add3A_44, %mul3A_677 : vector<16xi32>
      %add3A_679 = arith.constant 1 : i32
      %add3A_680 = vector.broadcast %add3A_679 : i32 to vector<16xi32>
      %add3A_681 = arith.addi %mul3A_678, %add3A_680 : vector<16xi32>
      %gather3A_682 = tpu.vector_load_idx %arg10[%add3A_681] : memref<4608xf32, #tpu.memory_space<vmem>>[vector<16xi32>], vector<16xf32>,
      %max3A_683 = arith.constant 0.000000e+00 : f32
      %max3A_684 = vector.broadcast %max3A_683 : f32 to vector<16xf32>
      %max3A_685 = arith.maximumf %gather3A_682, %max3A_684 : vector<16xf32>
      %abs3A_686 = math.absf %gather3A_682 : vector<16xf32>
      %neg3A_687 = arith.constant 0.000000e+00 : f32
      %neg3A_688 = vector.broadcast %neg3A_687 : f32 to vector<16xf32>
      %neg3A_689 = arith.subf %neg3A_688, %abs3A_686 : vector<16xf32>
      %exp3A_690 = math.exp %neg3A_689 : vector<16xf32>
      %add3A_691 = arith.constant 1.000000e+00 : f32
      %add3A_692 = vector.broadcast %add3A_691 : f32 to vector<16xf32>
      %add3A_693 = arith.addf %add3A_692, %exp3A_690 : vector<16xf32>
      %bitcast3A_694 = vector.bitcast %add3A_693 : vector<16xf32> to vector<16xi32>
      %shift_right_arithmetic3A_695 = arith.constant 23 : i32
      %shift_right_arithmetic3A_696 = vector.broadcast %shift_right_arithmetic3A_695 : i32 to vector<16xi32>
      %shift_right_arithmetic3A_697 = arith.shrsi %bitcast3A_694, %shift_right_arithmetic3A_696 : vector<16xi32>
      %sub3A_698 = arith.constant 127 : i32
      %sub3A_699 = vector.broadcast %sub3A_698 : i32 to vector<16xi32>
      %sub3A_700 = arith.subi %shift_right_arithmetic3A_697, %sub3A_699 : vector<16xi32>
      %and3A_701 = arith.constant 8388607 : i32
      %and3A_702 = vector.broadcast %and3A_701 : i32 to vector<16xi32>
      %and3A_703 = arith.andi %bitcast3A_694, %and3A_702 : vector<16xi32>
      %or3A_704 = arith.constant 1065353216 : i32
      %or3A_705 = vector.broadcast %or3A_704 : i32 to vector<16xi32>
      %or3A_706 = arith.ori %and3A_703, %or3A_705 : vector<16xi32>
      %bitcast3A_707 = vector.bitcast %or3A_706 : vector<16xi32> to vector<16xf32>
      %ge3A_708 = arith.constant 1.41421354 : f32
      %ge3A_709 = vector.broadcast %ge3A_708 : f32 to vector<16xf32>
      %ge3A_710 = arith.cmpf oge, %bitcast3A_707, %ge3A_709 : vector<16xf32>
      %mul3A_711 = arith.constant 5.000000e-01 : f32
      %mul3A_712 = vector.broadcast %mul3A_711 : f32 to vector<16xf32>
      %mul3A_713 = arith.mulf %bitcast3A_707, %mul3A_712 : vector<16xf32>
      %select_n3A_714 = arith.select %ge3A_710, %mul3A_713, %bitcast3A_707 : vector<16xi1>, vector<16xf32>
      %add3A_715 = arith.constant 1 : i32
      %add3A_716 = vector.broadcast %add3A_715 : i32 to vector<16xi32>
      %add3A_717 = arith.addi %sub3A_700, %add3A_716 : vector<16xi32>
      %select_n3A_718 = arith.select %ge3A_710, %add3A_717, %sub3A_700 : vector<16xi1>, vector<16xi32>
      %sub3A_719 = arith.constant 1.000000e+00 : f32
      %sub3A_720 = vector.broadcast %sub3A_719 : f32 to vector<16xf32>
      %sub3A_721 = arith.subf %select_n3A_714, %sub3A_720 : vector<16xf32>
      %add3A_722 = arith.constant 1.000000e+00 : f32
      %add3A_723 = vector.broadcast %add3A_722 : f32 to vector<16xf32>
      %add3A_724 = arith.addf %select_n3A_714, %add3A_723 : vector<16xf32>
      %div3A_725 = arith.divf %sub3A_721, %add3A_724 : vector<16xf32>
      %mul3A_726 = arith.mulf %div3A_725, %div3A_725 : vector<16xf32>
      %mul3A_727 = arith.constant 0.142857149 : f32
      %mul3A_728 = vector.broadcast %mul3A_727 : f32 to vector<16xf32>
      %mul3A_729 = arith.mulf %mul3A_726, %mul3A_728 : vector<16xf32>
      %add3A_730 = arith.constant 2.000000e-01 : f32
      %add3A_731 = vector.broadcast %add3A_730 : f32 to vector<16xf32>
      %add3A_732 = arith.addf %add3A_731, %mul3A_729 : vector<16xf32>
      %mul3A_733 = arith.mulf %mul3A_726, %add3A_732 : vector<16xf32>
      %add3A_734 = arith.constant 0.333333343 : f32
      %add3A_735 = vector.broadcast %add3A_734 : f32 to vector<16xf32>
      %add3A_736 = arith.addf %add3A_735, %mul3A_733 : vector<16xf32>
      %mul3A_737 = arith.mulf %mul3A_726, %add3A_736 : vector<16xf32>
      %add3A_738 = arith.constant 1.000000e+00 : f32
      %add3A_739 = vector.broadcast %add3A_738 : f32 to vector<16xf32>
      %add3A_740 = arith.addf %add3A_739, %mul3A_737 : vector<16xf32>
      %convert_element_type3A_741 = arith.sitofp %select_n3A_718 : vector<16xi32> to vector<16xf32>
      %mul3A_742 = arith.constant 0.693147182 : f32
      %mul3A_743 = vector.broadcast %mul3A_742 : f32 to vector<16xf32>
      %mul3A_744 = arith.mulf %convert_element_type3A_741, %mul3A_743 : vector<16xf32>
      %mul3A_745 = arith.constant 2.000000e+00 : f32
      %mul3A_746 = vector.broadcast %mul3A_745 : f32 to vector<16xf32>
      %mul3A_747 = arith.mulf %mul3A_746, %div3A_725 : vector<16xf32>
      %mul3A_748 = arith.mulf %mul3A_747, %add3A_740 : vector<16xf32>
      %add3A_749 = arith.addf %mul3A_744, %mul3A_748 : vector<16xf32>
      %add3A_750 = arith.addf %max3A_685, %add3A_749 : vector<16xf32>
      %add3A_751 = arith.constant 1.000000e-03 : f32
      %add3A_752 = vector.broadcast %add3A_751 : f32 to vector<16xf32>
      %add3A_753 = arith.addf %add3A_752, %add3A_750 : vector<16xf32>
      %mul3A_754 = arith.constant 9 : i32
      %mul3A_755 = vector.broadcast %mul3A_754 : i32 to vector<16xi32>
      %mul3A_756 = arith.muli %add3A_44, %mul3A_755 : vector<16xi32>
      %add3A_757 = arith.constant 2 : i32
      %add3A_758 = vector.broadcast %add3A_757 : i32 to vector<16xi32>
      %add3A_759 = arith.addi %mul3A_756, %add3A_758 : vector<16xi32>
      %gather3A_760 = tpu.vector_load_idx %arg10[%add3A_759] : memref<4608xf32, #tpu.memory_space<vmem>>[vector<16xi32>], vector<16xf32>,
      %max3A_761 = arith.constant 0.000000e+00 : f32
      %max3A_762 = vector.broadcast %max3A_761 : f32 to vector<16xf32>
      %max3A_763 = arith.maximumf %gather3A_760, %max3A_762 : vector<16xf32>
      %abs3A_764 = math.absf %gather3A_760 : vector<16xf32>
      %neg3A_765 = arith.constant 0.000000e+00 : f32
      %neg3A_766 = vector.broadcast %neg3A_765 : f32 to vector<16xf32>
      %neg3A_767 = arith.subf %neg3A_766, %abs3A_764 : vector<16xf32>
      %exp3A_768 = math.exp %neg3A_767 : vector<16xf32>
      %add3A_769 = arith.constant 1.000000e+00 : f32
      %add3A_770 = vector.broadcast %add3A_769 : f32 to vector<16xf32>
      %add3A_771 = arith.addf %add3A_770, %exp3A_768 : vector<16xf32>
      %bitcast3A_772 = vector.bitcast %add3A_771 : vector<16xf32> to vector<16xi32>
      %shift_right_arithmetic3A_773 = arith.constant 23 : i32
      %shift_right_arithmetic3A_774 = vector.broadcast %shift_right_arithmetic3A_773 : i32 to vector<16xi32>
      %shift_right_arithmetic3A_775 = arith.shrsi %bitcast3A_772, %shift_right_arithmetic3A_774 : vector<16xi32>
      %sub3A_776 = arith.constant 127 : i32
      %sub3A_777 = vector.broadcast %sub3A_776 : i32 to vector<16xi32>
      %sub3A_778 = arith.subi %shift_right_arithmetic3A_775, %sub3A_777 : vector<16xi32>
      %and3A_779 = arith.constant 8388607 : i32
      %and3A_780 = vector.broadcast %and3A_779 : i32 to vector<16xi32>
      %and3A_781 = arith.andi %bitcast3A_772, %and3A_780 : vector<16xi32>
      %or3A_782 = arith.constant 1065353216 : i32
      %or3A_783 = vector.broadcast %or3A_782 : i32 to vector<16xi32>
      %or3A_784 = arith.ori %and3A_781, %or3A_783 : vector<16xi32>
      %bitcast3A_785 = vector.bitcast %or3A_784 : vector<16xi32> to vector<16xf32>
      %ge3A_786 = arith.constant 1.41421354 : f32
      %ge3A_787 = vector.broadcast %ge3A_786 : f32 to vector<16xf32>
      %ge3A_788 = arith.cmpf oge, %bitcast3A_785, %ge3A_787 : vector<16xf32>
      %mul3A_789 = arith.constant 5.000000e-01 : f32
      %mul3A_790 = vector.broadcast %mul3A_789 : f32 to vector<16xf32>
      %mul3A_791 = arith.mulf %bitcast3A_785, %mul3A_790 : vector<16xf32>
      %select_n3A_792 = arith.select %ge3A_788, %mul3A_791, %bitcast3A_785 : vector<16xi1>, vector<16xf32>
      %add3A_793 = arith.constant 1 : i32
      %add3A_794 = vector.broadcast %add3A_793 : i32 to vector<16xi32>
      %add3A_795 = arith.addi %sub3A_778, %add3A_794 : vector<16xi32>
      %select_n3A_796 = arith.select %ge3A_788, %add3A_795, %sub3A_778 : vector<16xi1>, vector<16xi32>
      %sub3A_797 = arith.constant 1.000000e+00 : f32
      %sub3A_798 = vector.broadcast %sub3A_797 : f32 to vector<16xf32>
      %sub3A_799 = arith.subf %select_n3A_792, %sub3A_798 : vector<16xf32>
      %add3A_800 = arith.constant 1.000000e+00 : f32
      %add3A_801 = vector.broadcast %add3A_800 : f32 to vector<16xf32>
      %add3A_802 = arith.addf %select_n3A_792, %add3A_801 : vector<16xf32>
      %div3A_803 = arith.divf %sub3A_799, %add3A_802 : vector<16xf32>
      %mul3A_804 = arith.mulf %div3A_803, %div3A_803 : vector<16xf32>
      %mul3A_805 = arith.constant 0.142857149 : f32
      %mul3A_806 = vector.broadcast %mul3A_805 : f32 to vector<16xf32>
      %mul3A_807 = arith.mulf %mul3A_804, %mul3A_806 : vector<16xf32>
      %add3A_808 = arith.constant 2.000000e-01 : f32
      %add3A_809 = vector.broadcast %add3A_808 : f32 to vector<16xf32>
      %add3A_810 = arith.addf %add3A_809, %mul3A_807 : vector<16xf32>
      %mul3A_811 = arith.mulf %mul3A_804, %add3A_810 : vector<16xf32>
      %add3A_812 = arith.constant 0.333333343 : f32
      %add3A_813 = vector.broadcast %add3A_812 : f32 to vector<16xf32>
      %add3A_814 = arith.addf %add3A_813, %mul3A_811 : vector<16xf32>
      %mul3A_815 = arith.mulf %mul3A_804, %add3A_814 : vector<16xf32>
      %add3A_816 = arith.constant 1.000000e+00 : f32
      %add3A_817 = vector.broadcast %add3A_816 : f32 to vector<16xf32>
      %add3A_818 = arith.addf %add3A_817, %mul3A_815 : vector<16xf32>
      %convert_element_type3A_819 = arith.sitofp %select_n3A_796 : vector<16xi32> to vector<16xf32>
      %mul3A_820 = arith.constant 0.693147182 : f32
      %mul3A_821 = vector.broadcast %mul3A_820 : f32 to vector<16xf32>
      %mul3A_822 = arith.mulf %convert_element_type3A_819, %mul3A_821 : vector<16xf32>
      %mul3A_823 = arith.constant 2.000000e+00 : f32
      %mul3A_824 = vector.broadcast %mul3A_823 : f32 to vector<16xf32>
      %mul3A_825 = arith.mulf %mul3A_824, %div3A_803 : vector<16xf32>
      %mul3A_826 = arith.mulf %mul3A_825, %add3A_818 : vector<16xf32>
      %add3A_827 = arith.addf %mul3A_822, %mul3A_826 : vector<16xf32>
      %add3A_828 = arith.addf %max3A_763, %add3A_827 : vector<16xf32>
      %add3A_829 = arith.constant 1.000000e-03 : f32
      %add3A_830 = vector.broadcast %add3A_829 : f32 to vector<16xf32>
      %add3A_831 = arith.addf %add3A_830, %add3A_828 : vector<16xf32>
      %mul3A_832 = arith.constant 9 : i32
      %mul3A_833 = vector.broadcast %mul3A_832 : i32 to vector<16xi32>
      %mul3A_834 = arith.muli %add3A_44, %mul3A_833 : vector<16xi32>
      %add3A_835 = arith.constant 3 : i32
      %add3A_836 = vector.broadcast %add3A_835 : i32 to vector<16xi32>
      %add3A_837 = arith.addi %mul3A_834, %add3A_836 : vector<16xi32>
      %gather3A_838 = tpu.vector_load_idx %arg10[%add3A_837] : memref<4608xf32, #tpu.memory_space<vmem>>[vector<16xi32>], vector<16xf32>,
      %max3A_839 = arith.constant 0.000000e+00 : f32
      %max3A_840 = vector.broadcast %max3A_839 : f32 to vector<16xf32>
      %max3A_841 = arith.maximumf %gather3A_838, %max3A_840 : vector<16xf32>
      %abs3A_842 = math.absf %gather3A_838 : vector<16xf32>
      %neg3A_843 = arith.constant 0.000000e+00 : f32
      %neg3A_844 = vector.broadcast %neg3A_843 : f32 to vector<16xf32>
      %neg3A_845 = arith.subf %neg3A_844, %abs3A_842 : vector<16xf32>
      %exp3A_846 = math.exp %neg3A_845 : vector<16xf32>
      %add3A_847 = arith.constant 1.000000e+00 : f32
      %add3A_848 = vector.broadcast %add3A_847 : f32 to vector<16xf32>
      %add3A_849 = arith.addf %add3A_848, %exp3A_846 : vector<16xf32>
      %bitcast3A_850 = vector.bitcast %add3A_849 : vector<16xf32> to vector<16xi32>
      %shift_right_arithmetic3A_851 = arith.constant 23 : i32
      %shift_right_arithmetic3A_852 = vector.broadcast %shift_right_arithmetic3A_851 : i32 to vector<16xi32>
      %shift_right_arithmetic3A_853 = arith.shrsi %bitcast3A_850, %shift_right_arithmetic3A_852 : vector<16xi32>
      %sub3A_854 = arith.constant 127 : i32
      %sub3A_855 = vector.broadcast %sub3A_854 : i32 to vector<16xi32>
      %sub3A_856 = arith.subi %shift_right_arithmetic3A_853, %sub3A_855 : vector<16xi32>
      %and3A_857 = arith.constant 8388607 : i32
      %and3A_858 = vector.broadcast %and3A_857 : i32 to vector<16xi32>
      %and3A_859 = arith.andi %bitcast3A_850, %and3A_858 : vector<16xi32>
      %or3A_860 = arith.constant 1065353216 : i32
      %or3A_861 = vector.broadcast %or3A_860 : i32 to vector<16xi32>
      %or3A_862 = arith.ori %and3A_859, %or3A_861 : vector<16xi32>
      %bitcast3A_863 = vector.bitcast %or3A_862 : vector<16xi32> to vector<16xf32>
      %ge3A_864 = arith.constant 1.41421354 : f32
      %ge3A_865 = vector.broadcast %ge3A_864 : f32 to vector<16xf32>
      %ge3A_866 = arith.cmpf oge, %bitcast3A_863, %ge3A_865 : vector<16xf32>
      %mul3A_867 = arith.constant 5.000000e-01 : f32
      %mul3A_868 = vector.broadcast %mul3A_867 : f32 to vector<16xf32>
      %mul3A_869 = arith.mulf %bitcast3A_863, %mul3A_868 : vector<16xf32>
      %select_n3A_870 = arith.select %ge3A_866, %mul3A_869, %bitcast3A_863 : vector<16xi1>, vector<16xf32>
      %add3A_871 = arith.constant 1 : i32
      %add3A_872 = vector.broadcast %add3A_871 : i32 to vector<16xi32>
      %add3A_873 = arith.addi %sub3A_856, %add3A_872 : vector<16xi32>
      %select_n3A_874 = arith.select %ge3A_866, %add3A_873, %sub3A_856 : vector<16xi1>, vector<16xi32>
      %sub3A_875 = arith.constant 1.000000e+00 : f32
      %sub3A_876 = vector.broadcast %sub3A_875 : f32 to vector<16xf32>
      %sub3A_877 = arith.subf %select_n3A_870, %sub3A_876 : vector<16xf32>
      %add3A_878 = arith.constant 1.000000e+00 : f32
      %add3A_879 = vector.broadcast %add3A_878 : f32 to vector<16xf32>
      %add3A_880 = arith.addf %select_n3A_870, %add3A_879 : vector<16xf32>
      %div3A_881 = arith.divf %sub3A_877, %add3A_880 : vector<16xf32>
      %mul3A_882 = arith.mulf %div3A_881, %div3A_881 : vector<16xf32>
      %mul3A_883 = arith.constant 0.142857149 : f32
      %mul3A_884 = vector.broadcast %mul3A_883 : f32 to vector<16xf32>
      %mul3A_885 = arith.mulf %mul3A_882, %mul3A_884 : vector<16xf32>
      %add3A_886 = arith.constant 2.000000e-01 : f32
      %add3A_887 = vector.broadcast %add3A_886 : f32 to vector<16xf32>
      %add3A_888 = arith.addf %add3A_887, %mul3A_885 : vector<16xf32>
      %mul3A_889 = arith.mulf %mul3A_882, %add3A_888 : vector<16xf32>
      %add3A_890 = arith.constant 0.333333343 : f32
      %add3A_891 = vector.broadcast %add3A_890 : f32 to vector<16xf32>
      %add3A_892 = arith.addf %add3A_891, %mul3A_889 : vector<16xf32>
      %mul3A_893 = arith.mulf %mul3A_882, %add3A_892 : vector<16xf32>
      %add3A_894 = arith.constant 1.000000e+00 : f32
      %add3A_895 = vector.broadcast %add3A_894 : f32 to vector<16xf32>
      %add3A_896 = arith.addf %add3A_895, %mul3A_893 : vector<16xf32>
      %convert_element_type3A_897 = arith.sitofp %select_n3A_874 : vector<16xi32> to vector<16xf32>
      %mul3A_898 = arith.constant 0.693147182 : f32
      %mul3A_899 = vector.broadcast %mul3A_898 : f32 to vector<16xf32>
      %mul3A_900 = arith.mulf %convert_element_type3A_897, %mul3A_899 : vector<16xf32>
      %mul3A_901 = arith.constant 2.000000e+00 : f32
      %mul3A_902 = vector.broadcast %mul3A_901 : f32 to vector<16xf32>
      %mul3A_903 = arith.mulf %mul3A_902, %div3A_881 : vector<16xf32>
      %mul3A_904 = arith.mulf %mul3A_903, %add3A_896 : vector<16xf32>
      %add3A_905 = arith.addf %mul3A_900, %mul3A_904 : vector<16xf32>
      %add3A_906 = arith.addf %max3A_841, %add3A_905 : vector<16xf32>
      %add3A_907 = arith.constant 1.000000e-03 : f32
      %add3A_908 = vector.broadcast %add3A_907 : f32 to vector<16xf32>
      %add3A_909 = arith.addf %add3A_908, %add3A_906 : vector<16xf32>
      %mul3A_910 = arith.constant 9 : i32
      %mul3A_911 = vector.broadcast %mul3A_910 : i32 to vector<16xi32>
      %mul3A_912 = arith.muli %add3A_44, %mul3A_911 : vector<16xi32>
      %add3A_913 = arith.constant 4 : i32
      %add3A_914 = vector.broadcast %add3A_913 : i32 to vector<16xi32>
      %add3A_915 = arith.addi %mul3A_912, %add3A_914 : vector<16xi32>
      %gather3A_916 = tpu.vector_load_idx %arg10[%add3A_915] : memref<4608xf32, #tpu.memory_space<vmem>>[vector<16xi32>], vector<16xf32>,
      %max3A_917 = arith.constant 0.000000e+00 : f32
      %max3A_918 = vector.broadcast %max3A_917 : f32 to vector<16xf32>
      %max3A_919 = arith.maximumf %gather3A_916, %max3A_918 : vector<16xf32>
      %abs3A_920 = math.absf %gather3A_916 : vector<16xf32>
      %neg3A_921 = arith.constant 0.000000e+00 : f32
      %neg3A_922 = vector.broadcast %neg3A_921 : f32 to vector<16xf32>
      %neg3A_923 = arith.subf %neg3A_922, %abs3A_920 : vector<16xf32>
      %exp3A_924 = math.exp %neg3A_923 : vector<16xf32>
      %add3A_925 = arith.constant 1.000000e+00 : f32
      %add3A_926 = vector.broadcast %add3A_925 : f32 to vector<16xf32>
      %add3A_927 = arith.addf %add3A_926, %exp3A_924 : vector<16xf32>
      %bitcast3A_928 = vector.bitcast %add3A_927 : vector<16xf32> to vector<16xi32>
      %shift_right_arithmetic3A_929 = arith.constant 23 : i32
      %shift_right_arithmetic3A_930 = vector.broadcast %shift_right_arithmetic3A_929 : i32 to vector<16xi32>
      %shift_right_arithmetic3A_931 = arith.shrsi %bitcast3A_928, %shift_right_arithmetic3A_930 : vector<16xi32>
      %sub3A_932 = arith.constant 127 : i32
      %sub3A_933 = vector.broadcast %sub3A_932 : i32 to vector<16xi32>
      %sub3A_934 = arith.subi %shift_right_arithmetic3A_931, %sub3A_933 : vector<16xi32>
      %and3A_935 = arith.constant 8388607 : i32
      %and3A_936 = vector.broadcast %and3A_935 : i32 to vector<16xi32>
      %and3A_937 = arith.andi %bitcast3A_928, %and3A_936 : vector<16xi32>
      %or3A_938 = arith.constant 1065353216 : i32
      %or3A_939 = vector.broadcast %or3A_938 : i32 to vector<16xi32>
      %or3A_940 = arith.ori %and3A_937, %or3A_939 : vector<16xi32>
      %bitcast3A_941 = vector.bitcast %or3A_940 : vector<16xi32> to vector<16xf32>
      %ge3A_942 = arith.constant 1.41421354 : f32
      %ge3A_943 = vector.broadcast %ge3A_942 : f32 to vector<16xf32>
      %ge3A_944 = arith.cmpf oge, %bitcast3A_941, %ge3A_943 : vector<16xf32>
      %mul3A_945 = arith.constant 5.000000e-01 : f32
      %mul3A_946 = vector.broadcast %mul3A_945 : f32 to vector<16xf32>
      %mul3A_947 = arith.mulf %bitcast3A_941, %mul3A_946 : vector<16xf32>
      %select_n3A_948 = arith.select %ge3A_944, %mul3A_947, %bitcast3A_941 : vector<16xi1>, vector<16xf32>
      %add3A_949 = arith.constant 1 : i32
      %add3A_950 = vector.broadcast %add3A_949 : i32 to vector<16xi32>
      %add3A_951 = arith.addi %sub3A_934, %add3A_950 : vector<16xi32>
      %select_n3A_952 = arith.select %ge3A_944, %add3A_951, %sub3A_934 : vector<16xi1>, vector<16xi32>
      %sub3A_953 = arith.constant 1.000000e+00 : f32
      %sub3A_954 = vector.broadcast %sub3A_953 : f32 to vector<16xf32>
      %sub3A_955 = arith.subf %select_n3A_948, %sub3A_954 : vector<16xf32>
      %add3A_956 = arith.constant 1.000000e+00 : f32
      %add3A_957 = vector.broadcast %add3A_956 : f32 to vector<16xf32>
      %add3A_958 = arith.addf %select_n3A_948, %add3A_957 : vector<16xf32>
      %div3A_959 = arith.divf %sub3A_955, %add3A_958 : vector<16xf32>
      %mul3A_960 = arith.mulf %div3A_959, %div3A_959 : vector<16xf32>
      %mul3A_961 = arith.constant 0.142857149 : f32
      %mul3A_962 = vector.broadcast %mul3A_961 : f32 to vector<16xf32>
      %mul3A_963 = arith.mulf %mul3A_960, %mul3A_962 : vector<16xf32>
      %add3A_964 = arith.constant 2.000000e-01 : f32
      %add3A_965 = vector.broadcast %add3A_964 : f32 to vector<16xf32>
      %add3A_966 = arith.addf %add3A_965, %mul3A_963 : vector<16xf32>
      %mul3A_967 = arith.mulf %mul3A_960, %add3A_966 : vector<16xf32>
      %add3A_968 = arith.constant 0.333333343 : f32
      %add3A_969 = vector.broadcast %add3A_968 : f32 to vector<16xf32>
      %add3A_970 = arith.addf %add3A_969, %mul3A_967 : vector<16xf32>
      %mul3A_971 = arith.mulf %mul3A_960, %add3A_970 : vector<16xf32>
      %add3A_972 = arith.constant 1.000000e+00 : f32
      %add3A_973 = vector.broadcast %add3A_972 : f32 to vector<16xf32>
      %add3A_974 = arith.addf %add3A_973, %mul3A_971 : vector<16xf32>
      %convert_element_type3A_975 = arith.sitofp %select_n3A_952 : vector<16xi32> to vector<16xf32>
      %mul3A_976 = arith.constant 0.693147182 : f32
      %mul3A_977 = vector.broadcast %mul3A_976 : f32 to vector<16xf32>
      %mul3A_978 = arith.mulf %convert_element_type3A_975, %mul3A_977 : vector<16xf32>
      %mul3A_979 = arith.constant 2.000000e+00 : f32
      %mul3A_980 = vector.broadcast %mul3A_979 : f32 to vector<16xf32>
      %mul3A_981 = arith.mulf %mul3A_980, %div3A_959 : vector<16xf32>
      %mul3A_982 = arith.mulf %mul3A_981, %add3A_974 : vector<16xf32>
      %add3A_983 = arith.addf %mul3A_978, %mul3A_982 : vector<16xf32>
      %add3A_984 = arith.addf %max3A_919, %add3A_983 : vector<16xf32>
      %add3A_985 = arith.constant 1.000000e-03 : f32
      %add3A_986 = vector.broadcast %add3A_985 : f32 to vector<16xf32>
      %add3A_987 = arith.addf %add3A_986, %add3A_984 : vector<16xf32>
      %mul3A_988 = arith.constant 9 : i32
      %mul3A_989 = vector.broadcast %mul3A_988 : i32 to vector<16xi32>
      %mul3A_990 = arith.muli %add3A_44, %mul3A_989 : vector<16xi32>
      %add3A_991 = arith.constant 5 : i32
      %add3A_992 = vector.broadcast %add3A_991 : i32 to vector<16xi32>
      %add3A_993 = arith.addi %mul3A_990, %add3A_992 : vector<16xi32>
      %gather3A_994 = tpu.vector_load_idx %arg10[%add3A_993] : memref<4608xf32, #tpu.memory_space<vmem>>[vector<16xi32>], vector<16xf32>,
      %max3A_995 = arith.constant 0.000000e+00 : f32
      %max3A_996 = vector.broadcast %max3A_995 : f32 to vector<16xf32>
      %max3A_997 = arith.maximumf %gather3A_994, %max3A_996 : vector<16xf32>
      %abs3A_998 = math.absf %gather3A_994 : vector<16xf32>
      %neg3A_999 = arith.constant 0.000000e+00 : f32
      %neg3A_1000 = vector.broadcast %neg3A_999 : f32 to vector<16xf32>
      %neg3A_1001 = arith.subf %neg3A_1000, %abs3A_998 : vector<16xf32>
      %exp3A_1002 = math.exp %neg3A_1001 : vector<16xf32>
      %add3A_1003 = arith.constant 1.000000e+00 : f32
      %add3A_1004 = vector.broadcast %add3A_1003 : f32 to vector<16xf32>
      %add3A_1005 = arith.addf %add3A_1004, %exp3A_1002 : vector<16xf32>
      %bitcast3A_1006 = vector.bitcast %add3A_1005 : vector<16xf32> to vector<16xi32>
      %shift_right_arithmetic3A_1007 = arith.constant 23 : i32
      %shift_right_arithmetic3A_1008 = vector.broadcast %shift_right_arithmetic3A_1007 : i32 to vector<16xi32>
      %shift_right_arithmetic3A_1009 = arith.shrsi %bitcast3A_1006, %shift_right_arithmetic3A_1008 : vector<16xi32>
      %sub3A_1010 = arith.constant 127 : i32
      %sub3A_1011 = vector.broadcast %sub3A_1010 : i32 to vector<16xi32>
      %sub3A_1012 = arith.subi %shift_right_arithmetic3A_1009, %sub3A_1011 : vector<16xi32>
      %and3A_1013 = arith.constant 8388607 : i32
      %and3A_1014 = vector.broadcast %and3A_1013 : i32 to vector<16xi32>
      %and3A_1015 = arith.andi %bitcast3A_1006, %and3A_1014 : vector<16xi32>
      %or3A_1016 = arith.constant 1065353216 : i32
      %or3A_1017 = vector.broadcast %or3A_1016 : i32 to vector<16xi32>
      %or3A_1018 = arith.ori %and3A_1015, %or3A_1017 : vector<16xi32>
      %bitcast3A_1019 = vector.bitcast %or3A_1018 : vector<16xi32> to vector<16xf32>
      %ge3A_1020 = arith.constant 1.41421354 : f32
      %ge3A_1021 = vector.broadcast %ge3A_1020 : f32 to vector<16xf32>
      %ge3A_1022 = arith.cmpf oge, %bitcast3A_1019, %ge3A_1021 : vector<16xf32>
      %mul3A_1023 = arith.constant 5.000000e-01 : f32
      %mul3A_1024 = vector.broadcast %mul3A_1023 : f32 to vector<16xf32>
      %mul3A_1025 = arith.mulf %bitcast3A_1019, %mul3A_1024 : vector<16xf32>
      %select_n3A_1026 = arith.select %ge3A_1022, %mul3A_1025, %bitcast3A_1019 : vector<16xi1>, vector<16xf32>
      %add3A_1027 = arith.constant 1 : i32
      %add3A_1028 = vector.broadcast %add3A_1027 : i32 to vector<16xi32>
      %add3A_1029 = arith.addi %sub3A_1012, %add3A_1028 : vector<16xi32>
      %select_n3A_1030 = arith.select %ge3A_1022, %add3A_1029, %sub3A_1012 : vector<16xi1>, vector<16xi32>
      %sub3A_1031 = arith.constant 1.000000e+00 : f32
      %sub3A_1032 = vector.broadcast %sub3A_1031 : f32 to vector<16xf32>
      %sub3A_1033 = arith.subf %select_n3A_1026, %sub3A_1032 : vector<16xf32>
      %add3A_1034 = arith.constant 1.000000e+00 : f32
      %add3A_1035 = vector.broadcast %add3A_1034 : f32 to vector<16xf32>
      %add3A_1036 = arith.addf %select_n3A_1026, %add3A_1035 : vector<16xf32>
      %div3A_1037 = arith.divf %sub3A_1033, %add3A_1036 : vector<16xf32>
      %mul3A_1038 = arith.mulf %div3A_1037, %div3A_1037 : vector<16xf32>
      %mul3A_1039 = arith.constant 0.142857149 : f32
      %mul3A_1040 = vector.broadcast %mul3A_1039 : f32 to vector<16xf32>
      %mul3A_1041 = arith.mulf %mul3A_1038, %mul3A_1040 : vector<16xf32>
      %add3A_1042 = arith.constant 2.000000e-01 : f32
      %add3A_1043 = vector.broadcast %add3A_1042 : f32 to vector<16xf32>
      %add3A_1044 = arith.addf %add3A_1043, %mul3A_1041 : vector<16xf32>
      %mul3A_1045 = arith.mulf %mul3A_1038, %add3A_1044 : vector<16xf32>
      %add3A_1046 = arith.constant 0.333333343 : f32
      %add3A_1047 = vector.broadcast %add3A_1046 : f32 to vector<16xf32>
      %add3A_1048 = arith.addf %add3A_1047, %mul3A_1045 : vector<16xf32>
      %mul3A_1049 = arith.mulf %mul3A_1038, %add3A_1048 : vector<16xf32>
      %add3A_1050 = arith.constant 1.000000e+00 : f32
      %add3A_1051 = vector.broadcast %add3A_1050 : f32 to vector<16xf32>
      %add3A_1052 = arith.addf %add3A_1051, %mul3A_1049 : vector<16xf32>
      %convert_element_type3A_1053 = arith.sitofp %select_n3A_1030 : vector<16xi32> to vector<16xf32>
      %mul3A_1054 = arith.constant 0.693147182 : f32
      %mul3A_1055 = vector.broadcast %mul3A_1054 : f32 to vector<16xf32>
      %mul3A_1056 = arith.mulf %convert_element_type3A_1053, %mul3A_1055 : vector<16xf32>
      %mul3A_1057 = arith.constant 2.000000e+00 : f32
      %mul3A_1058 = vector.broadcast %mul3A_1057 : f32 to vector<16xf32>
      %mul3A_1059 = arith.mulf %mul3A_1058, %div3A_1037 : vector<16xf32>
      %mul3A_1060 = arith.mulf %mul3A_1059, %add3A_1052 : vector<16xf32>
      %add3A_1061 = arith.addf %mul3A_1056, %mul3A_1060 : vector<16xf32>
      %add3A_1062 = arith.addf %max3A_997, %add3A_1061 : vector<16xf32>
      %add3A_1063 = arith.constant 1.000000e-03 : f32
      %add3A_1064 = vector.broadcast %add3A_1063 : f32 to vector<16xf32>
      %add3A_1065 = arith.addf %add3A_1064, %add3A_1062 : vector<16xf32>
      %mul3A_1066 = arith.constant 9 : i32
      %mul3A_1067 = vector.broadcast %mul3A_1066 : i32 to vector<16xi32>
      %mul3A_1068 = arith.muli %add3A_44, %mul3A_1067 : vector<16xi32>
      %add3A_1069 = arith.constant 6 : i32
      %add3A_1070 = vector.broadcast %add3A_1069 : i32 to vector<16xi32>
      %add3A_1071 = arith.addi %mul3A_1068, %add3A_1070 : vector<16xi32>
      %gather3A_1072 = tpu.vector_load_idx %arg10[%add3A_1071] : memref<4608xf32, #tpu.memory_space<vmem>>[vector<16xi32>], vector<16xf32>,
      %max3A_1073 = arith.constant 0.000000e+00 : f32
      %max3A_1074 = vector.broadcast %max3A_1073 : f32 to vector<16xf32>
      %max3A_1075 = arith.maximumf %gather3A_1072, %max3A_1074 : vector<16xf32>
      %abs3A_1076 = math.absf %gather3A_1072 : vector<16xf32>
      %neg3A_1077 = arith.constant 0.000000e+00 : f32
      %neg3A_1078 = vector.broadcast %neg3A_1077 : f32 to vector<16xf32>
      %neg3A_1079 = arith.subf %neg3A_1078, %abs3A_1076 : vector<16xf32>
      %exp3A_1080 = math.exp %neg3A_1079 : vector<16xf32>
      %add3A_1081 = arith.constant 1.000000e+00 : f32
      %add3A_1082 = vector.broadcast %add3A_1081 : f32 to vector<16xf32>
      %add3A_1083 = arith.addf %add3A_1082, %exp3A_1080 : vector<16xf32>
      %bitcast3A_1084 = vector.bitcast %add3A_1083 : vector<16xf32> to vector<16xi32>
      %shift_right_arithmetic3A_1085 = arith.constant 23 : i32
      %shift_right_arithmetic3A_1086 = vector.broadcast %shift_right_arithmetic3A_1085 : i32 to vector<16xi32>
      %shift_right_arithmetic3A_1087 = arith.shrsi %bitcast3A_1084, %shift_right_arithmetic3A_1086 : vector<16xi32>
      %sub3A_1088 = arith.constant 127 : i32
      %sub3A_1089 = vector.broadcast %sub3A_1088 : i32 to vector<16xi32>
      %sub3A_1090 = arith.subi %shift_right_arithmetic3A_1087, %sub3A_1089 : vector<16xi32>
      %and3A_1091 = arith.constant 8388607 : i32
      %and3A_1092 = vector.broadcast %and3A_1091 : i32 to vector<16xi32>
      %and3A_1093 = arith.andi %bitcast3A_1084, %and3A_1092 : vector<16xi32>
      %or3A_1094 = arith.constant 1065353216 : i32
      %or3A_1095 = vector.broadcast %or3A_1094 : i32 to vector<16xi32>
      %or3A_1096 = arith.ori %and3A_1093, %or3A_1095 : vector<16xi32>
      %bitcast3A_1097 = vector.bitcast %or3A_1096 : vector<16xi32> to vector<16xf32>
      %ge3A_1098 = arith.constant 1.41421354 : f32
      %ge3A_1099 = vector.broadcast %ge3A_1098 : f32 to vector<16xf32>
      %ge3A_1100 = arith.cmpf oge, %bitcast3A_1097, %ge3A_1099 : vector<16xf32>
      %mul3A_1101 = arith.constant 5.000000e-01 : f32
      %mul3A_1102 = vector.broadcast %mul3A_1101 : f32 to vector<16xf32>
      %mul3A_1103 = arith.mulf %bitcast3A_1097, %mul3A_1102 : vector<16xf32>
      %select_n3A_1104 = arith.select %ge3A_1100, %mul3A_1103, %bitcast3A_1097 : vector<16xi1>, vector<16xf32>
      %add3A_1105 = arith.constant 1 : i32
      %add3A_1106 = vector.broadcast %add3A_1105 : i32 to vector<16xi32>
      %add3A_1107 = arith.addi %sub3A_1090, %add3A_1106 : vector<16xi32>
      %select_n3A_1108 = arith.select %ge3A_1100, %add3A_1107, %sub3A_1090 : vector<16xi1>, vector<16xi32>
      %sub3A_1109 = arith.constant 1.000000e+00 : f32
      %sub3A_1110 = vector.broadcast %sub3A_1109 : f32 to vector<16xf32>
      %sub3A_1111 = arith.subf %select_n3A_1104, %sub3A_1110 : vector<16xf32>
      %add3A_1112 = arith.constant 1.000000e+00 : f32
      %add3A_1113 = vector.broadcast %add3A_1112 : f32 to vector<16xf32>
      %add3A_1114 = arith.addf %select_n3A_1104, %add3A_1113 : vector<16xf32>
      %div3A_1115 = arith.divf %sub3A_1111, %add3A_1114 : vector<16xf32>
      %mul3A_1116 = arith.mulf %div3A_1115, %div3A_1115 : vector<16xf32>
      %mul3A_1117 = arith.constant 0.142857149 : f32
      %mul3A_1118 = vector.broadcast %mul3A_1117 : f32 to vector<16xf32>
      %mul3A_1119 = arith.mulf %mul3A_1116, %mul3A_1118 : vector<16xf32>
      %add3A_1120 = arith.constant 2.000000e-01 : f32
      %add3A_1121 = vector.broadcast %add3A_1120 : f32 to vector<16xf32>
      %add3A_1122 = arith.addf %add3A_1121, %mul3A_1119 : vector<16xf32>
      %mul3A_1123 = arith.mulf %mul3A_1116, %add3A_1122 : vector<16xf32>
      %add3A_1124 = arith.constant 0.333333343 : f32
      %add3A_1125 = vector.broadcast %add3A_1124 : f32 to vector<16xf32>
      %add3A_1126 = arith.addf %add3A_1125, %mul3A_1123 : vector<16xf32>
      %mul3A_1127 = arith.mulf %mul3A_1116, %add3A_1126 : vector<16xf32>
      %add3A_1128 = arith.constant 1.000000e+00 : f32
      %add3A_1129 = vector.broadcast %add3A_1128 : f32 to vector<16xf32>
      %add3A_1130 = arith.addf %add3A_1129, %mul3A_1127 : vector<16xf32>
      %convert_element_type3A_1131 = arith.sitofp %select_n3A_1108 : vector<16xi32> to vector<16xf32>
      %mul3A_1132 = arith.constant 0.693147182 : f32
      %mul3A_1133 = vector.broadcast %mul3A_1132 : f32 to vector<16xf32>
      %mul3A_1134 = arith.mulf %convert_element_type3A_1131, %mul3A_1133 : vector<16xf32>
      %mul3A_1135 = arith.constant 2.000000e+00 : f32
      %mul3A_1136 = vector.broadcast %mul3A_1135 : f32 to vector<16xf32>
      %mul3A_1137 = arith.mulf %mul3A_1136, %div3A_1115 : vector<16xf32>
      %mul3A_1138 = arith.mulf %mul3A_1137, %add3A_1130 : vector<16xf32>
      %add3A_1139 = arith.addf %mul3A_1134, %mul3A_1138 : vector<16xf32>
      %add3A_1140 = arith.addf %max3A_1075, %add3A_1139 : vector<16xf32>
      %add3A_1141 = arith.constant 1.000000e-03 : f32
      %add3A_1142 = vector.broadcast %add3A_1141 : f32 to vector<16xf32>
      %add3A_1143 = arith.addf %add3A_1142, %add3A_1140 : vector<16xf32>
      %mul3A_1144 = arith.constant 9 : i32
      %mul3A_1145 = vector.broadcast %mul3A_1144 : i32 to vector<16xi32>
      %mul3A_1146 = arith.muli %add3A_44, %mul3A_1145 : vector<16xi32>
      %add3A_1147 = arith.constant 7 : i32
      %add3A_1148 = vector.broadcast %add3A_1147 : i32 to vector<16xi32>
      %add3A_1149 = arith.addi %mul3A_1146, %add3A_1148 : vector<16xi32>
      %gather3A_1150 = tpu.vector_load_idx %arg10[%add3A_1149] : memref<4608xf32, #tpu.memory_space<vmem>>[vector<16xi32>], vector<16xf32>,
      %max3A_1151 = arith.constant 0.000000e+00 : f32
      %max3A_1152 = vector.broadcast %max3A_1151 : f32 to vector<16xf32>
      %max3A_1153 = arith.maximumf %gather3A_1150, %max3A_1152 : vector<16xf32>
      %abs3A_1154 = math.absf %gather3A_1150 : vector<16xf32>
      %neg3A_1155 = arith.constant 0.000000e+00 : f32
      %neg3A_1156 = vector.broadcast %neg3A_1155 : f32 to vector<16xf32>
      %neg3A_1157 = arith.subf %neg3A_1156, %abs3A_1154 : vector<16xf32>
      %exp3A_1158 = math.exp %neg3A_1157 : vector<16xf32>
      %add3A_1159 = arith.constant 1.000000e+00 : f32
      %add3A_1160 = vector.broadcast %add3A_1159 : f32 to vector<16xf32>
      %add3A_1161 = arith.addf %add3A_1160, %exp3A_1158 : vector<16xf32>
      %bitcast3A_1162 = vector.bitcast %add3A_1161 : vector<16xf32> to vector<16xi32>
      %shift_right_arithmetic3A_1163 = arith.constant 23 : i32
      %shift_right_arithmetic3A_1164 = vector.broadcast %shift_right_arithmetic3A_1163 : i32 to vector<16xi32>
      %shift_right_arithmetic3A_1165 = arith.shrsi %bitcast3A_1162, %shift_right_arithmetic3A_1164 : vector<16xi32>
      %sub3A_1166 = arith.constant 127 : i32
      %sub3A_1167 = vector.broadcast %sub3A_1166 : i32 to vector<16xi32>
      %sub3A_1168 = arith.subi %shift_right_arithmetic3A_1165, %sub3A_1167 : vector<16xi32>
      %and3A_1169 = arith.constant 8388607 : i32
      %and3A_1170 = vector.broadcast %and3A_1169 : i32 to vector<16xi32>
      %and3A_1171 = arith.andi %bitcast3A_1162, %and3A_1170 : vector<16xi32>
      %or3A_1172 = arith.constant 1065353216 : i32
      %or3A_1173 = vector.broadcast %or3A_1172 : i32 to vector<16xi32>
      %or3A_1174 = arith.ori %and3A_1171, %or3A_1173 : vector<16xi32>
      %bitcast3A_1175 = vector.bitcast %or3A_1174 : vector<16xi32> to vector<16xf32>
      %ge3A_1176 = arith.constant 1.41421354 : f32
      %ge3A_1177 = vector.broadcast %ge3A_1176 : f32 to vector<16xf32>
      %ge3A_1178 = arith.cmpf oge, %bitcast3A_1175, %ge3A_1177 : vector<16xf32>
      %mul3A_1179 = arith.constant 5.000000e-01 : f32
      %mul3A_1180 = vector.broadcast %mul3A_1179 : f32 to vector<16xf32>
      %mul3A_1181 = arith.mulf %bitcast3A_1175, %mul3A_1180 : vector<16xf32>
      %select_n3A_1182 = arith.select %ge3A_1178, %mul3A_1181, %bitcast3A_1175 : vector<16xi1>, vector<16xf32>
      %add3A_1183 = arith.constant 1 : i32
      %add3A_1184 = vector.broadcast %add3A_1183 : i32 to vector<16xi32>
      %add3A_1185 = arith.addi %sub3A_1168, %add3A_1184 : vector<16xi32>
      %select_n3A_1186 = arith.select %ge3A_1178, %add3A_1185, %sub3A_1168 : vector<16xi1>, vector<16xi32>
      %sub3A_1187 = arith.constant 1.000000e+00 : f32
      %sub3A_1188 = vector.broadcast %sub3A_1187 : f32 to vector<16xf32>
      %sub3A_1189 = arith.subf %select_n3A_1182, %sub3A_1188 : vector<16xf32>
      %add3A_1190 = arith.constant 1.000000e+00 : f32
      %add3A_1191 = vector.broadcast %add3A_1190 : f32 to vector<16xf32>
      %add3A_1192 = arith.addf %select_n3A_1182, %add3A_1191 : vector<16xf32>
      %div3A_1193 = arith.divf %sub3A_1189, %add3A_1192 : vector<16xf32>
      %mul3A_1194 = arith.mulf %div3A_1193, %div3A_1193 : vector<16xf32>
      %mul3A_1195 = arith.constant 0.142857149 : f32
      %mul3A_1196 = vector.broadcast %mul3A_1195 : f32 to vector<16xf32>
      %mul3A_1197 = arith.mulf %mul3A_1194, %mul3A_1196 : vector<16xf32>
      %add3A_1198 = arith.constant 2.000000e-01 : f32
      %add3A_1199 = vector.broadcast %add3A_1198 : f32 to vector<16xf32>
      %add3A_1200 = arith.addf %add3A_1199, %mul3A_1197 : vector<16xf32>
      %mul3A_1201 = arith.mulf %mul3A_1194, %add3A_1200 : vector<16xf32>
      %add3A_1202 = arith.constant 0.333333343 : f32
      %add3A_1203 = vector.broadcast %add3A_1202 : f32 to vector<16xf32>
      %add3A_1204 = arith.addf %add3A_1203, %mul3A_1201 : vector<16xf32>
      %mul3A_1205 = arith.mulf %mul3A_1194, %add3A_1204 : vector<16xf32>
      %add3A_1206 = arith.constant 1.000000e+00 : f32
      %add3A_1207 = vector.broadcast %add3A_1206 : f32 to vector<16xf32>
      %add3A_1208 = arith.addf %add3A_1207, %mul3A_1205 : vector<16xf32>
      %convert_element_type3A_1209 = arith.sitofp %select_n3A_1186 : vector<16xi32> to vector<16xf32>
      %mul3A_1210 = arith.constant 0.693147182 : f32
      %mul3A_1211 = vector.broadcast %mul3A_1210 : f32 to vector<16xf32>
      %mul3A_1212 = arith.mulf %convert_element_type3A_1209, %mul3A_1211 : vector<16xf32>
      %mul3A_1213 = arith.constant 2.000000e+00 : f32
      %mul3A_1214 = vector.broadcast %mul3A_1213 : f32 to vector<16xf32>
      %mul3A_1215 = arith.mulf %mul3A_1214, %div3A_1193 : vector<16xf32>
      %mul3A_1216 = arith.mulf %mul3A_1215, %add3A_1208 : vector<16xf32>
      %add3A_1217 = arith.addf %mul3A_1212, %mul3A_1216 : vector<16xf32>
      %add3A_1218 = arith.addf %max3A_1153, %add3A_1217 : vector<16xf32>
      %add3A_1219 = arith.constant 1.000000e-03 : f32
      %add3A_1220 = vector.broadcast %add3A_1219 : f32 to vector<16xf32>
      %add3A_1221 = arith.addf %add3A_1220, %add3A_1218 : vector<16xf32>
      %mul3A_1222 = arith.constant 9 : i32
      %mul3A_1223 = vector.broadcast %mul3A_1222 : i32 to vector<16xi32>
      %mul3A_1224 = arith.muli %add3A_44, %mul3A_1223 : vector<16xi32>
      %add3A_1225 = arith.constant 8 : i32
      %add3A_1226 = vector.broadcast %add3A_1225 : i32 to vector<16xi32>
      %add3A_1227 = arith.addi %mul3A_1224, %add3A_1226 : vector<16xi32>
      %gather3A_1228 = tpu.vector_load_idx %arg10[%add3A_1227] : memref<4608xf32, #tpu.memory_space<vmem>>[vector<16xi32>], vector<16xf32>,
      %max3A_1229 = arith.constant 0.000000e+00 : f32
      %max3A_1230 = vector.broadcast %max3A_1229 : f32 to vector<16xf32>
      %max3A_1231 = arith.maximumf %gather3A_1228, %max3A_1230 : vector<16xf32>
      %abs3A_1232 = math.absf %gather3A_1228 : vector<16xf32>
      %neg3A_1233 = arith.constant 0.000000e+00 : f32
      %neg3A_1234 = vector.broadcast %neg3A_1233 : f32 to vector<16xf32>
      %neg3A_1235 = arith.subf %neg3A_1234, %abs3A_1232 : vector<16xf32>
      %exp3A_1236 = math.exp %neg3A_1235 : vector<16xf32>
      %add3A_1237 = arith.constant 1.000000e+00 : f32
      %add3A_1238 = vector.broadcast %add3A_1237 : f32 to vector<16xf32>
      %add3A_1239 = arith.addf %add3A_1238, %exp3A_1236 : vector<16xf32>
      %bitcast3A_1240 = vector.bitcast %add3A_1239 : vector<16xf32> to vector<16xi32>
      %shift_right_arithmetic3A_1241 = arith.constant 23 : i32
      %shift_right_arithmetic3A_1242 = vector.broadcast %shift_right_arithmetic3A_1241 : i32 to vector<16xi32>
      %shift_right_arithmetic3A_1243 = arith.shrsi %bitcast3A_1240, %shift_right_arithmetic3A_1242 : vector<16xi32>
      %sub3A_1244 = arith.constant 127 : i32
      %sub3A_1245 = vector.broadcast %sub3A_1244 : i32 to vector<16xi32>
      %sub3A_1246 = arith.subi %shift_right_arithmetic3A_1243, %sub3A_1245 : vector<16xi32>
      %and3A_1247 = arith.constant 8388607 : i32
      %and3A_1248 = vector.broadcast %and3A_1247 : i32 to vector<16xi32>
      %and3A_1249 = arith.andi %bitcast3A_1240, %and3A_1248 : vector<16xi32>
      %or3A_1250 = arith.constant 1065353216 : i32
      %or3A_1251 = vector.broadcast %or3A_1250 : i32 to vector<16xi32>
      %or3A_1252 = arith.ori %and3A_1249, %or3A_1251 : vector<16xi32>
      %bitcast3A_1253 = vector.bitcast %or3A_1252 : vector<16xi32> to vector<16xf32>
      %ge3A_1254 = arith.constant 1.41421354 : f32
      %ge3A_1255 = vector.broadcast %ge3A_1254 : f32 to vector<16xf32>
      %ge3A_1256 = arith.cmpf oge, %bitcast3A_1253, %ge3A_1255 : vector<16xf32>
      %mul3A_1257 = arith.constant 5.000000e-01 : f32
      %mul3A_1258 = vector.broadcast %mul3A_1257 : f32 to vector<16xf32>
      %mul3A_1259 = arith.mulf %bitcast3A_1253, %mul3A_1258 : vector<16xf32>
      %select_n3A_1260 = arith.select %ge3A_1256, %mul3A_1259, %bitcast3A_1253 : vector<16xi1>, vector<16xf32>
      %add3A_1261 = arith.constant 1 : i32
      %add3A_1262 = vector.broadcast %add3A_1261 : i32 to vector<16xi32>
      %add3A_1263 = arith.addi %sub3A_1246, %add3A_1262 : vector<16xi32>
      %select_n3A_1264 = arith.select %ge3A_1256, %add3A_1263, %sub3A_1246 : vector<16xi1>, vector<16xi32>
      %sub3A_1265 = arith.constant 1.000000e+00 : f32
      %sub3A_1266 = vector.broadcast %sub3A_1265 : f32 to vector<16xf32>
      %sub3A_1267 = arith.subf %select_n3A_1260, %sub3A_1266 : vector<16xf32>
      %add3A_1268 = arith.constant 1.000000e+00 : f32
      %add3A_1269 = vector.broadcast %add3A_1268 : f32 to vector<16xf32>
      %add3A_1270 = arith.addf %select_n3A_1260, %add3A_1269 : vector<16xf32>
      %div3A_1271 = arith.divf %sub3A_1267, %add3A_1270 : vector<16xf32>
      %mul3A_1272 = arith.mulf %div3A_1271, %div3A_1271 : vector<16xf32>
      %mul3A_1273 = arith.constant 0.142857149 : f32
      %mul3A_1274 = vector.broadcast %mul3A_1273 : f32 to vector<16xf32>
      %mul3A_1275 = arith.mulf %mul3A_1272, %mul3A_1274 : vector<16xf32>
      %add3A_1276 = arith.constant 2.000000e-01 : f32
      %add3A_1277 = vector.broadcast %add3A_1276 : f32 to vector<16xf32>
      %add3A_1278 = arith.addf %add3A_1277, %mul3A_1275 : vector<16xf32>
      %mul3A_1279 = arith.mulf %mul3A_1272, %add3A_1278 : vector<16xf32>
      %add3A_1280 = arith.constant 0.333333343 : f32
      %add3A_1281 = vector.broadcast %add3A_1280 : f32 to vector<16xf32>
      %add3A_1282 = arith.addf %add3A_1281, %mul3A_1279 : vector<16xf32>
      %mul3A_1283 = arith.mulf %mul3A_1272, %add3A_1282 : vector<16xf32>
      %add3A_1284 = arith.constant 1.000000e+00 : f32
      %add3A_1285 = vector.broadcast %add3A_1284 : f32 to vector<16xf32>
      %add3A_1286 = arith.addf %add3A_1285, %mul3A_1283 : vector<16xf32>
      %convert_element_type3A_1287 = arith.sitofp %select_n3A_1264 : vector<16xi32> to vector<16xf32>
      %mul3A_1288 = arith.constant 0.693147182 : f32
      %mul3A_1289 = vector.broadcast %mul3A_1288 : f32 to vector<16xf32>
      %mul3A_1290 = arith.mulf %convert_element_type3A_1287, %mul3A_1289 : vector<16xf32>
      %mul3A_1291 = arith.constant 2.000000e+00 : f32
      %mul3A_1292 = vector.broadcast %mul3A_1291 : f32 to vector<16xf32>
      %mul3A_1293 = arith.mulf %mul3A_1292, %div3A_1271 : vector<16xf32>
      %mul3A_1294 = arith.mulf %mul3A_1293, %add3A_1286 : vector<16xf32>
      %add3A_1295 = arith.addf %mul3A_1290, %mul3A_1294 : vector<16xf32>
      %add3A_1296 = arith.addf %max3A_1231, %add3A_1295 : vector<16xf32>
      %add3A_1297 = arith.constant 1.000000e-03 : f32
      %add3A_1298 = vector.broadcast %add3A_1297 : f32 to vector<16xf32>
      %add3A_1299 = arith.addf %add3A_1298, %add3A_1296 : vector<16xf32>
      %add3A_1300 = arith.constant 0 : i32
      %add3A_1301 = arith.addi %add3A_1300, %mul3A_42 : i32
      %swap3A_1302 = arith.index_cast %add3A_1301 : i32 to index
      %swap3A_1303 = tpu.vector_load %arg11[%swap3A_1302] {strides = array<i32>} : memref<5632xf32, #tpu.memory_space<vmem>>, vector<16xf32>,
      tpu.vector_store %arg11[%swap3A_1302], %broadcast_in_dim3A_152 {strides = array<i32>} : memref<5632xf32, #tpu.memory_space<vmem>>, vector<16xf32>,
      %add3A_1304 = arith.constant 512 : i32
      %add3A_1305 = arith.addi %add3A_1304, %mul3A_42 : i32
      %swap3A_1306 = arith.index_cast %add3A_1305 : i32 to index
      %swap3A_1307 = tpu.vector_load %arg11[%swap3A_1306] {strides = array<i32>} : memref<5632xf32, #tpu.memory_space<vmem>>, vector<16xf32>,
      tpu.vector_store %arg11[%swap3A_1306], %sub3A_168 {strides = array<i32>} : memref<5632xf32, #tpu.memory_space<vmem>>, vector<16xf32>,
      %add3A_1308 = arith.constant 1024 : i32
      %add3A_1309 = arith.addi %add3A_1308, %mul3A_42 : i32
      %swap3A_1310 = arith.index_cast %add3A_1309 : i32 to index
      %swap3A_1311 = tpu.vector_load %arg11[%swap3A_1310] {strides = array<i32>} : memref<5632xf32, #tpu.memory_space<vmem>>, vector<16xf32>,
      tpu.vector_store %arg11[%swap3A_1310], %sub3A_182 {strides = array<i32>} : memref<5632xf32, #tpu.memory_space<vmem>>, vector<16xf32>,
      %add3A_1312 = arith.constant 1536 : i32
      %add3A_1313 = arith.addi %add3A_1312, %mul3A_42 : i32
      %swap3A_1314 = arith.index_cast %add3A_1313 : i32 to index
      %swap3A_1315 = tpu.vector_load %arg11[%swap3A_1314] {strides = array<i32>} : memref<5632xf32, #tpu.memory_space<vmem>>, vector<16xf32>,
      tpu.vector_store %arg11[%swap3A_1314], %sub3A_196 {strides = array<i32>} : memref<5632xf32, #tpu.memory_space<vmem>>, vector<16xf32>,
      %add3A_1316 = arith.constant 2048 : i32
      %add3A_1317 = arith.addi %add3A_1316, %mul3A_42 : i32
      %swap3A_1318 = arith.index_cast %add3A_1317 : i32 to index
      %swap3A_1319 = tpu.vector_load %arg11[%swap3A_1318] {strides = array<i32>} : memref<5632xf32, #tpu.memory_space<vmem>>, vector<16xf32>,
      tpu.vector_store %arg11[%swap3A_1318], %sub3A_210 {strides = array<i32>} : memref<5632xf32, #tpu.memory_space<vmem>>, vector<16xf32>,
      %add3A_1320 = arith.constant 2560 : i32
      %add3A_1321 = arith.addi %add3A_1320, %mul3A_42 : i32
      %swap3A_1322 = arith.index_cast %add3A_1321 : i32 to index
      %swap3A_1323 = tpu.vector_load %arg11[%swap3A_1322] {strides = array<i32>} : memref<5632xf32, #tpu.memory_space<vmem>>, vector<16xf32>,
      tpu.vector_store %arg11[%swap3A_1322], %sub3A_224 {strides = array<i32>} : memref<5632xf32, #tpu.memory_space<vmem>>, vector<16xf32>,
      %add3A_1324 = arith.constant 3072 : i32
      %add3A_1325 = arith.addi %add3A_1324, %mul3A_42 : i32
      %swap3A_1326 = arith.index_cast %add3A_1325 : i32 to index
      %swap3A_1327 = tpu.vector_load %arg11[%swap3A_1326] {strides = array<i32>} : memref<5632xf32, #tpu.memory_space<vmem>>, vector<16xf32>,
      tpu.vector_store %arg11[%swap3A_1326], %sub3A_238 {strides = array<i32>} : memref<5632xf32, #tpu.memory_space<vmem>>, vector<16xf32>,
      %add3A_1328 = arith.constant 3584 : i32
      %add3A_1329 = arith.addi %add3A_1328, %mul3A_42 : i32
      %swap3A_1330 = arith.index_cast %add3A_1329 : i32 to index
      %swap3A_1331 = tpu.vector_load %arg11[%swap3A_1330] {strides = array<i32>} : memref<5632xf32, #tpu.memory_space<vmem>>, vector<16xf32>,
      tpu.vector_store %arg11[%swap3A_1330], %sub3A_252 {strides = array<i32>} : memref<5632xf32, #tpu.memory_space<vmem>>, vector<16xf32>,
      %add3A_1332 = arith.constant 4096 : i32
      %add3A_1333 = arith.addi %add3A_1332, %mul3A_42 : i32
      %swap3A_1334 = arith.index_cast %add3A_1333 : i32 to index
      %swap3A_1335 = tpu.vector_load %arg11[%swap3A_1334] {strides = array<i32>} : memref<5632xf32, #tpu.memory_space<vmem>>, vector<16xf32>,
      tpu.vector_store %arg11[%swap3A_1334], %sub3A_266 {strides = array<i32>} : memref<5632xf32, #tpu.memory_space<vmem>>, vector<16xf32>,
      %add3A_1336 = arith.constant 4608 : i32
      %add3A_1337 = arith.addi %add3A_1336, %mul3A_42 : i32
      %swap3A_1338 = arith.index_cast %add3A_1337 : i32 to index
      %swap3A_1339 = tpu.vector_load %arg11[%swap3A_1338] {strides = array<i32>} : memref<5632xf32, #tpu.memory_space<vmem>>, vector<16xf32>,
      tpu.vector_store %arg11[%swap3A_1338], %sub3A_280 {strides = array<i32>} : memref<5632xf32, #tpu.memory_space<vmem>>, vector<16xf32>,
      %add3A_1340 = arith.constant 5120 : i32
      %add3A_1341 = arith.addi %add3A_1340, %mul3A_42 : i32
      %swap3A_1342 = arith.index_cast %add3A_1341 : i32 to index
      %swap3A_1343 = tpu.vector_load %arg11[%swap3A_1342] {strides = array<i32>} : memref<5632xf32, #tpu.memory_space<vmem>>, vector<16xf32>,
      tpu.vector_store %arg11[%swap3A_1342], %broadcast_in_dim3A_290 {strides = array<i32>} : memref<5632xf32, #tpu.memory_space<vmem>>, vector<16xf32>,
      %sub3A_1344 = arith.subf %sub3A_168, %broadcast_in_dim3A_152 : vector<16xf32>
      %sub3A_1345 = arith.subf %sub3A_419, %broadcast_in_dim3A_403 : vector<16xf32>
      %div3A_1346 = arith.constant 1.000000e+00 : f32
      %div3A_1347 = vector.broadcast %div3A_1346 : f32 to vector<16xf32>
      %div3A_1348 = arith.divf %div3A_1347, %sub3A_1344 : vector<16xf32>
      %mul3A_1349 = arith.mulf %sub3A_1345, %div3A_1348 : vector<16xf32>
      %mul3A_1350 = arith.mulf %mul3A_1349, %mul3A_1349 : vector<16xf32>
      %add3A_1351 = arith.addf %broadcast_in_dim3A_606, %add3A_675 : vector<16xf32>
      %add3A_1352 = arith.addf %mul3A_1349, %mul3A_1349 : vector<16xf32>
      %sub3A_1353 = arith.subf %add3A_1351, %add3A_1352 : vector<16xf32>
      %add3A_1354 = arith.constant 0 : i32
      %add3A_1355 = arith.addi %add3A_1354, %mul3A_42 : i32
      %swap3A_1356 = arith.index_cast %add3A_1355 : i32 to index
      %swap3A_1357 = tpu.vector_load %arg12[%swap3A_1356] {strides = array<i32>} : memref<5120xf32, #tpu.memory_space<vmem>>, vector<16xf32>,
      tpu.vector_store %arg12[%swap3A_1356], %div3A_1348 {strides = array<i32>} : memref<5120xf32, #tpu.memory_space<vmem>>, vector<16xf32>,
      %swap3A_1358 = arith.index_cast %add3A_1355 : i32 to index
      %swap3A_1359 = tpu.vector_load %arg13[%swap3A_1358] {strides = array<i32>} : memref<5120xf32, #tpu.memory_space<vmem>>, vector<16xf32>,
      tpu.vector_store %arg13[%swap3A_1358], %broadcast_in_dim3A_403 {strides = array<i32>} : memref<5120xf32, #tpu.memory_space<vmem>>, vector<16xf32>,
      %swap3A_1360 = arith.index_cast %add3A_1355 : i32 to index
      %swap3A_1361 = tpu.vector_load %arg14[%swap3A_1360] {strides = array<i32>} : memref<5120xf32, #tpu.memory_space<vmem>>, vector<16xf32>,
      tpu.vector_store %arg14[%swap3A_1360], %mul3A_1349 {strides = array<i32>} : memref<5120xf32, #tpu.memory_space<vmem>>, vector<16xf32>,
      %sub3A_1362 = arith.subf %mul3A_1349, %broadcast_in_dim3A_606 : vector<16xf32>
      %mul3A_1363 = arith.mulf %sub3A_1345, %sub3A_1362 : vector<16xf32>
      %swap3A_1364 = arith.index_cast %add3A_1355 : i32 to index
      %swap3A_1365 = tpu.vector_load %arg15[%swap3A_1364] {strides = array<i32>} : memref<5120xf32, #tpu.memory_space<vmem>>, vector<16xf32>,
      tpu.vector_store %arg15[%swap3A_1364], %mul3A_1363 {strides = array<i32>} : memref<5120xf32, #tpu.memory_space<vmem>>, vector<16xf32>,
      %mul3A_1366 = arith.mulf %sub3A_1345, %broadcast_in_dim3A_606 : vector<16xf32>
      %swap3A_1367 = arith.index_cast %add3A_1355 : i32 to index
      %swap3A_1368 = tpu.vector_load %arg16[%swap3A_1367] {strides = array<i32>} : memref<5120xf32, #tpu.memory_space<vmem>>, vector<16xf32>,
      tpu.vector_store %arg16[%swap3A_1367], %mul3A_1366 {strides = array<i32>} : memref<5120xf32, #tpu.memory_space<vmem>>, vector<16xf32>,
      %swap3A_1369 = arith.index_cast %add3A_1355 : i32 to index
      %swap3A_1370 = tpu.vector_load %arg17[%swap3A_1369] {strides = array<i32>} : memref<5120xf32, #tpu.memory_space<vmem>>, vector<16xf32>,
      tpu.vector_store %arg17[%swap3A_1369], %sub3A_1353 {strides = array<i32>} : memref<5120xf32, #tpu.memory_space<vmem>>, vector<16xf32>,
      %mul3A_1371 = arith.mulf %mul3A_1350, %sub3A_1353 : vector<16xf32>
      %swap3A_1372 = arith.index_cast %add3A_1355 : i32 to index
      %swap3A_1373 = tpu.vector_load %arg18[%swap3A_1372] {strides = array<i32>} : memref<5120xf32, #tpu.memory_space<vmem>>, vector<16xf32>,
      tpu.vector_store %arg18[%swap3A_1372], %mul3A_1371 {strides = array<i32>} : memref<5120xf32, #tpu.memory_space<vmem>>, vector<16xf32>,
      %add3A_1374 = arith.addf %mul3A_1350, %mul3A_1350 : vector<16xf32>
      %sub3A_1375 = arith.subf %mul3A_1349, %broadcast_in_dim3A_606 : vector<16xf32>
      %mul3A_1376 = arith.mulf %add3A_1374, %sub3A_1375 : vector<16xf32>
      %swap3A_1377 = arith.index_cast %add3A_1355 : i32 to index
      %swap3A_1378 = tpu.vector_load %arg19[%swap3A_1377] {strides = array<i32>} : memref<5120xf32, #tpu.memory_space<vmem>>, vector<16xf32>,
      tpu.vector_store %arg19[%swap3A_1377], %mul3A_1376 {strides = array<i32>} : memref<5120xf32, #tpu.memory_space<vmem>>, vector<16xf32>,
      %mul3A_1379 = arith.mulf %mul3A_1350, %broadcast_in_dim3A_606 : vector<16xf32>
      %swap3A_1380 = arith.index_cast %add3A_1355 : i32 to index
      %swap3A_1381 = tpu.vector_load %arg20[%swap3A_1380] {strides = array<i32>} : memref<5120xf32, #tpu.memory_space<vmem>>, vector<16xf32>,
      tpu.vector_store %arg20[%swap3A_1380], %mul3A_1379 {strides = array<i32>} : memref<5120xf32, #tpu.memory_space<vmem>>, vector<16xf32>,
      %sub3A_1382 = arith.subf %sub3A_182, %sub3A_168 : vector<16xf32>
      %sub3A_1383 = arith.subf %sub3A_433, %sub3A_419 : vector<16xf32>
      %div3A_1384 = arith.constant 1.000000e+00 : f32
      %div3A_1385 = vector.broadcast %div3A_1384 : f32 to vector<16xf32>
      %div3A_1386 = arith.divf %div3A_1385, %sub3A_1382 : vector<16xf32>
      %mul3A_1387 = arith.mulf %sub3A_1383, %div3A_1386 : vector<16xf32>
      %mul3A_1388 = arith.mulf %mul3A_1387, %mul3A_1387 : vector<16xf32>
      %add3A_1389 = arith.addf %add3A_675, %add3A_753 : vector<16xf32>
      %add3A_1390 = arith.addf %mul3A_1387, %mul3A_1387 : vector<16xf32>
      %sub3A_1391 = arith.subf %add3A_1389, %add3A_1390 : vector<16xf32>
      %add3A_1392 = arith.constant 512 : i32
      %add3A_1393 = arith.addi %add3A_1392, %mul3A_42 : i32
      %swap3A_1394 = arith.index_cast %add3A_1393 : i32 to index
      %swap3A_1395 = tpu.vector_load %arg12[%swap3A_1394] {strides = array<i32>} : memref<5120xf32, #tpu.memory_space<vmem>>, vector<16xf32>,
      tpu.vector_store %arg12[%swap3A_1394], %div3A_1386 {strides = array<i32>} : memref<5120xf32, #tpu.memory_space<vmem>>, vector<16xf32>,
      %swap3A_1396 = arith.index_cast %add3A_1393 : i32 to index
      %swap3A_1397 = tpu.vector_load %arg13[%swap3A_1396] {strides = array<i32>} : memref<5120xf32, #tpu.memory_space<vmem>>, vector<16xf32>,
      tpu.vector_store %arg13[%swap3A_1396], %sub3A_419 {strides = array<i32>} : memref<5120xf32, #tpu.memory_space<vmem>>, vector<16xf32>,
      %swap3A_1398 = arith.index_cast %add3A_1393 : i32 to index
      %swap3A_1399 = tpu.vector_load %arg14[%swap3A_1398] {strides = array<i32>} : memref<5120xf32, #tpu.memory_space<vmem>>, vector<16xf32>,
      tpu.vector_store %arg14[%swap3A_1398], %mul3A_1387 {strides = array<i32>} : memref<5120xf32, #tpu.memory_space<vmem>>, vector<16xf32>,
      %sub3A_1400 = arith.subf %mul3A_1387, %add3A_675 : vector<16xf32>
      %mul3A_1401 = arith.mulf %sub3A_1383, %sub3A_1400 : vector<16xf32>
      %swap3A_1402 = arith.index_cast %add3A_1393 : i32 to index
      %swap3A_1403 = tpu.vector_load %arg15[%swap3A_1402] {strides = array<i32>} : memref<5120xf32, #tpu.memory_space<vmem>>, vector<16xf32>,
      tpu.vector_store %arg15[%swap3A_1402], %mul3A_1401 {strides = array<i32>} : memref<5120xf32, #tpu.memory_space<vmem>>, vector<16xf32>,
      %mul3A_1404 = arith.mulf %sub3A_1383, %add3A_675 : vector<16xf32>
      %swap3A_1405 = arith.index_cast %add3A_1393 : i32 to index
      %swap3A_1406 = tpu.vector_load %arg16[%swap3A_1405] {strides = array<i32>} : memref<5120xf32, #tpu.memory_space<vmem>>, vector<16xf32>,
      tpu.vector_store %arg16[%swap3A_1405], %mul3A_1404 {strides = array<i32>} : memref<5120xf32, #tpu.memory_space<vmem>>, vector<16xf32>,
      %swap3A_1407 = arith.index_cast %add3A_1393 : i32 to index
      %swap3A_1408 = tpu.vector_load %arg17[%swap3A_1407] {strides = array<i32>} : memref<5120xf32, #tpu.memory_space<vmem>>, vector<16xf32>,
      tpu.vector_store %arg17[%swap3A_1407], %sub3A_1391 {strides = array<i32>} : memref<5120xf32, #tpu.memory_space<vmem>>, vector<16xf32>,
      %mul3A_1409 = arith.mulf %mul3A_1388, %sub3A_1391 : vector<16xf32>
      %swap3A_1410 = arith.index_cast %add3A_1393 : i32 to index
      %swap3A_1411 = tpu.vector_load %arg18[%swap3A_1410] {strides = array<i32>} : memref<5120xf32, #tpu.memory_space<vmem>>, vector<16xf32>,
      tpu.vector_store %arg18[%swap3A_1410], %mul3A_1409 {strides = array<i32>} : memref<5120xf32, #tpu.memory_space<vmem>>, vector<16xf32>,
      %add3A_1412 = arith.addf %mul3A_1388, %mul3A_1388 : vector<16xf32>
      %sub3A_1413 = arith.subf %mul3A_1387, %add3A_675 : vector<16xf32>
      %mul3A_1414 = arith.mulf %add3A_1412, %sub3A_1413 : vector<16xf32>
      %swap3A_1415 = arith.index_cast %add3A_1393 : i32 to index
      %swap3A_1416 = tpu.vector_load %arg19[%swap3A_1415] {strides = array<i32>} : memref<5120xf32, #tpu.memory_space<vmem>>, vector<16xf32>,
      tpu.vector_store %arg19[%swap3A_1415], %mul3A_1414 {strides = array<i32>} : memref<5120xf32, #tpu.memory_space<vmem>>, vector<16xf32>,
      %mul3A_1417 = arith.mulf %mul3A_1388, %add3A_675 : vector<16xf32>
      %swap3A_1418 = arith.index_cast %add3A_1393 : i32 to index
      %swap3A_1419 = tpu.vector_load %arg20[%swap3A_1418] {strides = array<i32>} : memref<5120xf32, #tpu.memory_space<vmem>>, vector<16xf32>,
      tpu.vector_store %arg20[%swap3A_1418], %mul3A_1417 {strides = array<i32>} : memref<5120xf32, #tpu.memory_space<vmem>>, vector<16xf32>,
      %sub3A_1420 = arith.subf %sub3A_196, %sub3A_182 : vector<16xf32>
      %sub3A_1421 = arith.subf %sub3A_447, %sub3A_433 : vector<16xf32>
      %div3A_1422 = arith.constant 1.000000e+00 : f32
      %div3A_1423 = vector.broadcast %div3A_1422 : f32 to vector<16xf32>
      %div3A_1424 = arith.divf %div3A_1423, %sub3A_1420 : vector<16xf32>
      %mul3A_1425 = arith.mulf %sub3A_1421, %div3A_1424 : vector<16xf32>
      %mul3A_1426 = arith.mulf %mul3A_1425, %mul3A_1425 : vector<16xf32>
      %add3A_1427 = arith.addf %add3A_753, %add3A_831 : vector<16xf32>
      %add3A_1428 = arith.addf %mul3A_1425, %mul3A_1425 : vector<16xf32>
      %sub3A_1429 = arith.subf %add3A_1427, %add3A_1428 : vector<16xf32>
      %add3A_1430 = arith.constant 1024 : i32
      %add3A_1431 = arith.addi %add3A_1430, %mul3A_42 : i32
      %swap3A_1432 = arith.index_cast %add3A_1431 : i32 to index
      %swap3A_1433 = tpu.vector_load %arg12[%swap3A_1432] {strides = array<i32>} : memref<5120xf32, #tpu.memory_space<vmem>>, vector<16xf32>,
      tpu.vector_store %arg12[%swap3A_1432], %div3A_1424 {strides = array<i32>} : memref<5120xf32, #tpu.memory_space<vmem>>, vector<16xf32>,
      %swap3A_1434 = arith.index_cast %add3A_1431 : i32 to index
      %swap3A_1435 = tpu.vector_load %arg13[%swap3A_1434] {strides = array<i32>} : memref<5120xf32, #tpu.memory_space<vmem>>, vector<16xf32>,
      tpu.vector_store %arg13[%swap3A_1434], %sub3A_433 {strides = array<i32>} : memref<5120xf32, #tpu.memory_space<vmem>>, vector<16xf32>,
      %swap3A_1436 = arith.index_cast %add3A_1431 : i32 to index
      %swap3A_1437 = tpu.vector_load %arg14[%swap3A_1436] {strides = array<i32>} : memref<5120xf32, #tpu.memory_space<vmem>>, vector<16xf32>,
      tpu.vector_store %arg14[%swap3A_1436], %mul3A_1425 {strides = array<i32>} : memref<5120xf32, #tpu.memory_space<vmem>>, vector<16xf32>,
      %sub3A_1438 = arith.subf %mul3A_1425, %add3A_753 : vector<16xf32>
      %mul3A_1439 = arith.mulf %sub3A_1421, %sub3A_1438 : vector<16xf32>
      %swap3A_1440 = arith.index_cast %add3A_1431 : i32 to index
      %swap3A_1441 = tpu.vector_load %arg15[%swap3A_1440] {strides = array<i32>} : memref<5120xf32, #tpu.memory_space<vmem>>, vector<16xf32>,
      tpu.vector_store %arg15[%swap3A_1440], %mul3A_1439 {strides = array<i32>} : memref<5120xf32, #tpu.memory_space<vmem>>, vector<16xf32>,
      %mul3A_1442 = arith.mulf %sub3A_1421, %add3A_753 : vector<16xf32>
      %swap3A_1443 = arith.index_cast %add3A_1431 : i32 to index
      %swap3A_1444 = tpu.vector_load %arg16[%swap3A_1443] {strides = array<i32>} : memref<5120xf32, #tpu.memory_space<vmem>>, vector<16xf32>,
      tpu.vector_store %arg16[%swap3A_1443], %mul3A_1442 {strides = array<i32>} : memref<5120xf32, #tpu.memory_space<vmem>>, vector<16xf32>,
      %swap3A_1445 = arith.index_cast %add3A_1431 : i32 to index
      %swap3A_1446 = tpu.vector_load %arg17[%swap3A_1445] {strides = array<i32>} : memref<5120xf32, #tpu.memory_space<vmem>>, vector<16xf32>,
      tpu.vector_store %arg17[%swap3A_1445], %sub3A_1429 {strides = array<i32>} : memref<5120xf32, #tpu.memory_space<vmem>>, vector<16xf32>,
      %mul3A_1447 = arith.mulf %mul3A_1426, %sub3A_1429 : vector<16xf32>
      %swap3A_1448 = arith.index_cast %add3A_1431 : i32 to index
      %swap3A_1449 = tpu.vector_load %arg18[%swap3A_1448] {strides = array<i32>} : memref<5120xf32, #tpu.memory_space<vmem>>, vector<16xf32>,
      tpu.vector_store %arg18[%swap3A_1448], %mul3A_1447 {strides = array<i32>} : memref<5120xf32, #tpu.memory_space<vmem>>, vector<16xf32>,
      %add3A_1450 = arith.addf %mul3A_1426, %mul3A_1426 : vector<16xf32>
      %sub3A_1451 = arith.subf %mul3A_1425, %add3A_753 : vector<16xf32>
      %mul3A_1452 = arith.mulf %add3A_1450, %sub3A_1451 : vector<16xf32>
      %swap3A_1453 = arith.index_cast %add3A_1431 : i32 to index
      %swap3A_1454 = tpu.vector_load %arg19[%swap3A_1453] {strides = array<i32>} : memref<5120xf32, #tpu.memory_space<vmem>>, vector<16xf32>,
      tpu.vector_store %arg19[%swap3A_1453], %mul3A_1452 {strides = array<i32>} : memref<5120xf32, #tpu.memory_space<vmem>>, vector<16xf32>,
      %mul3A_1455 = arith.mulf %mul3A_1426, %add3A_753 : vector<16xf32>
      %swap3A_1456 = arith.index_cast %add3A_1431 : i32 to index
      %swap3A_1457 = tpu.vector_load %arg20[%swap3A_1456] {strides = array<i32>} : memref<5120xf32, #tpu.memory_space<vmem>>, vector<16xf32>,
      tpu.vector_store %arg20[%swap3A_1456], %mul3A_1455 {strides = array<i32>} : memref<5120xf32, #tpu.memory_space<vmem>>, vector<16xf32>,
      %sub3A_1458 = arith.subf %sub3A_210, %sub3A_196 : vector<16xf32>
      %sub3A_1459 = arith.subf %sub3A_461, %sub3A_447 : vector<16xf32>
      %div3A_1460 = arith.constant 1.000000e+00 : f32
      %div3A_1461 = vector.broadcast %div3A_1460 : f32 to vector<16xf32>
      %div3A_1462 = arith.divf %div3A_1461, %sub3A_1458 : vector<16xf32>
      %mul3A_1463 = arith.mulf %sub3A_1459, %div3A_1462 : vector<16xf32>
      %mul3A_1464 = arith.mulf %mul3A_1463, %mul3A_1463 : vector<16xf32>
      %add3A_1465 = arith.addf %add3A_831, %add3A_909 : vector<16xf32>
      %add3A_1466 = arith.addf %mul3A_1463, %mul3A_1463 : vector<16xf32>
      %sub3A_1467 = arith.subf %add3A_1465, %add3A_1466 : vector<16xf32>
      %add3A_1468 = arith.constant 1536 : i32
      %add3A_1469 = arith.addi %add3A_1468, %mul3A_42 : i32
      %swap3A_1470 = arith.index_cast %add3A_1469 : i32 to index
      %swap3A_1471 = tpu.vector_load %arg12[%swap3A_1470] {strides = array<i32>} : memref<5120xf32, #tpu.memory_space<vmem>>, vector<16xf32>,
      tpu.vector_store %arg12[%swap3A_1470], %div3A_1462 {strides = array<i32>} : memref<5120xf32, #tpu.memory_space<vmem>>, vector<16xf32>,
      %swap3A_1472 = arith.index_cast %add3A_1469 : i32 to index
      %swap3A_1473 = tpu.vector_load %arg13[%swap3A_1472] {strides = array<i32>} : memref<5120xf32, #tpu.memory_space<vmem>>, vector<16xf32>,
      tpu.vector_store %arg13[%swap3A_1472], %sub3A_447 {strides = array<i32>} : memref<5120xf32, #tpu.memory_space<vmem>>, vector<16xf32>,
      %swap3A_1474 = arith.index_cast %add3A_1469 : i32 to index
      %swap3A_1475 = tpu.vector_load %arg14[%swap3A_1474] {strides = array<i32>} : memref<5120xf32, #tpu.memory_space<vmem>>, vector<16xf32>,
      tpu.vector_store %arg14[%swap3A_1474], %mul3A_1463 {strides = array<i32>} : memref<5120xf32, #tpu.memory_space<vmem>>, vector<16xf32>,
      %sub3A_1476 = arith.subf %mul3A_1463, %add3A_831 : vector<16xf32>
      %mul3A_1477 = arith.mulf %sub3A_1459, %sub3A_1476 : vector<16xf32>
      %swap3A_1478 = arith.index_cast %add3A_1469 : i32 to index
      %swap3A_1479 = tpu.vector_load %arg15[%swap3A_1478] {strides = array<i32>} : memref<5120xf32, #tpu.memory_space<vmem>>, vector<16xf32>,
      tpu.vector_store %arg15[%swap3A_1478], %mul3A_1477 {strides = array<i32>} : memref<5120xf32, #tpu.memory_space<vmem>>, vector<16xf32>,
      %mul3A_1480 = arith.mulf %sub3A_1459, %add3A_831 : vector<16xf32>
      %swap3A_1481 = arith.index_cast %add3A_1469 : i32 to index
      %swap3A_1482 = tpu.vector_load %arg16[%swap3A_1481] {strides = array<i32>} : memref<5120xf32, #tpu.memory_space<vmem>>, vector<16xf32>,
      tpu.vector_store %arg16[%swap3A_1481], %mul3A_1480 {strides = array<i32>} : memref<5120xf32, #tpu.memory_space<vmem>>, vector<16xf32>,
      %swap3A_1483 = arith.index_cast %add3A_1469 : i32 to index
      %swap3A_1484 = tpu.vector_load %arg17[%swap3A_1483] {strides = array<i32>} : memref<5120xf32, #tpu.memory_space<vmem>>, vector<16xf32>,
      tpu.vector_store %arg17[%swap3A_1483], %sub3A_1467 {strides = array<i32>} : memref<5120xf32, #tpu.memory_space<vmem>>, vector<16xf32>,
      %mul3A_1485 = arith.mulf %mul3A_1464, %sub3A_1467 : vector<16xf32>
      %swap3A_1486 = arith.index_cast %add3A_1469 : i32 to index
      %swap3A_1487 = tpu.vector_load %arg18[%swap3A_1486] {strides = array<i32>} : memref<5120xf32, #tpu.memory_space<vmem>>, vector<16xf32>,
      tpu.vector_store %arg18[%swap3A_1486], %mul3A_1485 {strides = array<i32>} : memref<5120xf32, #tpu.memory_space<vmem>>, vector<16xf32>,
      %add3A_1488 = arith.addf %mul3A_1464, %mul3A_1464 : vector<16xf32>
      %sub3A_1489 = arith.subf %mul3A_1463, %add3A_831 : vector<16xf32>
      %mul3A_1490 = arith.mulf %add3A_1488, %sub3A_1489 : vector<16xf32>
      %swap3A_1491 = arith.index_cast %add3A_1469 : i32 to index
      %swap3A_1492 = tpu.vector_load %arg19[%swap3A_1491] {strides = array<i32>} : memref<5120xf32, #tpu.memory_space<vmem>>, vector<16xf32>,
      tpu.vector_store %arg19[%swap3A_1491], %mul3A_1490 {strides = array<i32>} : memref<5120xf32, #tpu.memory_space<vmem>>, vector<16xf32>,
      %mul3A_1493 = arith.mulf %mul3A_1464, %add3A_831 : vector<16xf32>
      %swap3A_1494 = arith.index_cast %add3A_1469 : i32 to index
      %swap3A_1495 = tpu.vector_load %arg20[%swap3A_1494] {strides = array<i32>} : memref<5120xf32, #tpu.memory_space<vmem>>, vector<16xf32>,
      tpu.vector_store %arg20[%swap3A_1494], %mul3A_1493 {strides = array<i32>} : memref<5120xf32, #tpu.memory_space<vmem>>, vector<16xf32>,
      %sub3A_1496 = arith.subf %sub3A_224, %sub3A_210 : vector<16xf32>
      %sub3A_1497 = arith.subf %sub3A_475, %sub3A_461 : vector<16xf32>
      %div3A_1498 = arith.constant 1.000000e+00 : f32
      %div3A_1499 = vector.broadcast %div3A_1498 : f32 to vector<16xf32>
      %div3A_1500 = arith.divf %div3A_1499, %sub3A_1496 : vector<16xf32>
      %mul3A_1501 = arith.mulf %sub3A_1497, %div3A_1500 : vector<16xf32>
      %mul3A_1502 = arith.mulf %mul3A_1501, %mul3A_1501 : vector<16xf32>
      %add3A_1503 = arith.addf %add3A_909, %add3A_987 : vector<16xf32>
      %add3A_1504 = arith.addf %mul3A_1501, %mul3A_1501 : vector<16xf32>
      %sub3A_1505 = arith.subf %add3A_1503, %add3A_1504 : vector<16xf32>
      %add3A_1506 = arith.constant 2048 : i32
      %add3A_1507 = arith.addi %add3A_1506, %mul3A_42 : i32
      %swap3A_1508 = arith.index_cast %add3A_1507 : i32 to index
      %swap3A_1509 = tpu.vector_load %arg12[%swap3A_1508] {strides = array<i32>} : memref<5120xf32, #tpu.memory_space<vmem>>, vector<16xf32>,
      tpu.vector_store %arg12[%swap3A_1508], %div3A_1500 {strides = array<i32>} : memref<5120xf32, #tpu.memory_space<vmem>>, vector<16xf32>,
      %swap3A_1510 = arith.index_cast %add3A_1507 : i32 to index
      %swap3A_1511 = tpu.vector_load %arg13[%swap3A_1510] {strides = array<i32>} : memref<5120xf32, #tpu.memory_space<vmem>>, vector<16xf32>,
      tpu.vector_store %arg13[%swap3A_1510], %sub3A_461 {strides = array<i32>} : memref<5120xf32, #tpu.memory_space<vmem>>, vector<16xf32>,
      %swap3A_1512 = arith.index_cast %add3A_1507 : i32 to index
      %swap3A_1513 = tpu.vector_load %arg14[%swap3A_1512] {strides = array<i32>} : memref<5120xf32, #tpu.memory_space<vmem>>, vector<16xf32>,
      tpu.vector_store %arg14[%swap3A_1512], %mul3A_1501 {strides = array<i32>} : memref<5120xf32, #tpu.memory_space<vmem>>, vector<16xf32>,
      %sub3A_1514 = arith.subf %mul3A_1501, %add3A_909 : vector<16xf32>
      %mul3A_1515 = arith.mulf %sub3A_1497, %sub3A_1514 : vector<16xf32>
      %swap3A_1516 = arith.index_cast %add3A_1507 : i32 to index
      %swap3A_1517 = tpu.vector_load %arg15[%swap3A_1516] {strides = array<i32>} : memref<5120xf32, #tpu.memory_space<vmem>>, vector<16xf32>,
      tpu.vector_store %arg15[%swap3A_1516], %mul3A_1515 {strides = array<i32>} : memref<5120xf32, #tpu.memory_space<vmem>>, vector<16xf32>,
      %mul3A_1518 = arith.mulf %sub3A_1497, %add3A_909 : vector<16xf32>
      %swap3A_1519 = arith.index_cast %add3A_1507 : i32 to index
      %swap3A_1520 = tpu.vector_load %arg16[%swap3A_1519] {strides = array<i32>} : memref<5120xf32, #tpu.memory_space<vmem>>, vector<16xf32>,
      tpu.vector_store %arg16[%swap3A_1519], %mul3A_1518 {strides = array<i32>} : memref<5120xf32, #tpu.memory_space<vmem>>, vector<16xf32>,
      %swap3A_1521 = arith.index_cast %add3A_1507 : i32 to index
      %swap3A_1522 = tpu.vector_load %arg17[%swap3A_1521] {strides = array<i32>} : memref<5120xf32, #tpu.memory_space<vmem>>, vector<16xf32>,
      tpu.vector_store %arg17[%swap3A_1521], %sub3A_1505 {strides = array<i32>} : memref<5120xf32, #tpu.memory_space<vmem>>, vector<16xf32>,
      %mul3A_1523 = arith.mulf %mul3A_1502, %sub3A_1505 : vector<16xf32>
      %swap3A_1524 = arith.index_cast %add3A_1507 : i32 to index
      %swap3A_1525 = tpu.vector_load %arg18[%swap3A_1524] {strides = array<i32>} : memref<5120xf32, #tpu.memory_space<vmem>>, vector<16xf32>,
      tpu.vector_store %arg18[%swap3A_1524], %mul3A_1523 {strides = array<i32>} : memref<5120xf32, #tpu.memory_space<vmem>>, vector<16xf32>,
      %add3A_1526 = arith.addf %mul3A_1502, %mul3A_1502 : vector<16xf32>
      %sub3A_1527 = arith.subf %mul3A_1501, %add3A_909 : vector<16xf32>
      %mul3A_1528 = arith.mulf %add3A_1526, %sub3A_1527 : vector<16xf32>
      %swap3A_1529 = arith.index_cast %add3A_1507 : i32 to index
      %swap3A_1530 = tpu.vector_load %arg19[%swap3A_1529] {strides = array<i32>} : memref<5120xf32, #tpu.memory_space<vmem>>, vector<16xf32>,
      tpu.vector_store %arg19[%swap3A_1529], %mul3A_1528 {strides = array<i32>} : memref<5120xf32, #tpu.memory_space<vmem>>, vector<16xf32>,
      %mul3A_1531 = arith.mulf %mul3A_1502, %add3A_909 : vector<16xf32>
      %swap3A_1532 = arith.index_cast %add3A_1507 : i32 to index
      %swap3A_1533 = tpu.vector_load %arg20[%swap3A_1532] {strides = array<i32>} : memref<5120xf32, #tpu.memory_space<vmem>>, vector<16xf32>,
      tpu.vector_store %arg20[%swap3A_1532], %mul3A_1531 {strides = array<i32>} : memref<5120xf32, #tpu.memory_space<vmem>>, vector<16xf32>,
      %sub3A_1534 = arith.subf %sub3A_238, %sub3A_224 : vector<16xf32>
      %sub3A_1535 = arith.subf %sub3A_489, %sub3A_475 : vector<16xf32>
      %div3A_1536 = arith.constant 1.000000e+00 : f32
      %div3A_1537 = vector.broadcast %div3A_1536 : f32 to vector<16xf32>
      %div3A_1538 = arith.divf %div3A_1537, %sub3A_1534 : vector<16xf32>
      %mul3A_1539 = arith.mulf %sub3A_1535, %div3A_1538 : vector<16xf32>
      %mul3A_1540 = arith.mulf %mul3A_1539, %mul3A_1539 : vector<16xf32>
      %add3A_1541 = arith.addf %add3A_987, %add3A_1065 : vector<16xf32>
      %add3A_1542 = arith.addf %mul3A_1539, %mul3A_1539 : vector<16xf32>
      %sub3A_1543 = arith.subf %add3A_1541, %add3A_1542 : vector<16xf32>
      %add3A_1544 = arith.constant 2560 : i32
      %add3A_1545 = arith.addi %add3A_1544, %mul3A_42 : i32
      %swap3A_1546 = arith.index_cast %add3A_1545 : i32 to index
      %swap3A_1547 = tpu.vector_load %arg12[%swap3A_1546] {strides = array<i32>} : memref<5120xf32, #tpu.memory_space<vmem>>, vector<16xf32>,
      tpu.vector_store %arg12[%swap3A_1546], %div3A_1538 {strides = array<i32>} : memref<5120xf32, #tpu.memory_space<vmem>>, vector<16xf32>,
      %swap3A_1548 = arith.index_cast %add3A_1545 : i32 to index
      %swap3A_1549 = tpu.vector_load %arg13[%swap3A_1548] {strides = array<i32>} : memref<5120xf32, #tpu.memory_space<vmem>>, vector<16xf32>,
      tpu.vector_store %arg13[%swap3A_1548], %sub3A_475 {strides = array<i32>} : memref<5120xf32, #tpu.memory_space<vmem>>, vector<16xf32>,
      %swap3A_1550 = arith.index_cast %add3A_1545 : i32 to index
      %swap3A_1551 = tpu.vector_load %arg14[%swap3A_1550] {strides = array<i32>} : memref<5120xf32, #tpu.memory_space<vmem>>, vector<16xf32>,
      tpu.vector_store %arg14[%swap3A_1550], %mul3A_1539 {strides = array<i32>} : memref<5120xf32, #tpu.memory_space<vmem>>, vector<16xf32>,
      %sub3A_1552 = arith.subf %mul3A_1539, %add3A_987 : vector<16xf32>
      %mul3A_1553 = arith.mulf %sub3A_1535, %sub3A_1552 : vector<16xf32>
      %swap3A_1554 = arith.index_cast %add3A_1545 : i32 to index
      %swap3A_1555 = tpu.vector_load %arg15[%swap3A_1554] {strides = array<i32>} : memref<5120xf32, #tpu.memory_space<vmem>>, vector<16xf32>,
      tpu.vector_store %arg15[%swap3A_1554], %mul3A_1553 {strides = array<i32>} : memref<5120xf32, #tpu.memory_space<vmem>>, vector<16xf32>,
      %mul3A_1556 = arith.mulf %sub3A_1535, %add3A_987 : vector<16xf32>
      %swap3A_1557 = arith.index_cast %add3A_1545 : i32 to index
      %swap3A_1558 = tpu.vector_load %arg16[%swap3A_1557] {strides = array<i32>} : memref<5120xf32, #tpu.memory_space<vmem>>, vector<16xf32>,
      tpu.vector_store %arg16[%swap3A_1557], %mul3A_1556 {strides = array<i32>} : memref<5120xf32, #tpu.memory_space<vmem>>, vector<16xf32>,
      %swap3A_1559 = arith.index_cast %add3A_1545 : i32 to index
      %swap3A_1560 = tpu.vector_load %arg17[%swap3A_1559] {strides = array<i32>} : memref<5120xf32, #tpu.memory_space<vmem>>, vector<16xf32>,
      tpu.vector_store %arg17[%swap3A_1559], %sub3A_1543 {strides = array<i32>} : memref<5120xf32, #tpu.memory_space<vmem>>, vector<16xf32>,
      %mul3A_1561 = arith.mulf %mul3A_1540, %sub3A_1543 : vector<16xf32>
      %swap3A_1562 = arith.index_cast %add3A_1545 : i32 to index
      %swap3A_1563 = tpu.vector_load %arg18[%swap3A_1562] {strides = array<i32>} : memref<5120xf32, #tpu.memory_space<vmem>>, vector<16xf32>,
      tpu.vector_store %arg18[%swap3A_1562], %mul3A_1561 {strides = array<i32>} : memref<5120xf32, #tpu.memory_space<vmem>>, vector<16xf32>,
      %add3A_1564 = arith.addf %mul3A_1540, %mul3A_1540 : vector<16xf32>
      %sub3A_1565 = arith.subf %mul3A_1539, %add3A_987 : vector<16xf32>
      %mul3A_1566 = arith.mulf %add3A_1564, %sub3A_1565 : vector<16xf32>
      %swap3A_1567 = arith.index_cast %add3A_1545 : i32 to index
      %swap3A_1568 = tpu.vector_load %arg19[%swap3A_1567] {strides = array<i32>} : memref<5120xf32, #tpu.memory_space<vmem>>, vector<16xf32>,
      tpu.vector_store %arg19[%swap3A_1567], %mul3A_1566 {strides = array<i32>} : memref<5120xf32, #tpu.memory_space<vmem>>, vector<16xf32>,
      %mul3A_1569 = arith.mulf %mul3A_1540, %add3A_987 : vector<16xf32>
      %swap3A_1570 = arith.index_cast %add3A_1545 : i32 to index
      %swap3A_1571 = tpu.vector_load %arg20[%swap3A_1570] {strides = array<i32>} : memref<5120xf32, #tpu.memory_space<vmem>>, vector<16xf32>,
      tpu.vector_store %arg20[%swap3A_1570], %mul3A_1569 {strides = array<i32>} : memref<5120xf32, #tpu.memory_space<vmem>>, vector<16xf32>,
      %sub3A_1572 = arith.subf %sub3A_252, %sub3A_238 : vector<16xf32>
      %sub3A_1573 = arith.subf %sub3A_503, %sub3A_489 : vector<16xf32>
      %div3A_1574 = arith.constant 1.000000e+00 : f32
      %div3A_1575 = vector.broadcast %div3A_1574 : f32 to vector<16xf32>
      %div3A_1576 = arith.divf %div3A_1575, %sub3A_1572 : vector<16xf32>
      %mul3A_1577 = arith.mulf %sub3A_1573, %div3A_1576 : vector<16xf32>
      %mul3A_1578 = arith.mulf %mul3A_1577, %mul3A_1577 : vector<16xf32>
      %add3A_1579 = arith.addf %add3A_1065, %add3A_1143 : vector<16xf32>
      %add3A_1580 = arith.addf %mul3A_1577, %mul3A_1577 : vector<16xf32>
      %sub3A_1581 = arith.subf %add3A_1579, %add3A_1580 : vector<16xf32>
      %add3A_1582 = arith.constant 3072 : i32
      %add3A_1583 = arith.addi %add3A_1582, %mul3A_42 : i32
      %swap3A_1584 = arith.index_cast %add3A_1583 : i32 to index
      %swap3A_1585 = tpu.vector_load %arg12[%swap3A_1584] {strides = array<i32>} : memref<5120xf32, #tpu.memory_space<vmem>>, vector<16xf32>,
      tpu.vector_store %arg12[%swap3A_1584], %div3A_1576 {strides = array<i32>} : memref<5120xf32, #tpu.memory_space<vmem>>, vector<16xf32>,
      %swap3A_1586 = arith.index_cast %add3A_1583 : i32 to index
      %swap3A_1587 = tpu.vector_load %arg13[%swap3A_1586] {strides = array<i32>} : memref<5120xf32, #tpu.memory_space<vmem>>, vector<16xf32>,
      tpu.vector_store %arg13[%swap3A_1586], %sub3A_489 {strides = array<i32>} : memref<5120xf32, #tpu.memory_space<vmem>>, vector<16xf32>,
      %swap3A_1588 = arith.index_cast %add3A_1583 : i32 to index
      %swap3A_1589 = tpu.vector_load %arg14[%swap3A_1588] {strides = array<i32>} : memref<5120xf32, #tpu.memory_space<vmem>>, vector<16xf32>,
      tpu.vector_store %arg14[%swap3A_1588], %mul3A_1577 {strides = array<i32>} : memref<5120xf32, #tpu.memory_space<vmem>>, vector<16xf32>,
      %sub3A_1590 = arith.subf %mul3A_1577, %add3A_1065 : vector<16xf32>
      %mul3A_1591 = arith.mulf %sub3A_1573, %sub3A_1590 : vector<16xf32>
      %swap3A_1592 = arith.index_cast %add3A_1583 : i32 to index
      %swap3A_1593 = tpu.vector_load %arg15[%swap3A_1592] {strides = array<i32>} : memref<5120xf32, #tpu.memory_space<vmem>>, vector<16xf32>,
      tpu.vector_store %arg15[%swap3A_1592], %mul3A_1591 {strides = array<i32>} : memref<5120xf32, #tpu.memory_space<vmem>>, vector<16xf32>,
      %mul3A_1594 = arith.mulf %sub3A_1573, %add3A_1065 : vector<16xf32>
      %swap3A_1595 = arith.index_cast %add3A_1583 : i32 to index
      %swap3A_1596 = tpu.vector_load %arg16[%swap3A_1595] {strides = array<i32>} : memref<5120xf32, #tpu.memory_space<vmem>>, vector<16xf32>,
      tpu.vector_store %arg16[%swap3A_1595], %mul3A_1594 {strides = array<i32>} : memref<5120xf32, #tpu.memory_space<vmem>>, vector<16xf32>,
      %swap3A_1597 = arith.index_cast %add3A_1583 : i32 to index
      %swap3A_1598 = tpu.vector_load %arg17[%swap3A_1597] {strides = array<i32>} : memref<5120xf32, #tpu.memory_space<vmem>>, vector<16xf32>,
      tpu.vector_store %arg17[%swap3A_1597], %sub3A_1581 {strides = array<i32>} : memref<5120xf32, #tpu.memory_space<vmem>>, vector<16xf32>,
      %mul3A_1599 = arith.mulf %mul3A_1578, %sub3A_1581 : vector<16xf32>
      %swap3A_1600 = arith.index_cast %add3A_1583 : i32 to index
      %swap3A_1601 = tpu.vector_load %arg18[%swap3A_1600] {strides = array<i32>} : memref<5120xf32, #tpu.memory_space<vmem>>, vector<16xf32>,
      tpu.vector_store %arg18[%swap3A_1600], %mul3A_1599 {strides = array<i32>} : memref<5120xf32, #tpu.memory_space<vmem>>, vector<16xf32>,
      %add3A_1602 = arith.addf %mul3A_1578, %mul3A_1578 : vector<16xf32>
      %sub3A_1603 = arith.subf %mul3A_1577, %add3A_1065 : vector<16xf32>
      %mul3A_1604 = arith.mulf %add3A_1602, %sub3A_1603 : vector<16xf32>
      %swap3A_1605 = arith.index_cast %add3A_1583 : i32 to index
      %swap3A_1606 = tpu.vector_load %arg19[%swap3A_1605] {strides = array<i32>} : memref<5120xf32, #tpu.memory_space<vmem>>, vector<16xf32>,
      tpu.vector_store %arg19[%swap3A_1605], %mul3A_1604 {strides = array<i32>} : memref<5120xf32, #tpu.memory_space<vmem>>, vector<16xf32>,
      %mul3A_1607 = arith.mulf %mul3A_1578, %add3A_1065 : vector<16xf32>
      %swap3A_1608 = arith.index_cast %add3A_1583 : i32 to index
      %swap3A_1609 = tpu.vector_load %arg20[%swap3A_1608] {strides = array<i32>} : memref<5120xf32, #tpu.memory_space<vmem>>, vector<16xf32>,
      tpu.vector_store %arg20[%swap3A_1608], %mul3A_1607 {strides = array<i32>} : memref<5120xf32, #tpu.memory_space<vmem>>, vector<16xf32>,
      %sub3A_1610 = arith.subf %sub3A_266, %sub3A_252 : vector<16xf32>
      %sub3A_1611 = arith.subf %sub3A_517, %sub3A_503 : vector<16xf32>
      %div3A_1612 = arith.constant 1.000000e+00 : f32
      %div3A_1613 = vector.broadcast %div3A_1612 : f32 to vector<16xf32>
      %div3A_1614 = arith.divf %div3A_1613, %sub3A_1610 : vector<16xf32>
      %mul3A_1615 = arith.mulf %sub3A_1611, %div3A_1614 : vector<16xf32>
      %mul3A_1616 = arith.mulf %mul3A_1615, %mul3A_1615 : vector<16xf32>
      %add3A_1617 = arith.addf %add3A_1143, %add3A_1221 : vector<16xf32>
      %add3A_1618 = arith.addf %mul3A_1615, %mul3A_1615 : vector<16xf32>
      %sub3A_1619 = arith.subf %add3A_1617, %add3A_1618 : vector<16xf32>
      %add3A_1620 = arith.constant 3584 : i32
      %add3A_1621 = arith.addi %add3A_1620, %mul3A_42 : i32
      %swap3A_1622 = arith.index_cast %add3A_1621 : i32 to index
      %swap3A_1623 = tpu.vector_load %arg12[%swap3A_1622] {strides = array<i32>} : memref<5120xf32, #tpu.memory_space<vmem>>, vector<16xf32>,
      tpu.vector_store %arg12[%swap3A_1622], %div3A_1614 {strides = array<i32>} : memref<5120xf32, #tpu.memory_space<vmem>>, vector<16xf32>,
      %swap3A_1624 = arith.index_cast %add3A_1621 : i32 to index
      %swap3A_1625 = tpu.vector_load %arg13[%swap3A_1624] {strides = array<i32>} : memref<5120xf32, #tpu.memory_space<vmem>>, vector<16xf32>,
      tpu.vector_store %arg13[%swap3A_1624], %sub3A_503 {strides = array<i32>} : memref<5120xf32, #tpu.memory_space<vmem>>, vector<16xf32>,
      %swap3A_1626 = arith.index_cast %add3A_1621 : i32 to index
      %swap3A_1627 = tpu.vector_load %arg14[%swap3A_1626] {strides = array<i32>} : memref<5120xf32, #tpu.memory_space<vmem>>, vector<16xf32>,
      tpu.vector_store %arg14[%swap3A_1626], %mul3A_1615 {strides = array<i32>} : memref<5120xf32, #tpu.memory_space<vmem>>, vector<16xf32>,
      %sub3A_1628 = arith.subf %mul3A_1615, %add3A_1143 : vector<16xf32>
      %mul3A_1629 = arith.mulf %sub3A_1611, %sub3A_1628 : vector<16xf32>
      %swap3A_1630 = arith.index_cast %add3A_1621 : i32 to index
      %swap3A_1631 = tpu.vector_load %arg15[%swap3A_1630] {strides = array<i32>} : memref<5120xf32, #tpu.memory_space<vmem>>, vector<16xf32>,
      tpu.vector_store %arg15[%swap3A_1630], %mul3A_1629 {strides = array<i32>} : memref<5120xf32, #tpu.memory_space<vmem>>, vector<16xf32>,
      %mul3A_1632 = arith.mulf %sub3A_1611, %add3A_1143 : vector<16xf32>
      %swap3A_1633 = arith.index_cast %add3A_1621 : i32 to index
      %swap3A_1634 = tpu.vector_load %arg16[%swap3A_1633] {strides = array<i32>} : memref<5120xf32, #tpu.memory_space<vmem>>, vector<16xf32>,
      tpu.vector_store %arg16[%swap3A_1633], %mul3A_1632 {strides = array<i32>} : memref<5120xf32, #tpu.memory_space<vmem>>, vector<16xf32>,
      %swap3A_1635 = arith.index_cast %add3A_1621 : i32 to index
      %swap3A_1636 = tpu.vector_load %arg17[%swap3A_1635] {strides = array<i32>} : memref<5120xf32, #tpu.memory_space<vmem>>, vector<16xf32>,
      tpu.vector_store %arg17[%swap3A_1635], %sub3A_1619 {strides = array<i32>} : memref<5120xf32, #tpu.memory_space<vmem>>, vector<16xf32>,
      %mul3A_1637 = arith.mulf %mul3A_1616, %sub3A_1619 : vector<16xf32>
      %swap3A_1638 = arith.index_cast %add3A_1621 : i32 to index
      %swap3A_1639 = tpu.vector_load %arg18[%swap3A_1638] {strides = array<i32>} : memref<5120xf32, #tpu.memory_space<vmem>>, vector<16xf32>,
      tpu.vector_store %arg18[%swap3A_1638], %mul3A_1637 {strides = array<i32>} : memref<5120xf32, #tpu.memory_space<vmem>>, vector<16xf32>,
      %add3A_1640 = arith.addf %mul3A_1616, %mul3A_1616 : vector<16xf32>
      %sub3A_1641 = arith.subf %mul3A_1615, %add3A_1143 : vector<16xf32>
      %mul3A_1642 = arith.mulf %add3A_1640, %sub3A_1641 : vector<16xf32>
      %swap3A_1643 = arith.index_cast %add3A_1621 : i32 to index
      %swap3A_1644 = tpu.vector_load %arg19[%swap3A_1643] {strides = array<i32>} : memref<5120xf32, #tpu.memory_space<vmem>>, vector<16xf32>,
      tpu.vector_store %arg19[%swap3A_1643], %mul3A_1642 {strides = array<i32>} : memref<5120xf32, #tpu.memory_space<vmem>>, vector<16xf32>,
      %mul3A_1645 = arith.mulf %mul3A_1616, %add3A_1143 : vector<16xf32>
      %swap3A_1646 = arith.index_cast %add3A_1621 : i32 to index
      %swap3A_1647 = tpu.vector_load %arg20[%swap3A_1646] {strides = array<i32>} : memref<5120xf32, #tpu.memory_space<vmem>>, vector<16xf32>,
      tpu.vector_store %arg20[%swap3A_1646], %mul3A_1645 {strides = array<i32>} : memref<5120xf32, #tpu.memory_space<vmem>>, vector<16xf32>,
      %sub3A_1648 = arith.subf %sub3A_280, %sub3A_266 : vector<16xf32>
      %sub3A_1649 = arith.subf %sub3A_531, %sub3A_517 : vector<16xf32>
      %div3A_1650 = arith.constant 1.000000e+00 : f32
      %div3A_1651 = vector.broadcast %div3A_1650 : f32 to vector<16xf32>
      %div3A_1652 = arith.divf %div3A_1651, %sub3A_1648 : vector<16xf32>
      %mul3A_1653 = arith.mulf %sub3A_1649, %div3A_1652 : vector<16xf32>
      %mul3A_1654 = arith.mulf %mul3A_1653, %mul3A_1653 : vector<16xf32>
      %add3A_1655 = arith.addf %add3A_1221, %add3A_1299 : vector<16xf32>
      %add3A_1656 = arith.addf %mul3A_1653, %mul3A_1653 : vector<16xf32>
      %sub3A_1657 = arith.subf %add3A_1655, %add3A_1656 : vector<16xf32>
      %add3A_1658 = arith.constant 4096 : i32
      %add3A_1659 = arith.addi %add3A_1658, %mul3A_42 : i32
      %swap3A_1660 = arith.index_cast %add3A_1659 : i32 to index
      %swap3A_1661 = tpu.vector_load %arg12[%swap3A_1660] {strides = array<i32>} : memref<5120xf32, #tpu.memory_space<vmem>>, vector<16xf32>,
      tpu.vector_store %arg12[%swap3A_1660], %div3A_1652 {strides = array<i32>} : memref<5120xf32, #tpu.memory_space<vmem>>, vector<16xf32>,
      %swap3A_1662 = arith.index_cast %add3A_1659 : i32 to index
      %swap3A_1663 = tpu.vector_load %arg13[%swap3A_1662] {strides = array<i32>} : memref<5120xf32, #tpu.memory_space<vmem>>, vector<16xf32>,
      tpu.vector_store %arg13[%swap3A_1662], %sub3A_517 {strides = array<i32>} : memref<5120xf32, #tpu.memory_space<vmem>>, vector<16xf32>,
      %swap3A_1664 = arith.index_cast %add3A_1659 : i32 to index
      %swap3A_1665 = tpu.vector_load %arg14[%swap3A_1664] {strides = array<i32>} : memref<5120xf32, #tpu.memory_space<vmem>>, vector<16xf32>,
      tpu.vector_store %arg14[%swap3A_1664], %mul3A_1653 {strides = array<i32>} : memref<5120xf32, #tpu.memory_space<vmem>>, vector<16xf32>,
      %sub3A_1666 = arith.subf %mul3A_1653, %add3A_1221 : vector<16xf32>
      %mul3A_1667 = arith.mulf %sub3A_1649, %sub3A_1666 : vector<16xf32>
      %swap3A_1668 = arith.index_cast %add3A_1659 : i32 to index
      %swap3A_1669 = tpu.vector_load %arg15[%swap3A_1668] {strides = array<i32>} : memref<5120xf32, #tpu.memory_space<vmem>>, vector<16xf32>,
      tpu.vector_store %arg15[%swap3A_1668], %mul3A_1667 {strides = array<i32>} : memref<5120xf32, #tpu.memory_space<vmem>>, vector<16xf32>,
      %mul3A_1670 = arith.mulf %sub3A_1649, %add3A_1221 : vector<16xf32>
      %swap3A_1671 = arith.index_cast %add3A_1659 : i32 to index
      %swap3A_1672 = tpu.vector_load %arg16[%swap3A_1671] {strides = array<i32>} : memref<5120xf32, #tpu.memory_space<vmem>>, vector<16xf32>,
      tpu.vector_store %arg16[%swap3A_1671], %mul3A_1670 {strides = array<i32>} : memref<5120xf32, #tpu.memory_space<vmem>>, vector<16xf32>,
      %swap3A_1673 = arith.index_cast %add3A_1659 : i32 to index
      %swap3A_1674 = tpu.vector_load %arg17[%swap3A_1673] {strides = array<i32>} : memref<5120xf32, #tpu.memory_space<vmem>>, vector<16xf32>,
      tpu.vector_store %arg17[%swap3A_1673], %sub3A_1657 {strides = array<i32>} : memref<5120xf32, #tpu.memory_space<vmem>>, vector<16xf32>,
      %mul3A_1675 = arith.mulf %mul3A_1654, %sub3A_1657 : vector<16xf32>
      %swap3A_1676 = arith.index_cast %add3A_1659 : i32 to index
      %swap3A_1677 = tpu.vector_load %arg18[%swap3A_1676] {strides = array<i32>} : memref<5120xf32, #tpu.memory_space<vmem>>, vector<16xf32>,
      tpu.vector_store %arg18[%swap3A_1676], %mul3A_1675 {strides = array<i32>} : memref<5120xf32, #tpu.memory_space<vmem>>, vector<16xf32>,
      %add3A_1678 = arith.addf %mul3A_1654, %mul3A_1654 : vector<16xf32>
      %sub3A_1679 = arith.subf %mul3A_1653, %add3A_1221 : vector<16xf32>
      %mul3A_1680 = arith.mulf %add3A_1678, %sub3A_1679 : vector<16xf32>
      %swap3A_1681 = arith.index_cast %add3A_1659 : i32 to index
      %swap3A_1682 = tpu.vector_load %arg19[%swap3A_1681] {strides = array<i32>} : memref<5120xf32, #tpu.memory_space<vmem>>, vector<16xf32>,
      tpu.vector_store %arg19[%swap3A_1681], %mul3A_1680 {strides = array<i32>} : memref<5120xf32, #tpu.memory_space<vmem>>, vector<16xf32>,
      %mul3A_1683 = arith.mulf %mul3A_1654, %add3A_1221 : vector<16xf32>
      %swap3A_1684 = arith.index_cast %add3A_1659 : i32 to index
      %swap3A_1685 = tpu.vector_load %arg20[%swap3A_1684] {strides = array<i32>} : memref<5120xf32, #tpu.memory_space<vmem>>, vector<16xf32>,
      tpu.vector_store %arg20[%swap3A_1684], %mul3A_1683 {strides = array<i32>} : memref<5120xf32, #tpu.memory_space<vmem>>, vector<16xf32>,
      %sub3A_1686 = arith.subf %broadcast_in_dim3A_290, %sub3A_280 : vector<16xf32>
      %sub3A_1687 = arith.subf %broadcast_in_dim3A_541, %sub3A_531 : vector<16xf32>
      %div3A_1688 = arith.constant 1.000000e+00 : f32
      %div3A_1689 = vector.broadcast %div3A_1688 : f32 to vector<16xf32>
      %div3A_1690 = arith.divf %div3A_1689, %sub3A_1686 : vector<16xf32>
      %mul3A_1691 = arith.mulf %sub3A_1687, %div3A_1690 : vector<16xf32>
      %mul3A_1692 = arith.mulf %mul3A_1691, %mul3A_1691 : vector<16xf32>
      %add3A_1693 = arith.addf %add3A_1299, %broadcast_in_dim3A_606 : vector<16xf32>
      %add3A_1694 = arith.addf %mul3A_1691, %mul3A_1691 : vector<16xf32>
      %sub3A_1695 = arith.subf %add3A_1693, %add3A_1694 : vector<16xf32>
      %add3A_1696 = arith.constant 4608 : i32
      %add3A_1697 = arith.addi %add3A_1696, %mul3A_42 : i32
      %swap3A_1698 = arith.index_cast %add3A_1697 : i32 to index
      %swap3A_1699 = tpu.vector_load %arg12[%swap3A_1698] {strides = array<i32>} : memref<5120xf32, #tpu.memory_space<vmem>>, vector<16xf32>,
      tpu.vector_store %arg12[%swap3A_1698], %div3A_1690 {strides = array<i32>} : memref<5120xf32, #tpu.memory_space<vmem>>, vector<16xf32>,
      %swap3A_1700 = arith.index_cast %add3A_1697 : i32 to index
      %swap3A_1701 = tpu.vector_load %arg13[%swap3A_1700] {strides = array<i32>} : memref<5120xf32, #tpu.memory_space<vmem>>, vector<16xf32>,
      tpu.vector_store %arg13[%swap3A_1700], %sub3A_531 {strides = array<i32>} : memref<5120xf32, #tpu.memory_space<vmem>>, vector<16xf32>,
      %swap3A_1702 = arith.index_cast %add3A_1697 : i32 to index
      %swap3A_1703 = tpu.vector_load %arg14[%swap3A_1702] {strides = array<i32>} : memref<5120xf32, #tpu.memory_space<vmem>>, vector<16xf32>,
      tpu.vector_store %arg14[%swap3A_1702], %mul3A_1691 {strides = array<i32>} : memref<5120xf32, #tpu.memory_space<vmem>>, vector<16xf32>,
      %sub3A_1704 = arith.subf %mul3A_1691, %add3A_1299 : vector<16xf32>
      %mul3A_1705 = arith.mulf %sub3A_1687, %sub3A_1704 : vector<16xf32>
      %swap3A_1706 = arith.index_cast %add3A_1697 : i32 to index
      %swap3A_1707 = tpu.vector_load %arg15[%swap3A_1706] {strides = array<i32>} : memref<5120xf32, #tpu.memory_space<vmem>>, vector<16xf32>,
      tpu.vector_store %arg15[%swap3A_1706], %mul3A_1705 {strides = array<i32>} : memref<5120xf32, #tpu.memory_space<vmem>>, vector<16xf32>,
      %mul3A_1708 = arith.mulf %sub3A_1687, %add3A_1299 : vector<16xf32>
      %swap3A_1709 = arith.index_cast %add3A_1697 : i32 to index
      %swap3A_1710 = tpu.vector_load %arg16[%swap3A_1709] {strides = array<i32>} : memref<5120xf32, #tpu.memory_space<vmem>>, vector<16xf32>,
      tpu.vector_store %arg16[%swap3A_1709], %mul3A_1708 {strides = array<i32>} : memref<5120xf32, #tpu.memory_space<vmem>>, vector<16xf32>,
      %swap3A_1711 = arith.index_cast %add3A_1697 : i32 to index
      %swap3A_1712 = tpu.vector_load %arg17[%swap3A_1711] {strides = array<i32>} : memref<5120xf32, #tpu.memory_space<vmem>>, vector<16xf32>,
      tpu.vector_store %arg17[%swap3A_1711], %sub3A_1695 {strides = array<i32>} : memref<5120xf32, #tpu.memory_space<vmem>>, vector<16xf32>,
      %mul3A_1713 = arith.mulf %mul3A_1692, %sub3A_1695 : vector<16xf32>
      %swap3A_1714 = arith.index_cast %add3A_1697 : i32 to index
      %swap3A_1715 = tpu.vector_load %arg18[%swap3A_1714] {strides = array<i32>} : memref<5120xf32, #tpu.memory_space<vmem>>, vector<16xf32>,
      tpu.vector_store %arg18[%swap3A_1714], %mul3A_1713 {strides = array<i32>} : memref<5120xf32, #tpu.memory_space<vmem>>, vector<16xf32>,
      %add3A_1716 = arith.addf %mul3A_1692, %mul3A_1692 : vector<16xf32>
      %sub3A_1717 = arith.subf %mul3A_1691, %add3A_1299 : vector<16xf32>
      %mul3A_1718 = arith.mulf %add3A_1716, %sub3A_1717 : vector<16xf32>
      %swap3A_1719 = arith.index_cast %add3A_1697 : i32 to index
      %swap3A_1720 = tpu.vector_load %arg19[%swap3A_1719] {strides = array<i32>} : memref<5120xf32, #tpu.memory_space<vmem>>, vector<16xf32>,
      tpu.vector_store %arg19[%swap3A_1719], %mul3A_1718 {strides = array<i32>} : memref<5120xf32, #tpu.memory_space<vmem>>, vector<16xf32>,
      %mul3A_1721 = arith.mulf %mul3A_1692, %add3A_1299 : vector<16xf32>
      %swap3A_1722 = arith.index_cast %add3A_1697 : i32 to index
      %swap3A_1723 = tpu.vector_load %arg20[%swap3A_1722] {strides = array<i32>} : memref<5120xf32, #tpu.memory_space<vmem>>, vector<16xf32>,
      tpu.vector_store %arg20[%swap3A_1722], %mul3A_1721 {strides = array<i32>} : memref<5120xf32, #tpu.memory_space<vmem>>, vector<16xf32>,
      %scan3A_1724 = arith.constant 0 : i32
      scf.yield %scan3A_1724 : i32
    }
    %scan3A_9 = arith.constant 32 : i32
    %add3A_10 = arith.constant 0 : i32
    %add3A_11 = arith.addi %mul3A_2, %add3A_10 : i32
    %dma_start3A = arith.constant 0 : i32
    %dma_start3A_12 = tpu.memref_slice %arg2[%add3A_11, %dma_start3A] : memref<8192x512xf32, #tpu.memory_space<hbm>> -> memref<16x512xf32, #tpu.memory_space<hbm>>
    %dma_start3A_13 = arith.constant 0 : i32
    %dma_start3A_14 = tpu.memref_slice %arg2[%add3A_11, %dma_start3A_13] : memref<8192x512xf32, #tpu.memory_space<hbm>> -> memref<16x512xf32, #tpu.memory_space<hbm>>
    tpu.enqueue_dma source(%dma_start3A_14 : memref<16x512xf32, #tpu.memory_space<hbm>>) target(%arg22 : memref<16x512xf32, #tpu.memory_space<vmem>>) target_semaphore(%arg28 : memref<!tpu.dma_semaphore, #tpu.memory_space<semaphore_mem>>)
    %add3A_15 = arith.constant 16 : i32
    %add3A_16 = arith.addi %mul3A_2, %add3A_15 : i32
    %dma_start3A_17 = arith.constant 0 : i32
    %dma_start3A_18 = tpu.memref_slice %arg2[%add3A_16, %dma_start3A_17] : memref<8192x512xf32, #tpu.memory_space<hbm>> -> memref<16x512xf32, #tpu.memory_space<hbm>>
    %dma_start3A_19 = arith.constant 0 : i32
    %dma_start3A_20 = tpu.memref_slice %arg2[%add3A_16, %dma_start3A_19] : memref<8192x512xf32, #tpu.memory_space<hbm>> -> memref<16x512xf32, #tpu.memory_space<hbm>>
    tpu.enqueue_dma source(%dma_start3A_20 : memref<16x512xf32, #tpu.memory_space<hbm>>) target(%arg23 : memref<16x512xf32, #tpu.memory_space<vmem>>) target_semaphore(%arg29 : memref<!tpu.dma_semaphore, #tpu.memory_space<semaphore_mem>>)
    %scan3A_21 = arith.constant 0 : i32
    %scan3A_22 = arith.constant 0 : i32
    %scan3A_23 = arith.constant 8 : i32
    %scan3A_24 = arith.addi %scan3A_22, %scan3A_23 : i32
    %scan3A_25 = arith.constant 1 : i32
    %scan3A_26 = scf.for %scan3A_39 = %scan3A_22 to %scan3A_24 step %scan3A_25 iter_args(%scan3A_40 = %scan3A_21) -> (i32)  : i32 {
      %mul3A_41 = arith.constant 2 : i32
      %mul3A_42 = arith.muli %scan3A_39, %mul3A_41 : i32
      %add3A_43 = arith.constant 1 : i32
      %add3A_44 = arith.addi %mul3A_42, %add3A_43 : i32
      %mul3A_45 = arith.constant 16 : i32
      %mul3A_46 = arith.muli %mul3A_42, %mul3A_45 : i32
      %add3A_47 = arith.addi %mul3A_2, %mul3A_46 : i32
      %dma_wait3A_48 = arith.constant 0 : i32
      %dma_wait3A_49 = tpu.memref_slice %arg2[%add3A_47, %dma_wait3A_48] : memref<8192x512xf32, #tpu.memory_space<hbm>> -> memref<16x512xf32, #tpu.memory_space<hbm>>
      %dma_wait3A_50 = arith.constant 0 : i32
      %dma_wait3A_51 = tpu.memref_slice %arg2[%add3A_47, %dma_wait3A_50] : memref<8192x512xf32, #tpu.memory_space<hbm>> -> memref<16x512xf32, #tpu.memory_space<hbm>>
      tpu.wait_dma2 semaphore(%arg28 : memref<!tpu.dma_semaphore, #tpu.memory_space<semaphore_mem>>) src(%dma_wait3A_51 : memref<16x512xf32, #tpu.memory_space<hbm>>) dst(%arg22 : memref<16x512xf32, #tpu.memory_space<vmem>>)
      %gt3A = arith.constant 0 : i32
      %gt3A_52 = arith.cmpi sgt, %scan3A_39, %gt3A : i32
      %convert_element_type3A = arith.extui %gt3A_52 : i1 to i32
      %cond3A = arith.constant 0 : i32
      %cond3A_53 = arith.cmpi ne, %convert_element_type3A, %cond3A : i32
      scf.if %cond3A_53 {
        %mul3A_271 = arith.constant 16 : i32
        %mul3A_272 = arith.muli %mul3A_42, %mul3A_271 : i32
        %add3A_273 = arith.addi %mul3A_2, %mul3A_272 : i32
        %dma_wait3A_274 = arith.constant 0 : i32
        %dma_wait3A_275 = tpu.memref_slice %arg6[%add3A_273, %dma_wait3A_274] : memref<8192x512xf32, #tpu.memory_space<hbm>> -> memref<16x512xf32, #tpu.memory_space<hbm>>
        %dma_wait3A_276 = arith.constant 0 : i32
        %dma_wait3A_277 = tpu.memref_slice %arg6[%add3A_273, %dma_wait3A_276] : memref<8192x512xf32, #tpu.memory_space<hbm>> -> memref<16x512xf32, #tpu.memory_space<hbm>>
        tpu.wait_dma2 semaphore(%arg30 : memref<!tpu.dma_semaphore, #tpu.memory_space<semaphore_mem>>) src(%arg24 : memref<16x512xf32, #tpu.memory_space<vmem>>) dst(%dma_wait3A_277 : memref<16x512xf32, #tpu.memory_space<hbm>>)
      } else {
      }
      %scan3A_54 = arith.constant 0 : i32
      %scan3A_55 = arith.constant 0 : i32
      %scan3A_56 = arith.constant 16 : i32
      %scan3A_57 = arith.addi %scan3A_55, %scan3A_56 : i32
      %scan3A_58 = arith.constant 1 : i32
      %scan3A_59 = scf.for %scan3A_271 = %scan3A_55 to %scan3A_57 step %scan3A_58 iter_args(%scan3A_272 = %scan3A_54) -> (i32)  : i32 {
        %broadcast_in_dim3A_273 = arith.constant 0 : i32
        %broadcast_in_dim3A_274 = vector.broadcast %broadcast_in_dim3A_273 : i32 to vector<16xi32>
        %broadcast_in_dim3A_275 = arith.constant 1.000000e+00 : f32
        %broadcast_in_dim3A_276 = vector.broadcast %broadcast_in_dim3A_275 : f32 to vector<16xf32>
        %parallel_loop3A = arith.constant 0 : i32
        %parallel_loop3A_277 = arith.constant 32 : i32
        %parallel_loop3A_278 = arith.constant 1 : i32
        %parallel_loop3A_279:2 = scf.for %parallel_loop3A_341 = %parallel_loop3A to %parallel_loop3A_277 step %parallel_loop3A_278 iter_args(%parallel_loop3A_342 = %broadcast_in_dim3A_274, %parallel_loop3A_343 = %broadcast_in_dim3A_276) -> (vector<16xi32>, vector<16xf32>)  : i32 {
          %parallel_loop3A_344 = arith.constant 16 : i32
          %parallel_loop3A_345 = arith.muli %parallel_loop3A_341, %parallel_loop3A_344 : i32
          %parallel_loop3A_346 = arith.index_cast %scan3A_271 : i32 to index
          %parallel_loop3A_347 = arith.index_cast %parallel_loop3A_345 : i32 to index
          %parallel_loop3A_348 = tpu.vector_load %arg22[%parallel_loop3A_346, %parallel_loop3A_347] {strides = array<i32>} : memref<16x512xf32, #tpu.memory_space<vmem>>, vector<16xf32>,
          %parallel_loop3A_349 = arith.constant -1.000000e+01 : f32
          %parallel_loop3A_350 = vector.broadcast %parallel_loop3A_349 : f32 to vector<16xf32>
          %parallel_loop3A_351 = arith.maximumf %parallel_loop3A_348, %parallel_loop3A_350 : vector<16xf32>
          %parallel_loop3A_352 = arith.constant 1.000000e+01 : f32
          %parallel_loop3A_353 = vector.broadcast %parallel_loop3A_352 : f32 to vector<16xf32>
          %parallel_loop3A_354 = arith.minimumf %parallel_loop3A_351, %parallel_loop3A_353 : vector<16xf32>
          %parallel_loop3A_355 = vector.broadcast %parallel_loop3A_345 : i32 to vector<16xi32>
          %parallel_loop3A_356 = arith.addi %iota3A, %parallel_loop3A_355 : vector<16xi32>
          %parallel_loop3A_357 = arith.constant 3584 : i32
          %parallel_loop3A_358 = arith.addi %parallel_loop3A_357, %parallel_loop3A_345 : i32
          %parallel_loop3A_359 = arith.index_cast %parallel_loop3A_358 : i32 to index
          %parallel_loop3A_360 = tpu.vector_load %arg21[%parallel_loop3A_359] {strides = array<i32>} : memref<8192xf32, #tpu.memory_space<vmem>>, vector<16xf32>,
          %parallel_loop3A_361 = arith.cmpf oge, %parallel_loop3A_354, %parallel_loop3A_360 : vector<16xf32>
          %parallel_loop3A_362 = arith.constant 4096 : i32
          %parallel_loop3A_363 = arith.constant 0 : i32
          %parallel_loop3A_364 = vector.broadcast %parallel_loop3A_362 : i32 to vector<16xi32>
          %parallel_loop3A_365 = vector.broadcast %parallel_loop3A_363 : i32 to vector<16xi32>
          %parallel_loop3A_366 = arith.select %parallel_loop3A_361, %parallel_loop3A_364, %parallel_loop3A_365 : vector<16xi1>, vector<16xi32>
          %parallel_loop3A_367 = arith.addi %parallel_loop3A_356, %parallel_loop3A_366 : vector<16xi32>
          %parallel_loop3A_368 = arith.constant 1536 : i32
          %parallel_loop3A_369 = vector.broadcast %parallel_loop3A_368 : i32 to vector<16xi32>
          %parallel_loop3A_370 = arith.addi %parallel_loop3A_367, %parallel_loop3A_369 : vector<16xi32>
          %parallel_loop3A_371 = tpu.vector_load_idx %arg21[%parallel_loop3A_370] : memref<8192xf32, #tpu.memory_space<vmem>>[vector<16xi32>], vector<16xf32>,
          %parallel_loop3A_372 = arith.cmpf oge, %parallel_loop3A_354, %parallel_loop3A_371 : vector<16xf32>
          %parallel_loop3A_373 = arith.constant 2048 : i32
          %parallel_loop3A_374 = arith.constant 0 : i32
          %parallel_loop3A_375 = vector.broadcast %parallel_loop3A_373 : i32 to vector<16xi32>
          %parallel_loop3A_376 = vector.broadcast %parallel_loop3A_374 : i32 to vector<16xi32>
          %parallel_loop3A_377 = arith.select %parallel_loop3A_372, %parallel_loop3A_375, %parallel_loop3A_376 : vector<16xi1>, vector<16xi32>
          %parallel_loop3A_378 = arith.addi %parallel_loop3A_367, %parallel_loop3A_377 : vector<16xi32>
          %parallel_loop3A_379 = arith.constant 512 : i32
          %parallel_loop3A_380 = vector.broadcast %parallel_loop3A_379 : i32 to vector<16xi32>
          %parallel_loop3A_381 = arith.addi %parallel_loop3A_378, %parallel_loop3A_380 : vector<16xi32>
          %parallel_loop3A_382 = tpu.vector_load_idx %arg21[%parallel_loop3A_381] : memref<8192xf32, #tpu.memory_space<vmem>>[vector<16xi32>], vector<16xf32>,
          %parallel_loop3A_383 = arith.cmpf oge, %parallel_loop3A_354, %parallel_loop3A_382 : vector<16xf32>
          %parallel_loop3A_384 = arith.constant 1024 : i32
          %parallel_loop3A_385 = arith.constant 0 : i32
          %parallel_loop3A_386 = vector.broadcast %parallel_loop3A_384 : i32 to vector<16xi32>
          %parallel_loop3A_387 = vector.broadcast %parallel_loop3A_385 : i32 to vector<16xi32>
          %parallel_loop3A_388 = arith.select %parallel_loop3A_383, %parallel_loop3A_386, %parallel_loop3A_387 : vector<16xi1>, vector<16xi32>
          %parallel_loop3A_389 = arith.addi %parallel_loop3A_378, %parallel_loop3A_388 : vector<16xi32>
          %parallel_loop3A_390 = tpu.vector_load_idx %arg21[%parallel_loop3A_389] : memref<8192xf32, #tpu.memory_space<vmem>>[vector<16xi32>], vector<16xf32>,
          %parallel_loop3A_391 = arith.cmpf oge, %parallel_loop3A_354, %parallel_loop3A_390 : vector<16xf32>
          %parallel_loop3A_392 = arith.constant 512 : i32
          %parallel_loop3A_393 = arith.constant 0 : i32
          %parallel_loop3A_394 = vector.broadcast %parallel_loop3A_392 : i32 to vector<16xi32>
          %parallel_loop3A_395 = vector.broadcast %parallel_loop3A_393 : i32 to vector<16xi32>
          %parallel_loop3A_396 = arith.select %parallel_loop3A_391, %parallel_loop3A_394, %parallel_loop3A_395 : vector<16xi1>, vector<16xi32>
          %parallel_loop3A_397 = arith.addi %parallel_loop3A_389, %parallel_loop3A_396 : vector<16xi32>
          %parallel_loop3A_398 = tpu.vector_load_idx %arg11[%parallel_loop3A_397] : memref<5632xf32, #tpu.memory_space<vmem>>[vector<16xi32>], vector<16xf32>,
          %parallel_loop3A_399 = tpu.vector_load_idx %arg12[%parallel_loop3A_397] : memref<5120xf32, #tpu.memory_space<vmem>>[vector<16xi32>], vector<16xf32>,
          %parallel_loop3A_400 = tpu.vector_load_idx %arg13[%parallel_loop3A_397] : memref<5120xf32, #tpu.memory_space<vmem>>[vector<16xi32>], vector<16xf32>,
          %parallel_loop3A_401 = tpu.vector_load_idx %arg14[%parallel_loop3A_397] : memref<5120xf32, #tpu.memory_space<vmem>>[vector<16xi32>], vector<16xf32>,
          %parallel_loop3A_402 = tpu.vector_load_idx %arg15[%parallel_loop3A_397] : memref<5120xf32, #tpu.memory_space<vmem>>[vector<16xi32>], vector<16xf32>,
          %parallel_loop3A_403 = tpu.vector_load_idx %arg16[%parallel_loop3A_397] : memref<5120xf32, #tpu.memory_space<vmem>>[vector<16xi32>], vector<16xf32>,
          %parallel_loop3A_404 = tpu.vector_load_idx %arg17[%parallel_loop3A_397] : memref<5120xf32, #tpu.memory_space<vmem>>[vector<16xi32>], vector<16xf32>,
          %parallel_loop3A_405 = tpu.vector_load_idx %arg18[%parallel_loop3A_397] : memref<5120xf32, #tpu.memory_space<vmem>>[vector<16xi32>], vector<16xf32>,
          %parallel_loop3A_406 = tpu.vector_load_idx %arg19[%parallel_loop3A_397] : memref<5120xf32, #tpu.memory_space<vmem>>[vector<16xi32>], vector<16xf32>,
          %parallel_loop3A_407 = tpu.vector_load_idx %arg20[%parallel_loop3A_397] : memref<5120xf32, #tpu.memory_space<vmem>>[vector<16xi32>], vector<16xf32>,
          %parallel_loop3A_408 = arith.subf %parallel_loop3A_354, %parallel_loop3A_398 : vector<16xf32>
          %parallel_loop3A_409 = arith.mulf %parallel_loop3A_408, %parallel_loop3A_399 : vector<16xf32>
          %parallel_loop3A_410 = arith.mulf %parallel_loop3A_409, %parallel_loop3A_409 : vector<16xf32>
          %parallel_loop3A_411 = arith.subf %parallel_loop3A_409, %parallel_loop3A_410 : vector<16xf32>
          %parallel_loop3A_412 = arith.mulf %parallel_loop3A_402, %parallel_loop3A_409 : vector<16xf32>
          %parallel_loop3A_413 = arith.addf %parallel_loop3A_412, %parallel_loop3A_403 : vector<16xf32>
          %parallel_loop3A_414 = arith.mulf %parallel_loop3A_413, %parallel_loop3A_409 : vector<16xf32>
          %parallel_loop3A_415 = arith.mulf %parallel_loop3A_404, %parallel_loop3A_411 : vector<16xf32>
          %parallel_loop3A_416 = arith.addf %parallel_loop3A_415, %parallel_loop3A_401 : vector<16xf32>
          %parallel_loop3A_417 = arith.constant 1.000000e+00 : f32
          %parallel_loop3A_418 = vector.broadcast %parallel_loop3A_417 : f32 to vector<16xf32>
          %parallel_loop3A_419 = arith.divf %parallel_loop3A_418, %parallel_loop3A_416 : vector<16xf32>
          %parallel_loop3A_420 = arith.mulf %parallel_loop3A_414, %parallel_loop3A_419 : vector<16xf32>
          %parallel_loop3A_421 = arith.addf %parallel_loop3A_400, %parallel_loop3A_420 : vector<16xf32>
          %parallel_loop3A_422 = arith.mulf %parallel_loop3A_405, %parallel_loop3A_409 : vector<16xf32>
          %parallel_loop3A_423 = arith.addf %parallel_loop3A_422, %parallel_loop3A_406 : vector<16xf32>
          %parallel_loop3A_424 = arith.mulf %parallel_loop3A_423, %parallel_loop3A_409 : vector<16xf32>
          %parallel_loop3A_425 = arith.addf %parallel_loop3A_424, %parallel_loop3A_407 : vector<16xf32>
          %parallel_loop3A_426 = arith.mulf %parallel_loop3A_425, %parallel_loop3A_419 : vector<16xf32>
          %parallel_loop3A_427 = arith.mulf %parallel_loop3A_426, %parallel_loop3A_419 : vector<16xf32>
          %parallel_loop3A_428 = math.absf %parallel_loop3A_348 : vector<16xf32>
          %parallel_loop3A_429 = arith.constant 1.000000e+01 : f32
          %parallel_loop3A_430 = vector.broadcast %parallel_loop3A_429 : f32 to vector<16xf32>
          %parallel_loop3A_431 = arith.cmpf ole, %parallel_loop3A_428, %parallel_loop3A_430 : vector<16xf32>
          %parallel_loop3A_432 = arith.select %parallel_loop3A_431, %parallel_loop3A_421, %parallel_loop3A_348 : vector<16xi1>, vector<16xf32>
          %parallel_loop3A_433 = arith.index_cast %scan3A_271 : i32 to index
          %parallel_loop3A_434 = arith.index_cast %parallel_loop3A_345 : i32 to index
          %parallel_loop3A_435 = tpu.vector_load %arg24[%parallel_loop3A_433, %parallel_loop3A_434] {strides = array<i32>} : memref<16x512xf32, #tpu.memory_space<vmem>>, vector<16xf32>,
          tpu.vector_store %arg24[%parallel_loop3A_433, %parallel_loop3A_434], %parallel_loop3A_432 {strides = array<i32>} : memref<16x512xf32, #tpu.memory_space<vmem>>, vector<16xf32>,
          %parallel_loop3A_436 = vector.bitcast %parallel_loop3A_427 : vector<16xf32> to vector<16xi32>
          %parallel_loop3A_437 = arith.constant 8388607 : i32
          %parallel_loop3A_438 = vector.broadcast %parallel_loop3A_437 : i32 to vector<16xi32>
          %parallel_loop3A_439 = arith.andi %parallel_loop3A_436, %parallel_loop3A_438 : vector<16xi32>
          %parallel_loop3A_440 = arith.constant 1065353216 : i32
          %parallel_loop3A_441 = vector.broadcast %parallel_loop3A_440 : i32 to vector<16xi32>
          %parallel_loop3A_442 = arith.ori %parallel_loop3A_439, %parallel_loop3A_441 : vector<16xi32>
          %parallel_loop3A_443 = vector.bitcast %parallel_loop3A_442 : vector<16xi32> to vector<16xf32>
          %parallel_loop3A_444 = arith.constant 23 : i32
          %parallel_loop3A_445 = vector.broadcast %parallel_loop3A_444 : i32 to vector<16xi32>
          %parallel_loop3A_446 = arith.shrsi %parallel_loop3A_436, %parallel_loop3A_445 : vector<16xi32>
          %parallel_loop3A_447 = arith.constant 127 : i32
          %parallel_loop3A_448 = vector.broadcast %parallel_loop3A_447 : i32 to vector<16xi32>
          %parallel_loop3A_449 = arith.select %parallel_loop3A_431, %parallel_loop3A_446, %parallel_loop3A_448 : vector<16xi1>, vector<16xi32>
          %parallel_loop3A_450 = arith.addi %parallel_loop3A_342, %parallel_loop3A_449 : vector<16xi32>
          %parallel_loop3A_451 = arith.constant 1.000000e+00 : f32
          %parallel_loop3A_452 = vector.broadcast %parallel_loop3A_451 : f32 to vector<16xf32>
          %parallel_loop3A_453 = arith.select %parallel_loop3A_431, %parallel_loop3A_443, %parallel_loop3A_452 : vector<16xi1>, vector<16xf32>
          %parallel_loop3A_454 = arith.mulf %parallel_loop3A_343, %parallel_loop3A_453 : vector<16xf32>
          scf.yield %parallel_loop3A_450, %parallel_loop3A_454 : vector<16xi32>, vector<16xf32>
        } {sc.loop_unroll_factor = 2 : i64, sc.parallel_access}
        %bitcast3A = vector.bitcast %parallel_loop3A_279#1 : vector<16xf32> to vector<16xi32>
        %shift_right_arithmetic3A = arith.constant 23 : i32
        %shift_right_arithmetic3A_280 = vector.broadcast %shift_right_arithmetic3A : i32 to vector<16xi32>
        %shift_right_arithmetic3A_281 = arith.shrsi %bitcast3A, %shift_right_arithmetic3A_280 : vector<16xi32>
        %sub3A = arith.constant 127 : i32
        %sub3A_282 = vector.broadcast %sub3A : i32 to vector<16xi32>
        %sub3A_283 = arith.subi %shift_right_arithmetic3A_281, %sub3A_282 : vector<16xi32>
        %and3A = arith.constant 8388607 : i32
        %and3A_284 = vector.broadcast %and3A : i32 to vector<16xi32>
        %and3A_285 = arith.andi %bitcast3A, %and3A_284 : vector<16xi32>
        %or3A = arith.constant 1065353216 : i32
        %or3A_286 = vector.broadcast %or3A : i32 to vector<16xi32>
        %or3A_287 = arith.ori %and3A_285, %or3A_286 : vector<16xi32>
        %bitcast3A_288 = vector.bitcast %or3A_287 : vector<16xi32> to vector<16xf32>
        %ge3A = arith.constant 1.41421354 : f32
        %ge3A_289 = vector.broadcast %ge3A : f32 to vector<16xf32>
        %ge3A_290 = arith.cmpf oge, %bitcast3A_288, %ge3A_289 : vector<16xf32>
        %mul3A_291 = arith.constant 5.000000e-01 : f32
        %mul3A_292 = vector.broadcast %mul3A_291 : f32 to vector<16xf32>
        %mul3A_293 = arith.mulf %bitcast3A_288, %mul3A_292 : vector<16xf32>
        %select_n3A = arith.select %ge3A_290, %mul3A_293, %bitcast3A_288 : vector<16xi1>, vector<16xf32>
        %add3A_294 = arith.constant 1 : i32
        %add3A_295 = vector.broadcast %add3A_294 : i32 to vector<16xi32>
        %add3A_296 = arith.addi %sub3A_283, %add3A_295 : vector<16xi32>
        %select_n3A_297 = arith.select %ge3A_290, %add3A_296, %sub3A_283 : vector<16xi1>, vector<16xi32>
        %sub3A_298 = arith.constant 1.000000e+00 : f32
        %sub3A_299 = vector.broadcast %sub3A_298 : f32 to vector<16xf32>
        %sub3A_300 = arith.subf %select_n3A, %sub3A_299 : vector<16xf32>
        %add3A_301 = arith.constant 1.000000e+00 : f32
        %add3A_302 = vector.broadcast %add3A_301 : f32 to vector<16xf32>
        %add3A_303 = arith.addf %select_n3A, %add3A_302 : vector<16xf32>
        %div3A = arith.divf %sub3A_300, %add3A_303 : vector<16xf32>
        %mul3A_304 = arith.mulf %div3A, %div3A : vector<16xf32>
        %mul3A_305 = arith.constant 0.142857149 : f32
        %mul3A_306 = vector.broadcast %mul3A_305 : f32 to vector<16xf32>
        %mul3A_307 = arith.mulf %mul3A_304, %mul3A_306 : vector<16xf32>
        %add3A_308 = arith.constant 2.000000e-01 : f32
        %add3A_309 = vector.broadcast %add3A_308 : f32 to vector<16xf32>
        %add3A_310 = arith.addf %add3A_309, %mul3A_307 : vector<16xf32>
        %mul3A_311 = arith.mulf %mul3A_304, %add3A_310 : vector<16xf32>
        %add3A_312 = arith.constant 0.333333343 : f32
        %add3A_313 = vector.broadcast %add3A_312 : f32 to vector<16xf32>
        %add3A_314 = arith.addf %add3A_313, %mul3A_311 : vector<16xf32>
        %mul3A_315 = arith.mulf %mul3A_304, %add3A_314 : vector<16xf32>
        %add3A_316 = arith.constant 1.000000e+00 : f32
        %add3A_317 = vector.broadcast %add3A_316 : f32 to vector<16xf32>
        %add3A_318 = arith.addf %add3A_317, %mul3A_315 : vector<16xf32>
        %convert_element_type3A_319 = arith.sitofp %select_n3A_297 : vector<16xi32> to vector<16xf32>
        %mul3A_320 = arith.constant 0.693147182 : f32
        %mul3A_321 = vector.broadcast %mul3A_320 : f32 to vector<16xf32>
        %mul3A_322 = arith.mulf %convert_element_type3A_319, %mul3A_321 : vector<16xf32>
        %mul3A_323 = arith.constant 2.000000e+00 : f32
        %mul3A_324 = vector.broadcast %mul3A_323 : f32 to vector<16xf32>
        %mul3A_325 = arith.mulf %mul3A_324, %div3A : vector<16xf32>
        %mul3A_326 = arith.mulf %mul3A_325, %add3A_318 : vector<16xf32>
        %add3A_327 = arith.addf %mul3A_322, %mul3A_326 : vector<16xf32>
        %convert_element_type3A_328 = arith.sitofp %parallel_loop3A_279#0 : vector<16xi32> to vector<16xf32>
        %sub3A_329 = arith.constant 4.064000e+03 : f32
        %sub3A_330 = vector.broadcast %sub3A_329 : f32 to vector<16xf32>
        %sub3A_331 = arith.subf %convert_element_type3A_328, %sub3A_330 : vector<16xf32>
        %mul3A_332 = arith.constant 0.693147182 : f32
        %mul3A_333 = vector.broadcast %mul3A_332 : f32 to vector<16xf32>
        %mul3A_334 = arith.mulf %sub3A_331, %mul3A_333 : vector<16xf32>
        %add3A_335 = arith.addf %add3A_327, %mul3A_334 : vector<16xf32>
        %mul3A_336 = arith.constant 16 : i32
        %mul3A_337 = arith.muli %scan3A_271, %mul3A_336 : i32
        %swap3A_338 = arith.index_cast %mul3A_337 : i32 to index
        %swap3A_339 = tpu.vector_load %arg26[%swap3A_338] {strides = array<i32>} : memref<256xf32, #tpu.memory_space<vmem>>, vector<16xf32>,
        tpu.vector_store %arg26[%swap3A_338], %add3A_335 {strides = array<i32>} : memref<256xf32, #tpu.memory_space<vmem>>, vector<16xf32>,
        %scan3A_340 = arith.constant 0 : i32
        scf.yield %scan3A_340 : i32
      }
      %scan3A_60 = arith.constant 16 : i32
      %shift_left3A = arith.constant 4 : i32
      %shift_left3A_61 = vector.broadcast %shift_left3A : i32 to vector<16xi32>
      %shift_left3A_62 = arith.shli %iota3A, %shift_left3A_61 : vector<16xi32>
      %gather3A = tpu.vector_load_idx %arg26[%shift_left3A_62] : memref<256xf32, #tpu.memory_space<vmem>>[vector<16xi32>], vector<16xf32>,
      %add3A_63 = arith.constant 1 : i32
      %add3A_64 = vector.broadcast %add3A_63 : i32 to vector<16xi32>
      %add3A_65 = arith.addi %shift_left3A_62, %add3A_64 : vector<16xi32>
      %gather3A_66 = tpu.vector_load_idx %arg26[%add3A_65] : memref<256xf32, #tpu.memory_space<vmem>>[vector<16xi32>], vector<16xf32>,
      %add3A_67 = arith.addf %gather3A, %gather3A_66 : vector<16xf32>
      %add3A_68 = arith.constant 2 : i32
      %add3A_69 = vector.broadcast %add3A_68 : i32 to vector<16xi32>
      %add3A_70 = arith.addi %shift_left3A_62, %add3A_69 : vector<16xi32>
      %gather3A_71 = tpu.vector_load_idx %arg26[%add3A_70] : memref<256xf32, #tpu.memory_space<vmem>>[vector<16xi32>], vector<16xf32>,
      %add3A_72 = arith.addf %add3A_67, %gather3A_71 : vector<16xf32>
      %add3A_73 = arith.constant 3 : i32
      %add3A_74 = vector.broadcast %add3A_73 : i32 to vector<16xi32>
      %add3A_75 = arith.addi %shift_left3A_62, %add3A_74 : vector<16xi32>
      %gather3A_76 = tpu.vector_load_idx %arg26[%add3A_75] : memref<256xf32, #tpu.memory_space<vmem>>[vector<16xi32>], vector<16xf32>,
      %add3A_77 = arith.addf %add3A_72, %gather3A_76 : vector<16xf32>
      %add3A_78 = arith.constant 4 : i32
      %add3A_79 = vector.broadcast %add3A_78 : i32 to vector<16xi32>
      %add3A_80 = arith.addi %shift_left3A_62, %add3A_79 : vector<16xi32>
      %gather3A_81 = tpu.vector_load_idx %arg26[%add3A_80] : memref<256xf32, #tpu.memory_space<vmem>>[vector<16xi32>], vector<16xf32>,
      %add3A_82 = arith.addf %add3A_77, %gather3A_81 : vector<16xf32>
      %add3A_83 = arith.constant 5 : i32
      %add3A_84 = vector.broadcast %add3A_83 : i32 to vector<16xi32>
      %add3A_85 = arith.addi %shift_left3A_62, %add3A_84 : vector<16xi32>
      %gather3A_86 = tpu.vector_load_idx %arg26[%add3A_85] : memref<256xf32, #tpu.memory_space<vmem>>[vector<16xi32>], vector<16xf32>,
      %add3A_87 = arith.addf %add3A_82, %gather3A_86 : vector<16xf32>
      %add3A_88 = arith.constant 6 : i32
      %add3A_89 = vector.broadcast %add3A_88 : i32 to vector<16xi32>
      %add3A_90 = arith.addi %shift_left3A_62, %add3A_89 : vector<16xi32>
      %gather3A_91 = tpu.vector_load_idx %arg26[%add3A_90] : memref<256xf32, #tpu.memory_space<vmem>>[vector<16xi32>], vector<16xf32>,
      %add3A_92 = arith.addf %add3A_87, %gather3A_91 : vector<16xf32>
      %add3A_93 = arith.constant 7 : i32
      %add3A_94 = vector.broadcast %add3A_93 : i32 to vector<16xi32>
      %add3A_95 = arith.addi %shift_left3A_62, %add3A_94 : vector<16xi32>
      %gather3A_96 = tpu.vector_load_idx %arg26[%add3A_95] : memref<256xf32, #tpu.memory_space<vmem>>[vector<16xi32>], vector<16xf32>,
      %add3A_97 = arith.addf %add3A_92, %gather3A_96 : vector<16xf32>
      %add3A_98 = arith.constant 8 : i32
      %add3A_99 = vector.broadcast %add3A_98 : i32 to vector<16xi32>
      %add3A_100 = arith.addi %shift_left3A_62, %add3A_99 : vector<16xi32>
      %gather3A_101 = tpu.vector_load_idx %arg26[%add3A_100] : memref<256xf32, #tpu.memory_space<vmem>>[vector<16xi32>], vector<16xf32>,
      %add3A_102 = arith.addf %add3A_97, %gather3A_101 : vector<16xf32>
      %add3A_103 = arith.constant 9 : i32
      %add3A_104 = vector.broadcast %add3A_103 : i32 to vector<16xi32>
      %add3A_105 = arith.addi %shift_left3A_62, %add3A_104 : vector<16xi32>
      %gather3A_106 = tpu.vector_load_idx %arg26[%add3A_105] : memref<256xf32, #tpu.memory_space<vmem>>[vector<16xi32>], vector<16xf32>,
      %add3A_107 = arith.addf %add3A_102, %gather3A_106 : vector<16xf32>
      %add3A_108 = arith.constant 10 : i32
      %add3A_109 = vector.broadcast %add3A_108 : i32 to vector<16xi32>
      %add3A_110 = arith.addi %shift_left3A_62, %add3A_109 : vector<16xi32>
      %gather3A_111 = tpu.vector_load_idx %arg26[%add3A_110] : memref<256xf32, #tpu.memory_space<vmem>>[vector<16xi32>], vector<16xf32>,
      %add3A_112 = arith.addf %add3A_107, %gather3A_111 : vector<16xf32>
      %add3A_113 = arith.constant 11 : i32
      %add3A_114 = vector.broadcast %add3A_113 : i32 to vector<16xi32>
      %add3A_115 = arith.addi %shift_left3A_62, %add3A_114 : vector<16xi32>
      %gather3A_116 = tpu.vector_load_idx %arg26[%add3A_115] : memref<256xf32, #tpu.memory_space<vmem>>[vector<16xi32>], vector<16xf32>,
      %add3A_117 = arith.addf %add3A_112, %gather3A_116 : vector<16xf32>
      %add3A_118 = arith.constant 12 : i32
      %add3A_119 = vector.broadcast %add3A_118 : i32 to vector<16xi32>
      %add3A_120 = arith.addi %shift_left3A_62, %add3A_119 : vector<16xi32>
      %gather3A_121 = tpu.vector_load_idx %arg26[%add3A_120] : memref<256xf32, #tpu.memory_space<vmem>>[vector<16xi32>], vector<16xf32>,
      %add3A_122 = arith.addf %add3A_117, %gather3A_121 : vector<16xf32>
      %add3A_123 = arith.constant 13 : i32
      %add3A_124 = vector.broadcast %add3A_123 : i32 to vector<16xi32>
      %add3A_125 = arith.addi %shift_left3A_62, %add3A_124 : vector<16xi32>
      %gather3A_126 = tpu.vector_load_idx %arg26[%add3A_125] : memref<256xf32, #tpu.memory_space<vmem>>[vector<16xi32>], vector<16xf32>,
      %add3A_127 = arith.addf %add3A_122, %gather3A_126 : vector<16xf32>
      %add3A_128 = arith.constant 14 : i32
      %add3A_129 = vector.broadcast %add3A_128 : i32 to vector<16xi32>
      %add3A_130 = arith.addi %shift_left3A_62, %add3A_129 : vector<16xi32>
      %gather3A_131 = tpu.vector_load_idx %arg26[%add3A_130] : memref<256xf32, #tpu.memory_space<vmem>>[vector<16xi32>], vector<16xf32>,
      %add3A_132 = arith.addf %add3A_127, %gather3A_131 : vector<16xf32>
      %add3A_133 = arith.constant 15 : i32
      %add3A_134 = vector.broadcast %add3A_133 : i32 to vector<16xi32>
      %add3A_135 = arith.addi %shift_left3A_62, %add3A_134 : vector<16xi32>
      %gather3A_136 = tpu.vector_load_idx %arg26[%add3A_135] : memref<256xf32, #tpu.memory_space<vmem>>[vector<16xi32>], vector<16xf32>,
      %add3A_137 = arith.addf %add3A_132, %gather3A_136 : vector<16xf32>
      %mul3A_138 = arith.constant 16 : i32
      %mul3A_139 = arith.muli %mul3A_42, %mul3A_138 : i32
      %swap3A = arith.index_cast %mul3A_139 : i32 to index
      %swap3A_140 = tpu.vector_load %arg27[%swap3A] {strides = array<i32>} : memref<256xf32, #tpu.memory_space<vmem>>, vector<16xf32>,
      tpu.vector_store %arg27[%swap3A], %add3A_137 {strides = array<i32>} : memref<256xf32, #tpu.memory_space<vmem>>, vector<16xf32>,
      %mul3A_141 = arith.constant 16 : i32
      %mul3A_142 = arith.muli %mul3A_42, %mul3A_141 : i32
      %add3A_143 = arith.addi %mul3A_2, %mul3A_142 : i32
      %dma_start3A_144 = arith.constant 0 : i32
      %dma_start3A_145 = tpu.memref_slice %arg6[%add3A_143, %dma_start3A_144] : memref<8192x512xf32, #tpu.memory_space<hbm>> -> memref<16x512xf32, #tpu.memory_space<hbm>>
      %dma_start3A_146 = arith.constant 0 : i32
      %dma_start3A_147 = tpu.memref_slice %arg6[%add3A_143, %dma_start3A_146] : memref<8192x512xf32, #tpu.memory_space<hbm>> -> memref<16x512xf32, #tpu.memory_space<hbm>>
      tpu.enqueue_dma source(%arg24 : memref<16x512xf32, #tpu.memory_space<vmem>>) target(%dma_start3A_147 : memref<16x512xf32, #tpu.memory_space<hbm>>) target_semaphore(%arg30 : memref<!tpu.dma_semaphore, #tpu.memory_space<semaphore_mem>>)
      %add3A_148 = arith.constant 1 : i32
      %add3A_149 = arith.addi %scan3A_39, %add3A_148 : i32
      %lt3A = arith.constant 8 : i32
      %lt3A_150 = arith.cmpi slt, %add3A_149, %lt3A : i32
      %convert_element_type3A_151 = arith.extui %lt3A_150 : i1 to i32
      %cond3A_152 = arith.constant 0 : i32
      %cond3A_153 = arith.cmpi ne, %convert_element_type3A_151, %cond3A_152 : i32
      scf.if %cond3A_153 {
        %add3A_271 = arith.constant 2 : i32
        %add3A_272 = arith.addi %mul3A_42, %add3A_271 : i32
        %mul3A_273 = arith.constant 16 : i32
        %mul3A_274 = arith.muli %add3A_272, %mul3A_273 : i32
        %add3A_275 = arith.addi %mul3A_2, %mul3A_274 : i32
        %dma_start3A_276 = arith.constant 0 : i32
        %dma_start3A_277 = tpu.memref_slice %arg2[%add3A_275, %dma_start3A_276] : memref<8192x512xf32, #tpu.memory_space<hbm>> -> memref<16x512xf32, #tpu.memory_space<hbm>>
        %dma_start3A_278 = arith.constant 0 : i32
        %dma_start3A_279 = tpu.memref_slice %arg2[%add3A_275, %dma_start3A_278] : memref<8192x512xf32, #tpu.memory_space<hbm>> -> memref<16x512xf32, #tpu.memory_space<hbm>>
        tpu.enqueue_dma source(%dma_start3A_279 : memref<16x512xf32, #tpu.memory_space<hbm>>) target(%arg22 : memref<16x512xf32, #tpu.memory_space<vmem>>) target_semaphore(%arg28 : memref<!tpu.dma_semaphore, #tpu.memory_space<semaphore_mem>>)
      } else {
      }
      %mul3A_154 = arith.constant 16 : i32
      %mul3A_155 = arith.muli %add3A_44, %mul3A_154 : i32
      %add3A_156 = arith.addi %mul3A_2, %mul3A_155 : i32
      %dma_wait3A_157 = arith.constant 0 : i32
      %dma_wait3A_158 = tpu.memref_slice %arg2[%add3A_156, %dma_wait3A_157] : memref<8192x512xf32, #tpu.memory_space<hbm>> -> memref<16x512xf32, #tpu.memory_space<hbm>>
      %dma_wait3A_159 = arith.constant 0 : i32
      %dma_wait3A_160 = tpu.memref_slice %arg2[%add3A_156, %dma_wait3A_159] : memref<8192x512xf32, #tpu.memory_space<hbm>> -> memref<16x512xf32, #tpu.memory_space<hbm>>
      tpu.wait_dma2 semaphore(%arg29 : memref<!tpu.dma_semaphore, #tpu.memory_space<semaphore_mem>>) src(%dma_wait3A_160 : memref<16x512xf32, #tpu.memory_space<hbm>>) dst(%arg23 : memref<16x512xf32, #tpu.memory_space<vmem>>)
      %gt3A_161 = arith.constant 0 : i32
      %gt3A_162 = arith.cmpi sgt, %scan3A_39, %gt3A_161 : i32
      %convert_element_type3A_163 = arith.extui %gt3A_162 : i1 to i32
      %cond3A_164 = arith.constant 0 : i32
      %cond3A_165 = arith.cmpi ne, %convert_element_type3A_163, %cond3A_164 : i32
      scf.if %cond3A_165 {
        %mul3A_271 = arith.constant 16 : i32
        %mul3A_272 = arith.muli %add3A_44, %mul3A_271 : i32
        %add3A_273 = arith.addi %mul3A_2, %mul3A_272 : i32
        %dma_wait3A_274 = arith.constant 0 : i32
        %dma_wait3A_275 = tpu.memref_slice %arg6[%add3A_273, %dma_wait3A_274] : memref<8192x512xf32, #tpu.memory_space<hbm>> -> memref<16x512xf32, #tpu.memory_space<hbm>>
        %dma_wait3A_276 = arith.constant 0 : i32
        %dma_wait3A_277 = tpu.memref_slice %arg6[%add3A_273, %dma_wait3A_276] : memref<8192x512xf32, #tpu.memory_space<hbm>> -> memref<16x512xf32, #tpu.memory_space<hbm>>
        tpu.wait_dma2 semaphore(%arg31 : memref<!tpu.dma_semaphore, #tpu.memory_space<semaphore_mem>>) src(%arg25 : memref<16x512xf32, #tpu.memory_space<vmem>>) dst(%dma_wait3A_277 : memref<16x512xf32, #tpu.memory_space<hbm>>)
      } else {
      }
      %scan3A_166 = arith.constant 0 : i32
      %scan3A_167 = arith.constant 0 : i32
      %scan3A_168 = arith.constant 16 : i32
      %scan3A_169 = arith.addi %scan3A_167, %scan3A_168 : i32
      %scan3A_170 = arith.constant 1 : i32
      %scan3A_171 = scf.for %scan3A_271 = %scan3A_167 to %scan3A_169 step %scan3A_170 iter_args(%scan3A_272 = %scan3A_166) -> (i32)  : i32 {
        %broadcast_in_dim3A_273 = arith.constant 0 : i32
        %broadcast_in_dim3A_274 = vector.broadcast %broadcast_in_dim3A_273 : i32 to vector<16xi32>
        %broadcast_in_dim3A_275 = arith.constant 1.000000e+00 : f32
        %broadcast_in_dim3A_276 = vector.broadcast %broadcast_in_dim3A_275 : f32 to vector<16xf32>
        %parallel_loop3A = arith.constant 0 : i32
        %parallel_loop3A_277 = arith.constant 32 : i32
        %parallel_loop3A_278 = arith.constant 1 : i32
        %parallel_loop3A_279:2 = scf.for %parallel_loop3A_341 = %parallel_loop3A to %parallel_loop3A_277 step %parallel_loop3A_278 iter_args(%parallel_loop3A_342 = %broadcast_in_dim3A_274, %parallel_loop3A_343 = %broadcast_in_dim3A_276) -> (vector<16xi32>, vector<16xf32>)  : i32 {
          %parallel_loop3A_344 = arith.constant 16 : i32
          %parallel_loop3A_345 = arith.muli %parallel_loop3A_341, %parallel_loop3A_344 : i32
          %parallel_loop3A_346 = arith.index_cast %scan3A_271 : i32 to index
          %parallel_loop3A_347 = arith.index_cast %parallel_loop3A_345 : i32 to index
          %parallel_loop3A_348 = tpu.vector_load %arg23[%parallel_loop3A_346, %parallel_loop3A_347] {strides = array<i32>} : memref<16x512xf32, #tpu.memory_space<vmem>>, vector<16xf32>,
          %parallel_loop3A_349 = arith.constant -1.000000e+01 : f32
          %parallel_loop3A_350 = vector.broadcast %parallel_loop3A_349 : f32 to vector<16xf32>
          %parallel_loop3A_351 = arith.maximumf %parallel_loop3A_348, %parallel_loop3A_350 : vector<16xf32>
          %parallel_loop3A_352 = arith.constant 1.000000e+01 : f32
          %parallel_loop3A_353 = vector.broadcast %parallel_loop3A_352 : f32 to vector<16xf32>
          %parallel_loop3A_354 = arith.minimumf %parallel_loop3A_351, %parallel_loop3A_353 : vector<16xf32>
          %parallel_loop3A_355 = vector.broadcast %parallel_loop3A_345 : i32 to vector<16xi32>
          %parallel_loop3A_356 = arith.addi %iota3A, %parallel_loop3A_355 : vector<16xi32>
          %parallel_loop3A_357 = arith.constant 3584 : i32
          %parallel_loop3A_358 = arith.addi %parallel_loop3A_357, %parallel_loop3A_345 : i32
          %parallel_loop3A_359 = arith.index_cast %parallel_loop3A_358 : i32 to index
          %parallel_loop3A_360 = tpu.vector_load %arg21[%parallel_loop3A_359] {strides = array<i32>} : memref<8192xf32, #tpu.memory_space<vmem>>, vector<16xf32>,
          %parallel_loop3A_361 = arith.cmpf oge, %parallel_loop3A_354, %parallel_loop3A_360 : vector<16xf32>
          %parallel_loop3A_362 = arith.constant 4096 : i32
          %parallel_loop3A_363 = arith.constant 0 : i32
          %parallel_loop3A_364 = vector.broadcast %parallel_loop3A_362 : i32 to vector<16xi32>
          %parallel_loop3A_365 = vector.broadcast %parallel_loop3A_363 : i32 to vector<16xi32>
          %parallel_loop3A_366 = arith.select %parallel_loop3A_361, %parallel_loop3A_364, %parallel_loop3A_365 : vector<16xi1>, vector<16xi32>
          %parallel_loop3A_367 = arith.addi %parallel_loop3A_356, %parallel_loop3A_366 : vector<16xi32>
          %parallel_loop3A_368 = arith.constant 1536 : i32
          %parallel_loop3A_369 = vector.broadcast %parallel_loop3A_368 : i32 to vector<16xi32>
          %parallel_loop3A_370 = arith.addi %parallel_loop3A_367, %parallel_loop3A_369 : vector<16xi32>
          %parallel_loop3A_371 = tpu.vector_load_idx %arg21[%parallel_loop3A_370] : memref<8192xf32, #tpu.memory_space<vmem>>[vector<16xi32>], vector<16xf32>,
          %parallel_loop3A_372 = arith.cmpf oge, %parallel_loop3A_354, %parallel_loop3A_371 : vector<16xf32>
          %parallel_loop3A_373 = arith.constant 2048 : i32
          %parallel_loop3A_374 = arith.constant 0 : i32
          %parallel_loop3A_375 = vector.broadcast %parallel_loop3A_373 : i32 to vector<16xi32>
          %parallel_loop3A_376 = vector.broadcast %parallel_loop3A_374 : i32 to vector<16xi32>
          %parallel_loop3A_377 = arith.select %parallel_loop3A_372, %parallel_loop3A_375, %parallel_loop3A_376 : vector<16xi1>, vector<16xi32>
          %parallel_loop3A_378 = arith.addi %parallel_loop3A_367, %parallel_loop3A_377 : vector<16xi32>
          %parallel_loop3A_379 = arith.constant 512 : i32
          %parallel_loop3A_380 = vector.broadcast %parallel_loop3A_379 : i32 to vector<16xi32>
          %parallel_loop3A_381 = arith.addi %parallel_loop3A_378, %parallel_loop3A_380 : vector<16xi32>
          %parallel_loop3A_382 = tpu.vector_load_idx %arg21[%parallel_loop3A_381] : memref<8192xf32, #tpu.memory_space<vmem>>[vector<16xi32>], vector<16xf32>,
          %parallel_loop3A_383 = arith.cmpf oge, %parallel_loop3A_354, %parallel_loop3A_382 : vector<16xf32>
          %parallel_loop3A_384 = arith.constant 1024 : i32
          %parallel_loop3A_385 = arith.constant 0 : i32
          %parallel_loop3A_386 = vector.broadcast %parallel_loop3A_384 : i32 to vector<16xi32>
          %parallel_loop3A_387 = vector.broadcast %parallel_loop3A_385 : i32 to vector<16xi32>
          %parallel_loop3A_388 = arith.select %parallel_loop3A_383, %parallel_loop3A_386, %parallel_loop3A_387 : vector<16xi1>, vector<16xi32>
          %parallel_loop3A_389 = arith.addi %parallel_loop3A_378, %parallel_loop3A_388 : vector<16xi32>
          %parallel_loop3A_390 = tpu.vector_load_idx %arg21[%parallel_loop3A_389] : memref<8192xf32, #tpu.memory_space<vmem>>[vector<16xi32>], vector<16xf32>,
          %parallel_loop3A_391 = arith.cmpf oge, %parallel_loop3A_354, %parallel_loop3A_390 : vector<16xf32>
          %parallel_loop3A_392 = arith.constant 512 : i32
          %parallel_loop3A_393 = arith.constant 0 : i32
          %parallel_loop3A_394 = vector.broadcast %parallel_loop3A_392 : i32 to vector<16xi32>
          %parallel_loop3A_395 = vector.broadcast %parallel_loop3A_393 : i32 to vector<16xi32>
          %parallel_loop3A_396 = arith.select %parallel_loop3A_391, %parallel_loop3A_394, %parallel_loop3A_395 : vector<16xi1>, vector<16xi32>
          %parallel_loop3A_397 = arith.addi %parallel_loop3A_389, %parallel_loop3A_396 : vector<16xi32>
          %parallel_loop3A_398 = tpu.vector_load_idx %arg11[%parallel_loop3A_397] : memref<5632xf32, #tpu.memory_space<vmem>>[vector<16xi32>], vector<16xf32>,
          %parallel_loop3A_399 = tpu.vector_load_idx %arg12[%parallel_loop3A_397] : memref<5120xf32, #tpu.memory_space<vmem>>[vector<16xi32>], vector<16xf32>,
          %parallel_loop3A_400 = tpu.vector_load_idx %arg13[%parallel_loop3A_397] : memref<5120xf32, #tpu.memory_space<vmem>>[vector<16xi32>], vector<16xf32>,
          %parallel_loop3A_401 = tpu.vector_load_idx %arg14[%parallel_loop3A_397] : memref<5120xf32, #tpu.memory_space<vmem>>[vector<16xi32>], vector<16xf32>,
          %parallel_loop3A_402 = tpu.vector_load_idx %arg15[%parallel_loop3A_397] : memref<5120xf32, #tpu.memory_space<vmem>>[vector<16xi32>], vector<16xf32>,
          %parallel_loop3A_403 = tpu.vector_load_idx %arg16[%parallel_loop3A_397] : memref<5120xf32, #tpu.memory_space<vmem>>[vector<16xi32>], vector<16xf32>,
          %parallel_loop3A_404 = tpu.vector_load_idx %arg17[%parallel_loop3A_397] : memref<5120xf32, #tpu.memory_space<vmem>>[vector<16xi32>], vector<16xf32>,
          %parallel_loop3A_405 = tpu.vector_load_idx %arg18[%parallel_loop3A_397] : memref<5120xf32, #tpu.memory_space<vmem>>[vector<16xi32>], vector<16xf32>,
          %parallel_loop3A_406 = tpu.vector_load_idx %arg19[%parallel_loop3A_397] : memref<5120xf32, #tpu.memory_space<vmem>>[vector<16xi32>], vector<16xf32>,
          %parallel_loop3A_407 = tpu.vector_load_idx %arg20[%parallel_loop3A_397] : memref<5120xf32, #tpu.memory_space<vmem>>[vector<16xi32>], vector<16xf32>,
          %parallel_loop3A_408 = arith.subf %parallel_loop3A_354, %parallel_loop3A_398 : vector<16xf32>
          %parallel_loop3A_409 = arith.mulf %parallel_loop3A_408, %parallel_loop3A_399 : vector<16xf32>
          %parallel_loop3A_410 = arith.mulf %parallel_loop3A_409, %parallel_loop3A_409 : vector<16xf32>
          %parallel_loop3A_411 = arith.subf %parallel_loop3A_409, %parallel_loop3A_410 : vector<16xf32>
          %parallel_loop3A_412 = arith.mulf %parallel_loop3A_402, %parallel_loop3A_409 : vector<16xf32>
          %parallel_loop3A_413 = arith.addf %parallel_loop3A_412, %parallel_loop3A_403 : vector<16xf32>
          %parallel_loop3A_414 = arith.mulf %parallel_loop3A_413, %parallel_loop3A_409 : vector<16xf32>
          %parallel_loop3A_415 = arith.mulf %parallel_loop3A_404, %parallel_loop3A_411 : vector<16xf32>
          %parallel_loop3A_416 = arith.addf %parallel_loop3A_415, %parallel_loop3A_401 : vector<16xf32>
          %parallel_loop3A_417 = arith.constant 1.000000e+00 : f32
          %parallel_loop3A_418 = vector.broadcast %parallel_loop3A_417 : f32 to vector<16xf32>
          %parallel_loop3A_419 = arith.divf %parallel_loop3A_418, %parallel_loop3A_416 : vector<16xf32>
          %parallel_loop3A_420 = arith.mulf %parallel_loop3A_414, %parallel_loop3A_419 : vector<16xf32>
          %parallel_loop3A_421 = arith.addf %parallel_loop3A_400, %parallel_loop3A_420 : vector<16xf32>
          %parallel_loop3A_422 = arith.mulf %parallel_loop3A_405, %parallel_loop3A_409 : vector<16xf32>
          %parallel_loop3A_423 = arith.addf %parallel_loop3A_422, %parallel_loop3A_406 : vector<16xf32>
          %parallel_loop3A_424 = arith.mulf %parallel_loop3A_423, %parallel_loop3A_409 : vector<16xf32>
          %parallel_loop3A_425 = arith.addf %parallel_loop3A_424, %parallel_loop3A_407 : vector<16xf32>
          %parallel_loop3A_426 = arith.mulf %parallel_loop3A_425, %parallel_loop3A_419 : vector<16xf32>
          %parallel_loop3A_427 = arith.mulf %parallel_loop3A_426, %parallel_loop3A_419 : vector<16xf32>
          %parallel_loop3A_428 = math.absf %parallel_loop3A_348 : vector<16xf32>
          %parallel_loop3A_429 = arith.constant 1.000000e+01 : f32
          %parallel_loop3A_430 = vector.broadcast %parallel_loop3A_429 : f32 to vector<16xf32>
          %parallel_loop3A_431 = arith.cmpf ole, %parallel_loop3A_428, %parallel_loop3A_430 : vector<16xf32>
          %parallel_loop3A_432 = arith.select %parallel_loop3A_431, %parallel_loop3A_421, %parallel_loop3A_348 : vector<16xi1>, vector<16xf32>
          %parallel_loop3A_433 = arith.index_cast %scan3A_271 : i32 to index
          %parallel_loop3A_434 = arith.index_cast %parallel_loop3A_345 : i32 to index
          %parallel_loop3A_435 = tpu.vector_load %arg25[%parallel_loop3A_433, %parallel_loop3A_434] {strides = array<i32>} : memref<16x512xf32, #tpu.memory_space<vmem>>, vector<16xf32>,
          tpu.vector_store %arg25[%parallel_loop3A_433, %parallel_loop3A_434], %parallel_loop3A_432 {strides = array<i32>} : memref<16x512xf32, #tpu.memory_space<vmem>>, vector<16xf32>,
          %parallel_loop3A_436 = vector.bitcast %parallel_loop3A_427 : vector<16xf32> to vector<16xi32>
          %parallel_loop3A_437 = arith.constant 8388607 : i32
          %parallel_loop3A_438 = vector.broadcast %parallel_loop3A_437 : i32 to vector<16xi32>
          %parallel_loop3A_439 = arith.andi %parallel_loop3A_436, %parallel_loop3A_438 : vector<16xi32>
          %parallel_loop3A_440 = arith.constant 1065353216 : i32
          %parallel_loop3A_441 = vector.broadcast %parallel_loop3A_440 : i32 to vector<16xi32>
          %parallel_loop3A_442 = arith.ori %parallel_loop3A_439, %parallel_loop3A_441 : vector<16xi32>
          %parallel_loop3A_443 = vector.bitcast %parallel_loop3A_442 : vector<16xi32> to vector<16xf32>
          %parallel_loop3A_444 = arith.constant 23 : i32
          %parallel_loop3A_445 = vector.broadcast %parallel_loop3A_444 : i32 to vector<16xi32>
          %parallel_loop3A_446 = arith.shrsi %parallel_loop3A_436, %parallel_loop3A_445 : vector<16xi32>
          %parallel_loop3A_447 = arith.constant 127 : i32
          %parallel_loop3A_448 = vector.broadcast %parallel_loop3A_447 : i32 to vector<16xi32>
          %parallel_loop3A_449 = arith.select %parallel_loop3A_431, %parallel_loop3A_446, %parallel_loop3A_448 : vector<16xi1>, vector<16xi32>
          %parallel_loop3A_450 = arith.addi %parallel_loop3A_342, %parallel_loop3A_449 : vector<16xi32>
          %parallel_loop3A_451 = arith.constant 1.000000e+00 : f32
          %parallel_loop3A_452 = vector.broadcast %parallel_loop3A_451 : f32 to vector<16xf32>
          %parallel_loop3A_453 = arith.select %parallel_loop3A_431, %parallel_loop3A_443, %parallel_loop3A_452 : vector<16xi1>, vector<16xf32>
          %parallel_loop3A_454 = arith.mulf %parallel_loop3A_343, %parallel_loop3A_453 : vector<16xf32>
          scf.yield %parallel_loop3A_450, %parallel_loop3A_454 : vector<16xi32>, vector<16xf32>
        } {sc.loop_unroll_factor = 2 : i64, sc.parallel_access}
        %bitcast3A = vector.bitcast %parallel_loop3A_279#1 : vector<16xf32> to vector<16xi32>
        %shift_right_arithmetic3A = arith.constant 23 : i32
        %shift_right_arithmetic3A_280 = vector.broadcast %shift_right_arithmetic3A : i32 to vector<16xi32>
        %shift_right_arithmetic3A_281 = arith.shrsi %bitcast3A, %shift_right_arithmetic3A_280 : vector<16xi32>
        %sub3A = arith.constant 127 : i32
        %sub3A_282 = vector.broadcast %sub3A : i32 to vector<16xi32>
        %sub3A_283 = arith.subi %shift_right_arithmetic3A_281, %sub3A_282 : vector<16xi32>
        %and3A = arith.constant 8388607 : i32
        %and3A_284 = vector.broadcast %and3A : i32 to vector<16xi32>
        %and3A_285 = arith.andi %bitcast3A, %and3A_284 : vector<16xi32>
        %or3A = arith.constant 1065353216 : i32
        %or3A_286 = vector.broadcast %or3A : i32 to vector<16xi32>
        %or3A_287 = arith.ori %and3A_285, %or3A_286 : vector<16xi32>
        %bitcast3A_288 = vector.bitcast %or3A_287 : vector<16xi32> to vector<16xf32>
        %ge3A = arith.constant 1.41421354 : f32
        %ge3A_289 = vector.broadcast %ge3A : f32 to vector<16xf32>
        %ge3A_290 = arith.cmpf oge, %bitcast3A_288, %ge3A_289 : vector<16xf32>
        %mul3A_291 = arith.constant 5.000000e-01 : f32
        %mul3A_292 = vector.broadcast %mul3A_291 : f32 to vector<16xf32>
        %mul3A_293 = arith.mulf %bitcast3A_288, %mul3A_292 : vector<16xf32>
        %select_n3A = arith.select %ge3A_290, %mul3A_293, %bitcast3A_288 : vector<16xi1>, vector<16xf32>
        %add3A_294 = arith.constant 1 : i32
        %add3A_295 = vector.broadcast %add3A_294 : i32 to vector<16xi32>
        %add3A_296 = arith.addi %sub3A_283, %add3A_295 : vector<16xi32>
        %select_n3A_297 = arith.select %ge3A_290, %add3A_296, %sub3A_283 : vector<16xi1>, vector<16xi32>
        %sub3A_298 = arith.constant 1.000000e+00 : f32
        %sub3A_299 = vector.broadcast %sub3A_298 : f32 to vector<16xf32>
        %sub3A_300 = arith.subf %select_n3A, %sub3A_299 : vector<16xf32>
        %add3A_301 = arith.constant 1.000000e+00 : f32
        %add3A_302 = vector.broadcast %add3A_301 : f32 to vector<16xf32>
        %add3A_303 = arith.addf %select_n3A, %add3A_302 : vector<16xf32>
        %div3A = arith.divf %sub3A_300, %add3A_303 : vector<16xf32>
        %mul3A_304 = arith.mulf %div3A, %div3A : vector<16xf32>
        %mul3A_305 = arith.constant 0.142857149 : f32
        %mul3A_306 = vector.broadcast %mul3A_305 : f32 to vector<16xf32>
        %mul3A_307 = arith.mulf %mul3A_304, %mul3A_306 : vector<16xf32>
        %add3A_308 = arith.constant 2.000000e-01 : f32
        %add3A_309 = vector.broadcast %add3A_308 : f32 to vector<16xf32>
        %add3A_310 = arith.addf %add3A_309, %mul3A_307 : vector<16xf32>
        %mul3A_311 = arith.mulf %mul3A_304, %add3A_310 : vector<16xf32>
        %add3A_312 = arith.constant 0.333333343 : f32
        %add3A_313 = vector.broadcast %add3A_312 : f32 to vector<16xf32>
        %add3A_314 = arith.addf %add3A_313, %mul3A_311 : vector<16xf32>
        %mul3A_315 = arith.mulf %mul3A_304, %add3A_314 : vector<16xf32>
        %add3A_316 = arith.constant 1.000000e+00 : f32
        %add3A_317 = vector.broadcast %add3A_316 : f32 to vector<16xf32>
        %add3A_318 = arith.addf %add3A_317, %mul3A_315 : vector<16xf32>
        %convert_element_type3A_319 = arith.sitofp %select_n3A_297 : vector<16xi32> to vector<16xf32>
        %mul3A_320 = arith.constant 0.693147182 : f32
        %mul3A_321 = vector.broadcast %mul3A_320 : f32 to vector<16xf32>
        %mul3A_322 = arith.mulf %convert_element_type3A_319, %mul3A_321 : vector<16xf32>
        %mul3A_323 = arith.constant 2.000000e+00 : f32
        %mul3A_324 = vector.broadcast %mul3A_323 : f32 to vector<16xf32>
        %mul3A_325 = arith.mulf %mul3A_324, %div3A : vector<16xf32>
        %mul3A_326 = arith.mulf %mul3A_325, %add3A_318 : vector<16xf32>
        %add3A_327 = arith.addf %mul3A_322, %mul3A_326 : vector<16xf32>
        %convert_element_type3A_328 = arith.sitofp %parallel_loop3A_279#0 : vector<16xi32> to vector<16xf32>
        %sub3A_329 = arith.constant 4.064000e+03 : f32
        %sub3A_330 = vector.broadcast %sub3A_329 : f32 to vector<16xf32>
        %sub3A_331 = arith.subf %convert_element_type3A_328, %sub3A_330 : vector<16xf32>
        %mul3A_332 = arith.constant 0.693147182 : f32
        %mul3A_333 = vector.broadcast %mul3A_332 : f32 to vector<16xf32>
        %mul3A_334 = arith.mulf %sub3A_331, %mul3A_333 : vector<16xf32>
        %add3A_335 = arith.addf %add3A_327, %mul3A_334 : vector<16xf32>
        %mul3A_336 = arith.constant 16 : i32
        %mul3A_337 = arith.muli %scan3A_271, %mul3A_336 : i32
        %swap3A_338 = arith.index_cast %mul3A_337 : i32 to index
        %swap3A_339 = tpu.vector_load %arg26[%swap3A_338] {strides = array<i32>} : memref<256xf32, #tpu.memory_space<vmem>>, vector<16xf32>,
        tpu.vector_store %arg26[%swap3A_338], %add3A_335 {strides = array<i32>} : memref<256xf32, #tpu.memory_space<vmem>>, vector<16xf32>,
        %scan3A_340 = arith.constant 0 : i32
        scf.yield %scan3A_340 : i32
      }
      %scan3A_172 = arith.constant 16 : i32
      %shift_left3A_173 = arith.constant 4 : i32
      %shift_left3A_174 = vector.broadcast %shift_left3A_173 : i32 to vector<16xi32>
      %shift_left3A_175 = arith.shli %iota3A, %shift_left3A_174 : vector<16xi32>
      %gather3A_176 = tpu.vector_load_idx %arg26[%shift_left3A_175] : memref<256xf32, #tpu.memory_space<vmem>>[vector<16xi32>], vector<16xf32>,
      %add3A_177 = arith.constant 1 : i32
      %add3A_178 = vector.broadcast %add3A_177 : i32 to vector<16xi32>
      %add3A_179 = arith.addi %shift_left3A_175, %add3A_178 : vector<16xi32>
      %gather3A_180 = tpu.vector_load_idx %arg26[%add3A_179] : memref<256xf32, #tpu.memory_space<vmem>>[vector<16xi32>], vector<16xf32>,
      %add3A_181 = arith.addf %gather3A_176, %gather3A_180 : vector<16xf32>
      %add3A_182 = arith.constant 2 : i32
      %add3A_183 = vector.broadcast %add3A_182 : i32 to vector<16xi32>
      %add3A_184 = arith.addi %shift_left3A_175, %add3A_183 : vector<16xi32>
      %gather3A_185 = tpu.vector_load_idx %arg26[%add3A_184] : memref<256xf32, #tpu.memory_space<vmem>>[vector<16xi32>], vector<16xf32>,
      %add3A_186 = arith.addf %add3A_181, %gather3A_185 : vector<16xf32>
      %add3A_187 = arith.constant 3 : i32
      %add3A_188 = vector.broadcast %add3A_187 : i32 to vector<16xi32>
      %add3A_189 = arith.addi %shift_left3A_175, %add3A_188 : vector<16xi32>
      %gather3A_190 = tpu.vector_load_idx %arg26[%add3A_189] : memref<256xf32, #tpu.memory_space<vmem>>[vector<16xi32>], vector<16xf32>,
      %add3A_191 = arith.addf %add3A_186, %gather3A_190 : vector<16xf32>
      %add3A_192 = arith.constant 4 : i32
      %add3A_193 = vector.broadcast %add3A_192 : i32 to vector<16xi32>
      %add3A_194 = arith.addi %shift_left3A_175, %add3A_193 : vector<16xi32>
      %gather3A_195 = tpu.vector_load_idx %arg26[%add3A_194] : memref<256xf32, #tpu.memory_space<vmem>>[vector<16xi32>], vector<16xf32>,
      %add3A_196 = arith.addf %add3A_191, %gather3A_195 : vector<16xf32>
      %add3A_197 = arith.constant 5 : i32
      %add3A_198 = vector.broadcast %add3A_197 : i32 to vector<16xi32>
      %add3A_199 = arith.addi %shift_left3A_175, %add3A_198 : vector<16xi32>
      %gather3A_200 = tpu.vector_load_idx %arg26[%add3A_199] : memref<256xf32, #tpu.memory_space<vmem>>[vector<16xi32>], vector<16xf32>,
      %add3A_201 = arith.addf %add3A_196, %gather3A_200 : vector<16xf32>
      %add3A_202 = arith.constant 6 : i32
      %add3A_203 = vector.broadcast %add3A_202 : i32 to vector<16xi32>
      %add3A_204 = arith.addi %shift_left3A_175, %add3A_203 : vector<16xi32>
      %gather3A_205 = tpu.vector_load_idx %arg26[%add3A_204] : memref<256xf32, #tpu.memory_space<vmem>>[vector<16xi32>], vector<16xf32>,
      %add3A_206 = arith.addf %add3A_201, %gather3A_205 : vector<16xf32>
      %add3A_207 = arith.constant 7 : i32
      %add3A_208 = vector.broadcast %add3A_207 : i32 to vector<16xi32>
      %add3A_209 = arith.addi %shift_left3A_175, %add3A_208 : vector<16xi32>
      %gather3A_210 = tpu.vector_load_idx %arg26[%add3A_209] : memref<256xf32, #tpu.memory_space<vmem>>[vector<16xi32>], vector<16xf32>,
      %add3A_211 = arith.addf %add3A_206, %gather3A_210 : vector<16xf32>
      %add3A_212 = arith.constant 8 : i32
      %add3A_213 = vector.broadcast %add3A_212 : i32 to vector<16xi32>
      %add3A_214 = arith.addi %shift_left3A_175, %add3A_213 : vector<16xi32>
      %gather3A_215 = tpu.vector_load_idx %arg26[%add3A_214] : memref<256xf32, #tpu.memory_space<vmem>>[vector<16xi32>], vector<16xf32>,
      %add3A_216 = arith.addf %add3A_211, %gather3A_215 : vector<16xf32>
      %add3A_217 = arith.constant 9 : i32
      %add3A_218 = vector.broadcast %add3A_217 : i32 to vector<16xi32>
      %add3A_219 = arith.addi %shift_left3A_175, %add3A_218 : vector<16xi32>
      %gather3A_220 = tpu.vector_load_idx %arg26[%add3A_219] : memref<256xf32, #tpu.memory_space<vmem>>[vector<16xi32>], vector<16xf32>,
      %add3A_221 = arith.addf %add3A_216, %gather3A_220 : vector<16xf32>
      %add3A_222 = arith.constant 10 : i32
      %add3A_223 = vector.broadcast %add3A_222 : i32 to vector<16xi32>
      %add3A_224 = arith.addi %shift_left3A_175, %add3A_223 : vector<16xi32>
      %gather3A_225 = tpu.vector_load_idx %arg26[%add3A_224] : memref<256xf32, #tpu.memory_space<vmem>>[vector<16xi32>], vector<16xf32>,
      %add3A_226 = arith.addf %add3A_221, %gather3A_225 : vector<16xf32>
      %add3A_227 = arith.constant 11 : i32
      %add3A_228 = vector.broadcast %add3A_227 : i32 to vector<16xi32>
      %add3A_229 = arith.addi %shift_left3A_175, %add3A_228 : vector<16xi32>
      %gather3A_230 = tpu.vector_load_idx %arg26[%add3A_229] : memref<256xf32, #tpu.memory_space<vmem>>[vector<16xi32>], vector<16xf32>,
      %add3A_231 = arith.addf %add3A_226, %gather3A_230 : vector<16xf32>
      %add3A_232 = arith.constant 12 : i32
      %add3A_233 = vector.broadcast %add3A_232 : i32 to vector<16xi32>
      %add3A_234 = arith.addi %shift_left3A_175, %add3A_233 : vector<16xi32>
      %gather3A_235 = tpu.vector_load_idx %arg26[%add3A_234] : memref<256xf32, #tpu.memory_space<vmem>>[vector<16xi32>], vector<16xf32>,
      %add3A_236 = arith.addf %add3A_231, %gather3A_235 : vector<16xf32>
      %add3A_237 = arith.constant 13 : i32
      %add3A_238 = vector.broadcast %add3A_237 : i32 to vector<16xi32>
      %add3A_239 = arith.addi %shift_left3A_175, %add3A_238 : vector<16xi32>
      %gather3A_240 = tpu.vector_load_idx %arg26[%add3A_239] : memref<256xf32, #tpu.memory_space<vmem>>[vector<16xi32>], vector<16xf32>,
      %add3A_241 = arith.addf %add3A_236, %gather3A_240 : vector<16xf32>
      %add3A_242 = arith.constant 14 : i32
      %add3A_243 = vector.broadcast %add3A_242 : i32 to vector<16xi32>
      %add3A_244 = arith.addi %shift_left3A_175, %add3A_243 : vector<16xi32>
      %gather3A_245 = tpu.vector_load_idx %arg26[%add3A_244] : memref<256xf32, #tpu.memory_space<vmem>>[vector<16xi32>], vector<16xf32>,
      %add3A_246 = arith.addf %add3A_241, %gather3A_245 : vector<16xf32>
      %add3A_247 = arith.constant 15 : i32
      %add3A_248 = vector.broadcast %add3A_247 : i32 to vector<16xi32>
      %add3A_249 = arith.addi %shift_left3A_175, %add3A_248 : vector<16xi32>
      %gather3A_250 = tpu.vector_load_idx %arg26[%add3A_249] : memref<256xf32, #tpu.memory_space<vmem>>[vector<16xi32>], vector<16xf32>,
      %add3A_251 = arith.addf %add3A_246, %gather3A_250 : vector<16xf32>
      %mul3A_252 = arith.constant 16 : i32
      %mul3A_253 = arith.muli %add3A_44, %mul3A_252 : i32
      %swap3A_254 = arith.index_cast %mul3A_253 : i32 to index
      %swap3A_255 = tpu.vector_load %arg27[%swap3A_254] {strides = array<i32>} : memref<256xf32, #tpu.memory_space<vmem>>, vector<16xf32>,
      tpu.vector_store %arg27[%swap3A_254], %add3A_251 {strides = array<i32>} : memref<256xf32, #tpu.memory_space<vmem>>, vector<16xf32>,
      %mul3A_256 = arith.constant 16 : i32
      %mul3A_257 = arith.muli %add3A_44, %mul3A_256 : i32
      %add3A_258 = arith.addi %mul3A_2, %mul3A_257 : i32
      %dma_start3A_259 = arith.constant 0 : i32
      %dma_start3A_260 = tpu.memref_slice %arg6[%add3A_258, %dma_start3A_259] : memref<8192x512xf32, #tpu.memory_space<hbm>> -> memref<16x512xf32, #tpu.memory_space<hbm>>
      %dma_start3A_261 = arith.constant 0 : i32
      %dma_start3A_262 = tpu.memref_slice %arg6[%add3A_258, %dma_start3A_261] : memref<8192x512xf32, #tpu.memory_space<hbm>> -> memref<16x512xf32, #tpu.memory_space<hbm>>
      tpu.enqueue_dma source(%arg25 : memref<16x512xf32, #tpu.memory_space<vmem>>) target(%dma_start3A_262 : memref<16x512xf32, #tpu.memory_space<hbm>>) target_semaphore(%arg31 : memref<!tpu.dma_semaphore, #tpu.memory_space<semaphore_mem>>)
      %add3A_263 = arith.constant 1 : i32
      %add3A_264 = arith.addi %scan3A_39, %add3A_263 : i32
      %lt3A_265 = arith.constant 8 : i32
      %lt3A_266 = arith.cmpi slt, %add3A_264, %lt3A_265 : i32
      %convert_element_type3A_267 = arith.extui %lt3A_266 : i1 to i32
      %cond3A_268 = arith.constant 0 : i32
      %cond3A_269 = arith.cmpi ne, %convert_element_type3A_267, %cond3A_268 : i32
      scf.if %cond3A_269 {
        %add3A_271 = arith.constant 2 : i32
        %add3A_272 = arith.addi %add3A_44, %add3A_271 : i32
        %mul3A_273 = arith.constant 16 : i32
        %mul3A_274 = arith.muli %add3A_272, %mul3A_273 : i32
        %add3A_275 = arith.addi %mul3A_2, %mul3A_274 : i32
        %dma_start3A_276 = arith.constant 0 : i32
        %dma_start3A_277 = tpu.memref_slice %arg2[%add3A_275, %dma_start3A_276] : memref<8192x512xf32, #tpu.memory_space<hbm>> -> memref<16x512xf32, #tpu.memory_space<hbm>>
        %dma_start3A_278 = arith.constant 0 : i32
        %dma_start3A_279 = tpu.memref_slice %arg2[%add3A_275, %dma_start3A_278] : memref<8192x512xf32, #tpu.memory_space<hbm>> -> memref<16x512xf32, #tpu.memory_space<hbm>>
        tpu.enqueue_dma source(%dma_start3A_279 : memref<16x512xf32, #tpu.memory_space<hbm>>) target(%arg23 : memref<16x512xf32, #tpu.memory_space<vmem>>) target_semaphore(%arg29 : memref<!tpu.dma_semaphore, #tpu.memory_space<semaphore_mem>>)
      } else {
      }
      %scan3A_270 = arith.constant 0 : i32
      scf.yield %scan3A_270 : i32
    }
    %scan3A_27 = arith.constant 8 : i32
    %add3A_28 = arith.constant 224 : i32
    %add3A_29 = arith.addi %mul3A_2, %add3A_28 : i32
    %dma_wait3A = arith.constant 0 : i32
    %dma_wait3A_30 = tpu.memref_slice %arg6[%add3A_29, %dma_wait3A] : memref<8192x512xf32, #tpu.memory_space<hbm>> -> memref<16x512xf32, #tpu.memory_space<hbm>>
    %dma_wait3A_31 = arith.constant 0 : i32
    %dma_wait3A_32 = tpu.memref_slice %arg6[%add3A_29, %dma_wait3A_31] : memref<8192x512xf32, #tpu.memory_space<hbm>> -> memref<16x512xf32, #tpu.memory_space<hbm>>
    tpu.wait_dma2 semaphore(%arg30 : memref<!tpu.dma_semaphore, #tpu.memory_space<semaphore_mem>>) src(%arg24 : memref<16x512xf32, #tpu.memory_space<vmem>>) dst(%dma_wait3A_32 : memref<16x512xf32, #tpu.memory_space<hbm>>)
    %add3A_33 = arith.constant 240 : i32
    %add3A_34 = arith.addi %mul3A_2, %add3A_33 : i32
    %dma_wait3A_35 = arith.constant 0 : i32
    %dma_wait3A_36 = tpu.memref_slice %arg6[%add3A_34, %dma_wait3A_35] : memref<8192x512xf32, #tpu.memory_space<hbm>> -> memref<16x512xf32, #tpu.memory_space<hbm>>
    %dma_wait3A_37 = arith.constant 0 : i32
    %dma_wait3A_38 = tpu.memref_slice %arg6[%add3A_34, %dma_wait3A_37] : memref<8192x512xf32, #tpu.memory_space<hbm>> -> memref<16x512xf32, #tpu.memory_space<hbm>>
    tpu.wait_dma2 semaphore(%arg31 : memref<!tpu.dma_semaphore, #tpu.memory_space<semaphore_mem>>) src(%arg25 : memref<16x512xf32, #tpu.memory_space<vmem>>) dst(%dma_wait3A_38 : memref<16x512xf32, #tpu.memory_space<hbm>>)
    "tpu.region"() ({
      %run_scoped3A = tpu.sem_alloc : memref<!tpu.dma_semaphore, #tpu.memory_space<semaphore_mem>>
      %dma_start3A_39 = tpu.memref_slice %arg7[%mul3A_2] : memref<8192xf32, #tpu.memory_space<hbm>> -> memref<256xf32, #tpu.memory_space<hbm>>
      %dma_start3A_40 = tpu.memref_slice %arg7[%mul3A_2] : memref<8192xf32, #tpu.memory_space<hbm>> -> memref<256xf32, #tpu.memory_space<hbm>>
      tpu.enqueue_dma source(%arg27 : memref<256xf32, #tpu.memory_space<vmem>>) target(%dma_start3A_40 : memref<256xf32, #tpu.memory_space<hbm>>) target_semaphore(%run_scoped3A : memref<!tpu.dma_semaphore, #tpu.memory_space<semaphore_mem>>)
      %dma_wait3A_41 = tpu.memref_slice %arg7[%mul3A_2] : memref<8192xf32, #tpu.memory_space<hbm>> -> memref<256xf32, #tpu.memory_space<hbm>>
      %dma_wait3A_42 = tpu.memref_slice %arg7[%mul3A_2] : memref<8192xf32, #tpu.memory_space<hbm>> -> memref<256xf32, #tpu.memory_space<hbm>>
      tpu.wait_dma2 semaphore(%run_scoped3A : memref<!tpu.dma_semaphore, #tpu.memory_space<semaphore_mem>>) src(%arg27 : memref<256xf32, #tpu.memory_space<vmem>>) dst(%dma_wait3A_42 : memref<256xf32, #tpu.memory_space<hbm>>)
      tpu.yield
    }) : () -> ()
    return
  }
}

</mosaic_0001>

<sc_bundles>
// kernel: kernel.3.cloned.1.call-start
scs
__scs_entry_jumppad:
0x0: {  	(pc) =	sbr.rel $0x88, $3  }
0x1: {  	(tag) =	ssettag $0x0;
	lr =	simm.s32 $0x1  }
0x2: {  	[smem:$0x3F9D] =	sst lr;
	_ =	strace $0xD0000000  }
0x3: {  	_ = 	snop  }
0x4: {  	_ = 	snop  }
0x5: {  	_ = 	snop  }
0x6: {  	_ = 	snop  }
0x7: {  	_ = 	snop  }
__scs_overlays_trampoline_lowered:
0x8: {  	[smem:$0x3FAC] =	sst s0  }
0x9: {  	[smem:$0x3FAD] =	sst s1  }
0xa: {  	[smem:$0x3FAE] =	sst s2  }
0xb: {  	[smem:$0x3FAF] =	sst s3  }
0xc: {  	[smem:$0x3FB0] =	sst s4  }
0xd: {  	[smem:$0x3FB1] =	sst s5  }
0xe: {  	[smem:$0x3FB2] =	sst s6  }
0xf: {  	[smem:$0x3FB3] =	sst s7  }
0x10: {  	[smem:$0x3FB4] =	sst s8  }
0x11: {  	[smem:$0x3FB5] =	sst s9;
	s0 =	simm.s32 @!p0 $0x0  }
0x12: {  	s1 =	sld [smem:$0x3F9B];
	s0 =	simm.s32 @p0 $0x1  }
0x13: {  	[smem:$0x3FB6] =	sst s0;
	s0 =	simm.s32 @!p1 $0x0  }
0x14: {  	s2 =	sld [smem:$0x3F9A];
	s0 =	simm.s32 @p1 $0x1  }
0x15: {  	[smem:$0x3FB7] =	sst s0;
	s0 =	simm.s32 @!p2 $0x0  }
0x16: {  	s3 =	sld [smem:$0x3FDB];
	s0 =	simm.s32 @p2 $0x1  }
0x17: {  	s4 =	simm.s32 $0x1BF5;
	[smem:$0x3FB9] =	sst s0  }
0x18: {  	s0 =	sld [smem:$0x3F9C];
	_ =	swait.ge [sflag:s4], $0x0  }
0x19: {  	s7 =	sld [smem:$0x3F9D]  }
0x1a: {  	s8 =	sadd.s32 $0xFFFFE003, lr  }
0x1b: {  	s9 =	sadd.s32 $0xFFFFFEF7, lr;
	s5 =	simm.s32 $0xFFFFFFFF;
	p2 =	slt.u32 s8, $0xFFFFF086  }
0x1c: {  	p1 =	slt.u32 s9, $0xF7A;
	s5 =	simm.s32 @!p2 $0x0  }
0x1d: {  	s5 =	simm.s32 @p1 $0x1;
	p0 =	seq.s32 s7, s2  }
0x1e: {  	s7 =	smul.u32 @!p0 $0xF7A, s2;
	p2 =	seq.s32 @!p0 s5, $0x0  }
0x1f: {  	s9 =	smul.u32 $0xF7A, s1;
	s8 =	simm.s32 @!p0 $0x1BF5;
	p2 =	por !p2, p0  }
0x20: {  	[sflag:s8] =	ssyncset.s32 @!p0 $0xFFFFF086;
	s6 =	sadd.s32 @!p0 s3, s7;
	s7 =	simm.s32 @!p0 $0x108  }
0x21: {  	s3 =	sadd.s32 s3, s9;
	s6 =	sadd.s32 @!p0 $0x88, s6;
	s7 =	simm.s32 @p2 $0x1082  }
0x22: {  	[simem:s7], [sflag:s8] =	dma.local @!p0 [hbm:s6], $0xF7A  }
0x23: {  	s9 =	sor.u32 $0xD0000000, s2;
	s6 =	simm.s32 $0x108;
	_ =	swait.ge @!p0 [sflag:s8], $0x0  }
0x24: {  	s3 =	sadd.s32 $0x88, s3;
	s6 =	simm.s32 @!p1 $0x1082;
	[sflag:s4] =	ssyncset.s32 $0xFFFFF086  }
0x25: {  	[simem:s6], [sflag:s4] =	dma.local [hbm:s3], $0xF7A  }
0x26: {  	[smem:$0x3F9D] =	sst s1;
	(tag) =	ssettag s2;
	_ =	strace s9  }
0x27: {  	s1 =	sld [smem:$0x3FAD]  }
0x28: {  	s2 =	sld [smem:$0x3FAE]  }
0x29: {  	s4 =	sld [smem:$0x3FB0]  }
0x2a: {  	p0 =	seq.s32 s5, $0x0;
	s5 =	sld [smem:$0x3FB1]  }
0x2b: {  	s6 =	sld [smem:$0x3FB2]  }
0x2c: {  	s7 =	sld [smem:$0x3FB3]  }
0x2d: {  	s3 =	simm.s32 $0x108;
	s8 =	sld [smem:$0x3FB4]  }
0x2e: {  	s3 =	simm.s32 @!p0 $0x1082;
	s9 =	sld [smem:$0x3FB5]  }
0x2f: {  	lr =	sadd.s32 s0, s3;
	s0 =	sld [smem:$0x3FAC]  }
0x30: {  	s3 =	sld [smem:$0x3FAF]  }
0x31: {  	[smem:$0x3FB8] =	sst s10  }
0x32: {  	s10 =	sld [smem:$0x3FB6];
	_ =	sdelay $0x3  }
0x33: {  	p0 =	seq.s32 s10, $0x1;
	s10 =	sld [smem:$0x3FB8];
	_ =	sdelay $0x3  }
0x34: {  	[smem:$0x3FB8] =	sst s10  }
0x35: {  	s10 =	sld [smem:$0x3FB7];
	_ =	sdelay $0x3  }
0x36: {  	p1 =	seq.s32 s10, $0x1;
	s10 =	sld [smem:$0x3FB8];
	_ =	sdelay $0x3  }
0x37: {  	[smem:$0x3FB8] =	sst s10  }
0x38: {  	s10 =	sld [smem:$0x3FB9]  }
0x39: {  	_ = 	snop;
	(pc) =	sbr.ind lr, $3  }
0x3a: {  	_ = 	snop  }
0x3b: {  	_ = 	snop  }
0x3c: {  	p2 =	seq.s32 s10, $0x1;
	s10 =	sld [smem:$0x3FB8]  }
0x3d: {  	_ =	shalt  }
0x3e: {  	_ =	shalt  }
0x3f: {  	_ =	shalt  }
0x40: {  	_ =	shalt  }
0x41: {  	_ =	shalt  }
0x42: {  	_ =	shalt  }
0x43: {  	_ =	shalt  }
0x44: {  	_ =	shalt  }
0x45: {  	_ =	shalt  }
0x46: {  	_ =	shalt  }
0x47: {  	_ =	shalt  }
0x48: {  	_ =	shalt  }
0x49: {  	_ =	shalt  }
0x4a: {  	_ =	shalt  }
0x4b: {  	_ =	shalt  }
0x4c: {  	_ =	shalt  }
0x4d: {  	_ =	shalt  }
0x4e: {  	_ =	shalt  }
0x4f: {  	_ =	shalt  }
0x50: {  	_ =	shalt  }
0x51: {  	_ =	shalt  }
0x52: {  	_ =	shalt  }
0x53: {  	_ =	shalt  }
0x54: {  	_ =	shalt  }
0x55: {  	_ =	shalt  }
0x56: {  	_ =	shalt  }
0x57: {  	_ =	shalt  }
0x58: {  	_ =	shalt  }
0x59: {  	_ =	shalt  }
0x5a: {  	_ =	shalt  }
0x5b: {  	_ =	shalt  }
0x5c: {  	_ =	shalt  }
0x5d: {  	_ =	shalt  }
0x5e: {  	_ =	shalt  }
0x5f: {  	_ =	shalt  }
0x60: {  	_ =	shalt  }
0x61: {  	_ =	shalt  }
0x62: {  	_ =	shalt  }
0x63: {  	_ =	shalt  }
0x64: {  	_ =	shalt  }
0x65: {  	_ =	shalt  }
0x66: {  	_ =	shalt  }
0x67: {  	_ =	shalt  }
0x68: {  	_ =	shalt  }
0x69: {  	_ =	shalt  }
0x6a: {  	_ =	shalt  }
0x6b: {  	_ =	shalt  }
0x6c: {  	_ =	shalt  }
0x6d: {  	_ =	shalt  }
0x6e: {  	_ =	shalt  }
0x6f: {  	_ =	shalt  }
0x70: {  	_ =	shalt  }
0x71: {  	_ =	shalt  }
0x72: {  	_ =	shalt  }
0x73: {  	_ =	shalt  }
0x74: {  	_ =	shalt  }
0x75: {  	_ =	shalt  }
0x76: {  	_ =	shalt  }
0x77: {  	_ =	shalt  }
0x78: {  	_ =	shalt  }
0x79: {  	_ =	shalt  }
0x7a: {  	_ =	shalt  }
0x7b: {  	_ =	shalt  }
0x7c: {  	_ =	shalt  }
0x7d: {  	_ =	shalt  }
0x7e: {  	_ =	shalt  }
0x7f: {  	_ =	shalt  }
0x80: {  	_ =	shalt  }
0x81: {  	_ =	shalt  }
0x82: {  	_ =	shalt  }
0x83: {  	_ =	shalt  }
0x84: {  	_ =	shalt  }
0x85: {  	_ =	shalt  }
0x86: {  	_ =	shalt  }
0x87: {  	_ =	shalt  }
.Lfunc_end0:
.L_simem_size_0:
called_computation_lowered:
.L_overlay_start_0:
0x88: {  	s2 =	sld [smem:$0x3FD9]  }
0x89: {  	s3 =	sld [smem:$0x3FFE];
	_ =	sdelay $0x1  }
0x8a: {  	s1 =	srdreg.scid  }
0x8b: {  	s0 =	sand.u32 $0x1, s1  }
0x8c: {  	s14 =	sshll.u32 s0, $0xA;
	s2 =	sadd.s32 s3, s2  }
0x8d: {  	s2 =	sadd.s32 s2, s14  }
0x8e: {  	[smem:$0x3FC4] =	sst s2  }
0x8f: {  	_ = 	snop  }
0x90: {  	s2 =	sld [smem:$0x3FD0];
	_ =	sdelay $0x2  }
0x91: {  	s4 =	simm.s32 $0xA;
	s5 =	simm.s32 $0x10;
	s15 =	sld [smem:$0x3FC9]  }
0x92: {  	[smem:s5], [sflag:s4] =	dma.local [hbm:s2], $0x1  }
0x93: {  	_ =	swait.eq [sflag:s4], $0x1  }
0x94: {  	[sflag:s4] =	ssyncset.done $0x0  }
0x95: {  	s16 =	sld [smem:$0x10];
	[sflag:s4] =	ssyncadd.s32 $0xFFFFFFFF  }
0x96: {  	s17 =	sld [smem:$0x11];
	(tm) =	ssettm $0x1  }
0x97: {  	s18 =	sld [smem:$0x3FFB];
	_ =	sdelay $0x3  }
0x98: {  	_ =	strace s18  }
0x99: {  	s5 =	sld [smem:$0x3FFC];
	_ =	sdelay $0x3  }
0x9a: {  	_ =	strace s5  }
0x9b: {  	s5 =	sld [smem:$0x3FFD];
	_ =	sdelay $0x3  }
0x9c: {  	_ =	strace s5  }
0x9d: {  	_ =	strace $0x8FFFFFFF  }
0x9e: {  	s19 =	sld [smem:$0x3FDB];
	_ =	sdelay $0x1  }
0x9f: {  	s6 =	simm.s32 $_scs_section_size  }
0xa0: {  	s7 =	simm.s32 $_size__tile_overlayer_lowered;
	s8 =	simm.s32 $_tile_overlayer_lowered  }
0xa1: {  	s22 =	simm.s32 $0x1BFF;
	s21 =	sshll.u32 s8, $0x1;
	s5 =	sadd.s32 s6, s19  }
0xa2: {  	s9 =	simm.s32 $0x0;
	s20 =	sshll.u32 s7, $0x1;
	s7 =	sadd.s32 s21, s5  }
0xa3: {  	[timem:s9], [sflag:s22] =	dma.local [hbm:s7], s20  }
0xa4: {  	_ =	swait.ge [sflag:s22], s20  }
0xa5: {  	s6 =	ssub.s32 $0x0, s20;
	[sflag:s22] =	ssyncset.done $0x0  }
0xa6: {  	[sflag:s22] =	ssyncadd.s32 s6;
	_ =	sdelay $0x1  }
0xa7: {  	s23 =	simm.s32 $0x1B8B  }
0xa8: {  	_ =	swait.ge [sflag:s23], $0x1  }
0xa9: {  	[sflag:s23] =	ssyncset.done $0x0  }
0xaa: {  	s25 =	simm.s32 $0x1B8E;
	s24 =	sld [smem:$0x3FFE];
	[sflag:s23] =	ssyncadd.s32 $0xFFFFFFFF  }
0xab: {  	s26 =	simm.s32 $execute0_lowered;
	[smem:$0x3FD2] =	sst s25  }
0xac: {  	s7 =	sshll.u32 s26, $0x1;
	_ =	strace $0x80000046;
	[dreg:$0x1] =	wrdreg $0xFFFFFFFF  }
0xad: {  	s28 =	simm.s32 $_size_execute0_lowered;
	s5 =	sadd.s32 s5, s7;
	[dreg:$0x0] =	wrdreg $0x0  }
0xae: {  	s7 =	sshll.u32 s28, $0x1;
	[dreg:$0x2] =	wrdreg s5  }
0xaf: {  	[dreg:$0x3] =	wrdreg s7  }
0xb0: {  	[dreg:$0x4] =	wrdreg $0xC0  }
0xb1: {  	_ =	task [dreg:s9], $0x5FFFF  }
0xb2: {  	[dreg:$0x1] =	wrdreg $0xFFFFFFFF  }
0xb3: {  	[dreg:$0x0] =	wrdreg $0x60  }
0xb4: {  	[dreg:$0x2] =	wrdreg s15  }
0xb5: {  	[dreg:$0x3] =	wrdreg s24  }
0xb6: {  	[dreg:$0x4] =	wrdreg s16  }
0xb7: {  	[dreg:$0x5] =	wrdreg s17  }
0xb8: {  	[dreg:$0x6] =	wrdreg $0x9  }
0xb9: {  	_ =	task.clear_ibuf [dreg:s9], $0x7FFFF;
	_ =	strace $0x90000046  }
0xba: {  	s29 =	simm.s32 $0x9;
	_ =	strace $0x80000048  }
0xbb: {  	_ =	swait.ge [sflag:s29], $0x1  }
0xbc: {  	[sflag:s29] =	ssyncadd.s32 $0xFFFFFFFF  }
0xbd: {  	_ =	strace $0x90000048  }
0xbe: {  	_ =	sfence  }
0xbf: {  	s30 =	sld [smem:$0x0];
	_ =	sdelay $0x2  }
0xc0: {  	s31 =	sshll.u32 s1, $0xD;
	s1 =	sshrl.u32 s1, $0x2  }
0xc1: {  	s3 =	sand.u32 $0x4000, s31;
	s1 =	sadd.s32 s1, s30  }
0xc2: {  	s0 =	sor.u32 s3, s0;
	s1 =	sshll.u32 s1, $0x11  }
0xc3: {  	s0 =	sor.u32 s1, s0  }
0xc4: {  	s0 =	sadd.s32 $0x8F2B, s0  }
0xc5: {  	[sflag:s0] =	ssyncadd.remote.s32 $0x1  }
0xc6: {  	_ =	sfence.sel $0xFFFF  }
0xc7: {  	[dreg:$0x0] =	wrdreg $0xFFFFFFFF;
	(pc) =	sbr.abs _section_cstart, $3  }
0xc8: {  	[dreg:$0x1] =	wrdreg $0xFFFFFFFF  }
0xc9: {  	_ =	task.clear_ibuf [dreg:s9], $0x2FFFF;
	_ =	strace $0x9FFFFFFF  }
0xca: {  	(tm) =	ssettm $0x7FFFFFFF  }
0xcb: {  	_ =	shalt  }
tec
execute0_lowered:
.L_overlay_start_1:
0x0: {  	(tag) =	ssettag $0x1  }
0x1: {  	s4 =	rddreg [dreg:$0x0]  }
0x2: {  	s0 =	rddreg [dreg:$0x1]  }
0x3: {  	s1 =	rddreg [dreg:$0x3];
	s2 =	srdreg.scid;
	s6 =	simm.s32 $0x0  }
0x4: {  	s3 =	stileid.u32;
	s28 =	simm.s32 $0xA000;
	s29 =	simm.s32 $0xB400  }
0x5: {  	s30 =	simm.s32 $0xC800;
	s31 =	simm.s32 $0xDC00;
	s2 =	sand.u32 $0x1, s2  }
0x6: {  	[smem:$0x7FF] =	sst s6;
	s3 =	sshll.u32 s3, $0x9;
	s18 =	sadd.s32 $0x600, s0  }
0x7: {  	s20 =	sadd.s32 $0xA00, s0;
	_ =	strace $0x80000047;
	[dreg:$0x6] =	wrdreg s18  }
0x8: {  	s0 =	sadd.s32 $0xE00, s0;
	s5 =	sshll.u32 s2, $0x8;
	[dreg:$0x7] =	wrdreg s20  }
0x9: {  	s2 =	ssub.s32 $0x2, s2;
	[dreg:$0x9] =	wrdreg s0;
	s7 =	sor.u32 s5, s3  }
0xa: {  	s21 =	sshrl.u32 s2, $0x1;
	s5 =	simm.s32 $0x2800;
	s19 =	sshll.u32 s7, $0x6  }
0xb: {  	s22 =	ssub.s32 s2, s21;
	s24 =	sor.u32 $0x20, s7;
	s25 =	sor.u32 $0x30, s7  }
0xc: {  	[dreg:$0x5] =	wrdreg s7;
	s26 =	sshrl.u32 s7, $0x3;
	s2 =	simm.s32 $0x5  }
0xd: {  	s21 =	simm.s32 $0x10400;
	s7 =	simm.s32 $0x0;
	[dreg:$0xb] =	wrdreg s24  }
0xe: {  	s3 =	sadd.s32 s4, s19;
	[dreg:$0xc] =	wrdreg s25;
	s1 =	sadd.s32 s1, s26  }
.Ltmp0:
0xf: {  	s0 =	smax.u32 s22, $0x1;
	s4 =	simm.s32 $0x1400;
	(pc) =	sbr.rel .LBB2_1-.Ltmp0, $4  }
0x10: {  	s22 =	simm.s32 $0x3A00;
	s24 =	simm.s32 $0x6400;
	[dreg:$0x8] =	wrdreg s3  }
0x11: {  	s25 =	simm.s32 $0x7800;
	s26 =	simm.s32 $0x8C00;
	[dreg:$0xd] =	wrdreg s1  }
0x12: {  	v0 =	vlaneseq.u32;
	v1 =	vimm.f32 $-1.000000000e+01;
	s23 =	sadd.s32 $0x400, s3;
	[dreg:$0xe] =	wrdreg s0;
	s0 =	simm.s32 $0xF000  }
0x13: {  	v2 =	vimm.f32 $3.000000010e+38;
	v3 =	vimm.s32 $0xFFFFFF81;
	v5 =	vimm.s32 $0x0;
	s3 =	simm.s32 $0x1A400;
	[dreg:$0xa] =	wrdreg s23;
	s23 =	simm.s32 $0x5000  }
.LBB2_14:
0x14: {  	s1 =	simm.s32 $0x3  }
0x15: {  	_ =	swait.ge [sflag:s1], $0x2000  }
0x16: {  	[sflag:s1] =	ssyncset.done $0x0  }
0x17: {  	s18 =	simm.s32 $0x4;
	[sflag:s1] =	ssyncadd.s32 $0xFFFFE000  }
0x18: {  	_ =	swait.ge [sflag:s18], $0x2000  }
0x19: {  	[sflag:s18] =	ssyncset.done $0x0  }
0x1a: {  	s2 =	simm.s32 $0x1A500;
	s19 =	rddreg [dreg:$0xd];
	[sflag:s18] =	ssyncadd.s32 $0xFFFFE000  }
0x1b: {  	[hbm4b:s19+s6] =	stream.linear.scatter [tilespmem:s2], [sflag:$0x5], $0x100, $0x38;
	[tilespmem:$0x1A600] =	vst v63  }
0x1c: {  	s2 =	simm.s32 $0x5  }
0x1d: {  	_ =	swait.ge [sflag:s2], $0x100  }
0x1e: {  	s7 =	rddreg [dreg:$0xf]  }
0x1f: {  	s20 =	rddreg [dreg:$0xe];
	s7 =	sadd.s32 $0x1, s7  }
0x20: {  	p0 =	sne.s32 s7, s20  }
.Ltmp1:
0x21: {  	_ = 	snop;
	(pc) =	sbr.rel @!p0 .LBB2_15-.Ltmp1, $3  }
0x22: {  	_ =	sdelay $0x1  }
0x23: {  	[sflag:s2] =	ssyncset.done $0x0  }
0x24: {  	s4 =	simm.s32 $0x1400;
	s5 =	simm.s32 $0x2800;
	v1 =	vimm.f32 $-1.000000000e+01;
	v2 =	vimm.f32 $3.000000010e+38;
	[sflag:s2] =	ssyncadd.s32 $0xFFFFFF00  }
.LBB2_1:
0x25: {  	[dreg:$0xf] =	wrdreg s7  }
0x26: {  	s1 =	rddreg [dreg:$0x6]  }
0x27: {  	[tilespmem:s6], [sflag:$0x5] =	stream.linear.gather [hbm4b:s1+s6], $0x1400, $0x38;
	[tilespmem:$0x1A600] =	vst v63  }
0x28: {  	_ =	swait.ge [sflag:s2], $0x1400  }
0x29: {  	[sflag:s2] =	ssyncset.done $0x0  }
0x2a: {  	s19 =	rddreg [dreg:$0x7];
	[sflag:s2] =	ssyncadd.s32 $0xFFFFEC00  }
0x2b: {  	[tilespmem:s4], [sflag:$0x5] =	stream.linear.gather [hbm4b:s19+s6], $0x1400, $0x38;
	[tilespmem:$0x1A600] =	vst v63  }
0x2c: {  	_ =	swait.ge [sflag:s2], $0x1400  }
0x2d: {  	[sflag:s2] =	ssyncset.done $0x0  }
0x2e: {  	s20 =	rddreg [dreg:$0x9];
	[sflag:s2] =	ssyncadd.s32 $0xFFFFEC00  }
0x2f: {  	[tilespmem:s5], [sflag:$0x5] =	stream.linear.gather [hbm4b:s20+s6], $0x1200, $0x38;
	[tilespmem:$0x1A600] =	vst v63  }
0x30: {  	_ =	swait.ge [sflag:s2], $0x1200  }
0x31: {  	[sflag:s2] =	ssyncset.done $0x0  }
0x32: {  	s8 =	simm.s32 $0x0;
	s9 =	simm.s32 $0x0;
	[sflag:s2] =	ssyncadd.s32 $0xFFFFEE00  }
.LBB2_2:
0x33: {  	v12 =	vor.u32 s8, v0  }
0x34: {  	v6 =	vmul.u32 $0xA, v12;
	_ =	sdelay $0x1  }
0x35: {  	v7 =	vor.u32 $0x1, v6  }
0x36: {  	v8 =	vadd.s32 $0x2, v6  }
0x37: {  	v9 =	vadd.s32 $0x3, v6  }
0x38: {  	v10 =	vadd.s32 $0x4, v6  }
0x39: {  	v13 =	vadd.s32 $0x5, v6;
	v11 =	vld.idx.msk [tilespmem:v6+s6+$0x0], $0xffff  }
0x3a: {  	v15 =	vadd.s32 $0x6, v6;
	v14 =	vld.idx.msk [tilespmem:v7+s6+$0x0], $0xffff  }
0x3b: {  	v17 =	vadd.s32 $0x7, v6;
	v16 =	vld.idx.msk [tilespmem:v8+s6+$0x0], $0xffff  }
0x3c: {  	v19 =	vadd.s32 $0x8, v6;
	v18 =	vld.idx.msk [tilespmem:v9+s6+$0x0], $0xffff  }
0x3d: {  	v21 =	vadd.s32 $0x9, v6;
	v20 =	vld.idx.msk [tilespmem:v10+s6+$0x0], $0xffff  }
0x3e: {  	v22 =	vld.idx.msk [tilespmem:v13+s6+$0x0], $0xffff  }
0x3f: {  	v23 =	vld.idx.msk [tilespmem:v15+s6+$0x0], $0xffff;
	v24 =	vmax.f32 v11, v14  }
0x40: {  	v25 =	vld.idx.msk [tilespmem:v17+s6+$0x0], $0xffff;
	v24 =	vmax.f32 v24, v16  }
0x41: {  	v26 =	vld.idx.msk [tilespmem:v19+s6+$0x0], $0xffff;
	v24 =	vmax.f32 v24, v18  }
0x42: {  	v27 =	vld.idx.msk [tilespmem:v21+s6+$0x0], $0xffff;
	v24 =	vmax.f32 v24, v20  }
0x43: {  	v24 =	vmax.f32 v24, v22  }
0x44: {  	v24 =	vmax.f32 v24, v23  }
0x45: {  	v24 =	vmax.f32 v24, v25  }
0x46: {  	v24 =	vmax.f32 v24, v26  }
0x47: {  	v24 =	vmax.f32 v24, v27  }
0x48: {  	v11 =	vsub.f32 v11, v24  }
0x49: {  	v14 =	vsub.f32 v14, v24  }
0x4a: {  	v11 =	vmul.f32 $1.442695020e+00, v11  }
0x4b: {  	v16 =	vsub.f32 v16, v24;
	v14 =	vmul.f32 $1.442695020e+00, v14  }
0x4c: {  	(erf) = vpow2.f32 v11  }
0x4d: {  	v55 =	vsub.f32 v18, v24;
	v54 =	vmul.f32 $1.442695020e+00, v16;
	(erf) = vpow2.f32 v14;
	_ =	sdelay $0x1  }
0x4e: {  	v57 =	vsub.f32 v20, v24;
	v56 =	vmul.f32 $1.442695020e+00, v55;
	(erf) = vpow2.f32 v54;
	_ =	sdelay $0x1  }
0x4f: {  	v59 =	vsub.f32 v22, v24;
	v58 =	vmul.f32 $1.442695020e+00, v57;
	(erf) = vpow2.f32 v56;
	_ =	sdelay $0x1  }
0x50: {  	v61 =	vsub.f32 v23, v24;
	v60 =	vmul.f32 $1.442695020e+00, v59;
	(erf) = vpow2.f32 v58;
	_ =	sdelay $0x1  }
0x51: {  	v62 =	vsub.f32 v25, v24;
	v29 =	vmul.f32 $1.442695020e+00, v61;
	v63 =	vpop (erf);
	(erf) = vpow2.f32 v60  }
0x52: {  	v31 =	vsub.f32 v26, v24;
	v30 =	vpop (erf)  }
0x53: {  	v16 =	vmul.f32 $1.442695020e+00, v62;
	(erf) = vpow2.f32 v29;
	v32 =	vadd.f32 v30, v63  }
0x54: {  	v34 =	vsub.f32 v27, v24;
	v33 =	vpop (erf)  }
0x55: {  	v11 =	vmul.f32 $1.442695020e+00, v31;
	(erf) = vpow2.f32 v16;
	v20 =	vadd.f32 v32, v33  }
0x56: {  	v35 =	vpop (erf)  }
0x57: {  	v36 =	vmul.f32 $1.442695020e+00, v34;
	(erf) = vpow2.f32 v11;
	v37 =	vadd.f32 v20, v35  }
0x58: {  	v38 =	vpop (erf)  }
0x59: {  	(erf) = vpow2.f32 v36;
	v39 =	vadd.f32 v37, v38  }
0x5a: {  	v40 =	vpop (erf)  }
0x5b: {  	v11 =	vadd.f32 v39, v40  }
0x5c: {  	v41 =	vpop (erf)  }
0x5d: {  	v11 =	vadd.f32 v11, v41  }
0x5e: {  	v42 =	vpop (erf)  }
0x5f: {  	v11 =	vadd.f32 v11, v42  }
0x60: {  	v43 =	vpop (erf)  }
0x61: {  	v11 =	vadd.f32 v11, v43  }
0x62: {  	v44 =	vpop (erf)  }
0x63: {  	v11 =	vadd.f32 v11, v44;
	_ =	sdelay $0x1  }
0x64: {  	(erf) = vrcp.f32 v11;
	_ =	sdelay $0x4  }
0x65: {  	v6 =	vld.idx.msk [tilespmem:v6+s4+$0x0], $0xffff  }
0x66: {  	v7 =	vld.idx.msk [tilespmem:v7+s4+$0x0], $0xffff  }
0x67: {  	v8 =	vld.idx.msk [tilespmem:v8+s4+$0x0], $0xffff  }
0x68: {  	v49 =	vld.idx.msk [tilespmem:v9+s4+$0x0], $0xffff  }
0x69: {  	v53 =	vld.idx.msk [tilespmem:v10+s4+$0x0], $0xffff;
	v45 =	vpop (erf)  }
0x6a: {  	v56 =	vld.idx.msk [tilespmem:v13+s4+$0x0], $0xffff;
	v46 =	vmul.f32 v45, v63  }
0x6b: {  	v59 =	vld.idx.msk [tilespmem:v15+s4+$0x0], $0xffff;
	v60 =	vmax.f32 v6, v7;
	v14 =	vmul.f32 v45, v30;
	v47 =	vmul.f32 v45, v33  }
0x6c: {  	v28 =	vld.idx.msk [tilespmem:v17+s4+$0x0], $0xffff;
	v15 =	vmax.f32 v60, v8;
	v48 =	vmul.f32 v45, v35;
	v55 =	vmul.f32 v45, v38  }
0x6d: {  	v15 =	vmax.f32 v15, v49;
	v16 =	vmul.f32 v45, v40;
	v24 =	vmul.f32 v45, v41  }
0x6e: {  	v15 =	vmax.f32 v15, v53;
	v25 =	vmul.f32 v45, v42;
	v26 =	vmul.f32 v45, v43  }
0x6f: {  	v62 =	vld.idx.msk [tilespmem:v19+s4+$0x0], $0xffff;
	v15 =	vmax.f32 v15, v56;
	v11 =	vmul.f32 $9.900000090e-01, v46;
	v14 =	vmul.f32 $9.900000090e-01, v14  }
0x70: {  	v63 =	vld.idx.msk [tilespmem:v21+s4+$0x0], $0xffff;
	v33 =	vmax.f32 v15, v59;
	v18 =	vmul.f32 $9.900000090e-01, v47;
	v52 =	vmul.f32 $9.900000090e-01, v48  }
0x71: {  	v35 =	vmax.f32 v33, v28;
	v16 =	vmul.f32 $9.900000090e-01, v16;
	v24 =	vmul.f32 $9.900000090e-01, v24  }
0x72: {  	v25 =	vmul.f32 $9.900000090e-01, v25;
	v11 =	vadd.f32 $1.000000050e-03, v11;
	v14 =	vadd.f32 $1.000000050e-03, v14  }
0x73: {  	v41 =	vmul.f32 $9.900000090e-01, v26;
	v51 =	vadd.f32 $1.000000050e-03, v18;
	v58 =	vadd.f32 $1.000000050e-03, v52  }
0x74: {  	v10 =	vmax.f32 v35, v62;
	v32 =	vadd.f32 $1.000000050e-03, v16;
	v24 =	vadd.f32 $1.000000050e-03, v24  }
0x75: {  	v40 =	vadd.f32 $1.000000050e-03, v25;
	v42 =	vadd.f32 $1.000000050e-03, v41;
	v38 =	vmax.f32 v10, v63  }
0x76: {  	v50 =	vadd.f32 v14, v11;
	v54 =	vmul.f32 $2.000000000e+01, v11;
	v6 =	vsub.f32 v6, v38  }
0x77: {  	v11 =	vmul.f32 $9.900000090e-01, v55;
	v7 =	vsub.f32 v7, v38;
	v8 =	vsub.f32 v8, v38  }
0x78: {  	v18 =	vsub.f32 v59, v38;
	v57 =	vadd.f32 v50, v51  }
0x79: {  	v44 =	vsub.f32 v28, v38;
	v11 =	vadd.f32 $1.000000050e-03, v11  }
0x7a: {  	v9 =	vmul.f32 $2.000000000e+01, v50;
	v6 =	vmul.f32 $1.442695020e+00, v6;
	v61 =	vadd.f32 v57, v58  }
0x7b: {  	v17 =	vadd.f32 $-1.000000000e+01, v54;
	v7 =	vmul.f32 $1.442695020e+00, v7;
	v18 =	vmul.f32 $1.442695020e+00, v18  }
0x7c: {  	v13 =	vmul.f32 $2.000000000e+01, v57;
	(erf) = vpow2.f32 v6;
	v31 =	vadd.f32 v61, v11  }
0x7d: {  	v6 =	vmul.f32 $1.442695020e+00, v8;
	(erf) = vpow2.f32 v7;
	v7 =	vsub.f32 v49, v38  }
0x7e: {  	v15 =	vadd.f32 $-1.000000000e+01, v9;
	v34 =	vmul.f32 $2.000000000e+01, v61;
	v36 =	vadd.f32 v31, v32  }
0x7f: {  	s7 =	sshra.s32 s9, $0x2;
	(erf) = vpow2.f32 v6;
	v6 =	vmul.f32 $1.442695020e+00, v7;
	v7 =	vsub.f32 v53, v38  }
0x80: {  	[tilespmem:s7+$0x11600] =	vst v2;
	v13 =	vadd.f32 $-1.000000000e+01, v13;
	v37 =	vmul.f32 $2.000000000e+01, v31;
	v39 =	vadd.f32 v36, v24  }
0x81: {  	[tilespmem:s7+$0x11800] =	vst v2;
	(erf) = vpow2.f32 v6;
	v6 =	vmul.f32 $1.442695020e+00, v7;
	v7 =	vsub.f32 v56, v38  }
0x82: {  	[tilespmem:s7+$0x10400] =	vst v17;
	v11 =	vadd.f32 $-1.000000000e+01, v34;
	v29 =	vmul.f32 $2.000000000e+01, v36;
	v16 =	vadd.f32 v39, v40  }
0x83: {  	[tilespmem:s7+$0x10600] =	vst v15;
	v10 =	vadd.f32 $-1.000000000e+01, v37;
	(erf) = vpow2.f32 v6;
	v6 =	vmul.f32 $1.442695020e+00, v7  }
0x84: {  	[tilespmem:s7+$0x10800] =	vst v13;
	v8 =	vmul.f32 $2.000000000e+01, v39;
	v43 =	vmul.f32 $2.000000000e+01, v16;
	v16 =	vadd.f32 v16, v42  }
0x85: {  	v14 =	vsub.f32 v62, v38;
	[tilespmem:s7+$0x10A00] =	vst v11;
	v9 =	vadd.f32 $-1.000000000e+01, v29;
	v28 =	vpop (erf);
	(erf) = vpow2.f32 v6  }
0x86: {  	v45 =	vmul.f32 $1.442695020e+00, v44;
	[tilespmem:s7+$0x10C00] =	vst v10;
	v8 =	vadd.f32 $-1.000000000e+01, v8;
	v24 =	vpop (erf);
	v16 =	vmul.f32 $2.000000000e+01, v16  }
0x87: {  	[tilespmem:s7+$0x10E00] =	vst v9;
	(erf) = vpow2.f32 v18;
	v46 =	vadd.f32 v24, v28;
	v7 =	vadd.f32 $-1.000000000e+01, v43  }
0x88: {  	v47 =	vsub.f32 v63, v38;
	v18 =	vpop (erf);
	[tilespmem:s7+$0x11000] =	vst v8;
	v6 =	vadd.f32 $-1.000000000e+01, v16  }
0x89: {  	v14 =	vmul.f32 $1.442695020e+00, v14;
	(erf) = vpow2.f32 v45;
	v48 =	vadd.f32 v46, v18;
	[tilespmem:s7+$0x11200] =	vst v7  }
0x8a: {  	s1 =	sand.u32 $0x1F0, s8;
	v12 =	vmul.u32 $0x9, v12;
	v26 =	vpop (erf);
	[tilespmem:s7+$0x11400] =	vst v6  }
0x8b: {  	v49 =	vmul.f32 $1.442695020e+00, v47;
	(erf) = vpow2.f32 v14;
	v50 =	vadd.f32 v48, v26;
	[tilespmem:s1+$0x11A00] =	vst v2  }
0x8c: {  	v29 =	vpop (erf);
	[tilespmem:s1+$0x11C00] =	vst v2  }
0x8d: {  	(erf) = vpow2.f32 v49;
	v51 =	vadd.f32 v50, v29;
	[tilespmem:s1+$0x11E00] =	vst v2  }
0x8e: {  	[tilespmem:s1+$0x12000] =	vst v2;
	v30 =	vpop (erf)  }
0x8f: {  	[tilespmem:s1+$0x12200] =	vst v2;
	v14 =	vadd.f32 v51, v30  }
0x90: {  	v34 =	vld.idx.msk [tilespmem:v12+s5+$0x0], $0xffff;
	v33 =	vpop (erf)  }
0x91: {  	v14 =	vadd.f32 v14, v33  }
0x92: {  	v32 =	vpop (erf)  }
0x93: {  	v14 =	vadd.f32 v14, v32  }
0x94: {  	v31 =	vpop (erf)  }
0x95: {  	v52 =	vand.u32 $0x7FFFFFFF, v34;
	v14 =	vadd.f32 v14, v31  }
0x96: {  	v16 =	vsub.f32 $0.0e+00, v52;
	v53 =	vpop (erf)  }
0x97: {  	v14 =	vadd.f32 v14, v53  }
0x98: {  	v16 =	vmul.f32 $1.442695020e+00, v16  }
0x99: {  	(erf) = vrcp.f32 v14  }
0x9a: {  	(erf) = vpow2.f32 v16;
	_ =	sdelay $0x4  }
0x9b: {  	v54 =	vadd.s32 $0x1, v12;
	_ =	sdelay $0x2  }
0x9c: {  	v35 =	vpop (erf)  }
0x9d: {  	v16 =	vpop (erf)  }
0x9e: {  	v40 =	vld.idx.msk [tilespmem:v54+s5+$0x0], $0xffff;
	v41 =	vadd.f32 $1.000000000e+00, v16;
	_ =	sdelay $0x1  }
0x9f: {  	v55 =	vand.u32 $0x7FFFFF, v41  }
0xa0: {  	v14 =	vor.u32 $0x3F800000, v55  }
0xa1: {  	v56 =	vmul.f32 $5.000000000e-01, v14  }
0xa2: {  	v57 =	vand.u32 $0x7FFFFFFF, v40;
	vm0 =	vge.f32 v14, $1.414213540e+00  }
0xa3: {  	v58 =	vsub.f32 $0.0e+00, v57;
	v25 =	vsel vm0, v56, v14  }
0xa4: {  	v16 =	vadd.f32 $1.000000000e+00, v25  }
0xa5: {  	v14 =	vmul.f32 $1.442695020e+00, v58  }
0xa6: {  	(erf) = vrcp.f32 v16  }
0xa7: {  	(erf) = vpow2.f32 v14;
	_ =	sdelay $0x4  }
0xa8: {  	v59 =	vadd.s32 $0x2, v12;
	_ =	sdelay $0x2  }
0xa9: {  	v19 =	vpop (erf)  }
0xaa: {  	v60 =	vpop (erf)  }
0xab: {  	v37 =	vld.idx.msk [tilespmem:v59+s5+$0x0], $0xffff;
	v36 =	vadd.f32 $1.000000000e+00, v60;
	_ =	sdelay $0x1  }
0xac: {  	v61 =	vand.u32 $0x7FFFFF, v36  }
0xad: {  	v14 =	vor.u32 $0x3F800000, v61  }
0xae: {  	v62 =	vmul.f32 $5.000000000e-01, v14  }
0xaf: {  	v63 =	vand.u32 $0x7FFFFFFF, v37;
	vm1 =	vge.f32 v14, $1.414213540e+00  }
0xb0: {  	v23 =	vsub.f32 $0.0e+00, v63;
	v43 =	vsel vm1, v62, v14  }
0xb1: {  	v16 =	vadd.f32 $1.000000000e+00, v43  }
0xb2: {  	v14 =	vmul.f32 $1.442695020e+00, v23  }
0xb3: {  	(erf) = vrcp.f32 v16  }
0xb4: {  	(erf) = vpow2.f32 v14;
	_ =	sdelay $0x4  }
0xb5: {  	v27 =	vadd.s32 $0x3, v12;
	_ =	sdelay $0x2  }
0xb6: {  	v49 =	vpop (erf)  }
0xb7: {  	v38 =	vpop (erf)  }
0xb8: {  	v23 =	vld.idx.msk [tilespmem:v27+s5+$0x0], $0xffff;
	v44 =	vadd.f32 $1.000000000e+00, v38;
	_ =	sdelay $0x1  }
0xb9: {  	v39 =	vand.u32 $0x7FFFFF, v44  }
0xba: {  	v14 =	vor.u32 $0x3F800000, v39  }
0xbb: {  	v42 =	vmul.f32 $5.000000000e-01, v14  }
0xbc: {  	v45 =	vand.u32 $0x7FFFFFFF, v23;
	vm2 =	vge.f32 v14, $1.414213540e+00  }
0xbd: {  	v46 =	vsub.f32 $0.0e+00, v45;
	v50 =	vsel vm2, v42, v14  }
0xbe: {  	v16 =	vadd.f32 $1.000000000e+00, v50  }
0xbf: {  	v14 =	vmul.f32 $1.442695020e+00, v46  }
0xc0: {  	(erf) = vrcp.f32 v16  }
0xc1: {  	(erf) = vpow2.f32 v14;
	_ =	sdelay $0x4  }
0xc2: {  	v47 =	vadd.s32 $0x4, v12;
	_ =	sdelay $0x2  }
0xc3: {  	v51 =	vpop (erf)  }
0xc4: {  	v54 =	vpop (erf)  }
0xc5: {  	v22 =	vld.idx.msk [tilespmem:v47+s5+$0x0], $0xffff;
	v38 =	vadd.f32 $1.000000000e+00, v54;
	_ =	sdelay $0x1  }
0xc6: {  	v55 =	vand.u32 $0x7FFFFF, v38  }
0xc7: {  	v14 =	vor.u32 $0x3F800000, v55  }
0xc8: {  	v56 =	vmul.f32 $5.000000000e-01, v14  }
0xc9: {  	v57 =	vand.u32 $0x7FFFFFFF, v22;
	vm4 =	vge.f32 v14, $1.414213540e+00  }
0xca: {  	v58 =	vsub.f32 $0.0e+00, v57;
	v45 =	vsel vm4, v56, v14  }
0xcb: {  	v16 =	vadd.f32 $1.000000000e+00, v45  }
0xcc: {  	v14 =	vmul.f32 $1.442695020e+00, v58  }
0xcd: {  	(erf) = vrcp.f32 v16  }
0xce: {  	(erf) = vpow2.f32 v14;
	_ =	sdelay $0x4  }
0xcf: {  	v59 =	vadd.s32 $0x5, v12;
	_ =	sdelay $0x2  }
0xd0: {  	v47 =	vpop (erf)  }
0xd1: {  	v60 =	vpop (erf)  }
0xd2: {  	v21 =	vld.idx.msk [tilespmem:v59+s5+$0x0], $0xffff;
	v39 =	vadd.f32 $1.000000000e+00, v60;
	_ =	sdelay $0x1  }
0xd3: {  	v61 =	vand.u32 $0x7FFFFF, v39  }
0xd4: {  	v14 =	vor.u32 $0x3F800000, v61  }
0xd5: {  	v62 =	vmul.f32 $5.000000000e-01, v14  }
0xd6: {  	v63 =	vand.u32 $0x7FFFFFFF, v21;
	vm3 =	vge.f32 v14, $1.414213540e+00  }
0xd7: {  	v27 =	vsub.f32 $0.0e+00, v63;
	v52 =	vsel vm3, v62, v14  }
0xd8: {  	v16 =	vadd.f32 $1.000000000e+00, v52  }
0xd9: {  	v14 =	vmul.f32 $1.442695020e+00, v27  }
0xda: {  	(erf) = vrcp.f32 v16  }
0xdb: {  	(erf) = vpow2.f32 v14;
	_ =	sdelay $0x4  }
0xdc: {  	v42 =	vadd.s32 $0x6, v12;
	_ =	sdelay $0x2  }
0xdd: {  	v53 =	vpop (erf)  }
0xde: {  	v46 =	vpop (erf)  }
0xdf: {  	v14 =	vld.idx.msk [tilespmem:v42+s5+$0x0], $0xffff;
	v27 =	vadd.f32 $1.000000000e+00, v46;
	_ =	sdelay $0x1  }
0xe0: {  	v16 =	vand.u32 $0x7FFFFF, v27  }
0xe1: {  	v16 =	vor.u32 $0x3F800000, v16  }
0xe2: {  	v48 =	vmul.f32 $5.000000000e-01, v16  }
0xe3: {  	v42 =	vand.u32 $0x7FFFFFFF, v14;
	vm6 =	vge.f32 v16, $1.414213540e+00  }
0xe4: {  	v54 =	vsub.f32 $0.0e+00, v42;
	v46 =	vsel vm6, v48, v16  }
0xe5: {  	v20 =	vadd.f32 $1.000000000e+00, v46  }
0xe6: {  	v16 =	vmul.f32 $1.442695020e+00, v54  }
0xe7: {  	(erf) = vrcp.f32 v20  }
0xe8: {  	(erf) = vpow2.f32 v16;
	_ =	sdelay $0x4  }
0xe9: {  	v55 =	vadd.s32 $0x7, v12;
	_ =	sdelay $0x2  }
0xea: {  	v48 =	vpop (erf)  }
0xeb: {  	v56 =	vpop (erf)  }
0xec: {  	v16 =	vld.idx.msk [tilespmem:v55+s5+$0x0], $0xffff;
	v20 =	vadd.f32 $1.000000000e+00, v56;
	_ =	sdelay $0x1  }
0xed: {  	v57 =	vand.u32 $0x7FFFFF, v20  }
0xee: {  	v42 =	vor.u32 $0x3F800000, v57  }
0xef: {  	v28 =	vmul.f32 v35, v28;
	v54 =	vmul.f32 $5.000000000e-01, v42  }
0xf0: {  	v24 =	vmul.f32 v35, v24;
	v55 =	vand.u32 $0x7FFFFFFF, v16;
	vm5 =	vge.f32 v42, $1.414213540e+00  }
0xf1: {  	v12 =	vadd.s32 $0x8, v12;
	v58 =	vsub.f32 $0.0e+00, v55;
	v42 =	vsel vm5, v54, v42  }
0xf2: {  	v18 =	vmul.f32 v35, v18;
	v25 =	vadd.f32 $-1.000000000e+00, v25;
	v59 =	vadd.f32 $1.000000000e+00, v42  }
0xf3: {  	v33 =	vmul.f32 v35, v33;
	v54 =	vmul.f32 $1.442695020e+00, v58  }
0xf4: {  	v34 =	vmax.f32 v34, $0.0e+00;
	v55 =	vmul.f32 v19, v25;
	(erf) = vrcp.f32 v59  }
0xf5: {  	v22 =	vmax.f32 v22, $0.0e+00;
	v28 =	vmul.f32 $9.900000090e-01, v28;
	(erf) = vpow2.f32 v54  }
0xf6: {  	v21 =	vmax.f32 v21, $0.0e+00;
	v24 =	vmul.f32 $9.900000090e-01, v24;
	v12 =	vld.idx.msk [tilespmem:v12+s5+$0x0], $0xffff;
	v25 =	vmul.f32 v55, v55  }
0xf7: {  	v41 =	vshra.s32 v41, $0x17;
	v28 =	vadd.f32 $1.000000050e-03, v28;
	v50 =	vadd.f32 $-1.000000000e+00, v50  }
0xf8: {  	v24 =	vadd.f32 $1.000000050e-03, v24;
	v36 =	vshra.s32 v36, $0x17;
	v60 =	vmul.f32 $1.428571490e-01, v25  }
0xf9: {  	v50 =	vmul.f32 v51, v50;
	v38 =	vshra.s32 v38, $0x17;
	v61 =	vadd.f32 $-1.000000000e+00, v43  }
0xfa: {  	v39 =	vshra.s32 v39, $0x17;
	v51 =	vsel vm3, $0xFFFFFF82, v3;
	v19 =	vadd.f32 $2.000000030e-01, v60  }
0xfb: {  	v63 =	vand.u32 $0x7FFFFFFF, v12;
	v49 =	vmul.f32 v49, v61;
	v39 =	vadd.s32 v39, v51  }
0xfc: {  	v39 =	vcvt.s32.f32 v39;
	v46 =	vadd.f32 $-1.000000000e+00, v46;
	v19 =	vmul.f32 v19, v25  }
0xfd: {  	v27 =	vshra.s32 v27, $0x17;
	v16 =	vmax.f32 v16, $0.0e+00;
	v55 =	vadd.f32 v55, v55;
	v43 =	vpop (erf)  }
0xfe: {  	v46 =	vmul.f32 v48, v46;
	v57 =	vadd.f32 $3.333333430e-01, v19;
	v58 =	vsel vm1, $0xFFFFFF82, v3;
	v56 =	vpop (erf)  }
0xff: {  	v36 =	vadd.s32 v36, v58;
	v58 =	vmul.f32 $9.900000090e-01, v18;
	v19 =	vadd.f32 $1.000000000e+00, v56  }
0x100: {  	v20 =	vshra.s32 v20, $0x17;
	v25 =	vmul.f32 v57, v25;
	v56 =	vmul.f32 v49, v49  }
0x101: {  	v42 =	vadd.f32 $-1.000000000e+00, v42;
	v36 =	vcvt.s32.f32 v36;
	v62 =	vand.u32 $0x7FFFFF, v19  }
0x102: {  	v60 =	vadd.f32 $1.000000000e+00, v25;
	v25 =	vmul.f32 $1.428571490e-01, v56;
	v57 =	vor.u32 $0x3F800000, v62  }
0x103: {  	v59 =	vsel vm2, $0xFFFFFF82, v3;
	v54 =	vsel vm0, $0xFFFFFF82, v3;
	v61 =	vmul.f32 $5.000000000e-01, v57  }
0x104: {  	v41 =	vadd.s32 v41, v54;
	vm14 =	vge.f32 v57, $1.414213540e+00;
	v4 =	vadd.f32 $2.000000030e-01, v25  }
0x105: {  	v54 =	vmul.f32 v60, v55;
	v25 =	vsel vm14, v61, v57;
	v57 =	vsub.f32 $0.0e+00, v63  }
0x106: {  	v62 =	vsel vm4, $0xFFFFFF82, v3;
	v4 =	vmul.f32 v4, v56;
	v61 =	vadd.f32 $1.000000000e+00, v25  }
0x107: {  	v42 =	vmul.f32 v43, v42;
	v38 =	vadd.s32 v38, v62;
	v57 =	vmul.f32 $1.442695020e+00, v57  }
0x108: {  	v38 =	vcvt.s32.f32 v38;
	v4 =	vadd.f32 $3.333333430e-01, v4;
	(erf) = vrcp.f32 v61  }
0x109: {  	v49 =	vadd.f32 v49, v49;
	v63 =	vcvt.s32.f32 v41;
	(erf) = vpow2.f32 v57  }
0x10a: {  	v19 =	vshra.s32 v19, $0x17;
	v4 =	vmul.f32 v4, v56;
	v56 =	vmul.f32 v50, v50  }
0x10b: {  	v41 =	vsel vm6, $0xFFFFFF82, v3;
	v38 =	vmul.f32 $6.931471820e-01, v38;
	v55 =	vmul.f32 $6.931471820e-01, v63  }
0x10c: {  	v27 =	vadd.s32 v27, v41;
	v25 =	vadd.f32 $-1.000000000e+00, v25;
	v60 =	vmul.f32 $1.428571490e-01, v56  }
0x10d: {  	v63 =	vmul.f32 $6.931471820e-01, v36;
	v54 =	vadd.f32 v54, v55;
	v57 =	vadd.f32 v24, v28  }
0x10e: {  	v27 =	vcvt.s32.f32 v27;
	v4 =	vadd.f32 $1.000000000e+00, v4;
	v61 =	vadd.f32 $2.000000030e-01, v60  }
0x10f: {  	v50 =	vadd.f32 v50, v50;
	v54 =	vadd.f32 v54, v34;
	v34 =	vsel vm5, $0xFFFFFF82, v3  }
0x110: {  	v27 =	vmul.f32 $6.931471820e-01, v27;
	v20 =	vadd.s32 v20, v34;
	v4 =	vmul.f32 v4, v49  }
0x111: {  	v49 =	vshra.s32 v44, $0x17;
	v20 =	vcvt.s32.f32 v20;
	v55 =	vmul.f32 v61, v56;
	v36 =	vpop (erf)  }
0x112: {  	v59 =	vadd.s32 v49, v59;
	v4 =	vadd.f32 v4, v63;
	v63 =	vmax.f32 v40, $0.0e+00;
	v61 =	vpop (erf)  }
0x113: {  	v20 =	vmul.f32 $6.931471820e-01, v20;
	v60 =	vadd.f32 $3.333333430e-01, v55;
	v18 =	vadd.f32 $1.000000000e+00, v61  }
0x114: {  	v55 =	vmul.f32 $2.000000000e+01, v28;
	v4 =	vadd.f32 v4, v63;
	v63 =	vadd.f32 $-1.000000000e+00, v45  }
0x115: {  	v28 =	vsel vm14, $0xFFFFFF82, v3;
	v24 =	vmul.f32 v60, v56;
	v60 =	vand.u32 $0x7FFFFF, v18  }
0x116: {  	v56 =	vcvt.s32.f32 v59;
	v59 =	vadd.f32 $-1.000000000e+00, v52;
	v40 =	vor.u32 $0x3F800000, v60  }
0x117: {  	v47 =	vmul.f32 v47, v63;
	v63 =	vadd.f32 $1.000000050e-03, v58;
	v60 =	vmul.f32 $5.000000000e-01, v40  }
0x118: {  	v4 =	vadd.f32 $1.000000050e-03, v4;
	v61 =	vadd.f32 $1.000000000e+00, v24;
	vm15 =	vge.f32 v40, $1.414213540e+00  }
0x119: {  	v49 =	vmul.f32 v53, v59;
	v45 =	vmul.f32 v47, v47;
	v24 =	vsel vm15, v60, v40  }
0x11a: {  	v53 =	vadd.f32 v57, v63;
	v44 =	vmul.f32 v61, v50;
	v52 =	vadd.f32 $1.000000000e+00, v24  }
0x11b: {  	v50 =	vmul.f32 v49, v49;
	v61 =	vadd.f32 $1.000000000e+01, v17;
	v60 =	vmul.f32 $1.428571490e-01, v45  }
0x11c: {  	v47 =	vadd.f32 v47, v47;
	v40 =	vmul.f32 $6.931471820e-01, v56;
	(erf) = vrcp.f32 v52  }
0x11d: {  	v63 =	vadd.f32 $2.000000030e-01, v60;
	(erf) = vrcp.f32 v61;
	v61 =	vmul.f32 $1.428571490e-01, v50  }
0x11e: {  	v62 =	vadd.f32 v49, v49;
	v56 =	vmul.f32 $2.000000000e+01, v57;
	v57 =	vmul.f32 v35, v26  }
0x11f: {  	[tilespmem:s7+$0x3C00] =	vst v17;
	v44 =	vadd.f32 v44, v40;
	v26 =	vmul.f32 v63, v45;
	v59 =	vadd.f32 $2.000000030e-01, v61  }
0x120: {  	[tilespmem:s7+$0x3E00] =	vst v15;
	v40 =	vmul.f32 v35, v30;
	v30 =	vmul.f32 v35, v32;
	v32 =	vadd.f32 $1.000000050e-03, v54  }
0x121: {  	[tilespmem:s7+$0x4000] =	vst v13;
	v54 =	vsub.f32 v15, v17;
	v26 =	vadd.f32 $3.333333430e-01, v26;
	v60 =	vmul.f32 v59, v50  }
0x122: {  	[tilespmem:s7+$0x3A00] =	vst v1;
	v58 =	vmul.f32 v35, v29;
	v49 =	vadd.f32 $-1.000000000e+01, v56;
	v15 =	vsub.f32 v13, v15  }
0x123: {  	[tilespmem:s7+$0x4200] =	vst v11;
	v29 =	vmul.f32 v35, v31;
	v52 =	vadd.f32 $-1.000000000e+01, v55;
	v61 =	vadd.f32 $3.333333430e-01, v60  }
0x124: {  	[tilespmem:s7+$0x4400] =	vst v10;
	v13 =	vsub.f32 v11, v13;
	v63 =	vmax.f32 v37, $0.0e+00;
	v37 =	vmul.f32 v46, v46  }
0x125: {  	[tilespmem:s7+$0x4600] =	vst v9;
	v55 =	vmul.f32 v26, v45;
	v31 =	vmul.f32 v61, v50;
	v26 =	vpop (erf);
	v50 =	vadd.f32 $1.000000000e+01, v52  }
0x126: {  	[tilespmem:s7+$0x4800] =	vst v8;
	v11 =	vsub.f32 v10, v11;
	v30 =	vmul.f32 $9.900000090e-01, v30;
	(erf) = vrcp.f32 v54;
	v60 =	vpop (erf)  }
0x127: {  	[tilespmem:s7+$0x4A00] =	vst v7;
	v35 =	vadd.f32 v44, v63;
	v59 =	vmul.f32 $1.428571490e-01, v37;
	v61 =	vmul.f32 v50, v60  }
0x128: {  	[tilespmem:s7+$0x4C00] =	vst v6;
	v25 =	vmul.f32 v36, v25;
	v63 =	vadd.f32 $1.000000000e+00, v32;
	v30 =	vadd.f32 $1.000000050e-03, v30  }
0x129: {  	[tilespmem:s7+$0x6400] =	vst v1;
	v19 =	vadd.s32 v19, v28;
	v45 =	vadd.f32 $2.000000030e-01, v59;
	v17 =	vadd.f32 $-1.000000000e+00, v61  }
0x12a: {  	v19 =	vcvt.s32.f32 v19;
	[tilespmem:s7+$0x6800] =	vst v49;
	v35 =	vadd.f32 $1.000000050e-03, v35;
	v44 =	vadd.f32 $1.000000000e+00, v55  }
0x12b: {  	v45 =	vmul.f32 v45, v37;
	v31 =	vadd.f32 $1.000000000e+00, v31;
	[tilespmem:s7+$0x5000] =	vst v60;
	v60 =	vmul.f32 v17, v50  }
0x12c: {  	[tilespmem:s7+$0x6600] =	vst v52;
	v54 =	vsub.f32 v49, v52;
	v59 =	vadd.f32 v61, v61;
	v48 =	vmul.f32 v61, v61  }
0x12d: {  	v45 =	vadd.f32 $3.333333430e-01, v45;
	[tilespmem:s7+$0xA000] =	vst v50;
	v31 =	vmul.f32 v31, v62;
	v62 =	vmul.f32 $9.900000090e-01, v57  }
0x12e: {  	v44 =	vmul.f32 v44, v47;
	[tilespmem:s7+$0x7800] =	vst v61;
	v61 =	vsub.f32 v63, v59;
	v63 =	vadd.f32 v48, v48  }
0x12f: {  	v59 =	vadd.f32 $1.000000050e-03, v62;
	v62 =	vmul.f32 $9.900000090e-01, v58;
	[tilespmem:s7+$0x8C00] =	vst v60;
	v60 =	vpop (erf);
	(erf) = vrcp.f32 v15  }
0x130: {  	v38 =	vadd.f32 v44, v38;
	v44 =	vmul.f32 v25, v25;
	[tilespmem:s7+$0xF000] =	vst v48;
	v57 =	vmul.f32 v61, v48  }
0x131: {  	[tilespmem:s7+$0xB400] =	vst v61;
	v17 =	vmul.f32 v63, v17;
	v47 =	vadd.f32 v53, v59;
	v50 =	vadd.f32 $1.000000050e-03, v62  }
0x132: {  	v37 =	vmul.f32 v45, v37;
	v63 =	vadd.f32 v4, v32;
	[tilespmem:s7+$0xC800] =	vst v57;
	v61 =	vmul.f32 v54, v60  }
0x133: {  	[tilespmem:s7+$0xDC00] =	vst v17;
	v57 =	vmul.f32 $2.000000000e+01, v53;
	v50 =	vadd.f32 v47, v50;
	v47 =	vmul.f32 $2.000000000e+01, v47  }
0x134: {  	[tilespmem:s7+$0x5200] =	vst v60;
	v60 =	vmul.f32 v32, v54;
	v55 =	vadd.f32 v61, v61;
	v56 =	vsub.f32 v61, v32  }
0x135: {  	v15 =	vadd.f32 $-1.000000000e+01, v57;
	v57 =	vadd.f32 $1.000000000e+00, v37;
	v37 =	vmul.f32 v42, v42;
	[tilespmem:s7+$0x7A00] =	vst v61  }
0x136: {  	v53 =	vmax.f32 v23, $0.0e+00;
	v58 =	vmul.f32 v61, v61;
	[tilespmem:s7+$0xA200] =	vst v60;
	v59 =	vmul.f32 v56, v54  }
0x137: {  	v52 =	vsub.f32 v15, v49;
	[tilespmem:s7+$0x6A00] =	vst v15;
	v17 =	vsub.f32 v63, v55;
	v54 =	vmul.f32 $6.931471820e-01, v39  }
0x138: {  	v61 =	vadd.f32 v58, v58;
	v32 =	vmul.f32 v32, v58;
	[tilespmem:s7+$0x8E00] =	vst v59;
	v55 =	vpop (erf);
	(erf) = vrcp.f32 v13  }
0x139: {  	v39 =	vadd.f32 $-1.000000000e+01, v47;
	v62 =	vmul.f32 v17, v58;
	[tilespmem:s7+$0xB600] =	vst v17;
	v17 =	vadd.f32 v38, v53  }
0x13a: {  	v63 =	vmul.f32 v56, v61;
	v23 =	vadd.f32 v31, v54;
	[tilespmem:s7+$0xF200] =	vst v32;
	v61 =	vadd.f32 v46, v46  }
0x13b: {  	v59 =	vadd.f32 v35, v4;
	v51 =	vsub.f32 v39, v15;
	[tilespmem:s7+$0x6C00] =	vst v39;
	v56 =	vmul.f32 v52, v55  }
0x13c: {  	[tilespmem:s7+$0xCA00] =	vst v62;
	v62 =	vmul.f32 $1.428571490e-01, v37;
	v31 =	vmul.f32 v57, v61;
	v22 =	vadd.f32 v23, v22  }
0x13d: {  	v46 =	vmul.f32 v4, v52;
	[tilespmem:s7+$0xDE00] =	vst v63;
	v17 =	vadd.f32 $1.000000050e-03, v17;
	v58 =	vsub.f32 v56, v4  }
0x13e: {  	[tilespmem:s7+$0x5400] =	vst v55;
	v43 =	vadd.f32 $2.000000030e-01, v62;
	v55 =	vadd.f32 v31, v27;
	v13 =	vmul.f32 v56, v56  }
0x13f: {  	v60 =	vadd.f32 v56, v56;
	[tilespmem:s7+$0x7C00] =	vst v56;
	v56 =	vmul.f32 $9.900000090e-01, v40;
	v63 =	vmul.f32 v58, v52  }
0x140: {  	[tilespmem:s7+$0xA400] =	vst v46;
	v52 =	vmul.f32 v43, v37;
	v4 =	vmul.f32 v4, v13;
	v43 =	vimm.f32 $1.000000000e+01  }
0x141: {  	v38 =	vsub.f32 v59, v60;
	v59 =	vmul.f32 $9.900000090e-01, v33;
	[tilespmem:s7+$0x4E00] =	vst v43;
	v53 =	vpop (erf);
	(erf) = vrcp.f32 v11  }
0x142: {  	v49 =	vadd.f32 v13, v13;
	v60 =	vmul.f32 $2.000000000e+01, v50;
	[tilespmem:s7+$0x9000] =	vst v63;
	v54 =	vmul.f32 v51, v53  }
0x143: {  	v48 =	vmul.f32 v38, v13;
	v23 =	vadd.f32 $3.333333430e-01, v52;
	[tilespmem:s7+$0xF400] =	vst v4;
	v4 =	vadd.f32 v17, v35  }
0x144: {  	[tilespmem:s7+$0xB800] =	vst v38;
	v32 =	vmul.f32 v58, v49;
	v58 =	vadd.f32 $1.000000050e-03, v56;
	v57 =	vadd.f32 v54, v54  }
0x145: {  	v31 =	vadd.f32 $-1.000000000e+01, v60;
	v63 =	vadd.f32 v42, v42;
	v42 =	vmul.f32 v35, v51;
	[tilespmem:s7+$0xCC00] =	vst v48  }
0x146: {  	v27 =	vadd.f32 $1.000000050e-03, v59;
	[tilespmem:s7+$0xE000] =	vst v32;
	v41 =	vmul.f32 v54, v54;
	v4 =	vsub.f32 v4, v57  }
0x147: {  	v23 =	vmul.f32 v23, v37;
	v13 =	vadd.f32 v50, v58;
	[tilespmem:s7+$0xA600] =	vst v42;
	v50 =	vsub.f32 v31, v39  }
0x148: {  	v61 =	vsub.f32 v54, v35;
	v45 =	vmul.f32 v4, v41;
	[tilespmem:s7+$0xBA00] =	vst v4;
	v4 =	vsub.f32 v9, v10  }
0x149: {  	[tilespmem:s7+$0x6E00] =	vst v31;
	v27 =	vadd.f32 v13, v27;
	v13 =	vmul.f32 $2.000000000e+01, v13;
	v60 =	vmul.f32 v17, v50  }
0x14a: {  	v25 =	vadd.f32 v25, v25;
	[tilespmem:s7+$0x5600] =	vst v53;
	v40 =	vmul.f32 v61, v51;
	v51 =	vpop (erf);
	(erf) = vrcp.f32 v4  }
0x14b: {  	v22 =	vadd.f32 $1.000000050e-03, v22;
	v48 =	vmul.f32 $1.428571490e-01, v44;
	[tilespmem:s7+$0x7E00] =	vst v54;
	v33 =	vadd.f32 $-1.000000000e+01, v13  }
0x14c: {  	v21 =	vadd.f32 v55, v21;
	v23 =	vadd.f32 $1.000000000e+00, v23;
	v62 =	vmul.f32 $2.000000000e+01, v27;
	[tilespmem:s7+$0xA800] =	vst v60  }
0x14d: {  	v52 =	vadd.f32 $2.000000030e-01, v48;
	v13 =	vadd.f32 v27, v30;
	v30 =	vmul.f32 v35, v41;
	[tilespmem:s7+$0x7000] =	vst v33  }
0x14e: {  	v29 =	vmul.f32 $9.900000090e-01, v29;
	v46 =	vadd.f32 v41, v41;
	v11 =	vadd.f32 $-1.000000000e+01, v62;
	[tilespmem:s7+$0x9200] =	vst v40  }
0x14f: {  	v21 =	vadd.f32 $1.000000050e-03, v21;
	v23 =	vmul.f32 v23, v63;
	v54 =	vmul.f32 v52, v44;
	[tilespmem:s7+$0xF600] =	vst v30  }
0x150: {  	v47 =	vmul.f32 $2.000000000e+01, v13;
	v63 =	vsub.f32 v33, v31;
	v49 =	vmul.f32 v61, v46;
	[tilespmem:s7+$0x7200] =	vst v11  }
0x151: {  	v19 =	vmul.f32 $6.931471820e-01, v19;
	v27 =	vadd.f32 $3.333333430e-01, v54;
	v9 =	vsub.f32 v8, v9;
	[tilespmem:s7+$0xCE00] =	vst v45  }
0x152: {  	v10 =	vadd.f32 $-1.000000000e+01, v47;
	v48 =	vmul.f32 v22, v63;
	[tilespmem:s7+$0xE200] =	vst v49;
	v53 =	vmul.f32 v50, v51  }
0x153: {  	v52 =	vsub.f32 v11, v33;
	v4 =	vadd.f32 $1.000000050e-03, v29;
	[tilespmem:s7+$0x5800] =	vst v51;
	v37 =	vpop (erf);
	(erf) = vrcp.f32 v9  }
0x154: {  	v56 =	vadd.f32 v22, v17;
	v15 =	vmul.f32 v27, v44;
	[tilespmem:s7+$0xAA00] =	vst v48;
	v55 =	vsub.f32 v53, v17  }
0x155: {  	v27 =	vmul.f32 v21, v52;
	[tilespmem:s7+$0x7400] =	vst v10;
	v4 =	vadd.f32 v13, v4;
	v57 =	vadd.f32 v53, v53  }
0x156: {  	v43 =	vadd.f32 v21, v22;
	v58 =	vmul.f32 v53, v53;
	[tilespmem:s7+$0x8000] =	vst v53;
	v59 =	vmul.f32 v55, v50  }
0x157: {  	v20 =	vadd.f32 v23, v20;
	[tilespmem:s7+$0xAC00] =	vst v27;
	v4 =	vmul.f32 $2.000000000e+01, v4;
	v28 =	vsub.f32 v56, v57  }
0x158: {  	v41 =	vadd.f32 $-1.000000000e+00, v24;
	v8 =	vsub.f32 v7, v8;
	v39 =	vmul.f32 v17, v58;
	[tilespmem:s7+$0x9400] =	vst v59  }
0x159: {  	v38 =	vmax.f32 v14, $0.0e+00;
	v61 =	vadd.f32 v58, v58;
	v4 =	vadd.f32 $-1.000000000e+01, v4;
	[tilespmem:s7+$0xBC00] =	vst v28  }
0x15a: {  	v7 =	vsub.f32 v6, v7;
	v62 =	vmul.f32 v28, v58;
	[tilespmem:s7+$0xF800] =	vst v39;
	v40 =	vmul.f32 v63, v37  }
0x15b: {  	v36 =	vmul.f32 v55, v61;
	[tilespmem:s7+$0x7600] =	vst v4;
	v9 =	vadd.f32 v20, v38;
	v20 =	vmul.f32 v26, v41  }
0x15c: {  	v15 =	vadd.f32 $1.000000000e+00, v15;
	[tilespmem:s7+$0xD000] =	vst v62;
	v42 =	vsub.f32 v40, v22;
	v53 =	vpop (erf);
	(erf) = vrcp.f32 v8  }
0x15d: {  	[tilespmem:s7+$0xE400] =	vst v36;
	v47 =	vmul.f32 v20, v20;
	v44 =	vadd.f32 v40, v40;
	v45 =	vmul.f32 v40, v40  }
0x15e: {  	v31 =	vsub.f32 v10, v11;
	v15 =	vmul.f32 v15, v25;
	[tilespmem:s7+$0x5A00] =	vst v37;
	v46 =	vmul.f32 v42, v63  }
0x15f: {  	[tilespmem:s7+$0x8200] =	vst v40;
	v50 =	vmul.f32 $1.428571490e-01, v47;
	v23 =	vsub.f32 v43, v44;
	v49 =	vadd.f32 v45, v45  }
0x160: {  	v15 =	vadd.f32 v15, v19;
	v9 =	vadd.f32 $1.000000050e-03, v9;
	v55 =	vmul.f32 v22, v45;
	[tilespmem:s7+$0x9600] =	vst v46  }
0x161: {  	v57 =	vshra.s32 v18, $0x17;
	v54 =	vadd.f32 $2.000000030e-01, v50;
	[tilespmem:s7+$0xBE00] =	vst v23;
	v14 =	vmul.f32 v42, v49  }
0x162: {  	v59 =	vsel vm15, $0xFFFFFF82, v3;
	v44 =	vmul.f32 v9, v31;
	[tilespmem:s7+$0xFA00] =	vst v55;
	v56 =	vmul.f32 v52, v53  }
0x163: {  	v51 =	vmul.f32 v23, v45;
	[tilespmem:s7+$0xE600] =	vst v14;
	v8 =	vmul.f32 v54, v47;
	v14 =	vadd.s32 v57, v59  }
0x164: {  	v60 =	vadd.f32 v9, v21;
	[tilespmem:s7+$0xAE00] =	vst v44;
	v14 =	vcvt.s32.f32 v14;
	v58 =	vsub.f32 v56, v21  }
0x165: {  	[tilespmem:s7+$0xD200] =	vst v51;
	v8 =	vadd.f32 $3.333333430e-01, v8;
	v61 =	vadd.f32 v56, v56;
	v33 =	vpop (erf);
	(erf) = vrcp.f32 v7  }
0x166: {  	v15 =	vadd.f32 v15, v16;
	[tilespmem:s7+$0x5C00] =	vst v53;
	v62 =	vmul.f32 v56, v56;
	v63 =	vmul.f32 v58, v52  }
0x167: {  	v36 =	vadd.f32 v20, v20;
	[tilespmem:s7+$0x8400] =	vst v56;
	v8 =	vmul.f32 v8, v47;
	v26 =	vsub.f32 v60, v61  }
0x168: {  	v37 =	vmul.f32 $6.931471820e-01, v14;
	v29 =	vadd.f32 v62, v62;
	v34 =	vmul.f32 v21, v62;
	[tilespmem:s7+$0x9800] =	vst v63  }
0x169: {  	v8 =	vadd.f32 $1.000000000e+00, v8;
	v30 =	vmul.f32 v26, v62;
	[tilespmem:s7+$0xC000] =	vst v26;
	v7 =	vadd.f32 $1.000000050e-03, v15  }
0x16a: {  	v6 =	vsub.f32 $1.000000000e+01, v6;
	v32 =	vmul.f32 v58, v29;
	[tilespmem:s7+$0xFC00] =	vst v34;
	v35 =	vmul.f32 v31, v33  }
0x16b: {  	v47 =	vsub.f32 v4, v10;
	v8 =	vmul.f32 v8, v36;
	[tilespmem:s7+$0xD400] =	vst v30;
	v39 =	vadd.f32 v7, v9  }
0x16c: {  	v12 =	vmax.f32 v12, $0.0e+00;
	[tilespmem:s7+$0xE800] =	vst v32;
	v38 =	vsub.f32 v35, v9;
	v40 =	vadd.f32 v35, v35  }
0x16d: {  	[tilespmem:s7+$0x5E00] =	vst v33;
	v8 =	vadd.f32 v8, v37;
	v54 =	vmul.f32 v7, v47;
	v41 =	vmul.f32 v35, v35  }
0x16e: {  	[tilespmem:s7+$0x8600] =	vst v35;
	v42 =	vmul.f32 v38, v31;
	v43 =	vsub.f32 v39, v40;
	v48 =	vpop (erf);
	(erf) = vrcp.f32 v6  }
0x16f: {  	v8 =	vadd.f32 v8, v12;
	[tilespmem:s7+$0xB000] =	vst v54;
	v45 =	vadd.f32 v41, v41  }
0x170: {  	[tilespmem:s7+$0x9A00] =	vst v42;
	v46 =	vmul.f32 v43, v41  }
0x171: {  	v57 =	vsub.f32 $1.000000000e+01, v4;
	v8 =	vadd.f32 $1.000000050e-03, v8;
	[tilespmem:s7+$0xC200] =	vst v43;
	v11 =	vmul.f32 v38, v45  }
0x172: {  	[tilespmem:s7+$0xD600] =	vst v46;
	v6 =	vmul.f32 v9, v41;
	v49 =	vmul.f32 v47, v48  }
0x173: {  	v62 =	vmul.f32 v8, v57;
	[tilespmem:s7+$0xEA00] =	vst v11  }
0x174: {  	[tilespmem:s7+$0xFE00] =	vst v6;
	v6 =	vsub.f32 v49, v7;
	v52 =	vmul.f32 v49, v49  }
0x175: {  	v50 =	vadd.f32 v8, v7;
	[tilespmem:s7+$0xB200] =	vst v62;
	v51 =	vadd.f32 v49, v49  }
0x176: {  	[tilespmem:s7+$0x6000] =	vst v48;
	v53 =	vmul.f32 v6, v47;
	v55 =	vadd.f32 v52, v52  }
0x177: {  	[tilespmem:s7+$0x8800] =	vst v49;
	v11 =	vsub.f32 v50, v51;
	v58 =	vpop (erf)  }
0x178: {  	[tilespmem:s7+$0x9C00] =	vst v53;
	v6 =	vmul.f32 v6, v55;
	v59 =	vmul.f32 v57, v58  }
0x179: {  	v7 =	vmul.f32 v7, v52;
	[tilespmem:s7+$0xC400] =	vst v11  }
0x17a: {  	v56 =	vmul.f32 v11, v52;
	[tilespmem:s7+$0xEC00] =	vst v6;
	v6 =	vsub.f32 v59, v8  }
0x17b: {  	[tilespmem:s7+$0x10000] =	vst v7;
	v7 =	vadd.f32 $1.000000000e+00, v8;
	v60 =	vadd.f32 v59, v59  }
0x17c: {  	[tilespmem:s7+$0xD800] =	vst v56;
	v61 =	vmul.f32 v59, v59;
	v4 =	vmul.f32 v6, v57  }
0x17d: {  	[tilespmem:s7+$0x6200] =	vst v58;
	v7 =	vsub.f32 v7, v60  }
0x17e: {  	p0 =	sne.s32 s9, $0x7C0;
	[tilespmem:s7+$0x9E00] =	vst v4;
	v4 =	vadd.f32 v61, v61  }
.Ltmp2:
0x17f: {  	[tilespmem:s7+$0x8A00] =	vst v59;
	v63 =	vmul.f32 v7, v61;
	(pc) =	sbr.rel @p0 .LBB2_2-.Ltmp2, $4  }
0x180: {  	[tilespmem:s7+$0xC600] =	vst v7;
	v4 =	vmul.f32 v6, v4  }
0x181: {  	[tilespmem:s7+$0xDA00] =	vst v63;
	v6 =	vmul.f32 v8, v61  }
0x182: {  	[tilespmem:s7+$0xEE00] =	vst v4  }
0x183: {  	s8 =	sadd.s32 $0x10, s8;
	s9 =	sadd.s32 $0x40, s9;
	[tilespmem:s7+$0x10200] =	vst v6  }
0x184: {  	s8 =	simm.s32 $0x0;
	s1 =	rddreg [dreg:$0x8];
	s2 =	simm.s32 $0x12400  }
0x185: {  	[tilespmem:s2], [sflag:$0x1] =	stream.linear.gather [hbm4b:s1+s8], $0x2000, $0x38;
	[tilespmem:$0x1A600] =	vst v63  }
0x186: {  	s1 =	rddreg [dreg:$0xa]  }
.LBB2_4:
0x187: {  	s2 =	simm.s32 $0x14400;
	s19 =	simm.s32 $0x1  }
0x188: {  	[tilespmem:s2], [sflag:$0x2] =	stream.linear.gather [hbm4b:s1+s6], $0x2000, $0x38;
	[tilespmem:$0x1A600] =	vst v63  }
0x189: {  	_ =	swait.ge [sflag:s19], $0x2000  }
0x18a: {  	p0 =	seq.s32 s8, $0x0;
	[sflag:s19] =	ssyncset.done $0x0  }
0x18b: {  	s1 =	simm.s32 @!p0 $0x3;
	[sflag:s19] =	ssyncadd.s32 $0xFFFFE000  }
0x18c: {  	_ =	swait.ge @!p0 [sflag:s1], $0x2000  }
0x18d: {  	s4 =	sshll.u32 s8, $0x5;
	s20 =	rddreg [dreg:$0x5]  }
0x18e: {  	[dreg:$0x10] =	wrdreg s4;
	[sflag:s1] =	ssyncset.done @!p0 $0x0;
	s2 =	sadd.s32 s20, s4  }
0x18f: {  	s13 =	simm.s32 $0x0;
	[sflag:s1] =	ssyncadd.s32 @!p0 $0xFFFFE000;
	[dreg:$0x11] =	wrdreg s2  }
.LBB2_5:
0x190: {  	s1 =	sshll.u32 s13, $0x9;
	s2 =	sshll.u32 s13, $0x7  }
0x191: {  	s5 =	simm.s32 $0x0;
	s1 =	sand.u32 $0x1000, s1;
	s2 =	sand.u32 $0x380, s2  }
0x192: {  	s11 =	simm.s32 $0x0;
	s6 =	sand.u32 $0x60, s5;
	s2 =	sor.u32 s1, s2  }
0x193: {  	s1 =	sand.u32 $0xC00, s11;
	s6 =	sor.u32 s6, s2  }
0x194: {  	s19 =	sor.u32 s1, s6  }
0x195: {  	v21 =	vld [tilespmem:s19+$0x12400]  }
0x196: {  	s12 =	sand.u32 $0x1E0, s5  }
0x197: {  	v4 =	vld [tilespmem:s12+$0x11200];
	_ =	sdelay $0x1  }
0x198: {  	s7 =	simm.s32 $0x10  }
0x199: {  	s14 =	sand.u32 $0x70, s7;
	v6 =	vmax.f32 v21, $-1.000000000e+01  }
0x19a: {  	s6 =	sor.u32 s2, s14;
	v14 =	vmin.f32 v6, $1.000000000e+01  }
0x19b: {  	s6 =	sor.u32 s1, s6;
	vm0 =	vge.f32 v14, v4  }
0x19c: {  	v20 =	vld [tilespmem:s6+$0x12400];
	v4 =	vor.u32 s5, v0;
	v6 =	vsel vm0, $0x1000, v5  }
0x19d: {  	s15 =	simm.s32 $0x11210;
	v6 =	vor.u32 v4, v6  }
0x19e: {  	v8 =	vld [tilespmem:s15+$0x0];
	v4 =	vand.u32 $0x6F, v4;
	v7 =	vand.u32 $0x1180, v6  }
0x19f: {  	v7 =	vor.u32 v7, v4  }
0x1a0: {  	v7 =	vor.u32 $0x600, v7  }
0x1a1: {  	v9 =	vmax.f32 v20, $-1.000000000e+01  }
0x1a2: {  	v10 =	vmin.f32 v9, $1.000000000e+01  }
0x1a3: {  	vm0 =	vge.f32 v10, v8  }
0x1a4: {  	v8 =	vor.u32 s7, v0;
	v9 =	vsel vm0, $0x1000, v5  }
0x1a5: {  	v9 =	vor.u32 v8, v9;
	v7 =	vld.idx.msk [tilespmem:v7+s21+$0x0], $0xffff  }
0x1a6: {  	v13 =	vand.u32 $0x7F, v8;
	v8 =	vand.u32 $0x7FFFFF80, v9  }
0x1a7: {  	v8 =	vor.u32 v13, v8  }
0x1a8: {  	s16 =	simm.s32 $0x30;
	v8 =	vadd.s32 $0x600, v8  }
0x1a9: {  	s18 =	simm.s32 $0x100;
	s17 =	sand.u32 $0x70, s16  }
0x1aa: {  	s5 =	sor.u32 s2, s17;
	s7 =	sand.u32 $0xC00, s18;
	vm0 =	vge.f32 v14, v7  }
0x1ab: {  	s14 =	sor.u32 s7, s5;
	v7 =	vsel vm0, $0x800, v5  }
0x1ac: {  	v11 =	vor.u32 v7, v6;
	v6 =	vld [tilespmem:s14+$0x12400]  }
0x1ad: {  	s20 =	simm.s32 $0x11230;
	v8 =	vld.idx.msk [tilespmem:v8+s21+$0x0], $0xffff;
	v7 =	vand.u32 $0x7FFFFF80, v11  }
0x1ae: {  	v15 =	vld [tilespmem:s20+$0x0];
	v7 =	vor.u32 v4, v7  }
0x1af: {  	v7 =	vadd.s32 $0x200, v7;
	_ =	sdelay $0x1  }
0x1b0: {  	s4 =	simm.s32 $0x20;
	v12 =	vmax.f32 v6, $-1.000000000e+01  }
0x1b1: {  	s11 =	sand.u32 $0x60, s4;
	vm0 =	vge.f32 v10, v8;
	v12 =	vmin.f32 v12, $1.000000000e+01  }
0x1b2: {  	s11 =	sor.u32 s11, s2;
	v8 =	vsel vm0, $0x800, v5;
	vm0 =	vge.f32 v12, v15  }
0x1b3: {  	s15 =	sor.u32 s7, s11;
	v8 =	vor.u32 v8, v9;
	v9 =	vor.u32 s16, v0;
	v16 =	vld.idx.msk [tilespmem:v7+s21+$0x0], $0xffff;
	v15 =	vsel vm0, $0x1000, v5  }
0x1b4: {  	v17 =	vand.u32 $0xFFFFFF80, v8;
	v7 =	vld [tilespmem:s15+$0x12400];
	v15 =	vor.u32 v9, v15  }
0x1b5: {  	s9 =	sand.u32 $0x1E0, s4;
	v22 =	vand.u32 $0x7F, v9;
	v17 =	vor.u32 v13, v17;
	v9 =	vand.u32 $0x7FFFFF80, v15  }
0x1b6: {  	v18 =	vld [tilespmem:s9+$0x11200];
	v17 =	vadd.s32 $0x200, v17;
	v9 =	vor.u32 v22, v9  }
0x1b7: {  	v9 =	vadd.s32 $0x600, v9  }
0x1b8: {  	vm0 =	vge.f32 v14, v16  }
0x1b9: {  	v19 =	vmax.f32 v7, $-1.000000000e+01;
	v16 =	vsel vm0, $0x400, v5  }
0x1ba: {  	v28 =	vmin.f32 v19, $1.000000000e+01;
	v16 =	vor.u32 v16, v11  }
0x1bb: {  	v17 =	vld.idx.msk [tilespmem:v17+s21+$0x0], $0xffff;
	vm0 =	vge.f32 v28, v18;
	v11 =	vand.u32 $0xFFFFFF80, v16  }
0x1bc: {  	v19 =	vsel vm0, $0x1000, v5;
	v18 =	vor.u32 v4, v11;
	v11 =	vor.u32 s4, v0;
	v9 =	vld.idx.msk [tilespmem:v9+s21+$0x0], $0xffff  }
0x1bd: {  	v19 =	vor.u32 v11, v19  }
0x1be: {  	v11 =	vand.u32 $0x6F, v11;
	v23 =	vand.u32 $0x1180, v19  }
0x1bf: {  	v23 =	vor.u32 v23, v11  }
0x1c0: {  	vm0 =	vge.f32 v10, v17;
	v17 =	vor.u32 $0x600, v23  }
0x1c1: {  	v23 =	vsel vm0, $0x400, v5;
	v18 =	vld.idx.msk [tilespmem:v18+s21+$0x0], $0xffff;
	vm0 =	vge.f32 v12, v9  }
0x1c2: {  	v23 =	vadd.s32 v23, v8;
	v8 =	vsel vm0, $0x800, v5  }
0x1c3: {  	v9 =	vand.u32 $0xFFFFFF80, v23;
	v24 =	vor.u32 v8, v15  }
0x1c4: {  	v8 =	vor.u32 v13, v9;
	v9 =	vand.u32 $0xFFFFFF80, v24  }
0x1c5: {  	v15 =	vld.idx.msk [tilespmem:v17+s21+$0x0], $0xffff;
	v9 =	vor.u32 v22, v9  }
0x1c6: {  	s10 =	simm.s32 $0x50;
	vm0 =	vge.f32 v14, v18;
	v9 =	vadd.s32 $0x200, v9  }
0x1c7: {  	s12 =	simm.s32 $0x200;
	s11 =	sand.u32 $0x70, s10;
	v17 =	vsel vm0, $0x200, v5  }
0x1c8: {  	s7 =	sand.u32 $0xC00, s12;
	s5 =	sor.u32 s2, s11;
	s16 =	simm.s32 $0x40;
	v16 =	vadd.s32 v17, v16  }
0x1c9: {  	s18 =	sor.u32 s7, s5;
	s17 =	sand.u32 $0x60, s16;
	v17 =	vld.idx.msk [tilespmem:v8+s21+$0x0], $0xffff;
	v16 =	vand.u32 $0xFFFFFF80, v16  }
0x1ca: {  	s5 =	sor.u32 s17, s2;
	v8 =	vld [tilespmem:s18+$0x12400];
	v4 =	vor.u32 v4, v16;
	vm0 =	vge.f32 v28, v15  }
0x1cb: {  	s7 =	sor.u32 s7, s5;
	v15 =	vsel vm0, $0x800, v5;
	v16 =	vld.idx.msk [tilespmem:v9+s21+$0x0], $0xffff  }
0x1cc: {  	s12 =	simm.s32 $0x11250;
	v9 =	vld [tilespmem:s7+$0x12400];
	v25 =	vor.u32 v15, v19  }
0x1cd: {  	s20 =	sand.u32 $0x1E0, s16;
	v19 =	vld [tilespmem:s12+$0x0];
	v15 =	vand.u32 $0x7FFFFF80, v25  }
0x1ce: {  	v29 =	vld [tilespmem:s20+$0x11200];
	v15 =	vor.u32 v11, v15  }
0x1cf: {  	v26 =	vld.idx.msk [tilespmem:v4+s22+$0x0], $0xffff;
	v27 =	vadd.s32 $0x200, v15  }
0x1d0: {  	v31 =	vimm.s32 $0x0;
	v33 =	vor.u32 s10, v0;
	v15 =	vmax.f32 v8, $-1.000000000e+01  }
0x1d1: {  	v34 =	vor.u32 s16, v0;
	vm0 =	vge.f32 v10, v17;
	v30 =	vld.idx.msk [tilespmem:v4+s23+$0x0], $0xffff;
	v15 =	vmin.f32 v15, $1.000000000e+01  }
0x1d2: {  	v32 =	vsel vm0, $0x200, v5;
	v17 =	vmax.f32 v9, $-1.000000000e+01;
	vm0 =	vge.f32 v15, v19  }
0x1d3: {  	v18 =	vand.u32 $0x7F, v33;
	v17 =	vmin.f32 v17, $1.000000000e+01;
	v19 =	vsel vm0, $0x1000, v5  }
0x1d4: {  	vm1 =	vge.f32 v17, v29;
	v14 =	vsub.f32 v14, v26;
	v26 =	vld.idx.msk [tilespmem:v27+s21+$0x0], $0xffff;
	v27 =	vor.u32 v33, v19  }
0x1d5: {  	vm0 =	vge.f32 v12, v16;
	v19 =	vsel vm1, $0x1000, v5;
	v16 =	vand.u32 $0x7FFFFF80, v27  }
0x1d6: {  	v36 =	vor.u32 v34, v19;
	v30 =	vmul.f32 v30, v14;
	v16 =	vor.u32 v18, v16  }
0x1d7: {  	v47 =	vld.idx.msk [tilespmem:v4+s29+$0x0], $0xffff;
	v19 =	vand.u32 $0x6F, v34;
	v14 =	vsel vm0, $0x400, v5;
	v16 =	vadd.s32 $0x600, v16  }
0x1d8: {  	s17 =	simm.s32 $0x60;
	v35 =	vld.idx.msk [tilespmem:v4+s30+$0x0], $0xffff;
	v29 =	vadd.s32 v14, v24;
	v14 =	vand.u32 $0x1180, v36;
	v37 =	vmul.f32 v30, v30  }
0x1d9: {  	v46 =	vor.u32 s17, v0;
	v24 =	vld.idx.msk [tilespmem:v4+s25+$0x0], $0xffff;
	v14 =	vor.u32 v14, v19;
	v48 =	vand.u32 $0xFFFFFF80, v29  }
0x1da: {  	s4 =	simm.s32 $0x70;
	v38 =	vld.idx.msk [tilespmem:v4+s31+$0x0], $0xffff;
	vm0 =	vge.f32 v28, v26;
	v14 =	vor.u32 $0x600, v14;
	v26 =	vsub.f32 v30, v37  }
0x1db: {  	v63 =	vor.u32 s4, v0;
	v49 =	vld.idx.msk [tilespmem:v4+s26+$0x0], $0xffff;
	v40 =	vor.u32 v22, v48;
	v39 =	vsel vm0, $0x400, v5  }
0x1dc: {  	v41 =	vld.idx.msk [tilespmem:v4+s28+$0x0], $0xffff;
	v23 =	vadd.s32 v32, v23;
	v25 =	vor.u32 v39, v25;
	v26 =	vmul.f32 v47, v26  }
0x1dd: {  	v34 =	vimm.f32 $1.000000000e+00;
	v50 =	vmul.f32 v35, v30;
	v51 =	vld.idx.msk [tilespmem:v16+s21+$0x0], $0xffff;
	v16 =	vand.u32 $0xFFFFFF80, v25  }
0x1de: {  	v52 =	vld.idx.msk [tilespmem:v4+s0+$0x0], $0xffff;
	v42 =	vor.u32 v11, v16;
	v16 =	vand.u32 $0xFFFFFF80, v23;
	v23 =	vadd.f32 v26, v24  }
0x1df: {  	v35 =	vand.u32 $0x7FFFFFFF, v6;
	v24 =	vadd.f32 v38, v50;
	v33 =	vor.u32 v13, v16;
	v53 =	vld.idx.msk [tilespmem:v14+s21+$0x0], $0xffff  }
0x1e0: {  	v26 =	vand.u32 $0x7FFFFFFF, v21;
	v13 =	vmul.f32 v49, v30;
	v54 =	vld.idx.msk [tilespmem:v40+s21+$0x0], $0xffff;
	(erf) = vrcp.f32 v23  }
0x1e1: {  	v16 =	vand.u32 $0x7FFFFFFF, v7;
	v23 =	vand.u32 $0x7FFFFFFF, v20;
	v14 =	vmul.f32 v24, v30  }
0x1e2: {  	v4 =	vld.idx.msk [tilespmem:v4+s24+$0x0], $0xffff;
	v24 =	vadd.f32 v41, v13;
	v13 =	vand.u32 $0x7FFFFFFF, v9;
	vm0 =	vge.f32 v15, v51  }
0x1e3: {  	v32 =	vadd.f32 v14, v52;
	v55 =	vld.idx.msk [tilespmem:v42+s21+$0x0], $0xffff;
	v56 =	vsel vm0, $0x800, v5;
	v14 =	vand.u32 $0x7FFFFFFF, v8  }
0x1e4: {  	s5 =	simm.s32 $0x11270;
	v24 =	vmul.f32 v24, v30;
	vm0 =	vle.f32 v23, $1.000000000e+01;
	v30 =	vld.idx.msk [tilespmem:v33+s22+$0x0], $0xffff;
	v40 =	vor.u32 v56, v27  }
0x1e5: {  	v47 =	vld [tilespmem:s5+$0x0];
	vm1 =	vge.f32 v17, v53;
	vm2 =	vge.f32 v12, v54;
	vm0 =	vmmov vm0  }
0x1e6: {  	v57 =	vld.idx.msk [tilespmem:v33+s23+$0x0], $0xffff;
	v23 =	vand.u32 $0xFFFFFF80, v40;
	v27 =	vsel vm1, $0x800, v5;
	v41 =	vsel vm2, $0x200, v5  }
0x1e7: {  	v58 =	vld.idx.msk [tilespmem:v33+s26+$0x0], $0xffff;
	v23 =	vor.u32 v18, v23;
	v36 =	vor.u32 v27, v36;
	v29 =	vadd.s32 v41, v29  }
0x1e8: {  	v27 =	vld.idx.msk [tilespmem:v33+s30+$0x0], $0xffff;
	v23 =	vadd.s32 $0x200, v23;
	v59 =	vand.u32 $0x7FFFFF80, v36;
	vm1 =	vge.f32 v28, v55  }
0x1e9: {  	s11 =	simm.s32 $0x300;
	s9 =	sand.u32 $0x70, s4;
	v60 =	vld.idx.msk [tilespmem:v33+s31+$0x0], $0xffff;
	v42 =	vor.u32 v19, v59;
	v43 =	vsel vm1, $0x200, v5;
	v10 =	vsub.f32 v10, v30;
	v30 =	vpop (erf)  }
0x1ea: {  	s16 =	sand.u32 $0xC00, s11;
	s1 =	sor.u32 s2, s9;
	v44 =	vld.idx.msk [tilespmem:v33+s28+$0x0], $0xffff;
	v42 =	vadd.s32 $0x200, v42;
	v25 =	vadd.s32 v43, v25;
	v32 =	vmul.f32 v32, v30  }
0x1eb: {  	s10 =	sand.u32 $0x60, s17;
	s12 =	sor.u32 s16, s1;
	v61 =	vld.idx.msk [tilespmem:v33+s29+$0x0], $0xffff;
	v25 =	vand.u32 $0xFFFFFF80, v25;
	v24 =	vmul.f32 v30, v24;
	v37 =	vmul.f32 v57, v10  }
0x1ec: {  	s1 =	sor.u32 s10, s2;
	vm1 =	vle.f32 v26, $1.000000000e+01;
	v10 =	vld [tilespmem:s12+$0x12400];
	v45 =	vor.u32 v11, v25;
	v25 =	vmul.f32 v32, v30  }
0x1ed: {  	s1 =	sor.u32 s16, s1;
	v23 =	vld.idx.msk [tilespmem:v23+s21+$0x0], $0xffff;
	v4 =	vadd.f32 v24, v4;
	v24 =	vmul.f32 v37, v37;
	v26 =	vmul.f32 v27, v37  }
0x1ee: {  	v29 =	vand.u32 $0xFFFFFF80, v29;
	v11 =	vld [tilespmem:s1+$0x12400];
	v62 =	vmul.f32 v58, v37;
	v27 =	vand.u32 $0x7FFFFF, v25  }
0x1ef: {  	s20 =	sand.u32 $0x1E0, s17;
	v30 =	vld.idx.msk [tilespmem:v33+s25+$0x0], $0xffff;
	v24 =	vsub.f32 v37, v24;
	v48 =	vshra.s32 v25, $0x17;
	v39 =	vadd.f32 v60, v26  }
0x1f0: {  	v50 =	vld [tilespmem:s20+$0x11200];
	v32 =	vadd.f32 v44, v62;
	v4 =	vsel vm1, v4, v21;
	v27 =	vor.u32 $0x3F800000, v27  }
0x1f1: {  	v58 =	vld.idx.msk [tilespmem:v42+s21+$0x0], $0xffff;
	v25 =	vmax.f32 v10, $-1.000000000e+01;
	v48 =	vnsel vm1, $0x7F, v48;
	v49 =	vnsel vm1, $0x3F800000, v27  }
0x1f2: {  	v26 =	vmul.f32 v61, v24;
	v56 =	vld.idx.msk [tilespmem:v45+s22+$0x0], $0xffff;
	v27 =	vand.u32 $0x6F, v46;
	v24 =	vand.u32 $0x7F, v63  }
0x1f3: {  	vm2 =	vge.f32 v15, v23;
	v25 =	vmin.f32 v25, $1.000000000e+01;
	v57 =	vld.idx.msk [tilespmem:v45+s23+$0x0], $0xffff;
	v51 =	vmax.f32 v11, $-1.000000000e+01  }
0x1f4: {  	v55 =	vld.idx.msk [tilespmem:v45+s30+$0x0], $0xffff;
	v23 =	vsel vm2, $0x400, v5;
	vm2 =	vge.f32 v25, v47;
	v30 =	vadd.f32 v26, v30  }
0x1f5: {  	v60 =	vld.idx.msk [tilespmem:v45+s26+$0x0], $0xffff;
	v26 =	vadd.s32 v23, v40;
	v23 =	vmin.f32 v51, $1.000000000e+01;
	v54 =	vsel vm2, $0x1000, v5  }
0x1f6: {  	v38 =	vor.u32 v63, v54;
	v59 =	vand.u32 $0xFFFFFF80, v26;
	(erf) = vrcp.f32 v30;
	v30 =	vld.idx.msk [tilespmem:v33+s0+$0x0], $0xffff  }
0x1f7: {  	v21 =	vld.idx.msk [tilespmem:v45+s29+$0x0], $0xffff;
	v62 =	vand.u32 $0x7FFFFF80, v38;
	v42 =	vor.u32 v18, v59;
	v28 =	vsub.f32 v28, v56  }
0x1f8: {  	v39 =	vmul.f32 v39, v37;
	vm3 =	vge.f32 v23, v50;
	v63 =	vld.idx.msk [tilespmem:v45+s31+$0x0], $0xffff;
	v56 =	vor.u32 v24, v62  }
0x1f9: {  	v52 =	vld.idx.msk [tilespmem:v45+s28+$0x0], $0xffff;
	v61 =	vsel vm3, $0x1000, v5;
	v47 =	vadd.s32 $0x600, v56;
	v44 =	vmul.f32 v57, v28  }
0x1fa: {  	v32 =	vmul.f32 v32, v37;
	vm1 =	vge.f32 v17, v58;
	v58 =	vld.idx.msk [tilespmem:v45+s25+$0x0], $0xffff;
	v46 =	vor.u32 v46, v61  }
0x1fb: {  	v57 =	vmul.f32 v44, v44;
	v37 =	vmul.f32 v55, v44;
	v30 =	vadd.f32 v39, v30;
	v39 =	vld.idx.msk [tilespmem:v45+s0+$0x0], $0xffff  }
0x1fc: {  	v22 =	vor.u32 v22, v29;
	v53 =	vsel vm1, $0x400, v5;
	v28 =	vand.u32 $0x1180, v46;
	v42 =	vld.idx.msk [tilespmem:v42+s21+$0x0], $0xffff  }
0x1fd: {  	v50 =	vld.idx.msk [tilespmem:v33+s24+$0x0], $0xffff;
	v28 =	vor.u32 v28, v27;
	v54 =	vsub.f32 v44, v57;
	v37 =	vadd.f32 v63, v37  }
0x1fe: {  	v33 =	vor.u32 v53, v36;
	v28 =	vor.u32 $0x600, v28;
	v59 =	vmul.f32 v60, v44;
	v62 =	vld.idx.msk [tilespmem:v47+s21+$0x0], $0xffff  }
0x1ff: {  	v61 =	vand.u32 $0xFFFFFF80, v33;
	v60 =	vpop (erf);
	v21 =	vmul.f32 v21, v54;
	v56 =	vmul.f32 v37, v44  }
0x200: {  	v63 =	vor.u32 v19, v61;
	v30 =	vmul.f32 v30, v60;
	v55 =	vmul.f32 v60, v32  }
0x201: {  	vm2 =	vge.f32 v15, v42;
	v58 =	vadd.f32 v21, v58;
	v32 =	vadd.f32 v56, v39  }
0x202: {  	v21 =	vand.u32 $0x7FFFFFFF, v10;
	v57 =	vmul.f32 v30, v60;
	v30 =	vadd.f32 v52, v59  }
0x203: {  	v59 =	vld.idx.msk [tilespmem:v28+s21+$0x0], $0xffff;
	v28 =	vand.u32 $0x7FFFFFFF, v11;
	v29 =	vadd.f32 v55, v50;
	vm1 =	vge.f32 v25, v62  }
0x204: {  	v41 =	vld.idx.msk [tilespmem:v22+s30+$0x0], $0xffff;
	v62 =	vadd.s32 v31, v48;
	(erf) = vrcp.f32 v58;
	v61 =	vsel vm1, $0x800, v5  }
0x205: {  	v42 =	vld.idx.msk [tilespmem:v22+s22+$0x0], $0xffff;
	vm1 =	vle.f32 v35, $1.000000000e+01;
	v35 =	vmul.f32 v49, v34;
	v34 =	vsel vm2, $0x200, v5  }
0x206: {  	v39 =	vld.idx.msk [tilespmem:v22+s23+$0x0], $0xffff;
	v30 =	vmul.f32 v30, v44;
	v60 =	vsel vm0, v29, v20;
	v20 =	vshra.s32 v57, $0x17  }
0x207: {  	v43 =	vld.idx.msk [tilespmem:v63+s21+$0x0], $0xffff;
	v40 =	vor.u32 v61, v38;
	v37 =	vand.u32 $0x7FFFFF, v57;
	v20 =	vnsel vm0, $0x7F, v20  }
0x208: {  	v31 =	vld.idx.msk [tilespmem:v22+s26+$0x0], $0xffff;
	v38 =	vand.u32 $0xFFFFFF80, v40;
	v37 =	vor.u32 $0x3F800000, v37;
	vm3 =	vge.f32 v23, v59  }
0x209: {  	[tilespmem:s19+$0x16400] =	vst v4;
	v29 =	vld.idx.msk [tilespmem:v45+s24+$0x0], $0xffff;
	v20 =	vadd.s32 v20, v62;
	v4 =	vor.u32 v24, v38;
	v63 =	vsel vm3, $0x800, v5  }
0x20a: {  	s17 =	simm.s32 $0x6;
	[tilespmem:s6+$0x16400] =	vst v60;
	s6 =	simm.s32 $0x90;
	v38 =	vld.idx.msk [tilespmem:v22+s31+$0x0], $0xffff;
	v37 =	vnsel vm0, $0x3F800000, v37;
	v44 =	vadd.s32 $0x200, v4;
	v36 =	vor.u32 v63, v46  }
.LBB2_6:
0x20b: {  	v4 =	vand.u32 $0x7FFFFF80, v36  }
0x20c: {  	s20 =	sadd.s32 $0xFFFFFFF0, s6;
	s16 =	sand.u32 $0x70, s6;
	s11 =	sadd.s32 $0x100, s11;
	vm2 =	vge.f32 v17, v43;
	v43 =	vld.idx.msk [tilespmem:v22+s28+$0x0], $0xffff;
	v35 =	vmul.f32 v37, v35;
	vm0 =	vmmov vm1  }
0x20d: {  	v42 =	vsub.f32 v12, v42;
	s19 =	sand.u32 $0x60, s20;
	s9 =	sand.u32 $0xC00, s11;
	s16 =	sor.u32 s2, s16;
	v4 =	vor.u32 v27, v4;
	v37 =	vsel vm2, $0x200, v5;
	v45 =	vld.idx.msk [tilespmem:v22+s25+$0x0], $0xffff;
	v46 =	vpop (erf)  }
0x20e: {  	v12 =	vmovc v15;
	s10 =	sand.u32 $0x1E0, s20;
	s4 =	sor.u32 s19, s2;
	s19 =	sor.u32 s9, s16;
	v4 =	vadd.s32 $0x200, v4;
	v33 =	vadd.s32 v37, v33;
	v32 =	vmul.f32 v32, v46;
	v47 =	vld.idx.msk [tilespmem:v22+s29+$0x0], $0xffff  }
0x20f: {  	s17 =	sadd.s32 $0x2, s17;
	v15 =	vmovc v25;
	v30 =	vmul.f32 v46, v30;
	v42 =	vmul.f32 v39, v42;
	s16 =	sor.u32 s9, s4;
	v37 =	vld [tilespmem:s19+$0x12400];
	v33 =	vand.u32 $0xFFFFFF80, v33  }
0x210: {  	s5 =	sadd.s32 $0x20, s5;
	vm1 =	vle.f32 v16, $1.000000000e+01;
	p1 =	slt.u32 s17, $0x1E;
	v25 =	vld.idx.msk [tilespmem:v44+s21+$0x0], $0xffff;
	v39 =	vor.u32 v19, v33;
	v32 =	vmul.f32 v32, v46;
	v19 =	vmovc v27  }
0x211: {  	v16 =	vmovc v13;
	v29 =	vadd.f32 v30, v29;
	v27 =	vmul.f32 v42, v42;
	v30 =	vmul.f32 v41, v42;
	v33 =	vld [tilespmem:s5+$0x0]  }
0x212: {  	v13 =	vmovc v28;
	v31 =	vmul.f32 v31, v42;
	v41 =	vld [tilespmem:s10+$0x11200];
	v44 =	vand.u32 $0x7FFFFF, v32;
	v32 =	vshra.s32 v32, $0x17  }
0x213: {  	v27 =	vsub.f32 v42, v27;
	v30 =	vadd.f32 v38, v30;
	v28 =	vld [tilespmem:s16+$0x12400];
	v44 =	vor.u32 $0x3F800000, v44  }
0x214: {  	v38 =	vor.u32 s20, v0;
	v31 =	vadd.f32 v43, v31;
	v44 =	vnsel vm1, $0x3F800000, v44  }
0x215: {  	v46 =	vor.u32 s6, v0;
	v43 =	vmax.f32 v37, $-1.000000000e+01;
	v47 =	vmul.f32 v47, v27;
	v48 =	vld.idx.msk [tilespmem:v39+s22+$0x0], $0xffff  }
0x216: {  	v49 =	vand.u32 $0x7F, v46;
	v27 =	vand.u32 $0x6F, v38;
	vm2 =	vge.f32 v15, v25;
	v4 =	vld.idx.msk [tilespmem:v4+s21+$0x0], $0xffff  }
0x217: {  	v25 =	vmin.f32 v43, $1.000000000e+01;
	v43 =	vsel vm2, $0x400, v5;
	v45 =	vadd.f32 v47, v45;
	v50 =	vld.idx.msk [tilespmem:v39+s23+$0x0], $0xffff  }
0x218: {  	v30 =	vmul.f32 v30, v42;
	v40 =	vadd.s32 v43, v40;
	v47 =	vmax.f32 v28, $-1.000000000e+01  }
0x219: {  	vm2 =	vge.f32 v25, v33;
	v43 =	vmin.f32 v47, $1.000000000e+01;
	v33 =	vld.idx.msk [tilespmem:v22+s0+$0x0], $0xffff;
	(erf) = vrcp.f32 v45  }
0x21a: {  	v31 =	vmul.f32 v31, v42;
	vm3 =	vge.f32 v43, v41;
	v41 =	vsel vm2, $0x1000, v5;
	v45 =	vld.idx.msk [tilespmem:v39+s30+$0x0], $0xffff  }
0x21b: {  	v42 =	vand.u32 $0xFFFFFF80, v40;
	v47 =	vsub.f32 v17, v48;
	v17 =	vmovc v23;
	v41 =	vor.u32 v46, v41;
	v46 =	vld.idx.msk [tilespmem:v39+s26+$0x0], $0xffff  }
0x21c: {  	v53 =	vnsel vm1, $0x7F, v32;
	v23 =	vmovc v43;
	v48 =	vsel vm3, $0x1000, v5;
	v51 =	vand.u32 $0x7FFFFF80, v41;
	v52 =	vld.idx.msk [tilespmem:v39+s31+$0x0], $0xffff  }
0x21d: {  	v38 =	vor.u32 v38, v48;
	v43 =	vmul.f32 v50, v47;
	v32 =	vor.u32 v49, v51;
	v47 =	vld.idx.msk [tilespmem:v22+s24+$0x0], $0xffff  }
0x21e: {  	v29 =	vsel vm1, v29, v7;
	v7 =	vmovc v9;
	v9 =	vmovc v11;
	v22 =	vand.u32 $0x1180, v38;
	v32 =	vadd.s32 $0x600, v32;
	v48 =	vld.idx.msk [tilespmem:v39+s29+$0x0], $0xffff  }
0x21f: {  	vm1 =	vge.f32 v17, v4;
	v1 =	vor.u32 v22, v27;
	v22 =	vmul.f32 v43, v43;
	v4 =	vld.idx.msk [tilespmem:v39+s25+$0x0], $0xffff  }
0x220: {  	v42 =	vor.u32 v24, v42;
	v50 =	vor.u32 $0x600, v1;
	v45 =	vmul.f32 v45, v43;
	v51 =	vld.idx.msk [tilespmem:v39+s28+$0x0], $0xffff;
	[tilespmem:s15+$0x16400] =	vst v29;
	s15 =	smov.u32 s7;
	s7 =	smov.u32 s1;
	s1 =	smov.u32 s16  }
0x221: {  	v11 =	vmovc v28;
	v30 =	vadd.f32 v30, v33;
	v29 =	vsel vm1, $0x400, v5;
	v22 =	vsub.f32 v43, v22;
	v54 =	vld.idx.msk [tilespmem:v39+s0+$0x0], $0xffff  }
0x222: {  	v28 =	vmul.f32 v46, v43;
	v33 =	vor.u32 v29, v36;
	v29 =	vadd.f32 v52, v45;
	v36 =	vpop (erf)  }
0x223: {  	v34 =	vadd.s32 v34, v26;
	v26 =	vmovc v40;
	v45 =	vld.idx.msk [tilespmem:v32+s21+$0x0], $0xffff;
	v32 =	vand.u32 $0xFFFFFF80, v33;
	v30 =	vmul.f32 v30, v36  }
0x224: {  	v22 =	vmul.f32 v48, v22;
	v31 =	vmul.f32 v36, v31;
	v40 =	vor.u32 v19, v32  }
0x225: {  	v29 =	vmul.f32 v29, v43;
	v32 =	vand.u32 $0xFFFFFF80, v34;
	v42 =	vld.idx.msk [tilespmem:v42+s21+$0x0], $0xffff;
	v34 =	vmul.f32 v30, v36  }
0x226: {  	v30 =	vadd.f32 v51, v28;
	v4 =	vadd.f32 v22, v4;
	v22 =	vor.u32 v18, v32;
	v36 =	vld.idx.msk [tilespmem:v50+s21+$0x0], $0xffff  }
0x227: {  	v28 =	vand.u32 $0x7FFFFFFF, v11;
	v18 =	vmovc v24;
	v24 =	vmovc v49;
	v32 =	vadd.f32 v29, v54;
	v29 =	vadd.f32 v31, v47  }
0x228: {  	v46 =	vand.u32 $0x7FFFFFFF, v37;
	v30 =	vmul.f32 v30, v43;
	(erf) = vrcp.f32 v4  }
0x229: {  	v31 =	vshra.s32 v34, $0x17;
	vm1 =	vge.f32 v25, v45;
	v4 =	vsel vm0, v29, v6;
	v6 =	vmovc v8;
	v43 =	vld.idx.msk [tilespmem:v40+s21+$0x0], $0xffff  }
0x22a: {  	v35 =	vmul.f32 v44, v35;
	v8 =	vmovc v10;
	v40 =	vsel vm1, $0x800, v5;
	vm1 =	vle.f32 v14, $1.000000000e+01;
	v29 =	vld.idx.msk [tilespmem:v39+s24+$0x0], $0xffff;
	[tilespmem:s14+$0x16400] =	vst v4;
	s14 =	smov.u32 s18;
	s18 =	smov.u32 s12;
	s12 =	smov.u32 s19  }
.Ltmp3:
0x22b: {  	v1 =	vnsel vm0, $0x7F, v31;
	v10 =	vmovc v37;
	vm2 =	vge.f32 v15, v42;
	v4 =	vadd.s32 v20, v53;
	v42 =	vld.idx.msk [tilespmem:v22+s22+$0x0], $0xffff;
	(pc) =	sbr.rel @p1 .LBB2_6-.Ltmp3, $4  }
0x22c: {  	v40 =	vor.u32 v40, v41;
	vm3 =	vge.f32 v23, v36;
	v20 =	vadd.s32 v1, v4;
	v31 =	vld.idx.msk [tilespmem:v22+s26+$0x0], $0xffff  }
0x22d: {  	v34 =	vand.u32 $0x7FFFFF, v34;
	v14 =	vmovc v21;
	v21 =	vmovc v46;
	v37 =	vand.u32 $0xFFFFFF80, v40;
	v4 =	vsel vm3, $0x800, v5;
	v39 =	vld.idx.msk [tilespmem:v22+s23+$0x0], $0xffff  }
0x22e: {  	v36 =	vor.u32 v4, v38;
	v4 =	vor.u32 v24, v37;
	v37 =	vor.u32 $0x3F800000, v34;
	v38 =	vld.idx.msk [tilespmem:v22+s31+$0x0], $0xffff  }
0x22f: {  	s6 =	sadd.s32 $0x20, s6;
	v34 =	vsel vm2, $0x200, v5;
	v44 =	vadd.s32 $0x200, v4;
	v37 =	vnsel vm0, $0x3F800000, v37;
	v41 =	vld.idx.msk [tilespmem:v22+s30+$0x0], $0xffff  }
0x230: {  	v4 =	vand.u32 $0x7FFFFF80, v36  }
0x231: {  	v4 =	vor.u32 v27, v4  }
0x232: {  	v4 =	vadd.s32 $0x200, v4;
	_ =	sdelay $0x4  }
0x233: {  	v4 =	vld.idx.msk [tilespmem:v4+s21+$0x0], $0xffff;
	_ =	sdelay $0x1  }
0x234: {  	v44 =	vld.idx.msk [tilespmem:v44+s21+$0x0], $0xffff;
	_ =	sdelay $0x2  }
0x235: {  	vm0 =	vge.f32 v23, v4  }
0x236: {  	v4 =	vsel vm0, $0x400, v5  }
0x237: {  	vm9 =	vge.f32 v25, v44;
	v4 =	vor.u32 v4, v36  }
0x238: {  	v63 =	vsel vm9, $0x400, v5;
	v48 =	vand.u32 $0xFFFFFF80, v4  }
0x239: {  	v36 =	vadd.s32 v63, v40;
	v49 =	vor.u32 v27, v48  }
0x23a: {  	v50 =	vand.u32 $0xFFFFFF80, v36  }
0x23b: {  	v51 =	vor.u32 v24, v50  }
0x23c: {  	vm10 =	vge.f32 v17, v43  }
0x23d: {  	v26 =	vadd.s32 v34, v26;
	v52 =	vsel vm10, $0x200, v5  }
0x23e: {  	v26 =	vand.u32 $0xFFFFFF80, v26;
	v33 =	vadd.s32 v52, v33;
	v40 =	vld.idx.msk [tilespmem:v49+s21+$0x0], $0xffff  }
0x23f: {  	v18 =	vor.u32 v18, v26;
	v33 =	vand.u32 $0xFFFFFF80, v33  }
0x240: {  	v33 =	vor.u32 v19, v33;
	v53 =	vld.idx.msk [tilespmem:v51+s21+$0x0], $0xffff  }
0x241: {  	v54 =	vld.idx.msk [tilespmem:v22+s25+$0x0], $0xffff  }
0x242: {  	v55 =	vld.idx.msk [tilespmem:v22+s29+$0x0], $0xffff  }
0x243: {  	v45 =	vld.idx.msk [tilespmem:v22+s0+$0x0], $0xffff;
	vm11 =	vge.f32 v23, v40  }
0x244: {  	v61 =	vld.idx.msk [tilespmem:v18+s22+$0x0], $0xffff;
	v57 =	vsel vm11, $0x200, v5  }
0x245: {  	v56 =	vld.idx.msk [tilespmem:v33+s22+$0x0], $0xffff;
	vm12 =	vge.f32 v25, v53;
	v4 =	vadd.s32 v57, v4  }
0x246: {  	v52 =	vld.idx.msk [tilespmem:v18+s29+$0x0], $0xffff;
	v59 =	vsel vm12, $0x200, v5;
	v4 =	vand.u32 $0xFFFFFF80, v4  }
0x247: {  	v58 =	vld.idx.msk [tilespmem:v33+s23+$0x0], $0xffff;
	v19 =	vor.u32 v27, v4;
	v4 =	vadd.s32 v59, v36  }
0x248: {  	v60 =	vsub.f32 v12, v42;
	v46 =	vld.idx.msk [tilespmem:v33+s30+$0x0], $0xffff;
	v4 =	vand.u32 $0xFFFFFF80, v4  }
0x249: {  	v62 =	vld.idx.msk [tilespmem:v33+s29+$0x0], $0xffff;
	v12 =	vor.u32 v24, v4  }
0x24a: {  	v26 =	vmul.f32 v39, v60;
	v43 =	vld.idx.msk [tilespmem:v33+s0+$0x0], $0xffff;
	v4 =	vsub.f32 v17, v56  }
0x24b: {  	v63 =	vld.idx.msk [tilespmem:v18+s23+$0x0], $0xffff  }
0x24c: {  	v47 =	vmul.f32 v26, v26;
	v24 =	vmul.f32 v58, v4;
	v4 =	vld.idx.msk [tilespmem:v19+s22+$0x0], $0xffff  }
0x24d: {  	v48 =	vld.idx.msk [tilespmem:v19+s23+$0x0], $0xffff  }
0x24e: {  	v40 =	vsub.f32 v26, v47;
	v44 =	vmul.f32 v24, v24;
	v49 =	vld.idx.msk [tilespmem:v12+s22+$0x0], $0xffff  }
0x24f: {  	v15 =	vsub.f32 v15, v61;
	v47 =	vld.idx.msk [tilespmem:v33+s25+$0x0], $0xffff  }
0x250: {  	v34 =	vmul.f32 v55, v40;
	v51 =	vld.idx.msk [tilespmem:v12+s23+$0x0], $0xffff;
	v50 =	vsub.f32 v24, v44  }
0x251: {  	v15 =	vmul.f32 v63, v15;
	v63 =	vld.idx.msk [tilespmem:v18+s30+$0x0], $0xffff;
	v4 =	vsub.f32 v23, v4  }
0x252: {  	v27 =	vld.idx.msk [tilespmem:v33+s31+$0x0], $0xffff;
	v34 =	vadd.f32 v34, v54;
	v17 =	vmul.f32 v62, v50  }
0x253: {  	v53 =	vmul.f32 v15, v15;
	v57 =	vld.idx.msk [tilespmem:v19+s29+$0x0], $0xffff;
	v23 =	vmul.f32 v48, v4;
	v54 =	vsub.f32 v25, v49  }
0x254: {  	v35 =	vmul.f32 v37, v35;
	(erf) = vrcp.f32 v34;
	v4 =	vld.idx.msk [tilespmem:v18+s25+$0x0], $0xffff;
	v55 =	vadd.f32 v17, v47  }
0x255: {  	v56 =	vsub.f32 v15, v53;
	v58 =	vld.idx.msk [tilespmem:v19+s25+$0x0], $0xffff;
	v59 =	vmul.f32 v23, v23;
	v17 =	vmul.f32 v51, v54  }
0x256: {  	vm13 =	vmmov vm1;
	v41 =	vmul.f32 v41, v26;
	v61 =	vld.idx.msk [tilespmem:v12+s29+$0x0], $0xffff;
	(erf) = vrcp.f32 v55  }
0x257: {  	v36 =	vpop (erf);
	v60 =	vmul.f32 v52, v56;
	v52 =	vld.idx.msk [tilespmem:v18+s31+$0x0], $0xffff;
	v48 =	vsub.f32 v23, v59;
	v49 =	vmul.f32 v17, v17  }
0x258: {  	v32 =	vmul.f32 v32, v36;
	v62 =	vadd.f32 v38, v41;
	v50 =	vmul.f32 v46, v24;
	v51 =	vld.idx.msk [tilespmem:v12+s25+$0x0], $0xffff  }
0x259: {  	v53 =	vld.idx.msk [tilespmem:v19+s30+$0x0], $0xffff;
	v4 =	vadd.f32 v60, v4;
	v39 =	vmul.f32 v57, v48;
	v41 =	vsub.f32 v17, v49  }
0x25a: {  	v32 =	vmul.f32 v32, v36;
	v56 =	vld.idx.msk [tilespmem:v18+s0+$0x0], $0xffff;
	v37 =	vmul.f32 v62, v26;
	v27 =	vadd.f32 v27, v50  }
0x25b: {  	v55 =	vld.idx.msk [tilespmem:v12+s30+$0x0], $0xffff;
	(erf) = vrcp.f32 v4;
	v39 =	vadd.f32 v39, v58;
	v34 =	vmul.f32 v61, v41  }
0x25c: {  	vm5 =	vle.f32 v16, $1.000000000e+01;
	v38 =	vmul.f32 v63, v15;
	v27 =	vmul.f32 v27, v24;
	v4 =	vld.idx.msk [tilespmem:v19+s31+$0x0], $0xffff  }
0x25d: {  	v54 =	vadd.f32 v37, v45;
	v58 =	vld.idx.msk [tilespmem:v12+s31+$0x0], $0xffff;
	v41 =	vpop (erf);
	(erf) = vrcp.f32 v39;
	v25 =	vadd.f32 v34, v51  }
0x25e: {  	v38 =	vadd.f32 v52, v38;
	v27 =	vadd.f32 v27, v43;
	v59 =	vmul.f32 v53, v23  }
0x25f: {  	v57 =	vand.u32 $0x7FFFFF, v32;
	v16 =	vmul.f32 v54, v41;
	v43 =	vpop (erf);
	(erf) = vrcp.f32 v25  }
0x260: {  	v38 =	vmul.f32 v38, v15;
	v60 =	vor.u32 $0x3F800000, v57;
	v37 =	vmul.f32 v55, v17;
	v61 =	vld.idx.msk [tilespmem:v19+s0+$0x0], $0xffff  }
0x261: {  	v27 =	vmul.f32 v27, v43;
	v4 =	vadd.f32 v4, v59;
	v16 =	vmul.f32 v16, v41  }
0x262: {  	v63 =	vld.idx.msk [tilespmem:v12+s0+$0x0], $0xffff;
	v38 =	vadd.f32 v38, v56;
	v25 =	vnsel vm5, $0x3F800000, v60;
	v37 =	vadd.f32 v58, v37  }
0x263: {  	v27 =	vmul.f32 v27, v43;
	v4 =	vmul.f32 v4, v23;
	v62 =	vand.u32 $0x7FFFFF, v16  }
0x264: {  	v25 =	vmul.f32 v25, v35;
	v49 =	vmul.f32 v37, v17;
	v39 =	vpop (erf);
	v47 =	vor.u32 $0x3F800000, v62  }
0x265: {  	v48 =	vand.u32 $0x7FFFFF, v27;
	v4 =	vadd.f32 v4, v61;
	v38 =	vmul.f32 v38, v39  }
0x266: {  	vm14 =	vle.f32 v13, $1.000000000e+01;
	v35 =	vnsel vm13, $0x3F800000, v47;
	v50 =	vor.u32 $0x3F800000, v48;
	v37 =	vpop (erf)  }
0x267: {  	v34 =	vadd.f32 v49, v63;
	v38 =	vmul.f32 v38, v39;
	v4 =	vmul.f32 v4, v37  }
0x268: {  	vm2 =	vle.f32 v14, $1.000000000e+01;
	v51 =	vmul.f32 v35, v25;
	v13 =	vnsel vm14, $0x3F800000, v50;
	v25 =	vpop (erf)  }
0x269: {  	v52 =	vand.u32 $0x7FFFFF, v38;
	v4 =	vmul.f32 v4, v37;
	v34 =	vmul.f32 v34, v25  }
0x26a: {  	vm3 =	vmmov vm2;
	v13 =	vmul.f32 v13, v51;
	v53 =	vor.u32 $0x3F800000, v52  }
0x26b: {  	v14 =	vnsel vm3, $0x3F800000, v53;
	v54 =	vand.u32 $0x7FFFFF, v4;
	v34 =	vmul.f32 v34, v25  }
0x26c: {  	vm15 =	vle.f32 v28, $1.000000000e+01;
	v13 =	vmul.f32 v14, v13;
	v55 =	vor.u32 $0x3F800000, v54  }
0x26d: {  	vm4 =	vle.f32 v21, $1.000000000e+01;
	v14 =	vnsel vm15, $0x3F800000, v55;
	v56 =	vand.u32 $0x7FFFFF, v34  }
0x26e: {  	vm4 =	vmmov vm4;
	v13 =	vmul.f32 v14, v13;
	v57 =	vor.u32 $0x3F800000, v56  }
0x26f: {  	v14 =	vnsel vm4, $0x3F800000, v57  }
0x270: {  	v13 =	vmul.f32 v14, v13;
	_ =	sdelay $0x1  }
0x271: {  	v14 =	vand.u32 $0x7FFFFF, v13  }
0x272: {  	v14 =	vor.u32 $0x3F800000, v14  }
0x273: {  	v58 =	vmul.f32 $5.000000000e-01, v14  }
0x274: {  	vm6 =	vge.f32 v14, $1.414213540e+00  }
0x275: {  	v14 =	vsel vm6, v58, v14  }
0x276: {  	v21 =	vadd.f32 $1.000000000e+00, v14;
	_ =	sdelay $0x1  }
0x277: {  	v59 =	vld.idx.msk [tilespmem:v22+s28+$0x0], $0xffff;
	(erf) = vrcp.f32 v21;
	_ =	sdelay $0x2  }
0x278: {  	v31 =	vmul.f32 v31, v26  }
0x279: {  	v30 =	vmul.f32 v36, v30  }
0x27a: {  	v44 =	vld.idx.msk [tilespmem:v19+s26+$0x0], $0xffff;
	v28 =	vadd.f32 v59, v31  }
0x27b: {  	v29 =	vadd.f32 v30, v29;
	v62 =	vld.idx.msk [tilespmem:v22+s24+$0x0], $0xffff  }
0x27c: {  	v40 =	vshra.s32 v32, $0x17;
	v45 =	vld.idx.msk [tilespmem:v19+s28+$0x0], $0xffff;
	v26 =	vmul.f32 v28, v26  }
0x27d: {  	v7 =	vsel vm5, v29, v7;
	v16 =	vshra.s32 v16, $0x17;
	v63 =	vld.idx.msk [tilespmem:v18+s26+$0x0], $0xffff;
	v14 =	vadd.f32 $-1.000000000e+00, v14  }
0x27e: {  	v16 =	vnsel vm13, $0x7F, v16;
	v31 =	vnsel vm5, $0x7F, v40;
	v47 =	vld.idx.msk [tilespmem:v12+s26+$0x0], $0xffff;
	v26 =	vmul.f32 v41, v26;
	v42 =	vpop (erf)  }
0x27f: {  	v27 =	vshra.s32 v27, $0x17;
	v20 =	vadd.s32 v20, v31;
	v41 =	vld.idx.msk [tilespmem:v18+s28+$0x0], $0xffff;
	v14 =	vmul.f32 v42, v14  }
0x280: {  	v27 =	vnsel vm14, $0x7F, v27;
	v16 =	vadd.s32 v16, v20;
	v22 =	vadd.f32 v26, v62  }
0x281: {  	v16 =	vadd.s32 v16, v27;
	v53 =	vmul.f32 v44, v23;
	v48 =	vmul.f32 v14, v14  }
0x282: {  	v60 =	vld.idx.msk [tilespmem:v33+s26+$0x0], $0xffff;
	v46 =	vmul.f32 v63, v15;
	v4 =	vshra.s32 v4, $0x17;
	v6 =	vsel vm13, v22, v6  }
0x283: {  	v20 =	vadd.f32 v45, v53;
	v4 =	vnsel vm15, $0x7F, v4;
	v51 =	vmul.f32 $1.428571490e-01, v48  }
0x284: {  	v61 =	vld.idx.msk [tilespmem:v33+s28+$0x0], $0xffff;
	v49 =	vadd.f32 v41, v46;
	v55 =	vmul.f32 v47, v17;
	v56 =	vshra.s32 v38, $0x17  }
0x285: {  	v20 =	vmul.f32 v20, v23;
	v23 =	vnsel vm3, $0x7F, v56;
	v54 =	vadd.f32 $2.000000030e-01, v51  }
0x286: {  	v50 =	vld.idx.msk [tilespmem:v12+s28+$0x0], $0xffff;
	v15 =	vmul.f32 v49, v15;
	v57 =	vshra.s32 v34, $0x17;
	v16 =	vadd.s32 v23, v16  }
0x287: {  	v18 =	vld.idx.msk [tilespmem:v18+s24+$0x0], $0xffff;
	v4 =	vadd.s32 v16, v4;
	v21 =	vmul.f32 v60, v24;
	v22 =	vmul.f32 v54, v48  }
0x288: {  	v13 =	vshra.s32 v13, $0x17;
	v52 =	vsel vm6, $0xFFFFFF82, v3;
	v58 =	vnsel vm4, $0x7F, v57  }
0x289: {  	v13 =	vadd.s32 v13, v52;
	v21 =	vadd.f32 v61, v21;
	v22 =	vadd.f32 $3.333333430e-01, v22  }
0x28a: {  	v19 =	vld.idx.msk [tilespmem:v19+s24+$0x0], $0xffff;
	v15 =	vmul.f32 v39, v15;
	v4 =	vadd.s32 v58, v4;
	v13 =	vcvt.s32.f32 v13  }
0x28b: {  	v36 =	vld.idx.msk [tilespmem:v33+s24+$0x0], $0xffff;
	v21 =	vmul.f32 v21, v24;
	v24 =	vadd.f32 v50, v55;
	v22 =	vmul.f32 v22, v48  }
0x28c: {  	v12 =	vld.idx.msk [tilespmem:v12+s24+$0x0], $0xffff;
	v15 =	vadd.f32 v15, v18;
	v4 =	vcvt.s32.f32 v4;
	v60 =	vmul.f32 v37, v20  }
0x28d: {  	v17 =	vmul.f32 v24, v17;
	v14 =	vadd.f32 v14, v14;
	v59 =	vadd.f32 $1.000000000e+00, v22  }
0x28e: {  	[tilespmem:s15+$0x16400] =	vst v7;
	v7 =	vmul.f32 $6.931471820e-01, v13;
	v4 =	vadd.f32 $-4.064000000e+03, v4;
	v21 =	vmul.f32 v43, v21  }
0x28f: {  	s2 =	sshll.u32 s13, $0x4;
	s13 =	sadd.s32 $0x1, s13;
	v62 =	vadd.f32 v60, v19;
	v17 =	vmul.f32 v25, v17;
	v61 =	vmul.f32 v59, v14  }
0x290: {  	p1 =	sne.s32 s13, $0x10;
	[tilespmem:s14+$0x16400] =	vst v6;
	v6 =	vsel vm3, v15, v8;
	v4 =	vmul.f32 $6.931471820e-01, v4;
	v21 =	vadd.f32 v21, v36  }
.Ltmp4:
0x291: {  	[tilespmem:s18+$0x16400] =	vst v6;
	v6 =	vsel vm15, v62, v11;
	v63 =	vadd.f32 v17, v12;
	v7 =	vadd.f32 v61, v7;
	(pc) =	sbr.rel @p1 .LBB2_5-.Ltmp4, $4  }
0x292: {  	[tilespmem:s1+$0x16400] =	vst v6;
	v9 =	vsel vm14, v21, v9  }
0x293: {  	[tilespmem:s7+$0x16400] =	vst v9;
	v6 =	vsel vm4, v63, v10;
	v4 =	vadd.f32 v7, v4  }
0x294: {  	s20 =	sand.u32 $0x3FFFFFF0, s2;
	[tilespmem:s12+$0x16400] =	vst v6  }
0x295: {  	[tilespmem:s20+$0x1A400] =	vst v4  }
0x296: {  	v6 =	vmul.u32 $0x10, v0;
	_ =	sdelay $0x1  }
0x297: {  	v1 =	vor.u32 $0x1, v6;
	_ =	sdelay $0x1  }
0x298: {  	v2 =	vor.u32 $0x2, v6;
	_ =	sdelay $0x1  }
0x299: {  	v7 =	vor.u32 $0x3, v6;
	v4 =	vld.idx.msk [tilespmem:v6+s3+$0x0], $0xffff  }
0x29a: {  	v12 =	vld.idx.msk [tilespmem:v1+s3+$0x0], $0xffff  }
0x29b: {  	[tilespmem:$0x1FFA0] =	vst v1;
	v1 =	vor.u32 $0x4, v6  }
0x29c: {  	v13 =	vld.idx.msk [tilespmem:v2+s3+$0x0], $0xffff  }
0x29d: {  	[tilespmem:$0x1FFB0] =	vst v2;
	v2 =	vor.u32 $0x5, v6  }
0x29e: {  	v14 =	vld.idx.msk [tilespmem:v7+s3+$0x0], $0xffff  }
0x29f: {  	[tilespmem:$0x1FFC0] =	vst v7;
	v7 =	vor.u32 $0x6, v6;
	v4 =	vadd.f32 v12, v4  }
0x2a0: {  	v15 =	vld.idx.msk [tilespmem:v1+s3+$0x0], $0xffff  }
0x2a1: {  	v4 =	vadd.f32 v13, v4;
	v13 =	vor.u32 $0x7, v6  }
0x2a2: {  	v16 =	vld.idx.msk [tilespmem:v2+s3+$0x0], $0xffff  }
0x2a3: {  	v4 =	vadd.f32 v14, v4;
	v14 =	vor.u32 $0x8, v6  }
0x2a4: {  	v17 =	vld.idx.msk [tilespmem:v7+s3+$0x0], $0xffff  }
0x2a5: {  	v4 =	vadd.f32 v15, v4;
	v15 =	vor.u32 $0x9, v6  }
0x2a6: {  	v18 =	vld.idx.msk [tilespmem:v13+s3+$0x0], $0xffff  }
0x2a7: {  	v4 =	vadd.f32 v16, v4;
	v16 =	vor.u32 $0xA, v6  }
0x2a8: {  	v19 =	vld.idx.msk [tilespmem:v14+s3+$0x0], $0xffff  }
0x2a9: {  	v4 =	vadd.f32 v17, v4;
	v17 =	vor.u32 $0xB, v6  }
0x2aa: {  	v20 =	vld.idx.msk [tilespmem:v15+s3+$0x0], $0xffff  }
0x2ab: {  	v4 =	vadd.f32 v18, v4;
	v18 =	vor.u32 $0xC, v6  }
0x2ac: {  	v21 =	vld.idx.msk [tilespmem:v16+s3+$0x0], $0xffff  }
0x2ad: {  	v4 =	vadd.f32 v19, v4;
	v19 =	vor.u32 $0xD, v6  }
0x2ae: {  	v22 =	vld.idx.msk [tilespmem:v17+s3+$0x0], $0xffff  }
0x2af: {  	v4 =	vadd.f32 v20, v4;
	v20 =	vor.u32 $0xE, v6  }
0x2b0: {  	v23 =	vld.idx.msk [tilespmem:v18+s3+$0x0], $0xffff  }
0x2b1: {  	v4 =	vadd.f32 v21, v4;
	v21 =	vor.u32 $0xF, v6  }
0x2b2: {  	v24 =	vld.idx.msk [tilespmem:v19+s3+$0x0], $0xffff  }
0x2b3: {  	v4 =	vadd.f32 v22, v4  }
0x2b4: {  	v22 =	vld.idx.msk [tilespmem:v20+s3+$0x0], $0xffff  }
0x2b5: {  	v4 =	vadd.f32 v23, v4  }
0x2b6: {  	v23 =	vld.idx.msk [tilespmem:v21+s3+$0x0], $0xffff  }
0x2b7: {  	v4 =	vadd.f32 v24, v4;
	_ =	sdelay $0x1  }
0x2b8: {  	v4 =	vadd.f32 v22, v4  }
0x2b9: {  	s1 =	rddreg [dreg:$0x11]  }
0x2ba: {  	s5 =	rddreg [dreg:$0x10];
	v4 =	vadd.f32 v23, v4  }
0x2bb: {  	s2 =	rddreg [dreg:$0x2];
	s1 =	sshll.u32 s1, $0x6  }
0x2bc: {  	s16 =	simm.s32 $0x0;
	s4 =	simm.s32 $0x16400;
	s1 =	sadd.s32 s2, s1;
	[tilespmem:s5+$0x1A500] =	vst v4  }
0x2bd: {  	[hbm4b:s1+s16] =	stream.linear.scatter [tilespmem:s4], [sflag:$0x3], $0x2000, $0x38;
	[tilespmem:$0x1A600] =	vst v63  }
0x2be: {  	p1 =	seq.s32 s8, $0x7;
	s1 =	rddreg [dreg:$0xb]  }
0x2bf: {  	[tilespmem:$0x1FFD0] =	vst v1;
	s1 =	sadd.s32 @!p1 s5, s1  }
0x2c0: {  	s17 =	simm.s32 $0x2;
	s2 =	rddreg [dreg:$0x0];
	[tilespmem:$0x1FFE0] =	vst v2;
	s1 =	sshll.u32 @!p1 s1, $0x6  }
0x2c1: {  	[tilespmem:$0x1FFF0] =	vst v7;
	s4 =	simm.s32 @!p1 $0x12400;
	s1 =	sadd.s32 @!p1 s2, s1;
	s2 =	simm.s32 @!p1 $0x0  }
0x2c2: {  	[tilespmem:s4], [sflag:$0x1] =	stream.linear.gather @!p1 [hbm4b:s1+s2], $0x2000, $0x38;
	[tilespmem:$0x1A600] =	vst v63  }
0x2c3: {  	_ =	swait.ge [sflag:s17], $0x2000  }
0x2c4: {  	[sflag:s17] =	ssyncset.done $0x0  }
0x2c5: {  	s19 =	sadd.s32 $0x1, s8;
	s1 =	simm.s32 @!p0 $0x4;
	[sflag:s17] =	ssyncadd.s32 $0xFFFFE000  }
0x2c6: {  	_ =	swait.ge @!p0 [sflag:s1], $0x2000;
	[dreg:$0x12] =	wrdreg s19  }
0x2c7: {  	s15 =	simm.s32 $0x0;
	s18 =	sor.u32 $0x10, s5;
	s20 =	rddreg [dreg:$0x5]  }
0x2c8: {  	[dreg:$0x13] =	wrdreg s18;
	[sflag:s1] =	ssyncset.done @!p0 $0x0;
	s2 =	sadd.s32 s20, s18  }
0x2c9: {  	s14 =	simm.s32 $0x0;
	[sflag:s1] =	ssyncadd.s32 @!p0 $0xFFFFE000;
	[dreg:$0x14] =	wrdreg s2  }
.LBB2_9:
0x2ca: {  	s1 =	sshll.u32 s14, $0x9;
	s2 =	sshll.u32 s14, $0x7  }
0x2cb: {  	s4 =	simm.s32 $0x0;
	s1 =	sand.u32 $0x1000, s1;
	s2 =	sand.u32 $0x380, s2  }
0x2cc: {  	s17 =	sand.u32 $0x60, s4;
	s11 =	sor.u32 s1, s2  }
0x2cd: {  	s18 =	sand.u32 $0xC00, s15;
	s1 =	sor.u32 s17, s11  }
0x2ce: {  	s6 =	sor.u32 s18, s1  }
0x2cf: {  	v37 =	vld [tilespmem:s6+$0x14400]  }
0x2d0: {  	s19 =	sand.u32 $0x1E0, s4  }
0x2d1: {  	v4 =	vld [tilespmem:s19+$0x11200];
	_ =	sdelay $0x1  }
0x2d2: {  	s20 =	simm.s32 $0x10  }
0x2d3: {  	s5 =	sand.u32 $0x70, s20;
	v22 =	vmax.f32 v37, $-1.000000000e+01  }
0x2d4: {  	s5 =	sor.u32 s11, s5;
	v30 =	vmin.f32 v22, $1.000000000e+01  }
0x2d5: {  	s5 =	sor.u32 s18, s5;
	vm0 =	vge.f32 v30, v4  }
0x2d6: {  	v36 =	vld [tilespmem:s5+$0x14400];
	v4 =	vor.u32 s4, v0;
	v22 =	vsel vm0, $0x1000, v5  }
0x2d7: {  	s7 =	simm.s32 $0x11210;
	v22 =	vor.u32 v4, v22  }
0x2d8: {  	v24 =	vld [tilespmem:s7+$0x0];
	v4 =	vand.u32 $0x6F, v4;
	v23 =	vand.u32 $0x1180, v22  }
0x2d9: {  	v23 =	vor.u32 v23, v4  }
0x2da: {  	v23 =	vor.u32 $0x600, v23  }
0x2db: {  	v25 =	vmax.f32 v36, $-1.000000000e+01  }
0x2dc: {  	v26 =	vmin.f32 v25, $1.000000000e+01  }
0x2dd: {  	vm0 =	vge.f32 v26, v24  }
0x2de: {  	v24 =	vor.u32 s20, v0;
	v25 =	vsel vm0, $0x1000, v5  }
0x2df: {  	v25 =	vor.u32 v24, v25;
	v23 =	vld.idx.msk [tilespmem:v23+s21+$0x0], $0xffff  }
0x2e0: {  	v29 =	vand.u32 $0x7F, v24;
	v24 =	vand.u32 $0x7FFFFF80, v25  }
0x2e1: {  	v24 =	vor.u32 v29, v24  }
0x2e2: {  	s8 =	simm.s32 $0x30;
	v24 =	vadd.s32 $0x600, v24  }
0x2e3: {  	s10 =	simm.s32 $0x100;
	s9 =	sand.u32 $0x70, s8  }
0x2e4: {  	s2 =	sor.u32 s11, s9;
	s4 =	sand.u32 $0xC00, s10;
	vm0 =	vge.f32 v30, v23  }
0x2e5: {  	s19 =	sor.u32 s4, s2;
	v23 =	vsel vm0, $0x800, v5  }
0x2e6: {  	v27 =	vor.u32 v23, v22;
	v22 =	vld [tilespmem:s19+$0x14400]  }
0x2e7: {  	s12 =	simm.s32 $0x11230;
	v24 =	vld.idx.msk [tilespmem:v24+s21+$0x0], $0xffff;
	v23 =	vand.u32 $0x7FFFFF80, v27  }
0x2e8: {  	v31 =	vld [tilespmem:s12+$0x0];
	v23 =	vor.u32 v4, v23  }
0x2e9: {  	v23 =	vadd.s32 $0x200, v23;
	_ =	sdelay $0x1  }
0x2ea: {  	s13 =	simm.s32 $0x20;
	v28 =	vmax.f32 v22, $-1.000000000e+01  }
0x2eb: {  	s7 =	sand.u32 $0x60, s13;
	vm0 =	vge.f32 v26, v24;
	v28 =	vmin.f32 v28, $1.000000000e+01  }
0x2ec: {  	s7 =	sor.u32 s7, s11;
	v24 =	vsel vm0, $0x800, v5;
	vm0 =	vge.f32 v28, v31  }
0x2ed: {  	s18 =	sor.u32 s4, s7;
	v24 =	vor.u32 v24, v25;
	v25 =	vor.u32 s8, v0;
	v32 =	vld.idx.msk [tilespmem:v23+s21+$0x0], $0xffff;
	v31 =	vsel vm0, $0x1000, v5  }
0x2ee: {  	v33 =	vand.u32 $0xFFFFFF80, v24;
	v23 =	vld [tilespmem:s18+$0x14400];
	v31 =	vor.u32 v25, v31  }
0x2ef: {  	s16 =	sand.u32 $0x1E0, s13;
	v38 =	vand.u32 $0x7F, v25;
	v33 =	vor.u32 v29, v33;
	v25 =	vand.u32 $0x7FFFFF80, v31  }
0x2f0: {  	v34 =	vld [tilespmem:s16+$0x11200];
	v33 =	vadd.s32 $0x200, v33;
	v25 =	vor.u32 v38, v25  }
0x2f1: {  	v25 =	vadd.s32 $0x600, v25  }
0x2f2: {  	vm0 =	vge.f32 v30, v32  }
0x2f3: {  	v35 =	vmax.f32 v23, $-1.000000000e+01;
	v32 =	vsel vm0, $0x400, v5  }
0x2f4: {  	v44 =	vmin.f32 v35, $1.000000000e+01;
	v32 =	vor.u32 v32, v27  }
0x2f5: {  	v33 =	vld.idx.msk [tilespmem:v33+s21+$0x0], $0xffff;
	vm0 =	vge.f32 v44, v34;
	v27 =	vand.u32 $0xFFFFFF80, v32  }
0x2f6: {  	v55 =	vsel vm0, $0x1000, v5;
	v54 =	vor.u32 v4, v27;
	v27 =	vor.u32 s13, v0;
	v25 =	vld.idx.msk [tilespmem:v25+s21+$0x0], $0xffff  }
0x2f7: {  	v35 =	vor.u32 v27, v55  }
0x2f8: {  	v27 =	vand.u32 $0x6F, v27;
	v39 =	vand.u32 $0x1180, v35  }
0x2f9: {  	v39 =	vor.u32 v39, v27  }
0x2fa: {  	vm0 =	vge.f32 v26, v33;
	v56 =	vor.u32 $0x600, v39  }
0x2fb: {  	v57 =	vsel vm0, $0x400, v5;
	v34 =	vld.idx.msk [tilespmem:v54+s21+$0x0], $0xffff;
	vm0 =	vge.f32 v28, v25  }
0x2fc: {  	v39 =	vadd.s32 v57, v24;
	v24 =	vsel vm0, $0x800, v5  }
0x2fd: {  	v25 =	vand.u32 $0xFFFFFF80, v39;
	v40 =	vor.u32 v24, v31  }
0x2fe: {  	v24 =	vor.u32 v29, v25;
	v25 =	vand.u32 $0xFFFFFF80, v40  }
0x2ff: {  	v31 =	vld.idx.msk [tilespmem:v56+s21+$0x0], $0xffff;
	v25 =	vor.u32 v38, v25  }
0x300: {  	s17 =	simm.s32 $0x50;
	vm0 =	vge.f32 v30, v34;
	v25 =	vadd.s32 $0x200, v25  }
0x301: {  	s20 =	sand.u32 $0x70, s17;
	s7 =	simm.s32 $0x200;
	v58 =	vsel vm0, $0x200, v5  }
0x302: {  	s10 =	simm.s32 $0x40;
	s4 =	sand.u32 $0xC00, s7;
	s2 =	sor.u32 s11, s20;
	v32 =	vadd.s32 v58, v32  }
0x303: {  	s7 =	sor.u32 s4, s2;
	s8 =	sand.u32 $0x60, s10;
	v59 =	vld.idx.msk [tilespmem:v24+s21+$0x0], $0xffff;
	v32 =	vand.u32 $0xFFFFFF80, v32  }
0x304: {  	s2 =	sor.u32 s8, s11;
	v24 =	vld [tilespmem:s7+$0x14400];
	v4 =	vor.u32 v4, v32;
	vm0 =	vge.f32 v44, v31  }
0x305: {  	s12 =	sor.u32 s4, s2;
	v31 =	vsel vm0, $0x800, v5;
	v60 =	vld.idx.msk [tilespmem:v25+s21+$0x0], $0xffff  }
0x306: {  	s13 =	simm.s32 $0x11250;
	v25 =	vld [tilespmem:s12+$0x14400];
	v41 =	vor.u32 v31, v35  }
0x307: {  	s9 =	sand.u32 $0x1E0, s10;
	v61 =	vld [tilespmem:s13+$0x0];
	v31 =	vand.u32 $0x7FFFFF80, v41  }
0x308: {  	v45 =	vld [tilespmem:s9+$0x11200];
	v31 =	vor.u32 v27, v31  }
0x309: {  	v49 =	vor.u32 s17, v0;
	v42 =	vld.idx.msk [tilespmem:v4+s22+$0x0], $0xffff;
	v43 =	vadd.s32 $0x200, v31  }
0x30a: {  	v50 =	vor.u32 s10, v0;
	v34 =	vand.u32 $0x7F, v49;
	v31 =	vmax.f32 v24, $-1.000000000e+01  }
0x30b: {  	vm0 =	vge.f32 v26, v59;
	v46 =	vld.idx.msk [tilespmem:v4+s23+$0x0], $0xffff;
	v31 =	vmin.f32 v31, $1.000000000e+01;
	v62 =	vmax.f32 v25, $-1.000000000e+01  }
0x30c: {  	v48 =	vsel vm0, $0x200, v5;
	vm0 =	vge.f32 v31, v61;
	v33 =	vmin.f32 v62, $1.000000000e+01  }
0x30d: {  	v35 =	vsel vm0, $0x1000, v5;
	vm0 =	vge.f32 v28, v60;
	vm1 =	vge.f32 v33, v45  }
0x30e: {  	v10 =	vsel vm1, $0x1000, v5;
	v30 =	vsub.f32 v30, v42;
	v63 =	vld.idx.msk [tilespmem:v43+s21+$0x0], $0xffff;
	v43 =	vor.u32 v49, v35  }
0x30f: {  	v52 =	vor.u32 v50, v10;
	v35 =	vand.u32 $0x6F, v50;
	v9 =	vand.u32 $0x7FFFFF80, v43  }
0x310: {  	v11 =	vld.idx.msk [tilespmem:v4+s29+$0x0], $0xffff;
	v46 =	vmul.f32 v46, v30;
	v30 =	vsel vm0, $0x400, v5;
	v32 =	vor.u32 v34, v9  }
0x311: {  	v51 =	vld.idx.msk [tilespmem:v4+s30+$0x0], $0xffff;
	v32 =	vadd.s32 $0x600, v32;
	v45 =	vadd.s32 v30, v40;
	v30 =	vand.u32 $0x1180, v52  }
0x312: {  	v54 =	vld.idx.msk [tilespmem:v4+s31+$0x0], $0xffff;
	v39 =	vadd.s32 v48, v39;
	v30 =	vor.u32 v30, v35  }
0x313: {  	v60 =	vld.idx.msk [tilespmem:v4+s25+$0x0], $0xffff;
	v53 =	vmul.f32 v46, v46;
	v62 =	vand.u32 $0xFFFFFF80, v45;
	v30 =	vor.u32 $0x600, v30  }
0x314: {  	v59 =	vand.u32 $0xFFFFFF80, v39;
	vm0 =	vge.f32 v44, v63;
	v63 =	vld.idx.msk [tilespmem:v4+s26+$0x0], $0xffff;
	v56 =	vor.u32 v38, v62  }
0x315: {  	v57 =	vld.idx.msk [tilespmem:v4+s28+$0x0], $0xffff;
	v49 =	vor.u32 v29, v59;
	v61 =	vsub.f32 v46, v53;
	v55 =	vsel vm0, $0x400, v5  }
0x316: {  	v47 =	vimm.s32 $0x0;
	v9 =	vmul.f32 v51, v46;
	v41 =	vor.u32 v55, v41;
	v55 =	vld.idx.msk [tilespmem:v32+s21+$0x0], $0xffff  }
0x317: {  	v50 =	vimm.f32 $1.000000000e+00;
	v51 =	vand.u32 $0x7FFFFFFF, v22;
	v42 =	vmul.f32 v11, v61;
	v11 =	vld.idx.msk [tilespmem:v4+s0+$0x0], $0xffff  }
0x318: {  	v10 =	vand.u32 $0xFFFFFF80, v41;
	v61 =	vadd.f32 v54, v9;
	v32 =	vand.u32 $0x7FFFFFFF, v23;
	v62 =	vld.idx.msk [tilespmem:v30+s21+$0x0], $0xffff  }
0x319: {  	v58 =	vor.u32 v27, v10;
	v60 =	vadd.f32 v42, v60;
	v29 =	vmul.f32 v63, v46;
	v9 =	vld.idx.msk [tilespmem:v56+s21+$0x0], $0xffff  }
0x31a: {  	v42 =	vand.u32 $0x7FFFFFFF, v37;
	v63 =	vand.u32 $0x7FFFFFFF, v36;
	v30 =	vmul.f32 v61, v46;
	v61 =	vld.idx.msk [tilespmem:v49+s22+$0x0], $0xffff  }
0x31b: {  	(erf) = vrcp.f32 v60;
	v10 =	vadd.f32 v57, v29;
	v29 =	vand.u32 $0x7FFFFFFF, v25  }
0x31c: {  	v53 =	vld.idx.msk [tilespmem:v49+s23+$0x0], $0xffff;
	vm0 =	vge.f32 v31, v55;
	v48 =	vadd.f32 v30, v11;
	v30 =	vand.u32 $0x7FFFFFFF, v24  }
0x31d: {  	v60 =	vsel vm0, $0x800, v5;
	v40 =	vmul.f32 v10, v46;
	vm0 =	vle.f32 v63, $1.000000000e+01  }
0x31e: {  	v11 =	vld.idx.msk [tilespmem:v58+s21+$0x0], $0xffff;
	v56 =	vor.u32 v60, v43;
	vm1 =	vge.f32 v33, v62;
	vm2 =	vge.f32 v28, v9  }
0x31f: {  	v54 =	vld.idx.msk [tilespmem:v49+s26+$0x0], $0xffff;
	vm0 =	vmmov vm0;
	v26 =	vsub.f32 v26, v61;
	v62 =	vand.u32 $0xFFFFFF80, v56  }
0x320: {  	s8 =	simm.s32 $0x60;
	v4 =	vld.idx.msk [tilespmem:v4+s24+$0x0], $0xffff;
	v63 =	vsel vm1, $0x800, v5;
	v57 =	vsel vm2, $0x200, v5;
	v39 =	vor.u32 v34, v62  }
0x321: {  	s10 =	simm.s32 $0x70;
	v55 =	vld.idx.msk [tilespmem:v49+s31+$0x0], $0xffff;
	v52 =	vor.u32 v63, v52;
	v53 =	vmul.f32 v53, v26;
	v62 =	vor.u32 s8, v0  }
0x322: {  	s20 =	simm.s32 $0x300;
	s16 =	sand.u32 $0x70, s10;
	v46 =	vld.idx.msk [tilespmem:v49+s25+$0x0], $0xffff;
	v45 =	vadd.s32 v57, v45;
	v39 =	vadd.s32 $0x200, v39;
	v10 =	vand.u32 $0x7FFFFF80, v52  }
0x323: {  	s17 =	sand.u32 $0xC00, s20;
	s1 =	sor.u32 s11, s16;
	v9 =	vld.idx.msk [tilespmem:v49+s30+$0x0], $0xffff;
	v45 =	vand.u32 $0xFFFFFF80, v45;
	vm1 =	vge.f32 v44, v11;
	v58 =	vor.u32 v35, v10  }
0x324: {  	s1 =	sor.u32 s17, s1;
	v60 =	vld.idx.msk [tilespmem:v49+s28+$0x0], $0xffff;
	v63 =	vmul.f32 v53, v53;
	v10 =	vmul.f32 v54, v53;
	v59 =	vsel vm1, $0x200, v5;
	v11 =	vpop (erf)  }
0x325: {  	s9 =	sand.u32 $0x60, s8;
	v26 =	vld [tilespmem:s1+$0x14400];
	v54 =	vor.u32 s10, v0;
	v41 =	vadd.s32 v59, v41;
	v48 =	vmul.f32 v48, v11  }
0x326: {  	s13 =	sor.u32 s9, s11;
	v38 =	vor.u32 v38, v45;
	v59 =	vld.idx.msk [tilespmem:v49+s29+$0x0], $0xffff;
	v41 =	vand.u32 $0xFFFFFF80, v41;
	v40 =	vmul.f32 v11, v40  }
0x327: {  	s2 =	sor.u32 s17, s13;
	v58 =	vadd.s32 $0x200, v58;
	v61 =	vor.u32 v27, v41;
	v39 =	vld.idx.msk [tilespmem:v39+s21+$0x0], $0xffff;
	v41 =	vmul.f32 v48, v11  }
0x328: {  	s17 =	simm.s32 $0x11270;
	vm1 =	vle.f32 v42, $1.000000000e+01;
	v27 =	vld [tilespmem:s2+$0x14400];
	v4 =	vadd.f32 v40, v4;
	v11 =	vmul.f32 v9, v53  }
0x329: {  	v40 =	vsub.f32 v53, v63;
	v63 =	vld [tilespmem:s17+$0x0];
	v48 =	vadd.f32 v60, v10;
	v9 =	vand.u32 $0x7FFFFF, v41  }
0x32a: {  	s16 =	sand.u32 $0x1E0, s8;
	v1 =	vshra.s32 v41, $0x17;
	v55 =	vadd.f32 v55, v11;
	v11 =	vmax.f32 v26, $-1.000000000e+01  }
0x32b: {  	v7 =	vld [tilespmem:s16+$0x11200];
	v60 =	vmul.f32 v59, v40;
	v40 =	vand.u32 $0x7F, v54;
	v4 =	vsel vm1, v4, v37  }
0x32c: {  	v43 =	vor.u32 $0x3F800000, v9;
	v41 =	vmin.f32 v11, $1.000000000e+01;
	v1 =	vnsel vm1, $0x7F, v1  }
0x32d: {  	v2 =	vnsel vm1, $0x3F800000, v43;
	v59 =	vld.idx.msk [tilespmem:v61+s22+$0x0], $0xffff;
	vm2 =	vge.f32 v31, v39;
	v46 =	vadd.f32 v60, v46  }
0x32e: {  	v60 =	vld.idx.msk [tilespmem:v61+s23+$0x0], $0xffff;
	v8 =	vmax.f32 v27, $-1.000000000e+01;
	v39 =	vsel vm2, $0x400, v5;
	vm2 =	vge.f32 v41, v63  }
0x32f: {  	v37 =	vld.idx.msk [tilespmem:v61+s29+$0x0], $0xffff;
	v42 =	vadd.s32 v39, v56;
	v39 =	vmin.f32 v8, $1.000000000e+01;
	(erf) = vrcp.f32 v46  }
0x330: {  	v43 =	vand.u32 $0x6F, v62;
	v56 =	vld.idx.msk [tilespmem:v58+s21+$0x0], $0xffff;
	vm3 =	vge.f32 v39, v7;
	v7 =	vsel vm2, $0x1000, v5  }
0x331: {  	v55 =	vmul.f32 v55, v53;
	v1 =	vadd.s32 v47, v1;
	v8 =	vld.idx.msk [tilespmem:v49+s0+$0x0], $0xffff;
	v7 =	vor.u32 v54, v7  }
0x332: {  	v46 =	vmul.f32 v48, v53;
	v48 =	vld.idx.msk [tilespmem:v61+s30+$0x0], $0xffff;
	v44 =	vsub.f32 v44, v59;
	v10 =	vand.u32 $0x7FFFFF80, v7  }
0x333: {  	v53 =	vand.u32 $0xFFFFFF80, v42;
	v54 =	vld.idx.msk [tilespmem:v61+s26+$0x0], $0xffff;
	v9 =	vsel vm3, $0x1000, v5;
	v11 =	vor.u32 v40, v10  }
0x334: {  	v63 =	vld.idx.msk [tilespmem:v61+s31+$0x0], $0xffff;
	v62 =	vor.u32 v62, v9;
	v59 =	vmul.f32 v60, v44;
	v58 =	vadd.s32 $0x600, v11  }
0x335: {  	v53 =	vor.u32 v34, v53;
	v60 =	vld.idx.msk [tilespmem:v49+s24+$0x0], $0xffff;
	v49 =	vand.u32 $0x1180, v62;
	vm1 =	vge.f32 v33, v56  }
0x336: {  	v9 =	vld.idx.msk [tilespmem:v61+s28+$0x0], $0xffff;
	v8 =	vadd.f32 v55, v8;
	v44 =	vor.u32 v49, v43;
	v49 =	vmul.f32 v59, v59  }
0x337: {  	v56 =	vld.idx.msk [tilespmem:v61+s25+$0x0], $0xffff;
	v10 =	vsel vm1, $0x400, v5;
	v44 =	vor.u32 $0x600, v44;
	v48 =	vmul.f32 v48, v59  }
0x338: {  	v55 =	vld.idx.msk [tilespmem:v61+s0+$0x0], $0xffff;
	v11 =	vsub.f32 v59, v49;
	v49 =	vor.u32 v10, v52;
	v10 =	vmul.f32 v54, v59;
	v52 =	vpop (erf)  }
0x339: {  	v48 =	vadd.f32 v63, v48;
	v63 =	vand.u32 $0xFFFFFF80, v49;
	v8 =	vmul.f32 v8, v52;
	v57 =	vld.idx.msk [tilespmem:v58+s21+$0x0], $0xffff  }
0x33a: {  	v54 =	vor.u32 v35, v63;
	v11 =	vmul.f32 v37, v11;
	v63 =	vmul.f32 v52, v46  }
0x33b: {  	v48 =	vmul.f32 v48, v59;
	v9 =	vadd.f32 v9, v10;
	v8 =	vmul.f32 v8, v52;
	v52 =	vld.idx.msk [tilespmem:v53+s21+$0x0], $0xffff  }
0x33c: {  	v37 =	vand.u32 $0x7FFFFFFF, v26;
	v53 =	vadd.f32 v11, v56;
	v11 =	vld.idx.msk [tilespmem:v44+s21+$0x0], $0xffff;
	v44 =	vand.u32 $0x7FFFFFFF, v27  }
0x33d: {  	v48 =	vadd.f32 v48, v55;
	v55 =	vadd.f32 v63, v60;
	v46 =	vmul.f32 v9, v59  }
0x33e: {  	v45 =	vld.idx.msk [tilespmem:v61+s24+$0x0], $0xffff;
	v60 =	vshra.s32 v8, $0x17;
	(erf) = vrcp.f32 v53;
	vm1 =	vge.f32 v41, v57  }
0x33f: {  	v47 =	vld.idx.msk [tilespmem:v38+s26+$0x0], $0xffff;
	v9 =	vsel vm0, v55, v36;
	v63 =	vsel vm1, $0x800, v5;
	vm1 =	vle.f32 v51, $1.000000000e+01  }
0x340: {  	v58 =	vld.idx.msk [tilespmem:v38+s22+$0x0], $0xffff;
	v51 =	vmul.f32 v2, v50;
	v2 =	vnsel vm0, $0x7F, v60;
	vm2 =	vge.f32 v31, v52  }
0x341: {  	v59 =	vld.idx.msk [tilespmem:v54+s21+$0x0], $0xffff;
	v56 =	vor.u32 v63, v7;
	v36 =	vadd.s32 v2, v1;
	vm3 =	vge.f32 v39, v11  }
0x342: {  	v55 =	vld.idx.msk [tilespmem:v38+s23+$0x0], $0xffff;
	v7 =	vand.u32 $0x7FFFFF, v8;
	v2 =	vand.u32 $0xFFFFFF80, v56;
	v1 =	vsel vm3, $0x800, v5  }
0x343: {  	[tilespmem:s6+$0x18400] =	vst v4;
	v57 =	vld.idx.msk [tilespmem:v38+s30+$0x0], $0xffff;
	v52 =	vor.u32 v1, v62;
	v1 =	vor.u32 v40, v2;
	v2 =	vor.u32 $0x3F800000, v7  }
0x344: {  	s6 =	simm.s32 $0x6;
	v54 =	vld.idx.msk [tilespmem:v38+s31+$0x0], $0xffff;
	[tilespmem:s5+$0x18400] =	vst v9;
	s5 =	simm.s32 $0x90;
	v50 =	vsel vm2, $0x200, v5;
	v60 =	vadd.s32 $0x200, v1;
	v53 =	vnsel vm0, $0x3F800000, v2  }
.LBB2_10:
0x345: {  	v1 =	vand.u32 $0x7FFFFF80, v52  }
0x346: {  	s4 =	sadd.s32 $0xFFFFFFF0, s5;
	s10 =	sand.u32 $0x70, s5;
	s20 =	sadd.s32 $0x100, s20;
	vm2 =	vge.f32 v33, v59;
	v2 =	vld.idx.msk [tilespmem:v38+s28+$0x0], $0xffff;
	v51 =	vmul.f32 v53, v51;
	vm0 =	vmmov vm1  }
0x347: {  	v8 =	vsub.f32 v28, v58;
	s13 =	sand.u32 $0x60, s4;
	s8 =	sand.u32 $0xC00, s20;
	s10 =	sor.u32 s11, s10;
	v1 =	vor.u32 v43, v1;
	v4 =	vsel vm2, $0x200, v5;
	v7 =	vld.idx.msk [tilespmem:v38+s25+$0x0], $0xffff;
	v9 =	vpop (erf)  }
0x348: {  	v28 =	vmovc v31;
	s9 =	sand.u32 $0x1E0, s4;
	s13 =	sor.u32 s13, s11;
	s16 =	sor.u32 s8, s10;
	v1 =	vadd.s32 $0x200, v1;
	v4 =	vadd.s32 v4, v49;
	v10 =	vmul.f32 v48, v9;
	v11 =	vld.idx.msk [tilespmem:v38+s29+$0x0], $0xffff  }
0x349: {  	s6 =	sadd.s32 $0x2, s6;
	v31 =	vmovc v41;
	v46 =	vmul.f32 v9, v46;
	v8 =	vmul.f32 v55, v8;
	s13 =	sor.u32 s8, s13;
	v53 =	vld [tilespmem:s16+$0x14400];
	v4 =	vand.u32 $0xFFFFFF80, v4  }
0x34a: {  	s17 =	sadd.s32 $0x20, s17;
	vm1 =	vle.f32 v32, $1.000000000e+01;
	p0 =	slt.u32 s6, $0x1E;
	v41 =	vld.idx.msk [tilespmem:v60+s21+$0x0], $0xffff;
	v55 =	vor.u32 v35, v4;
	v4 =	vmul.f32 v10, v9;
	v35 =	vmovc v43  }
0x34b: {  	v32 =	vmovc v29;
	v10 =	vadd.f32 v46, v45;
	v43 =	vmul.f32 v8, v8;
	v45 =	vmul.f32 v57, v8;
	v9 =	vld [tilespmem:s17+$0x0]  }
0x34c: {  	v29 =	vmovc v44;
	v47 =	vmul.f32 v47, v8;
	v46 =	vld [tilespmem:s9+$0x11200];
	v48 =	vand.u32 $0x7FFFFF, v4;
	v4 =	vshra.s32 v4, $0x17  }
0x34d: {  	v43 =	vsub.f32 v8, v43;
	v45 =	vadd.f32 v54, v45;
	v44 =	vld [tilespmem:s13+$0x14400];
	v48 =	vor.u32 $0x3F800000, v48  }
0x34e: {  	v49 =	vor.u32 s4, v0;
	v2 =	vadd.f32 v2, v47;
	v54 =	vnsel vm1, $0x3F800000, v48  }
0x34f: {  	v47 =	vmax.f32 v53, $-1.000000000e+01;
	v48 =	vor.u32 s5, v0;
	v11 =	vmul.f32 v11, v43;
	v57 =	vld.idx.msk [tilespmem:v55+s22+$0x0], $0xffff  }
0x350: {  	v43 =	vand.u32 $0x6F, v49;
	v58 =	vand.u32 $0x7F, v48;
	vm2 =	vge.f32 v31, v41;
	v1 =	vld.idx.msk [tilespmem:v1+s21+$0x0], $0xffff  }
0x351: {  	v41 =	vmin.f32 v47, $1.000000000e+01;
	v47 =	vsel vm2, $0x400, v5;
	v7 =	vadd.f32 v11, v7;
	v59 =	vld.idx.msk [tilespmem:v55+s23+$0x0], $0xffff  }
0x352: {  	v45 =	vmul.f32 v45, v8;
	v47 =	vadd.s32 v47, v56;
	v11 =	vmax.f32 v44, $-1.000000000e+01  }
0x353: {  	vm2 =	vge.f32 v41, v9;
	v11 =	vmin.f32 v11, $1.000000000e+01;
	v9 =	vld.idx.msk [tilespmem:v38+s0+$0x0], $0xffff;
	(erf) = vrcp.f32 v7  }
0x354: {  	v2 =	vmul.f32 v2, v8;
	v7 =	vsel vm2, $0x1000, v5;
	vm3 =	vge.f32 v11, v46;
	v46 =	vld.idx.msk [tilespmem:v55+s30+$0x0], $0xffff  }
0x355: {  	v8 =	vand.u32 $0xFFFFFF80, v47;
	v7 =	vor.u32 v48, v7;
	v56 =	vsub.f32 v33, v57;
	v33 =	vmovc v39;
	v48 =	vld.idx.msk [tilespmem:v55+s26+$0x0], $0xffff  }
0x356: {  	v4 =	vnsel vm1, $0x7F, v4;
	v39 =	vmovc v11;
	v57 =	vsel vm3, $0x1000, v5;
	v60 =	vand.u32 $0x7FFFFF80, v7;
	v61 =	vld.idx.msk [tilespmem:v55+s31+$0x0], $0xffff  }
0x357: {  	v11 =	vor.u32 v49, v57;
	v49 =	vor.u32 v58, v60;
	v56 =	vmul.f32 v59, v56;
	v57 =	vld.idx.msk [tilespmem:v38+s24+$0x0], $0xffff  }
0x358: {  	v10 =	vsel vm1, v10, v23;
	v23 =	vmovc v25;
	v25 =	vmovc v27;
	v38 =	vand.u32 $0x1180, v11;
	v59 =	vadd.s32 $0x600, v49;
	v60 =	vld.idx.msk [tilespmem:v55+s29+$0x0], $0xffff  }
0x359: {  	vm1 =	vge.f32 v33, v1;
	v49 =	vor.u32 v38, v43;
	v38 =	vmul.f32 v56, v56;
	v1 =	vld.idx.msk [tilespmem:v55+s25+$0x0], $0xffff  }
0x35a: {  	v8 =	vor.u32 v40, v8;
	v62 =	vor.u32 $0x600, v49;
	v46 =	vmul.f32 v46, v56;
	v63 =	vld.idx.msk [tilespmem:v55+s28+$0x0], $0xffff;
	[tilespmem:s18+$0x18400] =	vst v10;
	s18 =	smov.u32 s12;
	s12 =	smov.u32 s2;
	s2 =	smov.u32 s13  }
0x35b: {  	v27 =	vmovc v44;
	v9 =	vadd.f32 v45, v9;
	v10 =	vsel vm1, $0x400, v5;
	v38 =	vsub.f32 v56, v38;
	v12 =	vld.idx.msk [tilespmem:v55+s0+$0x0], $0xffff  }
0x35c: {  	v49 =	vor.u32 v10, v52;
	v10 =	vmul.f32 v48, v56;
	v44 =	vadd.f32 v61, v46;
	v45 =	vpop (erf)  }
0x35d: {  	v48 =	vadd.s32 v50, v42;
	v42 =	vmovc v47;
	v46 =	vand.u32 $0xFFFFFF80, v49;
	v52 =	vld.idx.msk [tilespmem:v59+s21+$0x0], $0xffff;
	v9 =	vmul.f32 v9, v45  }
0x35e: {  	v47 =	vor.u32 v35, v46;
	v38 =	vmul.f32 v60, v38;
	v2 =	vmul.f32 v45, v2  }
0x35f: {  	v46 =	vmul.f32 v44, v56;
	v44 =	vand.u32 $0xFFFFFF80, v48;
	v8 =	vld.idx.msk [tilespmem:v8+s21+$0x0], $0xffff;
	v9 =	vmul.f32 v9, v45  }
0x360: {  	v10 =	vadd.f32 v63, v10;
	v1 =	vadd.f32 v38, v1;
	v38 =	vor.u32 v34, v44;
	v50 =	vld.idx.msk [tilespmem:v62+s21+$0x0], $0xffff  }
0x361: {  	v44 =	vand.u32 $0x7FFFFFFF, v27;
	v2 =	vadd.f32 v2, v57;
	v34 =	vmovc v40;
	v40 =	vmovc v58;
	v48 =	vadd.f32 v46, v12  }
0x362: {  	v12 =	vand.u32 $0x7FFFFFFF, v53;
	v46 =	vmul.f32 v10, v56;
	(erf) = vrcp.f32 v1  }
0x363: {  	vm1 =	vge.f32 v41, v52;
	v1 =	vsel vm0, v2, v22;
	v2 =	vshra.s32 v9, $0x17;
	v22 =	vmovc v24;
	v59 =	vld.idx.msk [tilespmem:v47+s21+$0x0], $0xffff  }
0x364: {  	v51 =	vmul.f32 v54, v51;
	v24 =	vmovc v26;
	v10 =	vsel vm1, $0x800, v5;
	vm1 =	vle.f32 v30, $1.000000000e+01;
	v45 =	vld.idx.msk [tilespmem:v55+s24+$0x0], $0xffff;
	[tilespmem:s19+$0x18400] =	vst v1;
	s19 =	smov.u32 s7;
	s7 =	smov.u32 s1;
	s1 =	smov.u32 s16  }
.Ltmp5:
0x365: {  	v26 =	vmovc v53;
	v2 =	vnsel vm0, $0x7F, v2;
	vm2 =	vge.f32 v31, v8;
	v1 =	vadd.s32 v36, v4;
	v58 =	vld.idx.msk [tilespmem:v38+s22+$0x0], $0xffff;
	(pc) =	sbr.rel @p0 .LBB2_10-.Ltmp5, $4  }
0x366: {  	v56 =	vor.u32 v10, v7;
	vm3 =	vge.f32 v39, v50;
	v36 =	vadd.s32 v2, v1;
	v47 =	vld.idx.msk [tilespmem:v38+s26+$0x0], $0xffff  }
0x367: {  	v30 =	vmovc v37;
	v37 =	vmovc v12;
	v4 =	vand.u32 $0x7FFFFF, v9;
	v2 =	vand.u32 $0xFFFFFF80, v56;
	v1 =	vsel vm3, $0x800, v5;
	v55 =	vld.idx.msk [tilespmem:v38+s23+$0x0], $0xffff  }
0x368: {  	v52 =	vor.u32 v1, v11;
	v1 =	vor.u32 v40, v2;
	v2 =	vor.u32 $0x3F800000, v4;
	v54 =	vld.idx.msk [tilespmem:v38+s31+$0x0], $0xffff  }
0x369: {  	s5 =	sadd.s32 $0x20, s5;
	v50 =	vsel vm2, $0x200, v5;
	v60 =	vadd.s32 $0x200, v1;
	v53 =	vnsel vm0, $0x3F800000, v2;
	v57 =	vld.idx.msk [tilespmem:v38+s30+$0x0], $0xffff  }
0x36a: {  	v1 =	vand.u32 $0x7FFFFF80, v52  }
0x36b: {  	v1 =	vor.u32 v43, v1  }
0x36c: {  	v1 =	vadd.s32 $0x200, v1;
	_ =	sdelay $0x4  }
0x36d: {  	v1 =	vld.idx.msk [tilespmem:v1+s21+$0x0], $0xffff;
	_ =	sdelay $0x1  }
0x36e: {  	v2 =	vld.idx.msk [tilespmem:v60+s21+$0x0], $0xffff;
	_ =	sdelay $0x2  }
0x36f: {  	vm0 =	vge.f32 v39, v1  }
0x370: {  	v1 =	vsel vm0, $0x400, v5  }
0x371: {  	vm9 =	vge.f32 v41, v2;
	v1 =	vor.u32 v1, v52  }
0x372: {  	v2 =	vsel vm9, $0x400, v5;
	v4 =	vand.u32 $0xFFFFFF80, v1  }
0x373: {  	v2 =	vadd.s32 v2, v56;
	v4 =	vor.u32 v43, v4  }
0x374: {  	vm10 =	vge.f32 v33, v59;
	v7 =	vand.u32 $0xFFFFFF80, v2  }
0x375: {  	v9 =	vadd.s32 v50, v42;
	v8 =	vsel vm10, $0x200, v5;
	v7 =	vor.u32 v40, v7  }
0x376: {  	v9 =	vand.u32 $0xFFFFFF80, v9;
	v8 =	vadd.s32 v8, v49  }
0x377: {  	v34 =	vor.u32 v34, v9;
	v8 =	vand.u32 $0xFFFFFF80, v8  }
0x378: {  	v49 =	vor.u32 v35, v8;
	v4 =	vld.idx.msk [tilespmem:v4+s21+$0x0], $0xffff  }
0x379: {  	v10 =	vld.idx.msk [tilespmem:v38+s29+$0x0], $0xffff  }
0x37a: {  	v7 =	vld.idx.msk [tilespmem:v7+s21+$0x0], $0xffff  }
0x37b: {  	v8 =	vld.idx.msk [tilespmem:v38+s25+$0x0], $0xffff  }
0x37c: {  	v61 =	vld.idx.msk [tilespmem:v34+s29+$0x0], $0xffff  }
0x37d: {  	v11 =	vld.idx.msk [tilespmem:v49+s23+$0x0], $0xffff;
	vm11 =	vge.f32 v39, v4  }
0x37e: {  	v12 =	vld.idx.msk [tilespmem:v49+s30+$0x0], $0xffff;
	v42 =	vsel vm11, $0x200, v5  }
0x37f: {  	vm12 =	vge.f32 v41, v7;
	v4 =	vld.idx.msk [tilespmem:v49+s22+$0x0], $0xffff;
	v1 =	vadd.s32 v42, v1  }
0x380: {  	v9 =	vld.idx.msk [tilespmem:v49+s31+$0x0], $0xffff;
	v50 =	vsel vm12, $0x200, v5;
	v1 =	vand.u32 $0xFFFFFF80, v1  }
0x381: {  	v59 =	vld.idx.msk [tilespmem:v49+s25+$0x0], $0xffff;
	v35 =	vor.u32 v43, v1;
	v1 =	vadd.s32 v50, v2  }
0x382: {  	v52 =	vld.idx.msk [tilespmem:v34+s22+$0x0], $0xffff;
	v2 =	vsub.f32 v28, v58;
	v1 =	vand.u32 $0xFFFFFF80, v1  }
0x383: {  	v7 =	vld.idx.msk [tilespmem:v38+s0+$0x0], $0xffff;
	v28 =	vor.u32 v40, v1  }
0x384: {  	v42 =	vmul.f32 v55, v2;
	v1 =	vsub.f32 v33, v4;
	v2 =	vld.idx.msk [tilespmem:v49+s29+$0x0], $0xffff  }
0x385: {  	v4 =	vld.idx.msk [tilespmem:v34+s23+$0x0], $0xffff  }
0x386: {  	v55 =	vmul.f32 v42, v42;
	v40 =	vmul.f32 v11, v1;
	v1 =	vld.idx.msk [tilespmem:v35+s22+$0x0], $0xffff  }
0x387: {  	v11 =	vld.idx.msk [tilespmem:v35+s23+$0x0], $0xffff  }
0x388: {  	v31 =	vsub.f32 v31, v52;
	v33 =	vsub.f32 v42, v55;
	v56 =	vmul.f32 v40, v40;
	v58 =	vld.idx.msk [tilespmem:v28+s22+$0x0], $0xffff  }
0x389: {  	v63 =	vmul.f32 v57, v42;
	v57 =	vld.idx.msk [tilespmem:v35+s29+$0x0], $0xffff;
	v12 =	vmul.f32 v12, v40  }
0x38a: {  	v31 =	vmul.f32 v4, v31;
	v4 =	vld.idx.msk [tilespmem:v28+s23+$0x0], $0xffff;
	v10 =	vmul.f32 v10, v33;
	v60 =	vsub.f32 v40, v56  }
0x38b: {  	v9 =	vadd.f32 v9, v12;
	v12 =	vld.idx.msk [tilespmem:v35+s30+$0x0], $0xffff;
	v1 =	vsub.f32 v39, v1  }
0x38c: {  	v62 =	vmul.f32 v31, v31;
	v8 =	vadd.f32 v10, v8;
	v10 =	vld.idx.msk [tilespmem:v49+s0+$0x0], $0xffff;
	v2 =	vmul.f32 v2, v60  }
0x38d: {  	v39 =	vmul.f32 v11, v1;
	v1 =	vld.idx.msk [tilespmem:v34+s25+$0x0], $0xffff;
	v56 =	vsub.f32 v41, v58  }
0x38e: {  	(erf) = vrcp.f32 v8;
	v2 =	vadd.f32 v2, v59;
	v8 =	vsub.f32 v31, v62;
	v58 =	vld.idx.msk [tilespmem:v35+s25+$0x0], $0xffff  }
0x38f: {  	v59 =	vmul.f32 v39, v39;
	v33 =	vmul.f32 v4, v56;
	v4 =	vld.idx.msk [tilespmem:v28+s29+$0x0], $0xffff  }
0x390: {  	(erf) = vrcp.f32 v2;
	v2 =	vmul.f32 v61, v8;
	v61 =	vld.idx.msk [tilespmem:v34+s30+$0x0], $0xffff  }
0x391: {  	v56 =	vld.idx.msk [tilespmem:v28+s30+$0x0], $0xffff;
	v52 =	vsub.f32 v39, v59;
	v62 =	vmul.f32 v33, v33  }
0x392: {  	vm13 =	vmmov vm1;
	v60 =	vadd.f32 v54, v63;
	v1 =	vadd.f32 v2, v1;
	v2 =	vld.idx.msk [tilespmem:v28+s25+$0x0], $0xffff  }
0x393: {  	v50 =	vmul.f32 v53, v51;
	v63 =	vld.idx.msk [tilespmem:v34+s31+$0x0], $0xffff;
	v41 =	vmul.f32 v57, v52;
	v53 =	vsub.f32 v33, v62  }
0x394: {  	vm5 =	vle.f32 v32, $1.000000000e+01;
	v9 =	vmul.f32 v9, v40;
	v11 =	vmul.f32 v60, v42;
	v59 =	vld.idx.msk [tilespmem:v28+s31+$0x0], $0xffff  }
0x395: {  	v8 =	vpop (erf);
	(erf) = vrcp.f32 v1;
	v41 =	vadd.f32 v41, v58;
	v4 =	vmul.f32 v4, v53  }
0x396: {  	v7 =	vadd.f32 v11, v7;
	v48 =	vmul.f32 v48, v8;
	v1 =	vld.idx.msk [tilespmem:v35+s31+$0x0], $0xffff;
	v57 =	vmul.f32 v61, v31  }
0x397: {  	v11 =	vmul.f32 v56, v33;
	v32 =	vpop (erf);
	(erf) = vrcp.f32 v41;
	v2 =	vadd.f32 v4, v2  }
0x398: {  	v12 =	vmul.f32 v12, v39;
	v9 =	vadd.f32 v9, v10;
	v48 =	vmul.f32 v48, v8;
	v58 =	vld.idx.msk [tilespmem:v34+s0+$0x0], $0xffff  }
0x399: {  	v61 =	vld.idx.msk [tilespmem:v28+s0+$0x0], $0xffff;
	v43 =	vadd.f32 v63, v57;
	v10 =	vadd.f32 v59, v11;
	v41 =	vpop (erf);
	(erf) = vrcp.f32 v2  }
0x39a: {  	vm14 =	vle.f32 v29, $1.000000000e+01;
	v60 =	vld.idx.msk [tilespmem:v35+s0+$0x0], $0xffff;
	v4 =	vand.u32 $0x7FFFFF, v48;
	v7 =	vmul.f32 v7, v32  }
0x39b: {  	v43 =	vmul.f32 v43, v31;
	v63 =	vmul.f32 v10, v33;
	v1 =	vadd.f32 v1, v12  }
0x39c: {  	v2 =	vor.u32 $0x3F800000, v4;
	v4 =	vmul.f32 v7, v32;
	v7 =	vmul.f32 v9, v41  }
0x39d: {  	v2 =	vnsel vm5, $0x3F800000, v2;
	v43 =	vadd.f32 v43, v58;
	v1 =	vmul.f32 v1, v39  }
0x39e: {  	v9 =	vadd.f32 v63, v61;
	v12 =	vand.u32 $0x7FFFFF, v4;
	v7 =	vmul.f32 v7, v41;
	v11 =	vpop (erf)  }
0x39f: {  	v12 =	vor.u32 $0x3F800000, v12;
	v1 =	vadd.f32 v1, v60;
	v43 =	vmul.f32 v43, v11  }
0x3a0: {  	v2 =	vmul.f32 v2, v50;
	v12 =	vnsel vm13, $0x3F800000, v12;
	v62 =	vand.u32 $0x7FFFFF, v7;
	v10 =	vpop (erf)  }
0x3a1: {  	v50 =	vor.u32 $0x3F800000, v62;
	v43 =	vmul.f32 v43, v11;
	v1 =	vmul.f32 v1, v10  }
0x3a2: {  	vm2 =	vle.f32 v30, $1.000000000e+01;
	v2 =	vmul.f32 v12, v2;
	v12 =	vnsel vm14, $0x3F800000, v50;
	v29 =	vpop (erf)  }
0x3a3: {  	v51 =	vand.u32 $0x7FFFFF, v43;
	v1 =	vmul.f32 v1, v10;
	v9 =	vmul.f32 v9, v29  }
0x3a4: {  	vm3 =	vmmov vm2;
	v2 =	vmul.f32 v12, v2;
	v12 =	vor.u32 $0x3F800000, v51  }
0x3a5: {  	v12 =	vnsel vm3, $0x3F800000, v12;
	v52 =	vand.u32 $0x7FFFFF, v1;
	v9 =	vmul.f32 v9, v29  }
0x3a6: {  	vm15 =	vle.f32 v44, $1.000000000e+01;
	v2 =	vmul.f32 v12, v2;
	v12 =	vor.u32 $0x3F800000, v52  }
0x3a7: {  	vm4 =	vle.f32 v37, $1.000000000e+01;
	v12 =	vnsel vm15, $0x3F800000, v12;
	v53 =	vand.u32 $0x7FFFFF, v9  }
0x3a8: {  	vm4 =	vmmov vm4;
	v2 =	vmul.f32 v12, v2;
	v12 =	vor.u32 $0x3F800000, v53  }
0x3a9: {  	v12 =	vnsel vm4, $0x3F800000, v12  }
0x3aa: {  	v2 =	vmul.f32 v12, v2;
	_ =	sdelay $0x1  }
0x3ab: {  	v12 =	vand.u32 $0x7FFFFF, v2  }
0x3ac: {  	v12 =	vor.u32 $0x3F800000, v12  }
0x3ad: {  	v54 =	vmul.f32 $5.000000000e-01, v12  }
0x3ae: {  	vm6 =	vge.f32 v12, $1.414213540e+00  }
0x3af: {  	v12 =	vsel vm6, v54, v12  }
0x3b0: {  	v55 =	vld.idx.msk [tilespmem:v38+s28+$0x0], $0xffff;
	v30 =	vadd.f32 $1.000000000e+00, v12;
	_ =	sdelay $0x1  }
0x3b1: {  	(erf) = vrcp.f32 v30  }
0x3b2: {  	v57 =	vmul.f32 v47, v42;
	_ =	sdelay $0x1  }
0x3b3: {  	v56 =	vld.idx.msk [tilespmem:v49+s26+$0x0], $0xffff;
	v37 =	vadd.f32 v55, v57  }
0x3b4: {  	v8 =	vmul.f32 v8, v46;
	v59 =	vld.idx.msk [tilespmem:v38+s24+$0x0], $0xffff  }
0x3b5: {  	v58 =	vld.idx.msk [tilespmem:v49+s28+$0x0], $0xffff;
	v37 =	vmul.f32 v37, v42  }
0x3b6: {  	v8 =	vadd.f32 v8, v45;
	v61 =	vld.idx.msk [tilespmem:v49+s24+$0x0], $0xffff  }
0x3b7: {  	v49 =	vld.idx.msk [tilespmem:v35+s26+$0x0], $0xffff;
	v32 =	vmul.f32 v32, v37  }
0x3b8: {  	v8 =	vsel vm5, v8, v23;
	v4 =	vshra.s32 v4, $0x17;
	v60 =	vld.idx.msk [tilespmem:v34+s26+$0x0], $0xffff;
	v12 =	vadd.f32 $-1.000000000e+00, v12  }
0x3b9: {  	v4 =	vnsel vm13, $0x7F, v4;
	v23 =	vadd.f32 v32, v59;
	v62 =	vshra.s32 v48, $0x17;
	v50 =	vld.idx.msk [tilespmem:v35+s28+$0x0], $0xffff;
	v48 =	vpop (erf)  }
0x3ba: {  	v7 =	vshra.s32 v7, $0x17;
	v45 =	vnsel vm5, $0x7F, v62;
	v12 =	vmul.f32 v48, v12  }
0x3bb: {  	v63 =	vld.idx.msk [tilespmem:v34+s28+$0x0], $0xffff;
	v22 =	vsel vm13, v23, v22;
	v23 =	vadd.s32 v36, v45;
	v30 =	vmul.f32 v56, v40  }
0x3bc: {  	v4 =	vadd.s32 v4, v23;
	v23 =	vmul.f32 v49, v39;
	v52 =	vld.idx.msk [tilespmem:v28+s26+$0x0], $0xffff;
	v53 =	vmul.f32 v12, v12  }
0x3bd: {  	v7 =	vnsel vm14, $0x7F, v7;
	v51 =	vmul.f32 v60, v31;
	v30 =	vadd.f32 v58, v30  }
0x3be: {  	v23 =	vadd.f32 v50, v23;
	v1 =	vshra.s32 v1, $0x17;
	v56 =	vmul.f32 $1.428571490e-01, v53  }
0x3bf: {  	v4 =	vadd.s32 v4, v7;
	v1 =	vnsel vm15, $0x7F, v1;
	v30 =	vmul.f32 v30, v40  }
0x3c0: {  	v55 =	vld.idx.msk [tilespmem:v28+s28+$0x0], $0xffff;
	v23 =	vmul.f32 v23, v39;
	v54 =	vadd.f32 v63, v51;
	v58 =	vadd.f32 $2.000000030e-01, v56  }
0x3c1: {  	v9 =	vshra.s32 v9, $0x17;
	v59 =	vmul.f32 v52, v33;
	v30 =	vmul.f32 v41, v30  }
0x3c2: {  	v2 =	vshra.s32 v2, $0x17;
	v31 =	vmul.f32 v54, v31;
	v60 =	vmul.f32 v58, v53  }
0x3c3: {  	v57 =	vsel vm6, $0xFFFFFF82, v3;
	v30 =	vadd.f32 v30, v61;
	v61 =	vshra.s32 v43, $0x17  }
0x3c4: {  	v34 =	vld.idx.msk [tilespmem:v34+s24+$0x0], $0xffff;
	v11 =	vmul.f32 v11, v31;
	v7 =	vnsel vm3, $0x7F, v61;
	v31 =	vadd.f32 $3.333333430e-01, v60  }
0x3c5: {  	v32 =	vadd.f32 v55, v59;
	v2 =	vadd.s32 v2, v57;
	v4 =	vadd.s32 v7, v4  }
0x3c6: {  	v62 =	vld.idx.msk [tilespmem:v35+s24+$0x0], $0xffff;
	v1 =	vadd.s32 v4, v1;
	v4 =	vnsel vm4, $0x7F, v9;
	v31 =	vmul.f32 v31, v53  }
0x3c7: {  	v63 =	vld.idx.msk [tilespmem:v28+s24+$0x0], $0xffff;
	v2 =	vcvt.s32.f32 v2;
	v7 =	vmul.f32 v32, v33;
	v1 =	vadd.s32 v4, v1  }
0x3c8: {  	v12 =	vadd.f32 v12, v12;
	v1 =	vcvt.s32.f32 v1;
	v4 =	vadd.f32 $1.000000000e+00, v31  }
0x3c9: {  	v10 =	vmul.f32 v10, v23;
	v2 =	vmul.f32 $6.931471820e-01, v2;
	v11 =	vadd.f32 v11, v34  }
0x3ca: {  	s4 =	sshll.u32 s14, $0x4;
	s14 =	sadd.s32 $0x1, s14;
	[tilespmem:s18+$0x18400] =	vst v8;
	v7 =	vmul.f32 v29, v7;
	v1 =	vadd.f32 $-4.064000000e+03, v1;
	v4 =	vmul.f32 v4, v12  }
0x3cb: {  	p0 =	sne.s32 s14, $0x10;
	[tilespmem:s19+$0x18400] =	vst v22;
	v10 =	vadd.f32 v10, v62;
	v11 =	vsel vm3, v11, v24;
	v8 =	vsel vm14, v30, v25  }
.Ltmp6:
0x3cc: {  	[tilespmem:s7+$0x18400] =	vst v11;
	v7 =	vadd.f32 v7, v63;
	v1 =	vmul.f32 $6.931471820e-01, v1;
	v2 =	vadd.f32 v4, v2;
	(pc) =	sbr.rel @p0 .LBB2_9-.Ltmp6, $4  }
0x3cd: {  	[tilespmem:s12+$0x18400] =	vst v8;
	v4 =	vsel vm15, v10, v27  }
0x3ce: {  	[tilespmem:s2+$0x18400] =	vst v4;
	v4 =	vsel vm4, v7, v26;
	v1 =	vadd.f32 v2, v1  }
0x3cf: {  	s20 =	sand.u32 $0x3FFFFFF0, s4;
	[tilespmem:s1+$0x18400] =	vst v4  }
0x3d0: {  	[tilespmem:s20+$0x1A400] =	vst v1  }
0x3d1: {  	_ = 	snop  }
0x3d2: {  	v2 =	vld [tilespmem:$0x1FFA0];
	_ =	sdelay $0x1  }
0x3d3: {  	v4 =	vld [tilespmem:$0x1FFB0]  }
0x3d4: {  	v1 =	vld.idx.msk [tilespmem:v6+s3+$0x0], $0xffff  }
0x3d5: {  	v6 =	vld [tilespmem:$0x1FFC0];
	_ =	sdelay $0x3  }
0x3d6: {  	v2 =	vld.idx.msk [tilespmem:v2+s3+$0x0], $0xffff;
	_ =	sdelay $0x1  }
0x3d7: {  	v4 =	vld.idx.msk [tilespmem:v4+s3+$0x0], $0xffff;
	_ =	sdelay $0x1  }
0x3d8: {  	v6 =	vld.idx.msk [tilespmem:v6+s3+$0x0], $0xffff  }
0x3d9: {  	v1 =	vadd.f32 v2, v1;
	v2 =	vld [tilespmem:$0x1FFD0];
	_ =	sdelay $0x1  }
0x3da: {  	v1 =	vadd.f32 v4, v1;
	v4 =	vld [tilespmem:$0x1FFE0];
	_ =	sdelay $0x1  }
0x3db: {  	v1 =	vadd.f32 v6, v1;
	v6 =	vld [tilespmem:$0x1FFF0];
	_ =	sdelay $0x3  }
0x3dc: {  	v2 =	vld.idx.msk [tilespmem:v2+s3+$0x0], $0xffff;
	_ =	sdelay $0x1  }
0x3dd: {  	v4 =	vld.idx.msk [tilespmem:v4+s3+$0x0], $0xffff;
	_ =	sdelay $0x1  }
0x3de: {  	v6 =	vld.idx.msk [tilespmem:v6+s3+$0x0], $0xffff  }
0x3df: {  	v1 =	vadd.f32 v2, v1  }
0x3e0: {  	v2 =	vld.idx.msk [tilespmem:v13+s3+$0x0], $0xffff  }
0x3e1: {  	v1 =	vadd.f32 v4, v1  }
0x3e2: {  	v4 =	vld.idx.msk [tilespmem:v14+s3+$0x0], $0xffff  }
0x3e3: {  	v1 =	vadd.f32 v6, v1  }
0x3e4: {  	v6 =	vld.idx.msk [tilespmem:v15+s3+$0x0], $0xffff  }
0x3e5: {  	v1 =	vadd.f32 v2, v1  }
0x3e6: {  	v2 =	vld.idx.msk [tilespmem:v16+s3+$0x0], $0xffff  }
0x3e7: {  	v1 =	vadd.f32 v4, v1  }
0x3e8: {  	v4 =	vld.idx.msk [tilespmem:v17+s3+$0x0], $0xffff  }
0x3e9: {  	v1 =	vadd.f32 v6, v1  }
0x3ea: {  	v6 =	vld.idx.msk [tilespmem:v18+s3+$0x0], $0xffff  }
0x3eb: {  	v1 =	vadd.f32 v2, v1  }
0x3ec: {  	v2 =	vld.idx.msk [tilespmem:v19+s3+$0x0], $0xffff  }
0x3ed: {  	v1 =	vadd.f32 v4, v1  }
0x3ee: {  	v4 =	vld.idx.msk [tilespmem:v20+s3+$0x0], $0xffff  }
0x3ef: {  	v1 =	vadd.f32 v6, v1  }
0x3f0: {  	v6 =	vld.idx.msk [tilespmem:v21+s3+$0x0], $0xffff  }
0x3f1: {  	v1 =	vadd.f32 v2, v1;
	_ =	sdelay $0x1  }
0x3f2: {  	v1 =	vadd.f32 v4, v1  }
.Ltmp7:
0x3f3: {  	s1 =	rddreg [dreg:$0x14];
	(pc) =	sbr.rel @p1 .LBB2_14-.Ltmp7, $4  }
0x3f4: {  	s2 =	rddreg [dreg:$0x13];
	v1 =	vadd.f32 v6, v1  }
0x3f5: {  	s19 =	rddreg [dreg:$0x2];
	s1 =	sshll.u32 s1, $0x6  }
0x3f6: {  	s6 =	simm.s32 $0x0;
	s20 =	simm.s32 $0x18400;
	s1 =	sadd.s32 s19, s1;
	[tilespmem:s2+$0x1A500] =	vst v1  }
0x3f7: {  	[hbm4b:s1+s6] =	stream.linear.scatter [tilespmem:s20], [sflag:$0x4], $0x2000, $0x38;
	[tilespmem:$0x1A600] =	vst v63  }
.Ltmp8:
0x3f8: {  	s1 =	rddreg [dreg:$0xc];
	(pc) =	sbr.rel .LBB2_4-.Ltmp8, $4  }
0x3f9: {  	s2 =	rddreg [dreg:$0x10]  }
0x3fa: {  	s1 =	sadd.s32 s2, s1  }
0x3fb: {  	s20 =	rddreg [dreg:$0x0];
	s1 =	sshll.u32 s1, $0x6  }
0x3fc: {  	s8 =	rddreg [dreg:$0x12];
	s1 =	sadd.s32 s20, s1  }
.LBB2_15:
0x3fd: {  	_ =	sfence.sel $0x180000  }
0x3fe: {  	[bflag:$0x0] =	sbarrier.arrive $0xFFFF  }
0x3ff: {  	_ =	strace $0x90000047  }
0x400: {  	s0 =	stileid.u32;
	[bflag:$0x2] =	sbarrier.arrive $0xFFFF  }
0x401: {  	p0 =	sne.s32 s0, $0x0;
	s0 =	rddreg [dreg:$0x4]  }
0x402: {  	s0 =	sadd.s32 @!p0 $0x100000, s0  }
0x403: {  	[sflag:s0] =	ssyncadd.tile.s32 @!p0 $0x1;
	_ =	shalt  }
.Lfunc_end2:
_tile_overlayer_lowered:
.L_overlay_start_2:
0x404: {  	(tag) =	ssettag $0x2  }
0x405: {  	s0 =	rddreg [dreg:$0x0];
	s2 =	stileid.u32  }
0x406: {  	s1 =	rddreg [dreg:$0x1];
	p0 =	sne.s32 s2, $0x0  }
0x407: {  	s3 =	rddreg [dreg:$0x2];
	[bflag:$0x3] =	sbarrier.arrive $0xFFFF;
	s2 =	simm.s32 @!p0 $0x1C05  }
0x408: {  	[timem:s3], [sflag:s2] =	dma.local @!p0 [hbm:s0], s1  }
0x409: {  	s0 =	simm.s32 @!p0 $0x5  }
0x40a: {  	_ =	swait.ge @!p0 [sflag:s0], s1  }
0x40b: {  	s1 =	ssub.s32 @!p0 $0x0, s1;
	[sflag:s0] =	ssyncset.done @!p0 $0x0  }
0x40c: {  	[sflag:s0] =	ssyncadd.s32 @!p0 s1  }
0x40d: {  	[bflag:$0x3] =	sbarrier.arrive $0xFFFF  }
0x40e: {  	_ =	shalt  }

</sc_bundles>
